<compile_context>
chip_gen: v7x
topology: tpu7x:2x2x1
jax: 0.10.2.dev20260603
libtpu: 0.0.44.dev20260713+nightly
codegen_flags: <defaults>
</compile_context>

<pallas_src>
import functools

import jax
import jax.numpy as jnp
from jax import lax
from jax.experimental import pallas as pl
from jax.experimental.pallas import tpu as pltpu
from jax.experimental.pallas import tpu_sc as plsc

B = 16384
D = 16
NC = 2
NS = 16
NW = NC * NS
BPW = B // NW
CHUNK = 128
NCHUNK = BPW // CHUNK
GBUF = 16

_LOG1P_COEFS = (
    1.4720650109e-06,
    9.9984769750e-01,
    -4.9737321616e-01,
    3.1574731676e-01,
    -1.9035433673e-01,
    8.2691237111e-02,
    -1.7414077524e-02,
)


def _softplus(x):
    t = jnp.exp(-jnp.abs(x))
    p = jnp.full((16,), _LOG1P_COEFS[-1], jnp.float32)
    for c in reversed(_LOG1P_COEFS[:-1]):
        p = p * t + jnp.float32(c)
    return jnp.maximum(x, jnp.float32(0.0)) + p


def _theta_body(user_hbm, theta_hbm, out_hbm,
                uidx8_v, blk_v, rows_v, sem):
    wid = lax.axis_index("s") * NC + lax.axis_index("c")
    w8 = lax.shift_right_logical(wid, 3) * 8
    r8 = jnp.bitwise_and(wid, 7)
    pltpu.sync_copy(
        user_hbm.at[pl.ds(pl.multiple_of(w8, 8), 8), :], uidx8_v)

    iota16 = lax.iota(jnp.int32, 16)
    r8vec = jnp.full((16,), r8, jnp.int32)
    NG = BPW // GBUF

    def fire(g, slot):
        u16 = plsc.load_gather(uidx8_v, [r8vec, g * GBUF + iota16])
        grp16 = lax.shift_right_logical(u16, 7)
        for t in range(GBUF):
            start = grp16[t] * 128
            pltpu.async_copy(
                theta_hbm.at[:, pl.ds(pl.multiple_of(start, 128), 128)],
                blk_v.at[slot, t], sem)
        return u16

    fire(0, 0)

    def step(g, carry):
        s = jnp.bitwise_and(g, 1)
        u16 = plsc.load_gather(uidx8_v, [r8vec, g * GBUF + iota16])
        lane16 = jnp.bitwise_and(u16, 127)

        @pl.when(g + 1 < NG)
        def _fire_next():
            fire(g + 1, 1 - s)

        for t in range(GBUF):
            pltpu.make_async_copy(theta_hbm.at[:, pl.ds(0, 128)],
                                  blk_v.at[0, t], sem).wait()
        svec = jnp.full((16,), s, jnp.int32)
        for t in range(GBUF):
            tvec = jnp.full((16,), t, jnp.int32)
            lvec = jnp.full((16,), lane16[t], jnp.int32)
            col = plsc.load_gather(blk_v, [svec, tvec, iota16, lvec])
            rows_v[pl.ds((g * GBUF + t) * D, D)] = col
        return carry

    lax.fori_loop(0, NG, step, 0)

    pltpu.sync_copy(rows_v, out_hbm.at[pl.ds(wid * (BPW * D), BPW * D)])


_theta_gather = functools.partial(
    pl.kernel,
    out_type=jax.ShapeDtypeStruct((B * D,), jnp.float32),
    mesh=plsc.VectorSubcoreMesh(core_axis_name="c", subcore_axis_name="s"),
    compiler_params=pltpu.CompilerParams(
        needs_layout_passes=False, use_tc_tiling_on_sc=True,
        skip_device_barrier=True),
    scratch_types=[
        pltpu.VMEM((8, BPW), jnp.int32),
        pltpu.VMEM((2, GBUF, D, 128), jnp.float32),
        pltpu.VMEM((BPW * D,), jnp.float32),
        pltpu.SemaphoreType.DMA,
    ],
)(_theta_body)


def _mirt_body(item_hbm, thg_hbm, a_hbm, b_hbm, out_hbm,
               iidx_v, th_v, a_v, b_v, out_v, sem_t, sem_a, sem_b):
    wid = lax.axis_index("s") * NC + lax.axis_index("c")

    pltpu.sync_copy(item_hbm.at[wid], iidx_v)
    cp_th = pltpu.async_copy(
        thg_hbm.at[pl.ds(wid * (BPW * D), BPW * D)], th_v, sem_t)

    copies = []
    for k in range(NCHUNK):
        copies.append(pltpu.async_copy(a_hbm.at[iidx_v.at[k]],
                                       a_v.at[k], sem_a))
        copies.append(pltpu.async_copy(b_hbm.at[iidx_v.at[k]],
                                       b_v.at[k], sem_b))
    cp_th.wait()
    for cp in copies:
        cp.wait()

    iota16 = lax.iota(jnp.int32, 16)

    for k in range(NCHUNK):
        kvec = jnp.full((16,), k, jnp.int32)

        def block(j, carry, k=k, kvec=kvec):
            rows = j * 16 + iota16
            flat0 = (k * CHUNK + rows) * D
            acc = -plsc.load_gather(b_v, [kvec, rows])
            for d in range(D):
                dvec = jnp.full((16,), d, jnp.int32)
                th = plsc.load_gather(th_v, [flat0 + d])
                av = plsc.load_gather(a_v, [kvec, rows, dvec])
                acc = acc + _softplus(av) * th
            res = jnp.float32(1.0) / (jnp.float32(1.0) + jnp.exp(-acc))
            out_v[pl.ds(k * CHUNK + j * 16, 16)] = res
            return carry

        lax.fori_loop(0, CHUNK // 16, block, 0)

    pltpu.sync_copy(out_v, out_hbm.at[wid])


_mirt = functools.partial(
    pl.kernel,
    out_type=jax.ShapeDtypeStruct((NW, BPW), jnp.float32),
    mesh=plsc.VectorSubcoreMesh(core_axis_name="c", subcore_axis_name="s"),
    compiler_params=pltpu.CompilerParams(
        needs_layout_passes=False, use_tc_tiling_on_sc=False,
        skip_device_barrier=True),
    scratch_types=[
        pltpu.VMEM((NCHUNK, CHUNK), jnp.int32),
        pltpu.VMEM((BPW * D,), jnp.float32),
        pltpu.VMEM((NCHUNK, CHUNK, D), jnp.float32),
        pltpu.VMEM((NCHUNK, CHUNK), jnp.float32),
        pltpu.VMEM((BPW,), jnp.float32),
        pltpu.SemaphoreType.DMA,
        pltpu.SemaphoreType.DMA,
        pltpu.SemaphoreType.DMA,
    ],
)(_mirt_body)


def kernel(user, item, theta_table, a_table, b_table):
    user = user.astype(jnp.int32).reshape(NW, BPW)
    item = item.astype(jnp.int32).reshape(NW, NCHUNK, CHUNK)
    theta_t = theta_table.T
    b_flat = b_table.reshape(-1)
    thg = _theta_gather(user, theta_t)
    out = _mirt(item, thg, a_table, b_flat)
    return out.reshape(B)

# --- scband reference (transcript-rebuilt; emitter-appended) ---
"""Pipeline reference for scband-mirtnet-33466385170515 (READ-ONLY COPY).

The authoritative reference and input builder live on the scoring server;
editing this copy changes nothing except your own understanding.
"""

import jax, jax.numpy as jnp
import numpy as np

B = 16384
USER_NUM = 1000000
ITEM_NUM = 100000
LATENT_DIM = 16


def setup_inputs(seed: int = 0) -> dict:
    key = jax.random.key(seed)
    k1, k2, k3, k4, k5 = jax.random.split(key, 5)
    user = jax.random.randint(k1, (B,), 0, USER_NUM)
    item = jax.random.randint(k2, (B,), 0, ITEM_NUM)
    theta_table = jax.random.normal(k3, (USER_NUM, LATENT_DIM), dtype=jnp.float32)
    a_table = jax.random.normal(k4, (ITEM_NUM, LATENT_DIM), dtype=jnp.float32)
    b_table = jax.random.normal(k5, (ITEM_NUM, 1), dtype=jnp.float32)
    return {
        "user": user,
        "item": item,
        "theta_table": theta_table,
        "a_table": a_table,
        "b_table": b_table,
    }


def reference(user, item, theta_table, a_table, b_table):
    # theta = squeeze(self.theta(user), dim=-1); latent_dim > 1 so squeeze is a no-op
    theta = jnp.take(theta_table, user, axis=0)
    # a_range is None -> a = softplus(a(item))
    a = jax.nn.softplus(jnp.take(a_table, item, axis=0))
    # b = squeeze(self.b(item), dim=-1) -> [B]
    b = jnp.squeeze(jnp.take(b_table, item, axis=0), axis=-1)
    # irt2pl: 1 / (1 + exp(-sum(a * theta, -1) + b))
    return 1.0 / (1.0 + jnp.exp(-jnp.sum(a * theta, axis=-1) + b))

if __name__ == "__main__":
    import jax
    _d = setup_inputs()
    print(jax.jit(kernel)(*tuple(_d.values())))

</pallas_src>

<mosaic_0001>
#map = affine_map<(d0, d1) -> (0, 0, 0)>
#map1 = affine_map<(d0, d1) -> (0)>
#map2 = affine_map<(d0, d1) -> (0, 0)>
module attributes {stable_mosaic.version = 14 : i64} {
  func.func @_mirt_body(%arg0: i32, %arg1: i32, %arg2: memref<32x4x128xi32, #tpu.memory_space<hbm>>, %arg3: memref<262144xf32, #tpu.memory_space<hbm>>, %arg4: memref<100000x16xf32, #tpu.memory_space<hbm>>, %arg5: memref<100000xf32, #tpu.memory_space<hbm>>, %arg6: memref<32x512xf32, #tpu.memory_space<hbm>>, %arg7: memref<4x128xi32, #tpu.memory_space<vmem>>, %arg8: memref<8192xf32, #tpu.memory_space<vmem>>, %arg9: memref<4x128x16xf32, #tpu.memory_space<vmem>>, %arg10: memref<4x128xf32, #tpu.memory_space<vmem>>, %arg11: memref<512xf32, #tpu.memory_space<vmem>>, %arg12: memref<!tpu.dma_semaphore, #tpu.memory_space<semaphore_mem>>, %arg13: memref<!tpu.dma_semaphore, #tpu.memory_space<semaphore_mem>>, %arg14: memref<!tpu.dma_semaphore, #tpu.memory_space<semaphore_mem>>) attributes {dimension_semantics = [#tpu.dimension_semantics<core_parallel>, #tpu.dimension_semantics<subcore_parallel>], iteration_bounds = array<i64: 2, 16>, scalar_prefetch = 0 : i64, scratch_operands = 8 : i64, tpu.core_type = #tpu.core_type<sc_vector_subcore>, window_params = [{transform_indices = #map}, {transform_indices = #map1}, {transform_indices = #map2}, {transform_indices = #map1}, {transform_indices = #map2}]} {
    %mul3A = arith.constant 2 : i32
    %mul3A_0 = arith.muli %arg1, %mul3A : i32
    %add3A = arith.addi %mul3A_0, %arg0 : i32
    "tpu.region"() ({
      %run_scoped3A = tpu.sem_alloc : memref<!tpu.dma_semaphore, #tpu.memory_space<semaphore_mem>>
      %dma_start3A_211 = arith.constant 0 : i32
      %dma_start3A_212 = arith.constant 0 : i32
      %dma_start3A_213 = tpu.memref_slice %arg2[%add3A, %dma_start3A_211, %dma_start3A_212] : memref<32x4x128xi32, #tpu.memory_space<hbm>> -> memref<1x4x128xi32, #tpu.memory_space<hbm>>
      %dma_start3A_214 = tpu.memref_squeeze %dma_start3A_213 : memref<1x4x128xi32, #tpu.memory_space<hbm>> -> memref<4x128xi32, #tpu.memory_space<hbm>>
      %dma_start3A_215 = arith.constant 0 : i32
      %dma_start3A_216 = arith.constant 0 : i32
      %dma_start3A_217 = tpu.memref_slice %arg2[%add3A, %dma_start3A_215, %dma_start3A_216] : memref<32x4x128xi32, #tpu.memory_space<hbm>> -> memref<1x4x128xi32, #tpu.memory_space<hbm>>
      %dma_start3A_218 = tpu.memref_squeeze %dma_start3A_217 : memref<1x4x128xi32, #tpu.memory_space<hbm>> -> memref<4x128xi32, #tpu.memory_space<hbm>>
      tpu.enqueue_dma source(%dma_start3A_218 : memref<4x128xi32, #tpu.memory_space<hbm>>) target(%arg7 : memref<4x128xi32, #tpu.memory_space<vmem>>) target_semaphore(%run_scoped3A : memref<!tpu.dma_semaphore, #tpu.memory_space<semaphore_mem>>)
      %dma_wait3A_219 = arith.constant 0 : i32
      %dma_wait3A_220 = arith.constant 0 : i32
      %dma_wait3A_221 = tpu.memref_slice %arg2[%add3A, %dma_wait3A_219, %dma_wait3A_220] : memref<32x4x128xi32, #tpu.memory_space<hbm>> -> memref<1x4x128xi32, #tpu.memory_space<hbm>>
      %dma_wait3A_222 = tpu.memref_squeeze %dma_wait3A_221 : memref<1x4x128xi32, #tpu.memory_space<hbm>> -> memref<4x128xi32, #tpu.memory_space<hbm>>
      %dma_wait3A_223 = arith.constant 0 : i32
      %dma_wait3A_224 = arith.constant 0 : i32
      %dma_wait3A_225 = tpu.memref_slice %arg2[%add3A, %dma_wait3A_223, %dma_wait3A_224] : memref<32x4x128xi32, #tpu.memory_space<hbm>> -> memref<1x4x128xi32, #tpu.memory_space<hbm>>
      %dma_wait3A_226 = tpu.memref_squeeze %dma_wait3A_225 : memref<1x4x128xi32, #tpu.memory_space<hbm>> -> memref<4x128xi32, #tpu.memory_space<hbm>>
      tpu.wait_dma2 semaphore(%run_scoped3A : memref<!tpu.dma_semaphore, #tpu.memory_space<semaphore_mem>>) src(%dma_wait3A_226 : memref<4x128xi32, #tpu.memory_space<hbm>>) dst(%arg7 : memref<4x128xi32, #tpu.memory_space<vmem>>)
      tpu.yield
    }) : () -> ()
    %mul3A_1 = arith.constant 8192 : i32
    %mul3A_2 = arith.muli %add3A, %mul3A_1 : i32
    %dma_start3A = tpu.memref_slice %arg3[%mul3A_2] : memref<262144xf32, #tpu.memory_space<hbm>> -> memref<8192xf32, #tpu.memory_space<hbm>>
    %dma_start3A_3 = tpu.memref_slice %arg3[%mul3A_2] : memref<262144xf32, #tpu.memory_space<hbm>> -> memref<8192xf32, #tpu.memory_space<hbm>>
    tpu.enqueue_dma source(%dma_start3A_3 : memref<8192xf32, #tpu.memory_space<hbm>>) target(%arg8 : memref<8192xf32, #tpu.memory_space<vmem>>) target_semaphore(%arg12 : memref<!tpu.dma_semaphore, #tpu.memory_space<semaphore_mem>>)
    %dma_start3A_4 = arith.constant 0 : i32
    %dma_start3A_5 = arith.constant 0 : i32
    %dma_start3A_6 = arith.constant 0 : i32
    %dma_start3A_7 = arith.constant 0 : i32
    %dma_start3A_8 = tpu.memref_slice %arg9[%dma_start3A_5, %dma_start3A_6, %dma_start3A_7] : memref<4x128x16xf32, #tpu.memory_space<vmem>> -> memref<1x128x16xf32, #tpu.memory_space<vmem>>
    %dma_start3A_9 = tpu.memref_squeeze %dma_start3A_8 : memref<1x128x16xf32, #tpu.memory_space<vmem>> -> memref<128x16xf32, #tpu.memory_space<vmem>>
    %dma_start3A_10 = arith.constant 0 : i32
    %dma_start3A_11 = tpu.memref_slice %arg7[%dma_start3A_4, %dma_start3A_10] : memref<4x128xi32, #tpu.memory_space<vmem>> -> memref<1x128xi32, #tpu.memory_space<vmem>>
    %dma_start3A_12 = tpu.memref_squeeze %dma_start3A_11 : memref<1x128xi32, #tpu.memory_space<vmem>> -> memref<128xi32, #tpu.memory_space<vmem>>
    %dma_start3A_13 = arith.constant 0 : i32
    %dma_start3A_14 = arith.constant 0 : i32
    %dma_start3A_15 = tpu.memref_slice %arg4[%dma_start3A_13, %dma_start3A_14] : memref<100000x16xf32, #tpu.memory_space<hbm>> -> memref<100000x16xf32, #tpu.memory_space<hbm>>
    tpu.enqueue_indirect_dma source(%dma_start3A_15 : memref<100000x16xf32, #tpu.memory_space<hbm>>) target(%dma_start3A_9 : memref<128x16xf32, #tpu.memory_space<vmem>>) offsets(%dma_start3A_12 : memref<128xi32, #tpu.memory_space<vmem>>) semaphore(%arg13 : memref<!tpu.dma_semaphore, #tpu.memory_space<semaphore_mem>>)
    %dma_start3A_16 = arith.constant 0 : i32
    %dma_start3A_17 = arith.constant 0 : i32
    %dma_start3A_18 = arith.constant 0 : i32
    %dma_start3A_19 = tpu.memref_slice %arg10[%dma_start3A_17, %dma_start3A_18] : memref<4x128xf32, #tpu.memory_space<vmem>> -> memref<1x128xf32, #tpu.memory_space<vmem>>
    %dma_start3A_20 = tpu.memref_squeeze %dma_start3A_19 : memref<1x128xf32, #tpu.memory_space<vmem>> -> memref<128xf32, #tpu.memory_space<vmem>>
    %dma_start3A_21 = arith.constant 0 : i32
    %dma_start3A_22 = tpu.memref_slice %arg7[%dma_start3A_16, %dma_start3A_21] : memref<4x128xi32, #tpu.memory_space<vmem>> -> memref<1x128xi32, #tpu.memory_space<vmem>>
    %dma_start3A_23 = tpu.memref_squeeze %dma_start3A_22 : memref<1x128xi32, #tpu.memory_space<vmem>> -> memref<128xi32, #tpu.memory_space<vmem>>
    %dma_start3A_24 = arith.constant 0 : i32
    %dma_start3A_25 = tpu.memref_slice %arg5[%dma_start3A_24] : memref<100000xf32, #tpu.memory_space<hbm>> -> memref<100000xf32, #tpu.memory_space<hbm>>
    tpu.enqueue_indirect_dma source(%dma_start3A_25 : memref<100000xf32, #tpu.memory_space<hbm>>) target(%dma_start3A_20 : memref<128xf32, #tpu.memory_space<vmem>>) offsets(%dma_start3A_23 : memref<128xi32, #tpu.memory_space<vmem>>) semaphore(%arg14 : memref<!tpu.dma_semaphore, #tpu.memory_space<semaphore_mem>>)
    %dma_start3A_26 = arith.constant 1 : i32
    %dma_start3A_27 = arith.constant 1 : i32
    %dma_start3A_28 = arith.constant 0 : i32
    %dma_start3A_29 = arith.constant 0 : i32
    %dma_start3A_30 = tpu.memref_slice %arg9[%dma_start3A_27, %dma_start3A_28, %dma_start3A_29] : memref<4x128x16xf32, #tpu.memory_space<vmem>> -> memref<1x128x16xf32, #tpu.memory_space<vmem>>
    %dma_start3A_31 = tpu.memref_squeeze %dma_start3A_30 : memref<1x128x16xf32, #tpu.memory_space<vmem>> -> memref<128x16xf32, #tpu.memory_space<vmem>>
    %dma_start3A_32 = arith.constant 0 : i32
    %dma_start3A_33 = tpu.memref_slice %arg7[%dma_start3A_26, %dma_start3A_32] : memref<4x128xi32, #tpu.memory_space<vmem>> -> memref<1x128xi32, #tpu.memory_space<vmem>>
    %dma_start3A_34 = tpu.memref_squeeze %dma_start3A_33 : memref<1x128xi32, #tpu.memory_space<vmem>> -> memref<128xi32, #tpu.memory_space<vmem>>
    %dma_start3A_35 = arith.constant 0 : i32
    %dma_start3A_36 = arith.constant 0 : i32
    %dma_start3A_37 = tpu.memref_slice %arg4[%dma_start3A_35, %dma_start3A_36] : memref<100000x16xf32, #tpu.memory_space<hbm>> -> memref<100000x16xf32, #tpu.memory_space<hbm>>
    tpu.enqueue_indirect_dma source(%dma_start3A_37 : memref<100000x16xf32, #tpu.memory_space<hbm>>) target(%dma_start3A_31 : memref<128x16xf32, #tpu.memory_space<vmem>>) offsets(%dma_start3A_34 : memref<128xi32, #tpu.memory_space<vmem>>) semaphore(%arg13 : memref<!tpu.dma_semaphore, #tpu.memory_space<semaphore_mem>>)
    %dma_start3A_38 = arith.constant 1 : i32
    %dma_start3A_39 = arith.constant 1 : i32
    %dma_start3A_40 = arith.constant 0 : i32
    %dma_start3A_41 = tpu.memref_slice %arg10[%dma_start3A_39, %dma_start3A_40] : memref<4x128xf32, #tpu.memory_space<vmem>> -> memref<1x128xf32, #tpu.memory_space<vmem>>
    %dma_start3A_42 = tpu.memref_squeeze %dma_start3A_41 : memref<1x128xf32, #tpu.memory_space<vmem>> -> memref<128xf32, #tpu.memory_space<vmem>>
    %dma_start3A_43 = arith.constant 0 : i32
    %dma_start3A_44 = tpu.memref_slice %arg7[%dma_start3A_38, %dma_start3A_43] : memref<4x128xi32, #tpu.memory_space<vmem>> -> memref<1x128xi32, #tpu.memory_space<vmem>>
    %dma_start3A_45 = tpu.memref_squeeze %dma_start3A_44 : memref<1x128xi32, #tpu.memory_space<vmem>> -> memref<128xi32, #tpu.memory_space<vmem>>
    %dma_start3A_46 = arith.constant 0 : i32
    %dma_start3A_47 = tpu.memref_slice %arg5[%dma_start3A_46] : memref<100000xf32, #tpu.memory_space<hbm>> -> memref<100000xf32, #tpu.memory_space<hbm>>
    tpu.enqueue_indirect_dma source(%dma_start3A_47 : memref<100000xf32, #tpu.memory_space<hbm>>) target(%dma_start3A_42 : memref<128xf32, #tpu.memory_space<vmem>>) offsets(%dma_start3A_45 : memref<128xi32, #tpu.memory_space<vmem>>) semaphore(%arg14 : memref<!tpu.dma_semaphore, #tpu.memory_space<semaphore_mem>>)
    %dma_start3A_48 = arith.constant 2 : i32
    %dma_start3A_49 = arith.constant 2 : i32
    %dma_start3A_50 = arith.constant 0 : i32
    %dma_start3A_51 = arith.constant 0 : i32
    %dma_start3A_52 = tpu.memref_slice %arg9[%dma_start3A_49, %dma_start3A_50, %dma_start3A_51] : memref<4x128x16xf32, #tpu.memory_space<vmem>> -> memref<1x128x16xf32, #tpu.memory_space<vmem>>
    %dma_start3A_53 = tpu.memref_squeeze %dma_start3A_52 : memref<1x128x16xf32, #tpu.memory_space<vmem>> -> memref<128x16xf32, #tpu.memory_space<vmem>>
    %dma_start3A_54 = arith.constant 0 : i32
    %dma_start3A_55 = tpu.memref_slice %arg7[%dma_start3A_48, %dma_start3A_54] : memref<4x128xi32, #tpu.memory_space<vmem>> -> memref<1x128xi32, #tpu.memory_space<vmem>>
    %dma_start3A_56 = tpu.memref_squeeze %dma_start3A_55 : memref<1x128xi32, #tpu.memory_space<vmem>> -> memref<128xi32, #tpu.memory_space<vmem>>
    %dma_start3A_57 = arith.constant 0 : i32
    %dma_start3A_58 = arith.constant 0 : i32
    %dma_start3A_59 = tpu.memref_slice %arg4[%dma_start3A_57, %dma_start3A_58] : memref<100000x16xf32, #tpu.memory_space<hbm>> -> memref<100000x16xf32, #tpu.memory_space<hbm>>
    tpu.enqueue_indirect_dma source(%dma_start3A_59 : memref<100000x16xf32, #tpu.memory_space<hbm>>) target(%dma_start3A_53 : memref<128x16xf32, #tpu.memory_space<vmem>>) offsets(%dma_start3A_56 : memref<128xi32, #tpu.memory_space<vmem>>) semaphore(%arg13 : memref<!tpu.dma_semaphore, #tpu.memory_space<semaphore_mem>>)
    %dma_start3A_60 = arith.constant 2 : i32
    %dma_start3A_61 = arith.constant 2 : i32
    %dma_start3A_62 = arith.constant 0 : i32
    %dma_start3A_63 = tpu.memref_slice %arg10[%dma_start3A_61, %dma_start3A_62] : memref<4x128xf32, #tpu.memory_space<vmem>> -> memref<1x128xf32, #tpu.memory_space<vmem>>
    %dma_start3A_64 = tpu.memref_squeeze %dma_start3A_63 : memref<1x128xf32, #tpu.memory_space<vmem>> -> memref<128xf32, #tpu.memory_space<vmem>>
    %dma_start3A_65 = arith.constant 0 : i32
    %dma_start3A_66 = tpu.memref_slice %arg7[%dma_start3A_60, %dma_start3A_65] : memref<4x128xi32, #tpu.memory_space<vmem>> -> memref<1x128xi32, #tpu.memory_space<vmem>>
    %dma_start3A_67 = tpu.memref_squeeze %dma_start3A_66 : memref<1x128xi32, #tpu.memory_space<vmem>> -> memref<128xi32, #tpu.memory_space<vmem>>
    %dma_start3A_68 = arith.constant 0 : i32
    %dma_start3A_69 = tpu.memref_slice %arg5[%dma_start3A_68] : memref<100000xf32, #tpu.memory_space<hbm>> -> memref<100000xf32, #tpu.memory_space<hbm>>
    tpu.enqueue_indirect_dma source(%dma_start3A_69 : memref<100000xf32, #tpu.memory_space<hbm>>) target(%dma_start3A_64 : memref<128xf32, #tpu.memory_space<vmem>>) offsets(%dma_start3A_67 : memref<128xi32, #tpu.memory_space<vmem>>) semaphore(%arg14 : memref<!tpu.dma_semaphore, #tpu.memory_space<semaphore_mem>>)
    %dma_start3A_70 = arith.constant 3 : i32
    %dma_start3A_71 = arith.constant 3 : i32
    %dma_start3A_72 = arith.constant 0 : i32
    %dma_start3A_73 = arith.constant 0 : i32
    %dma_start3A_74 = tpu.memref_slice %arg9[%dma_start3A_71, %dma_start3A_72, %dma_start3A_73] : memref<4x128x16xf32, #tpu.memory_space<vmem>> -> memref<1x128x16xf32, #tpu.memory_space<vmem>>
    %dma_start3A_75 = tpu.memref_squeeze %dma_start3A_74 : memref<1x128x16xf32, #tpu.memory_space<vmem>> -> memref<128x16xf32, #tpu.memory_space<vmem>>
    %dma_start3A_76 = arith.constant 0 : i32
    %dma_start3A_77 = tpu.memref_slice %arg7[%dma_start3A_70, %dma_start3A_76] : memref<4x128xi32, #tpu.memory_space<vmem>> -> memref<1x128xi32, #tpu.memory_space<vmem>>
    %dma_start3A_78 = tpu.memref_squeeze %dma_start3A_77 : memref<1x128xi32, #tpu.memory_space<vmem>> -> memref<128xi32, #tpu.memory_space<vmem>>
    %dma_start3A_79 = arith.constant 0 : i32
    %dma_start3A_80 = arith.constant 0 : i32
    %dma_start3A_81 = tpu.memref_slice %arg4[%dma_start3A_79, %dma_start3A_80] : memref<100000x16xf32, #tpu.memory_space<hbm>> -> memref<100000x16xf32, #tpu.memory_space<hbm>>
    tpu.enqueue_indirect_dma source(%dma_start3A_81 : memref<100000x16xf32, #tpu.memory_space<hbm>>) target(%dma_start3A_75 : memref<128x16xf32, #tpu.memory_space<vmem>>) offsets(%dma_start3A_78 : memref<128xi32, #tpu.memory_space<vmem>>) semaphore(%arg13 : memref<!tpu.dma_semaphore, #tpu.memory_space<semaphore_mem>>)
    %dma_start3A_82 = arith.constant 3 : i32
    %dma_start3A_83 = arith.constant 3 : i32
    %dma_start3A_84 = arith.constant 0 : i32
    %dma_start3A_85 = tpu.memref_slice %arg10[%dma_start3A_83, %dma_start3A_84] : memref<4x128xf32, #tpu.memory_space<vmem>> -> memref<1x128xf32, #tpu.memory_space<vmem>>
    %dma_start3A_86 = tpu.memref_squeeze %dma_start3A_85 : memref<1x128xf32, #tpu.memory_space<vmem>> -> memref<128xf32, #tpu.memory_space<vmem>>
    %dma_start3A_87 = arith.constant 0 : i32
    %dma_start3A_88 = tpu.memref_slice %arg7[%dma_start3A_82, %dma_start3A_87] : memref<4x128xi32, #tpu.memory_space<vmem>> -> memref<1x128xi32, #tpu.memory_space<vmem>>
    %dma_start3A_89 = tpu.memref_squeeze %dma_start3A_88 : memref<1x128xi32, #tpu.memory_space<vmem>> -> memref<128xi32, #tpu.memory_space<vmem>>
    %dma_start3A_90 = arith.constant 0 : i32
    %dma_start3A_91 = tpu.memref_slice %arg5[%dma_start3A_90] : memref<100000xf32, #tpu.memory_space<hbm>> -> memref<100000xf32, #tpu.memory_space<hbm>>
    tpu.enqueue_indirect_dma source(%dma_start3A_91 : memref<100000xf32, #tpu.memory_space<hbm>>) target(%dma_start3A_86 : memref<128xf32, #tpu.memory_space<vmem>>) offsets(%dma_start3A_89 : memref<128xi32, #tpu.memory_space<vmem>>) semaphore(%arg14 : memref<!tpu.dma_semaphore, #tpu.memory_space<semaphore_mem>>)
    %dma_wait3A = tpu.memref_slice %arg3[%mul3A_2] : memref<262144xf32, #tpu.memory_space<hbm>> -> memref<8192xf32, #tpu.memory_space<hbm>>
    %dma_wait3A_92 = tpu.memref_slice %arg3[%mul3A_2] : memref<262144xf32, #tpu.memory_space<hbm>> -> memref<8192xf32, #tpu.memory_space<hbm>>
    tpu.wait_dma2 semaphore(%arg12 : memref<!tpu.dma_semaphore, #tpu.memory_space<semaphore_mem>>) src(%dma_wait3A_92 : memref<8192xf32, #tpu.memory_space<hbm>>) dst(%arg8 : memref<8192xf32, #tpu.memory_space<vmem>>)
    %dma_wait3A_93 = arith.constant 0 : i32
    %dma_wait3A_94 = arith.constant 0 : i32
    %dma_wait3A_95 = arith.constant 0 : i32
    %dma_wait3A_96 = arith.constant 0 : i32
    %dma_wait3A_97 = tpu.memref_slice %arg9[%dma_wait3A_94, %dma_wait3A_95, %dma_wait3A_96] : memref<4x128x16xf32, #tpu.memory_space<vmem>> -> memref<1x128x16xf32, #tpu.memory_space<vmem>>
    %dma_wait3A_98 = tpu.memref_squeeze %dma_wait3A_97 : memref<1x128x16xf32, #tpu.memory_space<vmem>> -> memref<128x16xf32, #tpu.memory_space<vmem>>
    %dma_wait3A_99 = arith.constant 0 : i32
    %dma_wait3A_100 = tpu.memref_slice %arg7[%dma_wait3A_93, %dma_wait3A_99] : memref<4x128xi32, #tpu.memory_space<vmem>> -> memref<1x128xi32, #tpu.memory_space<vmem>>
    %dma_wait3A_101 = tpu.memref_squeeze %dma_wait3A_100 : memref<1x128xi32, #tpu.memory_space<vmem>> -> memref<128xi32, #tpu.memory_space<vmem>>
    %dma_wait3A_102 = arith.constant 0 : i32
    %dma_wait3A_103 = arith.constant 0 : i32
    %dma_wait3A_104 = tpu.memref_slice %arg4[%dma_wait3A_102, %dma_wait3A_103] : memref<100000x16xf32, #tpu.memory_space<hbm>> -> memref<100000x16xf32, #tpu.memory_space<hbm>>
    tpu.wait_indirect_dma semaphore(%arg13 : memref<!tpu.dma_semaphore, #tpu.memory_space<semaphore_mem>>) src(%dma_wait3A_104 : memref<100000x16xf32, #tpu.memory_space<hbm>>) dst(%dma_wait3A_98 : memref<128x16xf32, #tpu.memory_space<vmem>>)
    %dma_wait3A_105 = arith.constant 0 : i32
    %dma_wait3A_106 = arith.constant 0 : i32
    %dma_wait3A_107 = arith.constant 0 : i32
    %dma_wait3A_108 = tpu.memref_slice %arg10[%dma_wait3A_106, %dma_wait3A_107] : memref<4x128xf32, #tpu.memory_space<vmem>> -> memref<1x128xf32, #tpu.memory_space<vmem>>
    %dma_wait3A_109 = tpu.memref_squeeze %dma_wait3A_108 : memref<1x128xf32, #tpu.memory_space<vmem>> -> memref<128xf32, #tpu.memory_space<vmem>>
    %dma_wait3A_110 = arith.constant 0 : i32
    %dma_wait3A_111 = tpu.memref_slice %arg7[%dma_wait3A_105, %dma_wait3A_110] : memref<4x128xi32, #tpu.memory_space<vmem>> -> memref<1x128xi32, #tpu.memory_space<vmem>>
    %dma_wait3A_112 = tpu.memref_squeeze %dma_wait3A_111 : memref<1x128xi32, #tpu.memory_space<vmem>> -> memref<128xi32, #tpu.memory_space<vmem>>
    %dma_wait3A_113 = arith.constant 0 : i32
    %dma_wait3A_114 = tpu.memref_slice %arg5[%dma_wait3A_113] : memref<100000xf32, #tpu.memory_space<hbm>> -> memref<100000xf32, #tpu.memory_space<hbm>>
    tpu.wait_indirect_dma semaphore(%arg14 : memref<!tpu.dma_semaphore, #tpu.memory_space<semaphore_mem>>) src(%dma_wait3A_114 : memref<100000xf32, #tpu.memory_space<hbm>>) dst(%dma_wait3A_109 : memref<128xf32, #tpu.memory_space<vmem>>)
    %dma_wait3A_115 = arith.constant 1 : i32
    %dma_wait3A_116 = arith.constant 1 : i32
    %dma_wait3A_117 = arith.constant 0 : i32
    %dma_wait3A_118 = arith.constant 0 : i32
    %dma_wait3A_119 = tpu.memref_slice %arg9[%dma_wait3A_116, %dma_wait3A_117, %dma_wait3A_118] : memref<4x128x16xf32, #tpu.memory_space<vmem>> -> memref<1x128x16xf32, #tpu.memory_space<vmem>>
    %dma_wait3A_120 = tpu.memref_squeeze %dma_wait3A_119 : memref<1x128x16xf32, #tpu.memory_space<vmem>> -> memref<128x16xf32, #tpu.memory_space<vmem>>
    %dma_wait3A_121 = arith.constant 0 : i32
    %dma_wait3A_122 = tpu.memref_slice %arg7[%dma_wait3A_115, %dma_wait3A_121] : memref<4x128xi32, #tpu.memory_space<vmem>> -> memref<1x128xi32, #tpu.memory_space<vmem>>
    %dma_wait3A_123 = tpu.memref_squeeze %dma_wait3A_122 : memref<1x128xi32, #tpu.memory_space<vmem>> -> memref<128xi32, #tpu.memory_space<vmem>>
    %dma_wait3A_124 = arith.constant 0 : i32
    %dma_wait3A_125 = arith.constant 0 : i32
    %dma_wait3A_126 = tpu.memref_slice %arg4[%dma_wait3A_124, %dma_wait3A_125] : memref<100000x16xf32, #tpu.memory_space<hbm>> -> memref<100000x16xf32, #tpu.memory_space<hbm>>
    tpu.wait_indirect_dma semaphore(%arg13 : memref<!tpu.dma_semaphore, #tpu.memory_space<semaphore_mem>>) src(%dma_wait3A_126 : memref<100000x16xf32, #tpu.memory_space<hbm>>) dst(%dma_wait3A_120 : memref<128x16xf32, #tpu.memory_space<vmem>>)
    %dma_wait3A_127 = arith.constant 1 : i32
    %dma_wait3A_128 = arith.constant 1 : i32
    %dma_wait3A_129 = arith.constant 0 : i32
    %dma_wait3A_130 = tpu.memref_slice %arg10[%dma_wait3A_128, %dma_wait3A_129] : memref<4x128xf32, #tpu.memory_space<vmem>> -> memref<1x128xf32, #tpu.memory_space<vmem>>
    %dma_wait3A_131 = tpu.memref_squeeze %dma_wait3A_130 : memref<1x128xf32, #tpu.memory_space<vmem>> -> memref<128xf32, #tpu.memory_space<vmem>>
    %dma_wait3A_132 = arith.constant 0 : i32
    %dma_wait3A_133 = tpu.memref_slice %arg7[%dma_wait3A_127, %dma_wait3A_132] : memref<4x128xi32, #tpu.memory_space<vmem>> -> memref<1x128xi32, #tpu.memory_space<vmem>>
    %dma_wait3A_134 = tpu.memref_squeeze %dma_wait3A_133 : memref<1x128xi32, #tpu.memory_space<vmem>> -> memref<128xi32, #tpu.memory_space<vmem>>
    %dma_wait3A_135 = arith.constant 0 : i32
    %dma_wait3A_136 = tpu.memref_slice %arg5[%dma_wait3A_135] : memref<100000xf32, #tpu.memory_space<hbm>> -> memref<100000xf32, #tpu.memory_space<hbm>>
    tpu.wait_indirect_dma semaphore(%arg14 : memref<!tpu.dma_semaphore, #tpu.memory_space<semaphore_mem>>) src(%dma_wait3A_136 : memref<100000xf32, #tpu.memory_space<hbm>>) dst(%dma_wait3A_131 : memref<128xf32, #tpu.memory_space<vmem>>)
    %dma_wait3A_137 = arith.constant 2 : i32
    %dma_wait3A_138 = arith.constant 2 : i32
    %dma_wait3A_139 = arith.constant 0 : i32
    %dma_wait3A_140 = arith.constant 0 : i32
    %dma_wait3A_141 = tpu.memref_slice %arg9[%dma_wait3A_138, %dma_wait3A_139, %dma_wait3A_140] : memref<4x128x16xf32, #tpu.memory_space<vmem>> -> memref<1x128x16xf32, #tpu.memory_space<vmem>>
    %dma_wait3A_142 = tpu.memref_squeeze %dma_wait3A_141 : memref<1x128x16xf32, #tpu.memory_space<vmem>> -> memref<128x16xf32, #tpu.memory_space<vmem>>
    %dma_wait3A_143 = arith.constant 0 : i32
    %dma_wait3A_144 = tpu.memref_slice %arg7[%dma_wait3A_137, %dma_wait3A_143] : memref<4x128xi32, #tpu.memory_space<vmem>> -> memref<1x128xi32, #tpu.memory_space<vmem>>
    %dma_wait3A_145 = tpu.memref_squeeze %dma_wait3A_144 : memref<1x128xi32, #tpu.memory_space<vmem>> -> memref<128xi32, #tpu.memory_space<vmem>>
    %dma_wait3A_146 = arith.constant 0 : i32
    %dma_wait3A_147 = arith.constant 0 : i32
    %dma_wait3A_148 = tpu.memref_slice %arg4[%dma_wait3A_146, %dma_wait3A_147] : memref<100000x16xf32, #tpu.memory_space<hbm>> -> memref<100000x16xf32, #tpu.memory_space<hbm>>
    tpu.wait_indirect_dma semaphore(%arg13 : memref<!tpu.dma_semaphore, #tpu.memory_space<semaphore_mem>>) src(%dma_wait3A_148 : memref<100000x16xf32, #tpu.memory_space<hbm>>) dst(%dma_wait3A_142 : memref<128x16xf32, #tpu.memory_space<vmem>>)
    %dma_wait3A_149 = arith.constant 2 : i32
    %dma_wait3A_150 = arith.constant 2 : i32
    %dma_wait3A_151 = arith.constant 0 : i32
    %dma_wait3A_152 = tpu.memref_slice %arg10[%dma_wait3A_150, %dma_wait3A_151] : memref<4x128xf32, #tpu.memory_space<vmem>> -> memref<1x128xf32, #tpu.memory_space<vmem>>
    %dma_wait3A_153 = tpu.memref_squeeze %dma_wait3A_152 : memref<1x128xf32, #tpu.memory_space<vmem>> -> memref<128xf32, #tpu.memory_space<vmem>>
    %dma_wait3A_154 = arith.constant 0 : i32
    %dma_wait3A_155 = tpu.memref_slice %arg7[%dma_wait3A_149, %dma_wait3A_154] : memref<4x128xi32, #tpu.memory_space<vmem>> -> memref<1x128xi32, #tpu.memory_space<vmem>>
    %dma_wait3A_156 = tpu.memref_squeeze %dma_wait3A_155 : memref<1x128xi32, #tpu.memory_space<vmem>> -> memref<128xi32, #tpu.memory_space<vmem>>
    %dma_wait3A_157 = arith.constant 0 : i32
    %dma_wait3A_158 = tpu.memref_slice %arg5[%dma_wait3A_157] : memref<100000xf32, #tpu.memory_space<hbm>> -> memref<100000xf32, #tpu.memory_space<hbm>>
    tpu.wait_indirect_dma semaphore(%arg14 : memref<!tpu.dma_semaphore, #tpu.memory_space<semaphore_mem>>) src(%dma_wait3A_158 : memref<100000xf32, #tpu.memory_space<hbm>>) dst(%dma_wait3A_153 : memref<128xf32, #tpu.memory_space<vmem>>)
    %dma_wait3A_159 = arith.constant 3 : i32
    %dma_wait3A_160 = arith.constant 3 : i32
    %dma_wait3A_161 = arith.constant 0 : i32
    %dma_wait3A_162 = arith.constant 0 : i32
    %dma_wait3A_163 = tpu.memref_slice %arg9[%dma_wait3A_160, %dma_wait3A_161, %dma_wait3A_162] : memref<4x128x16xf32, #tpu.memory_space<vmem>> -> memref<1x128x16xf32, #tpu.memory_space<vmem>>
    %dma_wait3A_164 = tpu.memref_squeeze %dma_wait3A_163 : memref<1x128x16xf32, #tpu.memory_space<vmem>> -> memref<128x16xf32, #tpu.memory_space<vmem>>
    %dma_wait3A_165 = arith.constant 0 : i32
    %dma_wait3A_166 = tpu.memref_slice %arg7[%dma_wait3A_159, %dma_wait3A_165] : memref<4x128xi32, #tpu.memory_space<vmem>> -> memref<1x128xi32, #tpu.memory_space<vmem>>
    %dma_wait3A_167 = tpu.memref_squeeze %dma_wait3A_166 : memref<1x128xi32, #tpu.memory_space<vmem>> -> memref<128xi32, #tpu.memory_space<vmem>>
    %dma_wait3A_168 = arith.constant 0 : i32
    %dma_wait3A_169 = arith.constant 0 : i32
    %dma_wait3A_170 = tpu.memref_slice %arg4[%dma_wait3A_168, %dma_wait3A_169] : memref<100000x16xf32, #tpu.memory_space<hbm>> -> memref<100000x16xf32, #tpu.memory_space<hbm>>
    tpu.wait_indirect_dma semaphore(%arg13 : memref<!tpu.dma_semaphore, #tpu.memory_space<semaphore_mem>>) src(%dma_wait3A_170 : memref<100000x16xf32, #tpu.memory_space<hbm>>) dst(%dma_wait3A_164 : memref<128x16xf32, #tpu.memory_space<vmem>>)
    %dma_wait3A_171 = arith.constant 3 : i32
    %dma_wait3A_172 = arith.constant 3 : i32
    %dma_wait3A_173 = arith.constant 0 : i32
    %dma_wait3A_174 = tpu.memref_slice %arg10[%dma_wait3A_172, %dma_wait3A_173] : memref<4x128xf32, #tpu.memory_space<vmem>> -> memref<1x128xf32, #tpu.memory_space<vmem>>
    %dma_wait3A_175 = tpu.memref_squeeze %dma_wait3A_174 : memref<1x128xf32, #tpu.memory_space<vmem>> -> memref<128xf32, #tpu.memory_space<vmem>>
    %dma_wait3A_176 = arith.constant 0 : i32
    %dma_wait3A_177 = tpu.memref_slice %arg7[%dma_wait3A_171, %dma_wait3A_176] : memref<4x128xi32, #tpu.memory_space<vmem>> -> memref<1x128xi32, #tpu.memory_space<vmem>>
    %dma_wait3A_178 = tpu.memref_squeeze %dma_wait3A_177 : memref<1x128xi32, #tpu.memory_space<vmem>> -> memref<128xi32, #tpu.memory_space<vmem>>
    %dma_wait3A_179 = arith.constant 0 : i32
    %dma_wait3A_180 = tpu.memref_slice %arg5[%dma_wait3A_179] : memref<100000xf32, #tpu.memory_space<hbm>> -> memref<100000xf32, #tpu.memory_space<hbm>>
    tpu.wait_indirect_dma semaphore(%arg14 : memref<!tpu.dma_semaphore, #tpu.memory_space<semaphore_mem>>) src(%dma_wait3A_180 : memref<100000xf32, #tpu.memory_space<hbm>>) dst(%dma_wait3A_175 : memref<128xf32, #tpu.memory_space<vmem>>)
    %iota3A = tpu.iota {dimensions = array<i32: 0>} : vector<16xi32>
    %broadcast_in_dim3A = arith.constant 0 : i32
    %broadcast_in_dim3A_181 = vector.broadcast %broadcast_in_dim3A : i32 to vector<16xi32>
    %scan3A = arith.constant 0 : i32
    %scan3A_182 = arith.constant 0 : i32
    %scan3A_183 = arith.constant 8 : i32
    %scan3A_184 = arith.addi %scan3A_182, %scan3A_183 : i32
    %scan3A_185 = arith.constant 1 : i32
    scf.for %scan3A_211 = %scan3A_182 to %scan3A_184 step %scan3A_185  : i32 {
      %mul3A_212 = arith.constant 16 : i32
      %mul3A_213 = arith.muli %scan3A_211, %mul3A_212 : i32
      %add3A_214 = vector.broadcast %mul3A_213 : i32 to vector<16xi32>
      %add3A_215 = arith.addi %add3A_214, %iota3A : vector<16xi32>
      %add3A_216 = arith.constant 0 : i32
      %add3A_217 = vector.broadcast %add3A_216 : i32 to vector<16xi32>
      %add3A_218 = arith.addi %add3A_217, %add3A_215 : vector<16xi32>
      %mul3A_219 = arith.constant 16 : i32
      %mul3A_220 = vector.broadcast %mul3A_219 : i32 to vector<16xi32>
      %mul3A_221 = arith.muli %add3A_218, %mul3A_220 : vector<16xi32>
      %gather3A = tpu.vector_load_idx %arg10[%broadcast_in_dim3A_181, %add3A_215] : memref<4x128xf32, #tpu.memory_space<vmem>>[vector<16xi32>, vector<16xi32>], vector<16xf32>,
      %neg3A = arith.constant 0.000000e+00 : f32
      %neg3A_222 = vector.broadcast %neg3A : f32 to vector<16xf32>
      %neg3A_223 = arith.subf %neg3A_222, %gather3A : vector<16xf32>
      %broadcast_in_dim3A_224 = arith.constant 0 : i32
      %broadcast_in_dim3A_225 = vector.broadcast %broadcast_in_dim3A_224 : i32 to vector<16xi32>
      %add3A_226 = arith.constant 0 : i32
      %add3A_227 = vector.broadcast %add3A_226 : i32 to vector<16xi32>
      %add3A_228 = arith.addi %mul3A_221, %add3A_227 : vector<16xi32>
      %gather3A_229 = tpu.vector_load_idx %arg8[%add3A_228] : memref<8192xf32, #tpu.memory_space<vmem>>[vector<16xi32>], vector<16xf32>,
      %gather3A_230 = tpu.vector_load_idx %arg9[%broadcast_in_dim3A_181, %add3A_215, %broadcast_in_dim3A_225] : memref<4x128x16xf32, #tpu.memory_space<vmem>>[vector<16xi32>, vector<16xi32>, vector<16xi32>], vector<16xf32>,
      %abs3A = math.absf %gather3A_230 : vector<16xf32>
      %neg3A_231 = arith.constant 0.000000e+00 : f32
      %neg3A_232 = vector.broadcast %neg3A_231 : f32 to vector<16xf32>
      %neg3A_233 = arith.subf %neg3A_232, %abs3A : vector<16xf32>
      %exp3A = math.exp %neg3A_233 : vector<16xf32>
      %broadcast_in_dim3A_234 = arith.constant -0.0174140781 : f32
      %broadcast_in_dim3A_235 = vector.broadcast %broadcast_in_dim3A_234 : f32 to vector<16xf32>
      %mul3A_236 = arith.mulf %broadcast_in_dim3A_235, %exp3A : vector<16xf32>
      %add3A_237 = arith.constant 0.0826912373 : f32
      %add3A_238 = vector.broadcast %add3A_237 : f32 to vector<16xf32>
      %add3A_239 = arith.addf %mul3A_236, %add3A_238 : vector<16xf32>
      %mul3A_240 = arith.mulf %add3A_239, %exp3A : vector<16xf32>
      %add3A_241 = arith.constant -0.190354332 : f32
      %add3A_242 = vector.broadcast %add3A_241 : f32 to vector<16xf32>
      %add3A_243 = arith.addf %mul3A_240, %add3A_242 : vector<16xf32>
      %mul3A_244 = arith.mulf %add3A_243, %exp3A : vector<16xf32>
      %add3A_245 = arith.constant 0.315747321 : f32
      %add3A_246 = vector.broadcast %add3A_245 : f32 to vector<16xf32>
      %add3A_247 = arith.addf %mul3A_244, %add3A_246 : vector<16xf32>
      %mul3A_248 = arith.mulf %add3A_247, %exp3A : vector<16xf32>
      %add3A_249 = arith.constant -0.497373223 : f32
      %add3A_250 = vector.broadcast %add3A_249 : f32 to vector<16xf32>
      %add3A_251 = arith.addf %mul3A_248, %add3A_250 : vector<16xf32>
      %mul3A_252 = arith.mulf %add3A_251, %exp3A : vector<16xf32>
      %add3A_253 = arith.constant 0.99984771 : f32
      %add3A_254 = vector.broadcast %add3A_253 : f32 to vector<16xf32>
      %add3A_255 = arith.addf %mul3A_252, %add3A_254 : vector<16xf32>
      %mul3A_256 = arith.mulf %add3A_255, %exp3A : vector<16xf32>
      %add3A_257 = arith.constant 1.47206504E-6 : f32
      %add3A_258 = vector.broadcast %add3A_257 : f32 to vector<16xf32>
      %add3A_259 = arith.addf %mul3A_256, %add3A_258 : vector<16xf32>
      %max3A = arith.constant 0.000000e+00 : f32
      %max3A_260 = vector.broadcast %max3A : f32 to vector<16xf32>
      %max3A_261 = arith.maximumf %gather3A_230, %max3A_260 : vector<16xf32>
      %add3A_262 = arith.addf %max3A_261, %add3A_259 : vector<16xf32>
      %mul3A_263 = arith.mulf %add3A_262, %gather3A_229 : vector<16xf32>
      %add3A_264 = arith.addf %neg3A_223, %mul3A_263 : vector<16xf32>
      %broadcast_in_dim3A_265 = arith.constant 1 : i32
      %broadcast_in_dim3A_266 = vector.broadcast %broadcast_in_dim3A_265 : i32 to vector<16xi32>
      %add3A_267 = arith.constant 1 : i32
      %add3A_268 = vector.broadcast %add3A_267 : i32 to vector<16xi32>
      %add3A_269 = arith.addi %mul3A_221, %add3A_268 : vector<16xi32>
      %gather3A_270 = tpu.vector_load_idx %arg8[%add3A_269] : memref<8192xf32, #tpu.memory_space<vmem>>[vector<16xi32>], vector<16xf32>,
      %gather3A_271 = tpu.vector_load_idx %arg9[%broadcast_in_dim3A_181, %add3A_215, %broadcast_in_dim3A_266] : memref<4x128x16xf32, #tpu.memory_space<vmem>>[vector<16xi32>, vector<16xi32>, vector<16xi32>], vector<16xf32>,
      %abs3A_272 = math.absf %gather3A_271 : vector<16xf32>
      %neg3A_273 = arith.constant 0.000000e+00 : f32
      %neg3A_274 = vector.broadcast %neg3A_273 : f32 to vector<16xf32>
      %neg3A_275 = arith.subf %neg3A_274, %abs3A_272 : vector<16xf32>
      %exp3A_276 = math.exp %neg3A_275 : vector<16xf32>
      %broadcast_in_dim3A_277 = arith.constant -0.0174140781 : f32
      %broadcast_in_dim3A_278 = vector.broadcast %broadcast_in_dim3A_277 : f32 to vector<16xf32>
      %mul3A_279 = arith.mulf %broadcast_in_dim3A_278, %exp3A_276 : vector<16xf32>
      %add3A_280 = arith.constant 0.0826912373 : f32
      %add3A_281 = vector.broadcast %add3A_280 : f32 to vector<16xf32>
      %add3A_282 = arith.addf %mul3A_279, %add3A_281 : vector<16xf32>
      %mul3A_283 = arith.mulf %add3A_282, %exp3A_276 : vector<16xf32>
      %add3A_284 = arith.constant -0.190354332 : f32
      %add3A_285 = vector.broadcast %add3A_284 : f32 to vector<16xf32>
      %add3A_286 = arith.addf %mul3A_283, %add3A_285 : vector<16xf32>
      %mul3A_287 = arith.mulf %add3A_286, %exp3A_276 : vector<16xf32>
      %add3A_288 = arith.constant 0.315747321 : f32
      %add3A_289 = vector.broadcast %add3A_288 : f32 to vector<16xf32>
      %add3A_290 = arith.addf %mul3A_287, %add3A_289 : vector<16xf32>
      %mul3A_291 = arith.mulf %add3A_290, %exp3A_276 : vector<16xf32>
      %add3A_292 = arith.constant -0.497373223 : f32
      %add3A_293 = vector.broadcast %add3A_292 : f32 to vector<16xf32>
      %add3A_294 = arith.addf %mul3A_291, %add3A_293 : vector<16xf32>
      %mul3A_295 = arith.mulf %add3A_294, %exp3A_276 : vector<16xf32>
      %add3A_296 = arith.constant 0.99984771 : f32
      %add3A_297 = vector.broadcast %add3A_296 : f32 to vector<16xf32>
      %add3A_298 = arith.addf %mul3A_295, %add3A_297 : vector<16xf32>
      %mul3A_299 = arith.mulf %add3A_298, %exp3A_276 : vector<16xf32>
      %add3A_300 = arith.constant 1.47206504E-6 : f32
      %add3A_301 = vector.broadcast %add3A_300 : f32 to vector<16xf32>
      %add3A_302 = arith.addf %mul3A_299, %add3A_301 : vector<16xf32>
      %max3A_303 = arith.constant 0.000000e+00 : f32
      %max3A_304 = vector.broadcast %max3A_303 : f32 to vector<16xf32>
      %max3A_305 = arith.maximumf %gather3A_271, %max3A_304 : vector<16xf32>
      %add3A_306 = arith.addf %max3A_305, %add3A_302 : vector<16xf32>
      %mul3A_307 = arith.mulf %add3A_306, %gather3A_270 : vector<16xf32>
      %add3A_308 = arith.addf %add3A_264, %mul3A_307 : vector<16xf32>
      %broadcast_in_dim3A_309 = arith.constant 2 : i32
      %broadcast_in_dim3A_310 = vector.broadcast %broadcast_in_dim3A_309 : i32 to vector<16xi32>
      %add3A_311 = arith.constant 2 : i32
      %add3A_312 = vector.broadcast %add3A_311 : i32 to vector<16xi32>
      %add3A_313 = arith.addi %mul3A_221, %add3A_312 : vector<16xi32>
      %gather3A_314 = tpu.vector_load_idx %arg8[%add3A_313] : memref<8192xf32, #tpu.memory_space<vmem>>[vector<16xi32>], vector<16xf32>,
      %gather3A_315 = tpu.vector_load_idx %arg9[%broadcast_in_dim3A_181, %add3A_215, %broadcast_in_dim3A_310] : memref<4x128x16xf32, #tpu.memory_space<vmem>>[vector<16xi32>, vector<16xi32>, vector<16xi32>], vector<16xf32>,
      %abs3A_316 = math.absf %gather3A_315 : vector<16xf32>
      %neg3A_317 = arith.constant 0.000000e+00 : f32
      %neg3A_318 = vector.broadcast %neg3A_317 : f32 to vector<16xf32>
      %neg3A_319 = arith.subf %neg3A_318, %abs3A_316 : vector<16xf32>
      %exp3A_320 = math.exp %neg3A_319 : vector<16xf32>
      %broadcast_in_dim3A_321 = arith.constant -0.0174140781 : f32
      %broadcast_in_dim3A_322 = vector.broadcast %broadcast_in_dim3A_321 : f32 to vector<16xf32>
      %mul3A_323 = arith.mulf %broadcast_in_dim3A_322, %exp3A_320 : vector<16xf32>
      %add3A_324 = arith.constant 0.0826912373 : f32
      %add3A_325 = vector.broadcast %add3A_324 : f32 to vector<16xf32>
      %add3A_326 = arith.addf %mul3A_323, %add3A_325 : vector<16xf32>
      %mul3A_327 = arith.mulf %add3A_326, %exp3A_320 : vector<16xf32>
      %add3A_328 = arith.constant -0.190354332 : f32
      %add3A_329 = vector.broadcast %add3A_328 : f32 to vector<16xf32>
      %add3A_330 = arith.addf %mul3A_327, %add3A_329 : vector<16xf32>
      %mul3A_331 = arith.mulf %add3A_330, %exp3A_320 : vector<16xf32>
      %add3A_332 = arith.constant 0.315747321 : f32
      %add3A_333 = vector.broadcast %add3A_332 : f32 to vector<16xf32>
      %add3A_334 = arith.addf %mul3A_331, %add3A_333 : vector<16xf32>
      %mul3A_335 = arith.mulf %add3A_334, %exp3A_320 : vector<16xf32>
      %add3A_336 = arith.constant -0.497373223 : f32
      %add3A_337 = vector.broadcast %add3A_336 : f32 to vector<16xf32>
      %add3A_338 = arith.addf %mul3A_335, %add3A_337 : vector<16xf32>
      %mul3A_339 = arith.mulf %add3A_338, %exp3A_320 : vector<16xf32>
      %add3A_340 = arith.constant 0.99984771 : f32
      %add3A_341 = vector.broadcast %add3A_340 : f32 to vector<16xf32>
      %add3A_342 = arith.addf %mul3A_339, %add3A_341 : vector<16xf32>
      %mul3A_343 = arith.mulf %add3A_342, %exp3A_320 : vector<16xf32>
      %add3A_344 = arith.constant 1.47206504E-6 : f32
      %add3A_345 = vector.broadcast %add3A_344 : f32 to vector<16xf32>
      %add3A_346 = arith.addf %mul3A_343, %add3A_345 : vector<16xf32>
      %max3A_347 = arith.constant 0.000000e+00 : f32
      %max3A_348 = vector.broadcast %max3A_347 : f32 to vector<16xf32>
      %max3A_349 = arith.maximumf %gather3A_315, %max3A_348 : vector<16xf32>
      %add3A_350 = arith.addf %max3A_349, %add3A_346 : vector<16xf32>
      %mul3A_351 = arith.mulf %add3A_350, %gather3A_314 : vector<16xf32>
      %add3A_352 = arith.addf %add3A_308, %mul3A_351 : vector<16xf32>
      %broadcast_in_dim3A_353 = arith.constant 3 : i32
      %broadcast_in_dim3A_354 = vector.broadcast %broadcast_in_dim3A_353 : i32 to vector<16xi32>
      %add3A_355 = arith.constant 3 : i32
      %add3A_356 = vector.broadcast %add3A_355 : i32 to vector<16xi32>
      %add3A_357 = arith.addi %mul3A_221, %add3A_356 : vector<16xi32>
      %gather3A_358 = tpu.vector_load_idx %arg8[%add3A_357] : memref<8192xf32, #tpu.memory_space<vmem>>[vector<16xi32>], vector<16xf32>,
      %gather3A_359 = tpu.vector_load_idx %arg9[%broadcast_in_dim3A_181, %add3A_215, %broadcast_in_dim3A_354] : memref<4x128x16xf32, #tpu.memory_space<vmem>>[vector<16xi32>, vector<16xi32>, vector<16xi32>], vector<16xf32>,
      %abs3A_360 = math.absf %gather3A_359 : vector<16xf32>
      %neg3A_361 = arith.constant 0.000000e+00 : f32
      %neg3A_362 = vector.broadcast %neg3A_361 : f32 to vector<16xf32>
      %neg3A_363 = arith.subf %neg3A_362, %abs3A_360 : vector<16xf32>
      %exp3A_364 = math.exp %neg3A_363 : vector<16xf32>
      %broadcast_in_dim3A_365 = arith.constant -0.0174140781 : f32
      %broadcast_in_dim3A_366 = vector.broadcast %broadcast_in_dim3A_365 : f32 to vector<16xf32>
      %mul3A_367 = arith.mulf %broadcast_in_dim3A_366, %exp3A_364 : vector<16xf32>
      %add3A_368 = arith.constant 0.0826912373 : f32
      %add3A_369 = vector.broadcast %add3A_368 : f32 to vector<16xf32>
      %add3A_370 = arith.addf %mul3A_367, %add3A_369 : vector<16xf32>
      %mul3A_371 = arith.mulf %add3A_370, %exp3A_364 : vector<16xf32>
      %add3A_372 = arith.constant -0.190354332 : f32
      %add3A_373 = vector.broadcast %add3A_372 : f32 to vector<16xf32>
      %add3A_374 = arith.addf %mul3A_371, %add3A_373 : vector<16xf32>
      %mul3A_375 = arith.mulf %add3A_374, %exp3A_364 : vector<16xf32>
      %add3A_376 = arith.constant 0.315747321 : f32
      %add3A_377 = vector.broadcast %add3A_376 : f32 to vector<16xf32>
      %add3A_378 = arith.addf %mul3A_375, %add3A_377 : vector<16xf32>
      %mul3A_379 = arith.mulf %add3A_378, %exp3A_364 : vector<16xf32>
      %add3A_380 = arith.constant -0.497373223 : f32
      %add3A_381 = vector.broadcast %add3A_380 : f32 to vector<16xf32>
      %add3A_382 = arith.addf %mul3A_379, %add3A_381 : vector<16xf32>
      %mul3A_383 = arith.mulf %add3A_382, %exp3A_364 : vector<16xf32>
      %add3A_384 = arith.constant 0.99984771 : f32
      %add3A_385 = vector.broadcast %add3A_384 : f32 to vector<16xf32>
      %add3A_386 = arith.addf %mul3A_383, %add3A_385 : vector<16xf32>
      %mul3A_387 = arith.mulf %add3A_386, %exp3A_364 : vector<16xf32>
      %add3A_388 = arith.constant 1.47206504E-6 : f32
      %add3A_389 = vector.broadcast %add3A_388 : f32 to vector<16xf32>
      %add3A_390 = arith.addf %mul3A_387, %add3A_389 : vector<16xf32>
      %max3A_391 = arith.constant 0.000000e+00 : f32
      %max3A_392 = vector.broadcast %max3A_391 : f32 to vector<16xf32>
      %max3A_393 = arith.maximumf %gather3A_359, %max3A_392 : vector<16xf32>
      %add3A_394 = arith.addf %max3A_393, %add3A_390 : vector<16xf32>
      %mul3A_395 = arith.mulf %add3A_394, %gather3A_358 : vector<16xf32>
      %add3A_396 = arith.addf %add3A_352, %mul3A_395 : vector<16xf32>
      %broadcast_in_dim3A_397 = arith.constant 4 : i32
      %broadcast_in_dim3A_398 = vector.broadcast %broadcast_in_dim3A_397 : i32 to vector<16xi32>
      %add3A_399 = arith.constant 4 : i32
      %add3A_400 = vector.broadcast %add3A_399 : i32 to vector<16xi32>
      %add3A_401 = arith.addi %mul3A_221, %add3A_400 : vector<16xi32>
      %gather3A_402 = tpu.vector_load_idx %arg8[%add3A_401] : memref<8192xf32, #tpu.memory_space<vmem>>[vector<16xi32>], vector<16xf32>,
      %gather3A_403 = tpu.vector_load_idx %arg9[%broadcast_in_dim3A_181, %add3A_215, %broadcast_in_dim3A_398] : memref<4x128x16xf32, #tpu.memory_space<vmem>>[vector<16xi32>, vector<16xi32>, vector<16xi32>], vector<16xf32>,
      %abs3A_404 = math.absf %gather3A_403 : vector<16xf32>
      %neg3A_405 = arith.constant 0.000000e+00 : f32
      %neg3A_406 = vector.broadcast %neg3A_405 : f32 to vector<16xf32>
      %neg3A_407 = arith.subf %neg3A_406, %abs3A_404 : vector<16xf32>
      %exp3A_408 = math.exp %neg3A_407 : vector<16xf32>
      %broadcast_in_dim3A_409 = arith.constant -0.0174140781 : f32
      %broadcast_in_dim3A_410 = vector.broadcast %broadcast_in_dim3A_409 : f32 to vector<16xf32>
      %mul3A_411 = arith.mulf %broadcast_in_dim3A_410, %exp3A_408 : vector<16xf32>
      %add3A_412 = arith.constant 0.0826912373 : f32
      %add3A_413 = vector.broadcast %add3A_412 : f32 to vector<16xf32>
      %add3A_414 = arith.addf %mul3A_411, %add3A_413 : vector<16xf32>
      %mul3A_415 = arith.mulf %add3A_414, %exp3A_408 : vector<16xf32>
      %add3A_416 = arith.constant -0.190354332 : f32
      %add3A_417 = vector.broadcast %add3A_416 : f32 to vector<16xf32>
      %add3A_418 = arith.addf %mul3A_415, %add3A_417 : vector<16xf32>
      %mul3A_419 = arith.mulf %add3A_418, %exp3A_408 : vector<16xf32>
      %add3A_420 = arith.constant 0.315747321 : f32
      %add3A_421 = vector.broadcast %add3A_420 : f32 to vector<16xf32>
      %add3A_422 = arith.addf %mul3A_419, %add3A_421 : vector<16xf32>
      %mul3A_423 = arith.mulf %add3A_422, %exp3A_408 : vector<16xf32>
      %add3A_424 = arith.constant -0.497373223 : f32
      %add3A_425 = vector.broadcast %add3A_424 : f32 to vector<16xf32>
      %add3A_426 = arith.addf %mul3A_423, %add3A_425 : vector<16xf32>
      %mul3A_427 = arith.mulf %add3A_426, %exp3A_408 : vector<16xf32>
      %add3A_428 = arith.constant 0.99984771 : f32
      %add3A_429 = vector.broadcast %add3A_428 : f32 to vector<16xf32>
      %add3A_430 = arith.addf %mul3A_427, %add3A_429 : vector<16xf32>
      %mul3A_431 = arith.mulf %add3A_430, %exp3A_408 : vector<16xf32>
      %add3A_432 = arith.constant 1.47206504E-6 : f32
      %add3A_433 = vector.broadcast %add3A_432 : f32 to vector<16xf32>
      %add3A_434 = arith.addf %mul3A_431, %add3A_433 : vector<16xf32>
      %max3A_435 = arith.constant 0.000000e+00 : f32
      %max3A_436 = vector.broadcast %max3A_435 : f32 to vector<16xf32>
      %max3A_437 = arith.maximumf %gather3A_403, %max3A_436 : vector<16xf32>
      %add3A_438 = arith.addf %max3A_437, %add3A_434 : vector<16xf32>
      %mul3A_439 = arith.mulf %add3A_438, %gather3A_402 : vector<16xf32>
      %add3A_440 = arith.addf %add3A_396, %mul3A_439 : vector<16xf32>
      %broadcast_in_dim3A_441 = arith.constant 5 : i32
      %broadcast_in_dim3A_442 = vector.broadcast %broadcast_in_dim3A_441 : i32 to vector<16xi32>
      %add3A_443 = arith.constant 5 : i32
      %add3A_444 = vector.broadcast %add3A_443 : i32 to vector<16xi32>
      %add3A_445 = arith.addi %mul3A_221, %add3A_444 : vector<16xi32>
      %gather3A_446 = tpu.vector_load_idx %arg8[%add3A_445] : memref<8192xf32, #tpu.memory_space<vmem>>[vector<16xi32>], vector<16xf32>,
      %gather3A_447 = tpu.vector_load_idx %arg9[%broadcast_in_dim3A_181, %add3A_215, %broadcast_in_dim3A_442] : memref<4x128x16xf32, #tpu.memory_space<vmem>>[vector<16xi32>, vector<16xi32>, vector<16xi32>], vector<16xf32>,
      %abs3A_448 = math.absf %gather3A_447 : vector<16xf32>
      %neg3A_449 = arith.constant 0.000000e+00 : f32
      %neg3A_450 = vector.broadcast %neg3A_449 : f32 to vector<16xf32>
      %neg3A_451 = arith.subf %neg3A_450, %abs3A_448 : vector<16xf32>
      %exp3A_452 = math.exp %neg3A_451 : vector<16xf32>
      %broadcast_in_dim3A_453 = arith.constant -0.0174140781 : f32
      %broadcast_in_dim3A_454 = vector.broadcast %broadcast_in_dim3A_453 : f32 to vector<16xf32>
      %mul3A_455 = arith.mulf %broadcast_in_dim3A_454, %exp3A_452 : vector<16xf32>
      %add3A_456 = arith.constant 0.0826912373 : f32
      %add3A_457 = vector.broadcast %add3A_456 : f32 to vector<16xf32>
      %add3A_458 = arith.addf %mul3A_455, %add3A_457 : vector<16xf32>
      %mul3A_459 = arith.mulf %add3A_458, %exp3A_452 : vector<16xf32>
      %add3A_460 = arith.constant -0.190354332 : f32
      %add3A_461 = vector.broadcast %add3A_460 : f32 to vector<16xf32>
      %add3A_462 = arith.addf %mul3A_459, %add3A_461 : vector<16xf32>
      %mul3A_463 = arith.mulf %add3A_462, %exp3A_452 : vector<16xf32>
      %add3A_464 = arith.constant 0.315747321 : f32
      %add3A_465 = vector.broadcast %add3A_464 : f32 to vector<16xf32>
      %add3A_466 = arith.addf %mul3A_463, %add3A_465 : vector<16xf32>
      %mul3A_467 = arith.mulf %add3A_466, %exp3A_452 : vector<16xf32>
      %add3A_468 = arith.constant -0.497373223 : f32
      %add3A_469 = vector.broadcast %add3A_468 : f32 to vector<16xf32>
      %add3A_470 = arith.addf %mul3A_467, %add3A_469 : vector<16xf32>
      %mul3A_471 = arith.mulf %add3A_470, %exp3A_452 : vector<16xf32>
      %add3A_472 = arith.constant 0.99984771 : f32
      %add3A_473 = vector.broadcast %add3A_472 : f32 to vector<16xf32>
      %add3A_474 = arith.addf %mul3A_471, %add3A_473 : vector<16xf32>
      %mul3A_475 = arith.mulf %add3A_474, %exp3A_452 : vector<16xf32>
      %add3A_476 = arith.constant 1.47206504E-6 : f32
      %add3A_477 = vector.broadcast %add3A_476 : f32 to vector<16xf32>
      %add3A_478 = arith.addf %mul3A_475, %add3A_477 : vector<16xf32>
      %max3A_479 = arith.constant 0.000000e+00 : f32
      %max3A_480 = vector.broadcast %max3A_479 : f32 to vector<16xf32>
      %max3A_481 = arith.maximumf %gather3A_447, %max3A_480 : vector<16xf32>
      %add3A_482 = arith.addf %max3A_481, %add3A_478 : vector<16xf32>
      %mul3A_483 = arith.mulf %add3A_482, %gather3A_446 : vector<16xf32>
      %add3A_484 = arith.addf %add3A_440, %mul3A_483 : vector<16xf32>
      %broadcast_in_dim3A_485 = arith.constant 6 : i32
      %broadcast_in_dim3A_486 = vector.broadcast %broadcast_in_dim3A_485 : i32 to vector<16xi32>
      %add3A_487 = arith.constant 6 : i32
      %add3A_488 = vector.broadcast %add3A_487 : i32 to vector<16xi32>
      %add3A_489 = arith.addi %mul3A_221, %add3A_488 : vector<16xi32>
      %gather3A_490 = tpu.vector_load_idx %arg8[%add3A_489] : memref<8192xf32, #tpu.memory_space<vmem>>[vector<16xi32>], vector<16xf32>,
      %gather3A_491 = tpu.vector_load_idx %arg9[%broadcast_in_dim3A_181, %add3A_215, %broadcast_in_dim3A_486] : memref<4x128x16xf32, #tpu.memory_space<vmem>>[vector<16xi32>, vector<16xi32>, vector<16xi32>], vector<16xf32>,
      %abs3A_492 = math.absf %gather3A_491 : vector<16xf32>
      %neg3A_493 = arith.constant 0.000000e+00 : f32
      %neg3A_494 = vector.broadcast %neg3A_493 : f32 to vector<16xf32>
      %neg3A_495 = arith.subf %neg3A_494, %abs3A_492 : vector<16xf32>
      %exp3A_496 = math.exp %neg3A_495 : vector<16xf32>
      %broadcast_in_dim3A_497 = arith.constant -0.0174140781 : f32
      %broadcast_in_dim3A_498 = vector.broadcast %broadcast_in_dim3A_497 : f32 to vector<16xf32>
      %mul3A_499 = arith.mulf %broadcast_in_dim3A_498, %exp3A_496 : vector<16xf32>
      %add3A_500 = arith.constant 0.0826912373 : f32
      %add3A_501 = vector.broadcast %add3A_500 : f32 to vector<16xf32>
      %add3A_502 = arith.addf %mul3A_499, %add3A_501 : vector<16xf32>
      %mul3A_503 = arith.mulf %add3A_502, %exp3A_496 : vector<16xf32>
      %add3A_504 = arith.constant -0.190354332 : f32
      %add3A_505 = vector.broadcast %add3A_504 : f32 to vector<16xf32>
      %add3A_506 = arith.addf %mul3A_503, %add3A_505 : vector<16xf32>
      %mul3A_507 = arith.mulf %add3A_506, %exp3A_496 : vector<16xf32>
      %add3A_508 = arith.constant 0.315747321 : f32
      %add3A_509 = vector.broadcast %add3A_508 : f32 to vector<16xf32>
      %add3A_510 = arith.addf %mul3A_507, %add3A_509 : vector<16xf32>
      %mul3A_511 = arith.mulf %add3A_510, %exp3A_496 : vector<16xf32>
      %add3A_512 = arith.constant -0.497373223 : f32
      %add3A_513 = vector.broadcast %add3A_512 : f32 to vector<16xf32>
      %add3A_514 = arith.addf %mul3A_511, %add3A_513 : vector<16xf32>
      %mul3A_515 = arith.mulf %add3A_514, %exp3A_496 : vector<16xf32>
      %add3A_516 = arith.constant 0.99984771 : f32
      %add3A_517 = vector.broadcast %add3A_516 : f32 to vector<16xf32>
      %add3A_518 = arith.addf %mul3A_515, %add3A_517 : vector<16xf32>
      %mul3A_519 = arith.mulf %add3A_518, %exp3A_496 : vector<16xf32>
      %add3A_520 = arith.constant 1.47206504E-6 : f32
      %add3A_521 = vector.broadcast %add3A_520 : f32 to vector<16xf32>
      %add3A_522 = arith.addf %mul3A_519, %add3A_521 : vector<16xf32>
      %max3A_523 = arith.constant 0.000000e+00 : f32
      %max3A_524 = vector.broadcast %max3A_523 : f32 to vector<16xf32>
      %max3A_525 = arith.maximumf %gather3A_491, %max3A_524 : vector<16xf32>
      %add3A_526 = arith.addf %max3A_525, %add3A_522 : vector<16xf32>
      %mul3A_527 = arith.mulf %add3A_526, %gather3A_490 : vector<16xf32>
      %add3A_528 = arith.addf %add3A_484, %mul3A_527 : vector<16xf32>
      %broadcast_in_dim3A_529 = arith.constant 7 : i32
      %broadcast_in_dim3A_530 = vector.broadcast %broadcast_in_dim3A_529 : i32 to vector<16xi32>
      %add3A_531 = arith.constant 7 : i32
      %add3A_532 = vector.broadcast %add3A_531 : i32 to vector<16xi32>
      %add3A_533 = arith.addi %mul3A_221, %add3A_532 : vector<16xi32>
      %gather3A_534 = tpu.vector_load_idx %arg8[%add3A_533] : memref<8192xf32, #tpu.memory_space<vmem>>[vector<16xi32>], vector<16xf32>,
      %gather3A_535 = tpu.vector_load_idx %arg9[%broadcast_in_dim3A_181, %add3A_215, %broadcast_in_dim3A_530] : memref<4x128x16xf32, #tpu.memory_space<vmem>>[vector<16xi32>, vector<16xi32>, vector<16xi32>], vector<16xf32>,
      %abs3A_536 = math.absf %gather3A_535 : vector<16xf32>
      %neg3A_537 = arith.constant 0.000000e+00 : f32
      %neg3A_538 = vector.broadcast %neg3A_537 : f32 to vector<16xf32>
      %neg3A_539 = arith.subf %neg3A_538, %abs3A_536 : vector<16xf32>
      %exp3A_540 = math.exp %neg3A_539 : vector<16xf32>
      %broadcast_in_dim3A_541 = arith.constant -0.0174140781 : f32
      %broadcast_in_dim3A_542 = vector.broadcast %broadcast_in_dim3A_541 : f32 to vector<16xf32>
      %mul3A_543 = arith.mulf %broadcast_in_dim3A_542, %exp3A_540 : vector<16xf32>
      %add3A_544 = arith.constant 0.0826912373 : f32
      %add3A_545 = vector.broadcast %add3A_544 : f32 to vector<16xf32>
      %add3A_546 = arith.addf %mul3A_543, %add3A_545 : vector<16xf32>
      %mul3A_547 = arith.mulf %add3A_546, %exp3A_540 : vector<16xf32>
      %add3A_548 = arith.constant -0.190354332 : f32
      %add3A_549 = vector.broadcast %add3A_548 : f32 to vector<16xf32>
      %add3A_550 = arith.addf %mul3A_547, %add3A_549 : vector<16xf32>
      %mul3A_551 = arith.mulf %add3A_550, %exp3A_540 : vector<16xf32>
      %add3A_552 = arith.constant 0.315747321 : f32
      %add3A_553 = vector.broadcast %add3A_552 : f32 to vector<16xf32>
      %add3A_554 = arith.addf %mul3A_551, %add3A_553 : vector<16xf32>
      %mul3A_555 = arith.mulf %add3A_554, %exp3A_540 : vector<16xf32>
      %add3A_556 = arith.constant -0.497373223 : f32
      %add3A_557 = vector.broadcast %add3A_556 : f32 to vector<16xf32>
      %add3A_558 = arith.addf %mul3A_555, %add3A_557 : vector<16xf32>
      %mul3A_559 = arith.mulf %add3A_558, %exp3A_540 : vector<16xf32>
      %add3A_560 = arith.constant 0.99984771 : f32
      %add3A_561 = vector.broadcast %add3A_560 : f32 to vector<16xf32>
      %add3A_562 = arith.addf %mul3A_559, %add3A_561 : vector<16xf32>
      %mul3A_563 = arith.mulf %add3A_562, %exp3A_540 : vector<16xf32>
      %add3A_564 = arith.constant 1.47206504E-6 : f32
      %add3A_565 = vector.broadcast %add3A_564 : f32 to vector<16xf32>
      %add3A_566 = arith.addf %mul3A_563, %add3A_565 : vector<16xf32>
      %max3A_567 = arith.constant 0.000000e+00 : f32
      %max3A_568 = vector.broadcast %max3A_567 : f32 to vector<16xf32>
      %max3A_569 = arith.maximumf %gather3A_535, %max3A_568 : vector<16xf32>
      %add3A_570 = arith.addf %max3A_569, %add3A_566 : vector<16xf32>
      %mul3A_571 = arith.mulf %add3A_570, %gather3A_534 : vector<16xf32>
      %add3A_572 = arith.addf %add3A_528, %mul3A_571 : vector<16xf32>
      %broadcast_in_dim3A_573 = arith.constant 8 : i32
      %broadcast_in_dim3A_574 = vector.broadcast %broadcast_in_dim3A_573 : i32 to vector<16xi32>
      %add3A_575 = arith.constant 8 : i32
      %add3A_576 = vector.broadcast %add3A_575 : i32 to vector<16xi32>
      %add3A_577 = arith.addi %mul3A_221, %add3A_576 : vector<16xi32>
      %gather3A_578 = tpu.vector_load_idx %arg8[%add3A_577] : memref<8192xf32, #tpu.memory_space<vmem>>[vector<16xi32>], vector<16xf32>,
      %gather3A_579 = tpu.vector_load_idx %arg9[%broadcast_in_dim3A_181, %add3A_215, %broadcast_in_dim3A_574] : memref<4x128x16xf32, #tpu.memory_space<vmem>>[vector<16xi32>, vector<16xi32>, vector<16xi32>], vector<16xf32>,
      %abs3A_580 = math.absf %gather3A_579 : vector<16xf32>
      %neg3A_581 = arith.constant 0.000000e+00 : f32
      %neg3A_582 = vector.broadcast %neg3A_581 : f32 to vector<16xf32>
      %neg3A_583 = arith.subf %neg3A_582, %abs3A_580 : vector<16xf32>
      %exp3A_584 = math.exp %neg3A_583 : vector<16xf32>
      %broadcast_in_dim3A_585 = arith.constant -0.0174140781 : f32
      %broadcast_in_dim3A_586 = vector.broadcast %broadcast_in_dim3A_585 : f32 to vector<16xf32>
      %mul3A_587 = arith.mulf %broadcast_in_dim3A_586, %exp3A_584 : vector<16xf32>
      %add3A_588 = arith.constant 0.0826912373 : f32
      %add3A_589 = vector.broadcast %add3A_588 : f32 to vector<16xf32>
      %add3A_590 = arith.addf %mul3A_587, %add3A_589 : vector<16xf32>
      %mul3A_591 = arith.mulf %add3A_590, %exp3A_584 : vector<16xf32>
      %add3A_592 = arith.constant -0.190354332 : f32
      %add3A_593 = vector.broadcast %add3A_592 : f32 to vector<16xf32>
      %add3A_594 = arith.addf %mul3A_591, %add3A_593 : vector<16xf32>
      %mul3A_595 = arith.mulf %add3A_594, %exp3A_584 : vector<16xf32>
      %add3A_596 = arith.constant 0.315747321 : f32
      %add3A_597 = vector.broadcast %add3A_596 : f32 to vector<16xf32>
      %add3A_598 = arith.addf %mul3A_595, %add3A_597 : vector<16xf32>
      %mul3A_599 = arith.mulf %add3A_598, %exp3A_584 : vector<16xf32>
      %add3A_600 = arith.constant -0.497373223 : f32
      %add3A_601 = vector.broadcast %add3A_600 : f32 to vector<16xf32>
      %add3A_602 = arith.addf %mul3A_599, %add3A_601 : vector<16xf32>
      %mul3A_603 = arith.mulf %add3A_602, %exp3A_584 : vector<16xf32>
      %add3A_604 = arith.constant 0.99984771 : f32
      %add3A_605 = vector.broadcast %add3A_604 : f32 to vector<16xf32>
      %add3A_606 = arith.addf %mul3A_603, %add3A_605 : vector<16xf32>
      %mul3A_607 = arith.mulf %add3A_606, %exp3A_584 : vector<16xf32>
      %add3A_608 = arith.constant 1.47206504E-6 : f32
      %add3A_609 = vector.broadcast %add3A_608 : f32 to vector<16xf32>
      %add3A_610 = arith.addf %mul3A_607, %add3A_609 : vector<16xf32>
      %max3A_611 = arith.constant 0.000000e+00 : f32
      %max3A_612 = vector.broadcast %max3A_611 : f32 to vector<16xf32>
      %max3A_613 = arith.maximumf %gather3A_579, %max3A_612 : vector<16xf32>
      %add3A_614 = arith.addf %max3A_613, %add3A_610 : vector<16xf32>
      %mul3A_615 = arith.mulf %add3A_614, %gather3A_578 : vector<16xf32>
      %add3A_616 = arith.addf %add3A_572, %mul3A_615 : vector<16xf32>
      %broadcast_in_dim3A_617 = arith.constant 9 : i32
      %broadcast_in_dim3A_618 = vector.broadcast %broadcast_in_dim3A_617 : i32 to vector<16xi32>
      %add3A_619 = arith.constant 9 : i32
      %add3A_620 = vector.broadcast %add3A_619 : i32 to vector<16xi32>
      %add3A_621 = arith.addi %mul3A_221, %add3A_620 : vector<16xi32>
      %gather3A_622 = tpu.vector_load_idx %arg8[%add3A_621] : memref<8192xf32, #tpu.memory_space<vmem>>[vector<16xi32>], vector<16xf32>,
      %gather3A_623 = tpu.vector_load_idx %arg9[%broadcast_in_dim3A_181, %add3A_215, %broadcast_in_dim3A_618] : memref<4x128x16xf32, #tpu.memory_space<vmem>>[vector<16xi32>, vector<16xi32>, vector<16xi32>], vector<16xf32>,
      %abs3A_624 = math.absf %gather3A_623 : vector<16xf32>
      %neg3A_625 = arith.constant 0.000000e+00 : f32
      %neg3A_626 = vector.broadcast %neg3A_625 : f32 to vector<16xf32>
      %neg3A_627 = arith.subf %neg3A_626, %abs3A_624 : vector<16xf32>
      %exp3A_628 = math.exp %neg3A_627 : vector<16xf32>
      %broadcast_in_dim3A_629 = arith.constant -0.0174140781 : f32
      %broadcast_in_dim3A_630 = vector.broadcast %broadcast_in_dim3A_629 : f32 to vector<16xf32>
      %mul3A_631 = arith.mulf %broadcast_in_dim3A_630, %exp3A_628 : vector<16xf32>
      %add3A_632 = arith.constant 0.0826912373 : f32
      %add3A_633 = vector.broadcast %add3A_632 : f32 to vector<16xf32>
      %add3A_634 = arith.addf %mul3A_631, %add3A_633 : vector<16xf32>
      %mul3A_635 = arith.mulf %add3A_634, %exp3A_628 : vector<16xf32>
      %add3A_636 = arith.constant -0.190354332 : f32
      %add3A_637 = vector.broadcast %add3A_636 : f32 to vector<16xf32>
      %add3A_638 = arith.addf %mul3A_635, %add3A_637 : vector<16xf32>
      %mul3A_639 = arith.mulf %add3A_638, %exp3A_628 : vector<16xf32>
      %add3A_640 = arith.constant 0.315747321 : f32
      %add3A_641 = vector.broadcast %add3A_640 : f32 to vector<16xf32>
      %add3A_642 = arith.addf %mul3A_639, %add3A_641 : vector<16xf32>
      %mul3A_643 = arith.mulf %add3A_642, %exp3A_628 : vector<16xf32>
      %add3A_644 = arith.constant -0.497373223 : f32
      %add3A_645 = vector.broadcast %add3A_644 : f32 to vector<16xf32>
      %add3A_646 = arith.addf %mul3A_643, %add3A_645 : vector<16xf32>
      %mul3A_647 = arith.mulf %add3A_646, %exp3A_628 : vector<16xf32>
      %add3A_648 = arith.constant 0.99984771 : f32
      %add3A_649 = vector.broadcast %add3A_648 : f32 to vector<16xf32>
      %add3A_650 = arith.addf %mul3A_647, %add3A_649 : vector<16xf32>
      %mul3A_651 = arith.mulf %add3A_650, %exp3A_628 : vector<16xf32>
      %add3A_652 = arith.constant 1.47206504E-6 : f32
      %add3A_653 = vector.broadcast %add3A_652 : f32 to vector<16xf32>
      %add3A_654 = arith.addf %mul3A_651, %add3A_653 : vector<16xf32>
      %max3A_655 = arith.constant 0.000000e+00 : f32
      %max3A_656 = vector.broadcast %max3A_655 : f32 to vector<16xf32>
      %max3A_657 = arith.maximumf %gather3A_623, %max3A_656 : vector<16xf32>
      %add3A_658 = arith.addf %max3A_657, %add3A_654 : vector<16xf32>
      %mul3A_659 = arith.mulf %add3A_658, %gather3A_622 : vector<16xf32>
      %add3A_660 = arith.addf %add3A_616, %mul3A_659 : vector<16xf32>
      %broadcast_in_dim3A_661 = arith.constant 10 : i32
      %broadcast_in_dim3A_662 = vector.broadcast %broadcast_in_dim3A_661 : i32 to vector<16xi32>
      %add3A_663 = arith.constant 10 : i32
      %add3A_664 = vector.broadcast %add3A_663 : i32 to vector<16xi32>
      %add3A_665 = arith.addi %mul3A_221, %add3A_664 : vector<16xi32>
      %gather3A_666 = tpu.vector_load_idx %arg8[%add3A_665] : memref<8192xf32, #tpu.memory_space<vmem>>[vector<16xi32>], vector<16xf32>,
      %gather3A_667 = tpu.vector_load_idx %arg9[%broadcast_in_dim3A_181, %add3A_215, %broadcast_in_dim3A_662] : memref<4x128x16xf32, #tpu.memory_space<vmem>>[vector<16xi32>, vector<16xi32>, vector<16xi32>], vector<16xf32>,
      %abs3A_668 = math.absf %gather3A_667 : vector<16xf32>
      %neg3A_669 = arith.constant 0.000000e+00 : f32
      %neg3A_670 = vector.broadcast %neg3A_669 : f32 to vector<16xf32>
      %neg3A_671 = arith.subf %neg3A_670, %abs3A_668 : vector<16xf32>
      %exp3A_672 = math.exp %neg3A_671 : vector<16xf32>
      %broadcast_in_dim3A_673 = arith.constant -0.0174140781 : f32
      %broadcast_in_dim3A_674 = vector.broadcast %broadcast_in_dim3A_673 : f32 to vector<16xf32>
      %mul3A_675 = arith.mulf %broadcast_in_dim3A_674, %exp3A_672 : vector<16xf32>
      %add3A_676 = arith.constant 0.0826912373 : f32
      %add3A_677 = vector.broadcast %add3A_676 : f32 to vector<16xf32>
      %add3A_678 = arith.addf %mul3A_675, %add3A_677 : vector<16xf32>
      %mul3A_679 = arith.mulf %add3A_678, %exp3A_672 : vector<16xf32>
      %add3A_680 = arith.constant -0.190354332 : f32
      %add3A_681 = vector.broadcast %add3A_680 : f32 to vector<16xf32>
      %add3A_682 = arith.addf %mul3A_679, %add3A_681 : vector<16xf32>
      %mul3A_683 = arith.mulf %add3A_682, %exp3A_672 : vector<16xf32>
      %add3A_684 = arith.constant 0.315747321 : f32
      %add3A_685 = vector.broadcast %add3A_684 : f32 to vector<16xf32>
      %add3A_686 = arith.addf %mul3A_683, %add3A_685 : vector<16xf32>
      %mul3A_687 = arith.mulf %add3A_686, %exp3A_672 : vector<16xf32>
      %add3A_688 = arith.constant -0.497373223 : f32
      %add3A_689 = vector.broadcast %add3A_688 : f32 to vector<16xf32>
      %add3A_690 = arith.addf %mul3A_687, %add3A_689 : vector<16xf32>
      %mul3A_691 = arith.mulf %add3A_690, %exp3A_672 : vector<16xf32>
      %add3A_692 = arith.constant 0.99984771 : f32
      %add3A_693 = vector.broadcast %add3A_692 : f32 to vector<16xf32>
      %add3A_694 = arith.addf %mul3A_691, %add3A_693 : vector<16xf32>
      %mul3A_695 = arith.mulf %add3A_694, %exp3A_672 : vector<16xf32>
      %add3A_696 = arith.constant 1.47206504E-6 : f32
      %add3A_697 = vector.broadcast %add3A_696 : f32 to vector<16xf32>
      %add3A_698 = arith.addf %mul3A_695, %add3A_697 : vector<16xf32>
      %max3A_699 = arith.constant 0.000000e+00 : f32
      %max3A_700 = vector.broadcast %max3A_699 : f32 to vector<16xf32>
      %max3A_701 = arith.maximumf %gather3A_667, %max3A_700 : vector<16xf32>
      %add3A_702 = arith.addf %max3A_701, %add3A_698 : vector<16xf32>
      %mul3A_703 = arith.mulf %add3A_702, %gather3A_666 : vector<16xf32>
      %add3A_704 = arith.addf %add3A_660, %mul3A_703 : vector<16xf32>
      %broadcast_in_dim3A_705 = arith.constant 11 : i32
      %broadcast_in_dim3A_706 = vector.broadcast %broadcast_in_dim3A_705 : i32 to vector<16xi32>
      %add3A_707 = arith.constant 11 : i32
      %add3A_708 = vector.broadcast %add3A_707 : i32 to vector<16xi32>
      %add3A_709 = arith.addi %mul3A_221, %add3A_708 : vector<16xi32>
      %gather3A_710 = tpu.vector_load_idx %arg8[%add3A_709] : memref<8192xf32, #tpu.memory_space<vmem>>[vector<16xi32>], vector<16xf32>,
      %gather3A_711 = tpu.vector_load_idx %arg9[%broadcast_in_dim3A_181, %add3A_215, %broadcast_in_dim3A_706] : memref<4x128x16xf32, #tpu.memory_space<vmem>>[vector<16xi32>, vector<16xi32>, vector<16xi32>], vector<16xf32>,
      %abs3A_712 = math.absf %gather3A_711 : vector<16xf32>
      %neg3A_713 = arith.constant 0.000000e+00 : f32
      %neg3A_714 = vector.broadcast %neg3A_713 : f32 to vector<16xf32>
      %neg3A_715 = arith.subf %neg3A_714, %abs3A_712 : vector<16xf32>
      %exp3A_716 = math.exp %neg3A_715 : vector<16xf32>
      %broadcast_in_dim3A_717 = arith.constant -0.0174140781 : f32
      %broadcast_in_dim3A_718 = vector.broadcast %broadcast_in_dim3A_717 : f32 to vector<16xf32>
      %mul3A_719 = arith.mulf %broadcast_in_dim3A_718, %exp3A_716 : vector<16xf32>
      %add3A_720 = arith.constant 0.0826912373 : f32
      %add3A_721 = vector.broadcast %add3A_720 : f32 to vector<16xf32>
      %add3A_722 = arith.addf %mul3A_719, %add3A_721 : vector<16xf32>
      %mul3A_723 = arith.mulf %add3A_722, %exp3A_716 : vector<16xf32>
      %add3A_724 = arith.constant -0.190354332 : f32
      %add3A_725 = vector.broadcast %add3A_724 : f32 to vector<16xf32>
      %add3A_726 = arith.addf %mul3A_723, %add3A_725 : vector<16xf32>
      %mul3A_727 = arith.mulf %add3A_726, %exp3A_716 : vector<16xf32>
      %add3A_728 = arith.constant 0.315747321 : f32
      %add3A_729 = vector.broadcast %add3A_728 : f32 to vector<16xf32>
      %add3A_730 = arith.addf %mul3A_727, %add3A_729 : vector<16xf32>
      %mul3A_731 = arith.mulf %add3A_730, %exp3A_716 : vector<16xf32>
      %add3A_732 = arith.constant -0.497373223 : f32
      %add3A_733 = vector.broadcast %add3A_732 : f32 to vector<16xf32>
      %add3A_734 = arith.addf %mul3A_731, %add3A_733 : vector<16xf32>
      %mul3A_735 = arith.mulf %add3A_734, %exp3A_716 : vector<16xf32>
      %add3A_736 = arith.constant 0.99984771 : f32
      %add3A_737 = vector.broadcast %add3A_736 : f32 to vector<16xf32>
      %add3A_738 = arith.addf %mul3A_735, %add3A_737 : vector<16xf32>
      %mul3A_739 = arith.mulf %add3A_738, %exp3A_716 : vector<16xf32>
      %add3A_740 = arith.constant 1.47206504E-6 : f32
      %add3A_741 = vector.broadcast %add3A_740 : f32 to vector<16xf32>
      %add3A_742 = arith.addf %mul3A_739, %add3A_741 : vector<16xf32>
      %max3A_743 = arith.constant 0.000000e+00 : f32
      %max3A_744 = vector.broadcast %max3A_743 : f32 to vector<16xf32>
      %max3A_745 = arith.maximumf %gather3A_711, %max3A_744 : vector<16xf32>
      %add3A_746 = arith.addf %max3A_745, %add3A_742 : vector<16xf32>
      %mul3A_747 = arith.mulf %add3A_746, %gather3A_710 : vector<16xf32>
      %add3A_748 = arith.addf %add3A_704, %mul3A_747 : vector<16xf32>
      %broadcast_in_dim3A_749 = arith.constant 12 : i32
      %broadcast_in_dim3A_750 = vector.broadcast %broadcast_in_dim3A_749 : i32 to vector<16xi32>
      %add3A_751 = arith.constant 12 : i32
      %add3A_752 = vector.broadcast %add3A_751 : i32 to vector<16xi32>
      %add3A_753 = arith.addi %mul3A_221, %add3A_752 : vector<16xi32>
      %gather3A_754 = tpu.vector_load_idx %arg8[%add3A_753] : memref<8192xf32, #tpu.memory_space<vmem>>[vector<16xi32>], vector<16xf32>,
      %gather3A_755 = tpu.vector_load_idx %arg9[%broadcast_in_dim3A_181, %add3A_215, %broadcast_in_dim3A_750] : memref<4x128x16xf32, #tpu.memory_space<vmem>>[vector<16xi32>, vector<16xi32>, vector<16xi32>], vector<16xf32>,
      %abs3A_756 = math.absf %gather3A_755 : vector<16xf32>
      %neg3A_757 = arith.constant 0.000000e+00 : f32
      %neg3A_758 = vector.broadcast %neg3A_757 : f32 to vector<16xf32>
      %neg3A_759 = arith.subf %neg3A_758, %abs3A_756 : vector<16xf32>
      %exp3A_760 = math.exp %neg3A_759 : vector<16xf32>
      %broadcast_in_dim3A_761 = arith.constant -0.0174140781 : f32
      %broadcast_in_dim3A_762 = vector.broadcast %broadcast_in_dim3A_761 : f32 to vector<16xf32>
      %mul3A_763 = arith.mulf %broadcast_in_dim3A_762, %exp3A_760 : vector<16xf32>
      %add3A_764 = arith.constant 0.0826912373 : f32
      %add3A_765 = vector.broadcast %add3A_764 : f32 to vector<16xf32>
      %add3A_766 = arith.addf %mul3A_763, %add3A_765 : vector<16xf32>
      %mul3A_767 = arith.mulf %add3A_766, %exp3A_760 : vector<16xf32>
      %add3A_768 = arith.constant -0.190354332 : f32
      %add3A_769 = vector.broadcast %add3A_768 : f32 to vector<16xf32>
      %add3A_770 = arith.addf %mul3A_767, %add3A_769 : vector<16xf32>
      %mul3A_771 = arith.mulf %add3A_770, %exp3A_760 : vector<16xf32>
      %add3A_772 = arith.constant 0.315747321 : f32
      %add3A_773 = vector.broadcast %add3A_772 : f32 to vector<16xf32>
      %add3A_774 = arith.addf %mul3A_771, %add3A_773 : vector<16xf32>
      %mul3A_775 = arith.mulf %add3A_774, %exp3A_760 : vector<16xf32>
      %add3A_776 = arith.constant -0.497373223 : f32
      %add3A_777 = vector.broadcast %add3A_776 : f32 to vector<16xf32>
      %add3A_778 = arith.addf %mul3A_775, %add3A_777 : vector<16xf32>
      %mul3A_779 = arith.mulf %add3A_778, %exp3A_760 : vector<16xf32>
      %add3A_780 = arith.constant 0.99984771 : f32
      %add3A_781 = vector.broadcast %add3A_780 : f32 to vector<16xf32>
      %add3A_782 = arith.addf %mul3A_779, %add3A_781 : vector<16xf32>
      %mul3A_783 = arith.mulf %add3A_782, %exp3A_760 : vector<16xf32>
      %add3A_784 = arith.constant 1.47206504E-6 : f32
      %add3A_785 = vector.broadcast %add3A_784 : f32 to vector<16xf32>
      %add3A_786 = arith.addf %mul3A_783, %add3A_785 : vector<16xf32>
      %max3A_787 = arith.constant 0.000000e+00 : f32
      %max3A_788 = vector.broadcast %max3A_787 : f32 to vector<16xf32>
      %max3A_789 = arith.maximumf %gather3A_755, %max3A_788 : vector<16xf32>
      %add3A_790 = arith.addf %max3A_789, %add3A_786 : vector<16xf32>
      %mul3A_791 = arith.mulf %add3A_790, %gather3A_754 : vector<16xf32>
      %add3A_792 = arith.addf %add3A_748, %mul3A_791 : vector<16xf32>
      %broadcast_in_dim3A_793 = arith.constant 13 : i32
      %broadcast_in_dim3A_794 = vector.broadcast %broadcast_in_dim3A_793 : i32 to vector<16xi32>
      %add3A_795 = arith.constant 13 : i32
      %add3A_796 = vector.broadcast %add3A_795 : i32 to vector<16xi32>
      %add3A_797 = arith.addi %mul3A_221, %add3A_796 : vector<16xi32>
      %gather3A_798 = tpu.vector_load_idx %arg8[%add3A_797] : memref<8192xf32, #tpu.memory_space<vmem>>[vector<16xi32>], vector<16xf32>,
      %gather3A_799 = tpu.vector_load_idx %arg9[%broadcast_in_dim3A_181, %add3A_215, %broadcast_in_dim3A_794] : memref<4x128x16xf32, #tpu.memory_space<vmem>>[vector<16xi32>, vector<16xi32>, vector<16xi32>], vector<16xf32>,
      %abs3A_800 = math.absf %gather3A_799 : vector<16xf32>
      %neg3A_801 = arith.constant 0.000000e+00 : f32
      %neg3A_802 = vector.broadcast %neg3A_801 : f32 to vector<16xf32>
      %neg3A_803 = arith.subf %neg3A_802, %abs3A_800 : vector<16xf32>
      %exp3A_804 = math.exp %neg3A_803 : vector<16xf32>
      %broadcast_in_dim3A_805 = arith.constant -0.0174140781 : f32
      %broadcast_in_dim3A_806 = vector.broadcast %broadcast_in_dim3A_805 : f32 to vector<16xf32>
      %mul3A_807 = arith.mulf %broadcast_in_dim3A_806, %exp3A_804 : vector<16xf32>
      %add3A_808 = arith.constant 0.0826912373 : f32
      %add3A_809 = vector.broadcast %add3A_808 : f32 to vector<16xf32>
      %add3A_810 = arith.addf %mul3A_807, %add3A_809 : vector<16xf32>
      %mul3A_811 = arith.mulf %add3A_810, %exp3A_804 : vector<16xf32>
      %add3A_812 = arith.constant -0.190354332 : f32
      %add3A_813 = vector.broadcast %add3A_812 : f32 to vector<16xf32>
      %add3A_814 = arith.addf %mul3A_811, %add3A_813 : vector<16xf32>
      %mul3A_815 = arith.mulf %add3A_814, %exp3A_804 : vector<16xf32>
      %add3A_816 = arith.constant 0.315747321 : f32
      %add3A_817 = vector.broadcast %add3A_816 : f32 to vector<16xf32>
      %add3A_818 = arith.addf %mul3A_815, %add3A_817 : vector<16xf32>
      %mul3A_819 = arith.mulf %add3A_818, %exp3A_804 : vector<16xf32>
      %add3A_820 = arith.constant -0.497373223 : f32
      %add3A_821 = vector.broadcast %add3A_820 : f32 to vector<16xf32>
      %add3A_822 = arith.addf %mul3A_819, %add3A_821 : vector<16xf32>
      %mul3A_823 = arith.mulf %add3A_822, %exp3A_804 : vector<16xf32>
      %add3A_824 = arith.constant 0.99984771 : f32
      %add3A_825 = vector.broadcast %add3A_824 : f32 to vector<16xf32>
      %add3A_826 = arith.addf %mul3A_823, %add3A_825 : vector<16xf32>
      %mul3A_827 = arith.mulf %add3A_826, %exp3A_804 : vector<16xf32>
      %add3A_828 = arith.constant 1.47206504E-6 : f32
      %add3A_829 = vector.broadcast %add3A_828 : f32 to vector<16xf32>
      %add3A_830 = arith.addf %mul3A_827, %add3A_829 : vector<16xf32>
      %max3A_831 = arith.constant 0.000000e+00 : f32
      %max3A_832 = vector.broadcast %max3A_831 : f32 to vector<16xf32>
      %max3A_833 = arith.maximumf %gather3A_799, %max3A_832 : vector<16xf32>
      %add3A_834 = arith.addf %max3A_833, %add3A_830 : vector<16xf32>
      %mul3A_835 = arith.mulf %add3A_834, %gather3A_798 : vector<16xf32>
      %add3A_836 = arith.addf %add3A_792, %mul3A_835 : vector<16xf32>
      %broadcast_in_dim3A_837 = arith.constant 14 : i32
      %broadcast_in_dim3A_838 = vector.broadcast %broadcast_in_dim3A_837 : i32 to vector<16xi32>
      %add3A_839 = arith.constant 14 : i32
      %add3A_840 = vector.broadcast %add3A_839 : i32 to vector<16xi32>
      %add3A_841 = arith.addi %mul3A_221, %add3A_840 : vector<16xi32>
      %gather3A_842 = tpu.vector_load_idx %arg8[%add3A_841] : memref<8192xf32, #tpu.memory_space<vmem>>[vector<16xi32>], vector<16xf32>,
      %gather3A_843 = tpu.vector_load_idx %arg9[%broadcast_in_dim3A_181, %add3A_215, %broadcast_in_dim3A_838] : memref<4x128x16xf32, #tpu.memory_space<vmem>>[vector<16xi32>, vector<16xi32>, vector<16xi32>], vector<16xf32>,
      %abs3A_844 = math.absf %gather3A_843 : vector<16xf32>
      %neg3A_845 = arith.constant 0.000000e+00 : f32
      %neg3A_846 = vector.broadcast %neg3A_845 : f32 to vector<16xf32>
      %neg3A_847 = arith.subf %neg3A_846, %abs3A_844 : vector<16xf32>
      %exp3A_848 = math.exp %neg3A_847 : vector<16xf32>
      %broadcast_in_dim3A_849 = arith.constant -0.0174140781 : f32
      %broadcast_in_dim3A_850 = vector.broadcast %broadcast_in_dim3A_849 : f32 to vector<16xf32>
      %mul3A_851 = arith.mulf %broadcast_in_dim3A_850, %exp3A_848 : vector<16xf32>
      %add3A_852 = arith.constant 0.0826912373 : f32
      %add3A_853 = vector.broadcast %add3A_852 : f32 to vector<16xf32>
      %add3A_854 = arith.addf %mul3A_851, %add3A_853 : vector<16xf32>
      %mul3A_855 = arith.mulf %add3A_854, %exp3A_848 : vector<16xf32>
      %add3A_856 = arith.constant -0.190354332 : f32
      %add3A_857 = vector.broadcast %add3A_856 : f32 to vector<16xf32>
      %add3A_858 = arith.addf %mul3A_855, %add3A_857 : vector<16xf32>
      %mul3A_859 = arith.mulf %add3A_858, %exp3A_848 : vector<16xf32>
      %add3A_860 = arith.constant 0.315747321 : f32
      %add3A_861 = vector.broadcast %add3A_860 : f32 to vector<16xf32>
      %add3A_862 = arith.addf %mul3A_859, %add3A_861 : vector<16xf32>
      %mul3A_863 = arith.mulf %add3A_862, %exp3A_848 : vector<16xf32>
      %add3A_864 = arith.constant -0.497373223 : f32
      %add3A_865 = vector.broadcast %add3A_864 : f32 to vector<16xf32>
      %add3A_866 = arith.addf %mul3A_863, %add3A_865 : vector<16xf32>
      %mul3A_867 = arith.mulf %add3A_866, %exp3A_848 : vector<16xf32>
      %add3A_868 = arith.constant 0.99984771 : f32
      %add3A_869 = vector.broadcast %add3A_868 : f32 to vector<16xf32>
      %add3A_870 = arith.addf %mul3A_867, %add3A_869 : vector<16xf32>
      %mul3A_871 = arith.mulf %add3A_870, %exp3A_848 : vector<16xf32>
      %add3A_872 = arith.constant 1.47206504E-6 : f32
      %add3A_873 = vector.broadcast %add3A_872 : f32 to vector<16xf32>
      %add3A_874 = arith.addf %mul3A_871, %add3A_873 : vector<16xf32>
      %max3A_875 = arith.constant 0.000000e+00 : f32
      %max3A_876 = vector.broadcast %max3A_875 : f32 to vector<16xf32>
      %max3A_877 = arith.maximumf %gather3A_843, %max3A_876 : vector<16xf32>
      %add3A_878 = arith.addf %max3A_877, %add3A_874 : vector<16xf32>
      %mul3A_879 = arith.mulf %add3A_878, %gather3A_842 : vector<16xf32>
      %add3A_880 = arith.addf %add3A_836, %mul3A_879 : vector<16xf32>
      %broadcast_in_dim3A_881 = arith.constant 15 : i32
      %broadcast_in_dim3A_882 = vector.broadcast %broadcast_in_dim3A_881 : i32 to vector<16xi32>
      %add3A_883 = arith.constant 15 : i32
      %add3A_884 = vector.broadcast %add3A_883 : i32 to vector<16xi32>
      %add3A_885 = arith.addi %mul3A_221, %add3A_884 : vector<16xi32>
      %gather3A_886 = tpu.vector_load_idx %arg8[%add3A_885] : memref<8192xf32, #tpu.memory_space<vmem>>[vector<16xi32>], vector<16xf32>,
      %gather3A_887 = tpu.vector_load_idx %arg9[%broadcast_in_dim3A_181, %add3A_215, %broadcast_in_dim3A_882] : memref<4x128x16xf32, #tpu.memory_space<vmem>>[vector<16xi32>, vector<16xi32>, vector<16xi32>], vector<16xf32>,
      %abs3A_888 = math.absf %gather3A_887 : vector<16xf32>
      %neg3A_889 = arith.constant 0.000000e+00 : f32
      %neg3A_890 = vector.broadcast %neg3A_889 : f32 to vector<16xf32>
      %neg3A_891 = arith.subf %neg3A_890, %abs3A_888 : vector<16xf32>
      %exp3A_892 = math.exp %neg3A_891 : vector<16xf32>
      %broadcast_in_dim3A_893 = arith.constant -0.0174140781 : f32
      %broadcast_in_dim3A_894 = vector.broadcast %broadcast_in_dim3A_893 : f32 to vector<16xf32>
      %mul3A_895 = arith.mulf %broadcast_in_dim3A_894, %exp3A_892 : vector<16xf32>
      %add3A_896 = arith.constant 0.0826912373 : f32
      %add3A_897 = vector.broadcast %add3A_896 : f32 to vector<16xf32>
      %add3A_898 = arith.addf %mul3A_895, %add3A_897 : vector<16xf32>
      %mul3A_899 = arith.mulf %add3A_898, %exp3A_892 : vector<16xf32>
      %add3A_900 = arith.constant -0.190354332 : f32
      %add3A_901 = vector.broadcast %add3A_900 : f32 to vector<16xf32>
      %add3A_902 = arith.addf %mul3A_899, %add3A_901 : vector<16xf32>
      %mul3A_903 = arith.mulf %add3A_902, %exp3A_892 : vector<16xf32>
      %add3A_904 = arith.constant 0.315747321 : f32
      %add3A_905 = vector.broadcast %add3A_904 : f32 to vector<16xf32>
      %add3A_906 = arith.addf %mul3A_903, %add3A_905 : vector<16xf32>
      %mul3A_907 = arith.mulf %add3A_906, %exp3A_892 : vector<16xf32>
      %add3A_908 = arith.constant -0.497373223 : f32
      %add3A_909 = vector.broadcast %add3A_908 : f32 to vector<16xf32>
      %add3A_910 = arith.addf %mul3A_907, %add3A_909 : vector<16xf32>
      %mul3A_911 = arith.mulf %add3A_910, %exp3A_892 : vector<16xf32>
      %add3A_912 = arith.constant 0.99984771 : f32
      %add3A_913 = vector.broadcast %add3A_912 : f32 to vector<16xf32>
      %add3A_914 = arith.addf %mul3A_911, %add3A_913 : vector<16xf32>
      %mul3A_915 = arith.mulf %add3A_914, %exp3A_892 : vector<16xf32>
      %add3A_916 = arith.constant 1.47206504E-6 : f32
      %add3A_917 = vector.broadcast %add3A_916 : f32 to vector<16xf32>
      %add3A_918 = arith.addf %mul3A_915, %add3A_917 : vector<16xf32>
      %max3A_919 = arith.constant 0.000000e+00 : f32
      %max3A_920 = vector.broadcast %max3A_919 : f32 to vector<16xf32>
      %max3A_921 = arith.maximumf %gather3A_887, %max3A_920 : vector<16xf32>
      %add3A_922 = arith.addf %max3A_921, %add3A_918 : vector<16xf32>
      %mul3A_923 = arith.mulf %add3A_922, %gather3A_886 : vector<16xf32>
      %add3A_924 = arith.addf %add3A_880, %mul3A_923 : vector<16xf32>
      %neg3A_925 = arith.constant 0.000000e+00 : f32
      %neg3A_926 = vector.broadcast %neg3A_925 : f32 to vector<16xf32>
      %neg3A_927 = arith.subf %neg3A_926, %add3A_924 : vector<16xf32>
      %exp3A_928 = math.exp %neg3A_927 : vector<16xf32>
      %add3A_929 = arith.constant 1.000000e+00 : f32
      %add3A_930 = vector.broadcast %add3A_929 : f32 to vector<16xf32>
      %add3A_931 = arith.addf %add3A_930, %exp3A_928 : vector<16xf32>
      %div3A = arith.constant 1.000000e+00 : f32
      %div3A_932 = vector.broadcast %div3A : f32 to vector<16xf32>
      %div3A_933 = arith.divf %div3A_932, %add3A_931 : vector<16xf32>
      %mul3A_934 = arith.constant 16 : i32
      %mul3A_935 = arith.muli %scan3A_211, %mul3A_934 : i32
      %add3A_936 = arith.constant 0 : i32
      %add3A_937 = arith.addi %add3A_936, %mul3A_935 : i32
      %swap3A = arith.index_cast %add3A_937 : i32 to index
      %swap3A_938 = tpu.vector_load %arg11[%swap3A] {strides = array<i32>} : memref<512xf32, #tpu.memory_space<vmem>>, vector<16xf32>,
      tpu.vector_store %arg11[%swap3A], %div3A_933 {strides = array<i32>} : memref<512xf32, #tpu.memory_space<vmem>>, vector<16xf32>,
    }
    %scan3A_186 = arith.constant 8 : i32
    %broadcast_in_dim3A_187 = arith.constant 1 : i32
    %broadcast_in_dim3A_188 = vector.broadcast %broadcast_in_dim3A_187 : i32 to vector<16xi32>
    %scan3A_189 = arith.constant 0 : i32
    %scan3A_190 = arith.constant 0 : i32
    %scan3A_191 = arith.constant 8 : i32
    %scan3A_192 = arith.addi %scan3A_190, %scan3A_191 : i32
    %scan3A_193 = arith.constant 1 : i32
    scf.for %scan3A_211 = %scan3A_190 to %scan3A_192 step %scan3A_193  : i32 {
      %mul3A_212 = arith.constant 16 : i32
      %mul3A_213 = arith.muli %scan3A_211, %mul3A_212 : i32
      %add3A_214 = vector.broadcast %mul3A_213 : i32 to vector<16xi32>
      %add3A_215 = arith.addi %add3A_214, %iota3A : vector<16xi32>
      %add3A_216 = arith.constant 128 : i32
      %add3A_217 = vector.broadcast %add3A_216 : i32 to vector<16xi32>
      %add3A_218 = arith.addi %add3A_217, %add3A_215 : vector<16xi32>
      %mul3A_219 = arith.constant 16 : i32
      %mul3A_220 = vector.broadcast %mul3A_219 : i32 to vector<16xi32>
      %mul3A_221 = arith.muli %add3A_218, %mul3A_220 : vector<16xi32>
      %gather3A = tpu.vector_load_idx %arg10[%broadcast_in_dim3A_188, %add3A_215] : memref<4x128xf32, #tpu.memory_space<vmem>>[vector<16xi32>, vector<16xi32>], vector<16xf32>,
      %neg3A = arith.constant 0.000000e+00 : f32
      %neg3A_222 = vector.broadcast %neg3A : f32 to vector<16xf32>
      %neg3A_223 = arith.subf %neg3A_222, %gather3A : vector<16xf32>
      %broadcast_in_dim3A_224 = arith.constant 0 : i32
      %broadcast_in_dim3A_225 = vector.broadcast %broadcast_in_dim3A_224 : i32 to vector<16xi32>
      %add3A_226 = arith.constant 0 : i32
      %add3A_227 = vector.broadcast %add3A_226 : i32 to vector<16xi32>
      %add3A_228 = arith.addi %mul3A_221, %add3A_227 : vector<16xi32>
      %gather3A_229 = tpu.vector_load_idx %arg8[%add3A_228] : memref<8192xf32, #tpu.memory_space<vmem>>[vector<16xi32>], vector<16xf32>,
      %gather3A_230 = tpu.vector_load_idx %arg9[%broadcast_in_dim3A_188, %add3A_215, %broadcast_in_dim3A_225] : memref<4x128x16xf32, #tpu.memory_space<vmem>>[vector<16xi32>, vector<16xi32>, vector<16xi32>], vector<16xf32>,
      %abs3A = math.absf %gather3A_230 : vector<16xf32>
      %neg3A_231 = arith.constant 0.000000e+00 : f32
      %neg3A_232 = vector.broadcast %neg3A_231 : f32 to vector<16xf32>
      %neg3A_233 = arith.subf %neg3A_232, %abs3A : vector<16xf32>
      %exp3A = math.exp %neg3A_233 : vector<16xf32>
      %broadcast_in_dim3A_234 = arith.constant -0.0174140781 : f32
      %broadcast_in_dim3A_235 = vector.broadcast %broadcast_in_dim3A_234 : f32 to vector<16xf32>
      %mul3A_236 = arith.mulf %broadcast_in_dim3A_235, %exp3A : vector<16xf32>
      %add3A_237 = arith.constant 0.0826912373 : f32
      %add3A_238 = vector.broadcast %add3A_237 : f32 to vector<16xf32>
      %add3A_239 = arith.addf %mul3A_236, %add3A_238 : vector<16xf32>
      %mul3A_240 = arith.mulf %add3A_239, %exp3A : vector<16xf32>
      %add3A_241 = arith.constant -0.190354332 : f32
      %add3A_242 = vector.broadcast %add3A_241 : f32 to vector<16xf32>
      %add3A_243 = arith.addf %mul3A_240, %add3A_242 : vector<16xf32>
      %mul3A_244 = arith.mulf %add3A_243, %exp3A : vector<16xf32>
      %add3A_245 = arith.constant 0.315747321 : f32
      %add3A_246 = vector.broadcast %add3A_245 : f32 to vector<16xf32>
      %add3A_247 = arith.addf %mul3A_244, %add3A_246 : vector<16xf32>
      %mul3A_248 = arith.mulf %add3A_247, %exp3A : vector<16xf32>
      %add3A_249 = arith.constant -0.497373223 : f32
      %add3A_250 = vector.broadcast %add3A_249 : f32 to vector<16xf32>
      %add3A_251 = arith.addf %mul3A_248, %add3A_250 : vector<16xf32>
      %mul3A_252 = arith.mulf %add3A_251, %exp3A : vector<16xf32>
      %add3A_253 = arith.constant 0.99984771 : f32
      %add3A_254 = vector.broadcast %add3A_253 : f32 to vector<16xf32>
      %add3A_255 = arith.addf %mul3A_252, %add3A_254 : vector<16xf32>
      %mul3A_256 = arith.mulf %add3A_255, %exp3A : vector<16xf32>
      %add3A_257 = arith.constant 1.47206504E-6 : f32
      %add3A_258 = vector.broadcast %add3A_257 : f32 to vector<16xf32>
      %add3A_259 = arith.addf %mul3A_256, %add3A_258 : vector<16xf32>
      %max3A = arith.constant 0.000000e+00 : f32
      %max3A_260 = vector.broadcast %max3A : f32 to vector<16xf32>
      %max3A_261 = arith.maximumf %gather3A_230, %max3A_260 : vector<16xf32>
      %add3A_262 = arith.addf %max3A_261, %add3A_259 : vector<16xf32>
      %mul3A_263 = arith.mulf %add3A_262, %gather3A_229 : vector<16xf32>
      %add3A_264 = arith.addf %neg3A_223, %mul3A_263 : vector<16xf32>
      %broadcast_in_dim3A_265 = arith.constant 1 : i32
      %broadcast_in_dim3A_266 = vector.broadcast %broadcast_in_dim3A_265 : i32 to vector<16xi32>
      %add3A_267 = arith.constant 1 : i32
      %add3A_268 = vector.broadcast %add3A_267 : i32 to vector<16xi32>
      %add3A_269 = arith.addi %mul3A_221, %add3A_268 : vector<16xi32>
      %gather3A_270 = tpu.vector_load_idx %arg8[%add3A_269] : memref<8192xf32, #tpu.memory_space<vmem>>[vector<16xi32>], vector<16xf32>,
      %gather3A_271 = tpu.vector_load_idx %arg9[%broadcast_in_dim3A_188, %add3A_215, %broadcast_in_dim3A_266] : memref<4x128x16xf32, #tpu.memory_space<vmem>>[vector<16xi32>, vector<16xi32>, vector<16xi32>], vector<16xf32>,
      %abs3A_272 = math.absf %gather3A_271 : vector<16xf32>
      %neg3A_273 = arith.constant 0.000000e+00 : f32
      %neg3A_274 = vector.broadcast %neg3A_273 : f32 to vector<16xf32>
      %neg3A_275 = arith.subf %neg3A_274, %abs3A_272 : vector<16xf32>
      %exp3A_276 = math.exp %neg3A_275 : vector<16xf32>
      %broadcast_in_dim3A_277 = arith.constant -0.0174140781 : f32
      %broadcast_in_dim3A_278 = vector.broadcast %broadcast_in_dim3A_277 : f32 to vector<16xf32>
      %mul3A_279 = arith.mulf %broadcast_in_dim3A_278, %exp3A_276 : vector<16xf32>
      %add3A_280 = arith.constant 0.0826912373 : f32
      %add3A_281 = vector.broadcast %add3A_280 : f32 to vector<16xf32>
      %add3A_282 = arith.addf %mul3A_279, %add3A_281 : vector<16xf32>
      %mul3A_283 = arith.mulf %add3A_282, %exp3A_276 : vector<16xf32>
      %add3A_284 = arith.constant -0.190354332 : f32
      %add3A_285 = vector.broadcast %add3A_284 : f32 to vector<16xf32>
      %add3A_286 = arith.addf %mul3A_283, %add3A_285 : vector<16xf32>
      %mul3A_287 = arith.mulf %add3A_286, %exp3A_276 : vector<16xf32>
      %add3A_288 = arith.constant 0.315747321 : f32
      %add3A_289 = vector.broadcast %add3A_288 : f32 to vector<16xf32>
      %add3A_290 = arith.addf %mul3A_287, %add3A_289 : vector<16xf32>
      %mul3A_291 = arith.mulf %add3A_290, %exp3A_276 : vector<16xf32>
      %add3A_292 = arith.constant -0.497373223 : f32
      %add3A_293 = vector.broadcast %add3A_292 : f32 to vector<16xf32>
      %add3A_294 = arith.addf %mul3A_291, %add3A_293 : vector<16xf32>
      %mul3A_295 = arith.mulf %add3A_294, %exp3A_276 : vector<16xf32>
      %add3A_296 = arith.constant 0.99984771 : f32
      %add3A_297 = vector.broadcast %add3A_296 : f32 to vector<16xf32>
      %add3A_298 = arith.addf %mul3A_295, %add3A_297 : vector<16xf32>
      %mul3A_299 = arith.mulf %add3A_298, %exp3A_276 : vector<16xf32>
      %add3A_300 = arith.constant 1.47206504E-6 : f32
      %add3A_301 = vector.broadcast %add3A_300 : f32 to vector<16xf32>
      %add3A_302 = arith.addf %mul3A_299, %add3A_301 : vector<16xf32>
      %max3A_303 = arith.constant 0.000000e+00 : f32
      %max3A_304 = vector.broadcast %max3A_303 : f32 to vector<16xf32>
      %max3A_305 = arith.maximumf %gather3A_271, %max3A_304 : vector<16xf32>
      %add3A_306 = arith.addf %max3A_305, %add3A_302 : vector<16xf32>
      %mul3A_307 = arith.mulf %add3A_306, %gather3A_270 : vector<16xf32>
      %add3A_308 = arith.addf %add3A_264, %mul3A_307 : vector<16xf32>
      %broadcast_in_dim3A_309 = arith.constant 2 : i32
      %broadcast_in_dim3A_310 = vector.broadcast %broadcast_in_dim3A_309 : i32 to vector<16xi32>
      %add3A_311 = arith.constant 2 : i32
      %add3A_312 = vector.broadcast %add3A_311 : i32 to vector<16xi32>
      %add3A_313 = arith.addi %mul3A_221, %add3A_312 : vector<16xi32>
      %gather3A_314 = tpu.vector_load_idx %arg8[%add3A_313] : memref<8192xf32, #tpu.memory_space<vmem>>[vector<16xi32>], vector<16xf32>,
      %gather3A_315 = tpu.vector_load_idx %arg9[%broadcast_in_dim3A_188, %add3A_215, %broadcast_in_dim3A_310] : memref<4x128x16xf32, #tpu.memory_space<vmem>>[vector<16xi32>, vector<16xi32>, vector<16xi32>], vector<16xf32>,
      %abs3A_316 = math.absf %gather3A_315 : vector<16xf32>
      %neg3A_317 = arith.constant 0.000000e+00 : f32
      %neg3A_318 = vector.broadcast %neg3A_317 : f32 to vector<16xf32>
      %neg3A_319 = arith.subf %neg3A_318, %abs3A_316 : vector<16xf32>
      %exp3A_320 = math.exp %neg3A_319 : vector<16xf32>
      %broadcast_in_dim3A_321 = arith.constant -0.0174140781 : f32
      %broadcast_in_dim3A_322 = vector.broadcast %broadcast_in_dim3A_321 : f32 to vector<16xf32>
      %mul3A_323 = arith.mulf %broadcast_in_dim3A_322, %exp3A_320 : vector<16xf32>
      %add3A_324 = arith.constant 0.0826912373 : f32
      %add3A_325 = vector.broadcast %add3A_324 : f32 to vector<16xf32>
      %add3A_326 = arith.addf %mul3A_323, %add3A_325 : vector<16xf32>
      %mul3A_327 = arith.mulf %add3A_326, %exp3A_320 : vector<16xf32>
      %add3A_328 = arith.constant -0.190354332 : f32
      %add3A_329 = vector.broadcast %add3A_328 : f32 to vector<16xf32>
      %add3A_330 = arith.addf %mul3A_327, %add3A_329 : vector<16xf32>
      %mul3A_331 = arith.mulf %add3A_330, %exp3A_320 : vector<16xf32>
      %add3A_332 = arith.constant 0.315747321 : f32
      %add3A_333 = vector.broadcast %add3A_332 : f32 to vector<16xf32>
      %add3A_334 = arith.addf %mul3A_331, %add3A_333 : vector<16xf32>
      %mul3A_335 = arith.mulf %add3A_334, %exp3A_320 : vector<16xf32>
      %add3A_336 = arith.constant -0.497373223 : f32
      %add3A_337 = vector.broadcast %add3A_336 : f32 to vector<16xf32>
      %add3A_338 = arith.addf %mul3A_335, %add3A_337 : vector<16xf32>
      %mul3A_339 = arith.mulf %add3A_338, %exp3A_320 : vector<16xf32>
      %add3A_340 = arith.constant 0.99984771 : f32
      %add3A_341 = vector.broadcast %add3A_340 : f32 to vector<16xf32>
      %add3A_342 = arith.addf %mul3A_339, %add3A_341 : vector<16xf32>
      %mul3A_343 = arith.mulf %add3A_342, %exp3A_320 : vector<16xf32>
      %add3A_344 = arith.constant 1.47206504E-6 : f32
      %add3A_345 = vector.broadcast %add3A_344 : f32 to vector<16xf32>
      %add3A_346 = arith.addf %mul3A_343, %add3A_345 : vector<16xf32>
      %max3A_347 = arith.constant 0.000000e+00 : f32
      %max3A_348 = vector.broadcast %max3A_347 : f32 to vector<16xf32>
      %max3A_349 = arith.maximumf %gather3A_315, %max3A_348 : vector<16xf32>
      %add3A_350 = arith.addf %max3A_349, %add3A_346 : vector<16xf32>
      %mul3A_351 = arith.mulf %add3A_350, %gather3A_314 : vector<16xf32>
      %add3A_352 = arith.addf %add3A_308, %mul3A_351 : vector<16xf32>
      %broadcast_in_dim3A_353 = arith.constant 3 : i32
      %broadcast_in_dim3A_354 = vector.broadcast %broadcast_in_dim3A_353 : i32 to vector<16xi32>
      %add3A_355 = arith.constant 3 : i32
      %add3A_356 = vector.broadcast %add3A_355 : i32 to vector<16xi32>
      %add3A_357 = arith.addi %mul3A_221, %add3A_356 : vector<16xi32>
      %gather3A_358 = tpu.vector_load_idx %arg8[%add3A_357] : memref<8192xf32, #tpu.memory_space<vmem>>[vector<16xi32>], vector<16xf32>,
      %gather3A_359 = tpu.vector_load_idx %arg9[%broadcast_in_dim3A_188, %add3A_215, %broadcast_in_dim3A_354] : memref<4x128x16xf32, #tpu.memory_space<vmem>>[vector<16xi32>, vector<16xi32>, vector<16xi32>], vector<16xf32>,
      %abs3A_360 = math.absf %gather3A_359 : vector<16xf32>
      %neg3A_361 = arith.constant 0.000000e+00 : f32
      %neg3A_362 = vector.broadcast %neg3A_361 : f32 to vector<16xf32>
      %neg3A_363 = arith.subf %neg3A_362, %abs3A_360 : vector<16xf32>
      %exp3A_364 = math.exp %neg3A_363 : vector<16xf32>
      %broadcast_in_dim3A_365 = arith.constant -0.0174140781 : f32
      %broadcast_in_dim3A_366 = vector.broadcast %broadcast_in_dim3A_365 : f32 to vector<16xf32>
      %mul3A_367 = arith.mulf %broadcast_in_dim3A_366, %exp3A_364 : vector<16xf32>
      %add3A_368 = arith.constant 0.0826912373 : f32
      %add3A_369 = vector.broadcast %add3A_368 : f32 to vector<16xf32>
      %add3A_370 = arith.addf %mul3A_367, %add3A_369 : vector<16xf32>
      %mul3A_371 = arith.mulf %add3A_370, %exp3A_364 : vector<16xf32>
      %add3A_372 = arith.constant -0.190354332 : f32
      %add3A_373 = vector.broadcast %add3A_372 : f32 to vector<16xf32>
      %add3A_374 = arith.addf %mul3A_371, %add3A_373 : vector<16xf32>
      %mul3A_375 = arith.mulf %add3A_374, %exp3A_364 : vector<16xf32>
      %add3A_376 = arith.constant 0.315747321 : f32
      %add3A_377 = vector.broadcast %add3A_376 : f32 to vector<16xf32>
      %add3A_378 = arith.addf %mul3A_375, %add3A_377 : vector<16xf32>
      %mul3A_379 = arith.mulf %add3A_378, %exp3A_364 : vector<16xf32>
      %add3A_380 = arith.constant -0.497373223 : f32
      %add3A_381 = vector.broadcast %add3A_380 : f32 to vector<16xf32>
      %add3A_382 = arith.addf %mul3A_379, %add3A_381 : vector<16xf32>
      %mul3A_383 = arith.mulf %add3A_382, %exp3A_364 : vector<16xf32>
      %add3A_384 = arith.constant 0.99984771 : f32
      %add3A_385 = vector.broadcast %add3A_384 : f32 to vector<16xf32>
      %add3A_386 = arith.addf %mul3A_383, %add3A_385 : vector<16xf32>
      %mul3A_387 = arith.mulf %add3A_386, %exp3A_364 : vector<16xf32>
      %add3A_388 = arith.constant 1.47206504E-6 : f32
      %add3A_389 = vector.broadcast %add3A_388 : f32 to vector<16xf32>
      %add3A_390 = arith.addf %mul3A_387, %add3A_389 : vector<16xf32>
      %max3A_391 = arith.constant 0.000000e+00 : f32
      %max3A_392 = vector.broadcast %max3A_391 : f32 to vector<16xf32>
      %max3A_393 = arith.maximumf %gather3A_359, %max3A_392 : vector<16xf32>
      %add3A_394 = arith.addf %max3A_393, %add3A_390 : vector<16xf32>
      %mul3A_395 = arith.mulf %add3A_394, %gather3A_358 : vector<16xf32>
      %add3A_396 = arith.addf %add3A_352, %mul3A_395 : vector<16xf32>
      %broadcast_in_dim3A_397 = arith.constant 4 : i32
      %broadcast_in_dim3A_398 = vector.broadcast %broadcast_in_dim3A_397 : i32 to vector<16xi32>
      %add3A_399 = arith.constant 4 : i32
      %add3A_400 = vector.broadcast %add3A_399 : i32 to vector<16xi32>
      %add3A_401 = arith.addi %mul3A_221, %add3A_400 : vector<16xi32>
      %gather3A_402 = tpu.vector_load_idx %arg8[%add3A_401] : memref<8192xf32, #tpu.memory_space<vmem>>[vector<16xi32>], vector<16xf32>,
      %gather3A_403 = tpu.vector_load_idx %arg9[%broadcast_in_dim3A_188, %add3A_215, %broadcast_in_dim3A_398] : memref<4x128x16xf32, #tpu.memory_space<vmem>>[vector<16xi32>, vector<16xi32>, vector<16xi32>], vector<16xf32>,
      %abs3A_404 = math.absf %gather3A_403 : vector<16xf32>
      %neg3A_405 = arith.constant 0.000000e+00 : f32
      %neg3A_406 = vector.broadcast %neg3A_405 : f32 to vector<16xf32>
      %neg3A_407 = arith.subf %neg3A_406, %abs3A_404 : vector<16xf32>
      %exp3A_408 = math.exp %neg3A_407 : vector<16xf32>
      %broadcast_in_dim3A_409 = arith.constant -0.0174140781 : f32
      %broadcast_in_dim3A_410 = vector.broadcast %broadcast_in_dim3A_409 : f32 to vector<16xf32>
      %mul3A_411 = arith.mulf %broadcast_in_dim3A_410, %exp3A_408 : vector<16xf32>
      %add3A_412 = arith.constant 0.0826912373 : f32
      %add3A_413 = vector.broadcast %add3A_412 : f32 to vector<16xf32>
      %add3A_414 = arith.addf %mul3A_411, %add3A_413 : vector<16xf32>
      %mul3A_415 = arith.mulf %add3A_414, %exp3A_408 : vector<16xf32>
      %add3A_416 = arith.constant -0.190354332 : f32
      %add3A_417 = vector.broadcast %add3A_416 : f32 to vector<16xf32>
      %add3A_418 = arith.addf %mul3A_415, %add3A_417 : vector<16xf32>
      %mul3A_419 = arith.mulf %add3A_418, %exp3A_408 : vector<16xf32>
      %add3A_420 = arith.constant 0.315747321 : f32
      %add3A_421 = vector.broadcast %add3A_420 : f32 to vector<16xf32>
      %add3A_422 = arith.addf %mul3A_419, %add3A_421 : vector<16xf32>
      %mul3A_423 = arith.mulf %add3A_422, %exp3A_408 : vector<16xf32>
      %add3A_424 = arith.constant -0.497373223 : f32
      %add3A_425 = vector.broadcast %add3A_424 : f32 to vector<16xf32>
      %add3A_426 = arith.addf %mul3A_423, %add3A_425 : vector<16xf32>
      %mul3A_427 = arith.mulf %add3A_426, %exp3A_408 : vector<16xf32>
      %add3A_428 = arith.constant 0.99984771 : f32
      %add3A_429 = vector.broadcast %add3A_428 : f32 to vector<16xf32>
      %add3A_430 = arith.addf %mul3A_427, %add3A_429 : vector<16xf32>
      %mul3A_431 = arith.mulf %add3A_430, %exp3A_408 : vector<16xf32>
      %add3A_432 = arith.constant 1.47206504E-6 : f32
      %add3A_433 = vector.broadcast %add3A_432 : f32 to vector<16xf32>
      %add3A_434 = arith.addf %mul3A_431, %add3A_433 : vector<16xf32>
      %max3A_435 = arith.constant 0.000000e+00 : f32
      %max3A_436 = vector.broadcast %max3A_435 : f32 to vector<16xf32>
      %max3A_437 = arith.maximumf %gather3A_403, %max3A_436 : vector<16xf32>
      %add3A_438 = arith.addf %max3A_437, %add3A_434 : vector<16xf32>
      %mul3A_439 = arith.mulf %add3A_438, %gather3A_402 : vector<16xf32>
      %add3A_440 = arith.addf %add3A_396, %mul3A_439 : vector<16xf32>
      %broadcast_in_dim3A_441 = arith.constant 5 : i32
      %broadcast_in_dim3A_442 = vector.broadcast %broadcast_in_dim3A_441 : i32 to vector<16xi32>
      %add3A_443 = arith.constant 5 : i32
      %add3A_444 = vector.broadcast %add3A_443 : i32 to vector<16xi32>
      %add3A_445 = arith.addi %mul3A_221, %add3A_444 : vector<16xi32>
      %gather3A_446 = tpu.vector_load_idx %arg8[%add3A_445] : memref<8192xf32, #tpu.memory_space<vmem>>[vector<16xi32>], vector<16xf32>,
      %gather3A_447 = tpu.vector_load_idx %arg9[%broadcast_in_dim3A_188, %add3A_215, %broadcast_in_dim3A_442] : memref<4x128x16xf32, #tpu.memory_space<vmem>>[vector<16xi32>, vector<16xi32>, vector<16xi32>], vector<16xf32>,
      %abs3A_448 = math.absf %gather3A_447 : vector<16xf32>
      %neg3A_449 = arith.constant 0.000000e+00 : f32
      %neg3A_450 = vector.broadcast %neg3A_449 : f32 to vector<16xf32>
      %neg3A_451 = arith.subf %neg3A_450, %abs3A_448 : vector<16xf32>
      %exp3A_452 = math.exp %neg3A_451 : vector<16xf32>
      %broadcast_in_dim3A_453 = arith.constant -0.0174140781 : f32
      %broadcast_in_dim3A_454 = vector.broadcast %broadcast_in_dim3A_453 : f32 to vector<16xf32>
      %mul3A_455 = arith.mulf %broadcast_in_dim3A_454, %exp3A_452 : vector<16xf32>
      %add3A_456 = arith.constant 0.0826912373 : f32
      %add3A_457 = vector.broadcast %add3A_456 : f32 to vector<16xf32>
      %add3A_458 = arith.addf %mul3A_455, %add3A_457 : vector<16xf32>
      %mul3A_459 = arith.mulf %add3A_458, %exp3A_452 : vector<16xf32>
      %add3A_460 = arith.constant -0.190354332 : f32
      %add3A_461 = vector.broadcast %add3A_460 : f32 to vector<16xf32>
      %add3A_462 = arith.addf %mul3A_459, %add3A_461 : vector<16xf32>
      %mul3A_463 = arith.mulf %add3A_462, %exp3A_452 : vector<16xf32>
      %add3A_464 = arith.constant 0.315747321 : f32
      %add3A_465 = vector.broadcast %add3A_464 : f32 to vector<16xf32>
      %add3A_466 = arith.addf %mul3A_463, %add3A_465 : vector<16xf32>
      %mul3A_467 = arith.mulf %add3A_466, %exp3A_452 : vector<16xf32>
      %add3A_468 = arith.constant -0.497373223 : f32
      %add3A_469 = vector.broadcast %add3A_468 : f32 to vector<16xf32>
      %add3A_470 = arith.addf %mul3A_467, %add3A_469 : vector<16xf32>
      %mul3A_471 = arith.mulf %add3A_470, %exp3A_452 : vector<16xf32>
      %add3A_472 = arith.constant 0.99984771 : f32
      %add3A_473 = vector.broadcast %add3A_472 : f32 to vector<16xf32>
      %add3A_474 = arith.addf %mul3A_471, %add3A_473 : vector<16xf32>
      %mul3A_475 = arith.mulf %add3A_474, %exp3A_452 : vector<16xf32>
      %add3A_476 = arith.constant 1.47206504E-6 : f32
      %add3A_477 = vector.broadcast %add3A_476 : f32 to vector<16xf32>
      %add3A_478 = arith.addf %mul3A_475, %add3A_477 : vector<16xf32>
      %max3A_479 = arith.constant 0.000000e+00 : f32
      %max3A_480 = vector.broadcast %max3A_479 : f32 to vector<16xf32>
      %max3A_481 = arith.maximumf %gather3A_447, %max3A_480 : vector<16xf32>
      %add3A_482 = arith.addf %max3A_481, %add3A_478 : vector<16xf32>
      %mul3A_483 = arith.mulf %add3A_482, %gather3A_446 : vector<16xf32>
      %add3A_484 = arith.addf %add3A_440, %mul3A_483 : vector<16xf32>
      %broadcast_in_dim3A_485 = arith.constant 6 : i32
      %broadcast_in_dim3A_486 = vector.broadcast %broadcast_in_dim3A_485 : i32 to vector<16xi32>
      %add3A_487 = arith.constant 6 : i32
      %add3A_488 = vector.broadcast %add3A_487 : i32 to vector<16xi32>
      %add3A_489 = arith.addi %mul3A_221, %add3A_488 : vector<16xi32>
      %gather3A_490 = tpu.vector_load_idx %arg8[%add3A_489] : memref<8192xf32, #tpu.memory_space<vmem>>[vector<16xi32>], vector<16xf32>,
      %gather3A_491 = tpu.vector_load_idx %arg9[%broadcast_in_dim3A_188, %add3A_215, %broadcast_in_dim3A_486] : memref<4x128x16xf32, #tpu.memory_space<vmem>>[vector<16xi32>, vector<16xi32>, vector<16xi32>], vector<16xf32>,
      %abs3A_492 = math.absf %gather3A_491 : vector<16xf32>
      %neg3A_493 = arith.constant 0.000000e+00 : f32
      %neg3A_494 = vector.broadcast %neg3A_493 : f32 to vector<16xf32>
      %neg3A_495 = arith.subf %neg3A_494, %abs3A_492 : vector<16xf32>
      %exp3A_496 = math.exp %neg3A_495 : vector<16xf32>
      %broadcast_in_dim3A_497 = arith.constant -0.0174140781 : f32
      %broadcast_in_dim3A_498 = vector.broadcast %broadcast_in_dim3A_497 : f32 to vector<16xf32>
      %mul3A_499 = arith.mulf %broadcast_in_dim3A_498, %exp3A_496 : vector<16xf32>
      %add3A_500 = arith.constant 0.0826912373 : f32
      %add3A_501 = vector.broadcast %add3A_500 : f32 to vector<16xf32>
      %add3A_502 = arith.addf %mul3A_499, %add3A_501 : vector<16xf32>
      %mul3A_503 = arith.mulf %add3A_502, %exp3A_496 : vector<16xf32>
      %add3A_504 = arith.constant -0.190354332 : f32
      %add3A_505 = vector.broadcast %add3A_504 : f32 to vector<16xf32>
      %add3A_506 = arith.addf %mul3A_503, %add3A_505 : vector<16xf32>
      %mul3A_507 = arith.mulf %add3A_506, %exp3A_496 : vector<16xf32>
      %add3A_508 = arith.constant 0.315747321 : f32
      %add3A_509 = vector.broadcast %add3A_508 : f32 to vector<16xf32>
      %add3A_510 = arith.addf %mul3A_507, %add3A_509 : vector<16xf32>
      %mul3A_511 = arith.mulf %add3A_510, %exp3A_496 : vector<16xf32>
      %add3A_512 = arith.constant -0.497373223 : f32
      %add3A_513 = vector.broadcast %add3A_512 : f32 to vector<16xf32>
      %add3A_514 = arith.addf %mul3A_511, %add3A_513 : vector<16xf32>
      %mul3A_515 = arith.mulf %add3A_514, %exp3A_496 : vector<16xf32>
      %add3A_516 = arith.constant 0.99984771 : f32
      %add3A_517 = vector.broadcast %add3A_516 : f32 to vector<16xf32>
      %add3A_518 = arith.addf %mul3A_515, %add3A_517 : vector<16xf32>
      %mul3A_519 = arith.mulf %add3A_518, %exp3A_496 : vector<16xf32>
      %add3A_520 = arith.constant 1.47206504E-6 : f32
      %add3A_521 = vector.broadcast %add3A_520 : f32 to vector<16xf32>
      %add3A_522 = arith.addf %mul3A_519, %add3A_521 : vector<16xf32>
      %max3A_523 = arith.constant 0.000000e+00 : f32
      %max3A_524 = vector.broadcast %max3A_523 : f32 to vector<16xf32>
      %max3A_525 = arith.maximumf %gather3A_491, %max3A_524 : vector<16xf32>
      %add3A_526 = arith.addf %max3A_525, %add3A_522 : vector<16xf32>
      %mul3A_527 = arith.mulf %add3A_526, %gather3A_490 : vector<16xf32>
      %add3A_528 = arith.addf %add3A_484, %mul3A_527 : vector<16xf32>
      %broadcast_in_dim3A_529 = arith.constant 7 : i32
      %broadcast_in_dim3A_530 = vector.broadcast %broadcast_in_dim3A_529 : i32 to vector<16xi32>
      %add3A_531 = arith.constant 7 : i32
      %add3A_532 = vector.broadcast %add3A_531 : i32 to vector<16xi32>
      %add3A_533 = arith.addi %mul3A_221, %add3A_532 : vector<16xi32>
      %gather3A_534 = tpu.vector_load_idx %arg8[%add3A_533] : memref<8192xf32, #tpu.memory_space<vmem>>[vector<16xi32>], vector<16xf32>,
      %gather3A_535 = tpu.vector_load_idx %arg9[%broadcast_in_dim3A_188, %add3A_215, %broadcast_in_dim3A_530] : memref<4x128x16xf32, #tpu.memory_space<vmem>>[vector<16xi32>, vector<16xi32>, vector<16xi32>], vector<16xf32>,
      %abs3A_536 = math.absf %gather3A_535 : vector<16xf32>
      %neg3A_537 = arith.constant 0.000000e+00 : f32
      %neg3A_538 = vector.broadcast %neg3A_537 : f32 to vector<16xf32>
      %neg3A_539 = arith.subf %neg3A_538, %abs3A_536 : vector<16xf32>
      %exp3A_540 = math.exp %neg3A_539 : vector<16xf32>
      %broadcast_in_dim3A_541 = arith.constant -0.0174140781 : f32
      %broadcast_in_dim3A_542 = vector.broadcast %broadcast_in_dim3A_541 : f32 to vector<16xf32>
      %mul3A_543 = arith.mulf %broadcast_in_dim3A_542, %exp3A_540 : vector<16xf32>
      %add3A_544 = arith.constant 0.0826912373 : f32
      %add3A_545 = vector.broadcast %add3A_544 : f32 to vector<16xf32>
      %add3A_546 = arith.addf %mul3A_543, %add3A_545 : vector<16xf32>
      %mul3A_547 = arith.mulf %add3A_546, %exp3A_540 : vector<16xf32>
      %add3A_548 = arith.constant -0.190354332 : f32
      %add3A_549 = vector.broadcast %add3A_548 : f32 to vector<16xf32>
      %add3A_550 = arith.addf %mul3A_547, %add3A_549 : vector<16xf32>
      %mul3A_551 = arith.mulf %add3A_550, %exp3A_540 : vector<16xf32>
      %add3A_552 = arith.constant 0.315747321 : f32
      %add3A_553 = vector.broadcast %add3A_552 : f32 to vector<16xf32>
      %add3A_554 = arith.addf %mul3A_551, %add3A_553 : vector<16xf32>
      %mul3A_555 = arith.mulf %add3A_554, %exp3A_540 : vector<16xf32>
      %add3A_556 = arith.constant -0.497373223 : f32
      %add3A_557 = vector.broadcast %add3A_556 : f32 to vector<16xf32>
      %add3A_558 = arith.addf %mul3A_555, %add3A_557 : vector<16xf32>
      %mul3A_559 = arith.mulf %add3A_558, %exp3A_540 : vector<16xf32>
      %add3A_560 = arith.constant 0.99984771 : f32
      %add3A_561 = vector.broadcast %add3A_560 : f32 to vector<16xf32>
      %add3A_562 = arith.addf %mul3A_559, %add3A_561 : vector<16xf32>
      %mul3A_563 = arith.mulf %add3A_562, %exp3A_540 : vector<16xf32>
      %add3A_564 = arith.constant 1.47206504E-6 : f32
      %add3A_565 = vector.broadcast %add3A_564 : f32 to vector<16xf32>
      %add3A_566 = arith.addf %mul3A_563, %add3A_565 : vector<16xf32>
      %max3A_567 = arith.constant 0.000000e+00 : f32
      %max3A_568 = vector.broadcast %max3A_567 : f32 to vector<16xf32>
      %max3A_569 = arith.maximumf %gather3A_535, %max3A_568 : vector<16xf32>
      %add3A_570 = arith.addf %max3A_569, %add3A_566 : vector<16xf32>
      %mul3A_571 = arith.mulf %add3A_570, %gather3A_534 : vector<16xf32>
      %add3A_572 = arith.addf %add3A_528, %mul3A_571 : vector<16xf32>
      %broadcast_in_dim3A_573 = arith.constant 8 : i32
      %broadcast_in_dim3A_574 = vector.broadcast %broadcast_in_dim3A_573 : i32 to vector<16xi32>
      %add3A_575 = arith.constant 8 : i32
      %add3A_576 = vector.broadcast %add3A_575 : i32 to vector<16xi32>
      %add3A_577 = arith.addi %mul3A_221, %add3A_576 : vector<16xi32>
      %gather3A_578 = tpu.vector_load_idx %arg8[%add3A_577] : memref<8192xf32, #tpu.memory_space<vmem>>[vector<16xi32>], vector<16xf32>,
      %gather3A_579 = tpu.vector_load_idx %arg9[%broadcast_in_dim3A_188, %add3A_215, %broadcast_in_dim3A_574] : memref<4x128x16xf32, #tpu.memory_space<vmem>>[vector<16xi32>, vector<16xi32>, vector<16xi32>], vector<16xf32>,
      %abs3A_580 = math.absf %gather3A_579 : vector<16xf32>
      %neg3A_581 = arith.constant 0.000000e+00 : f32
      %neg3A_582 = vector.broadcast %neg3A_581 : f32 to vector<16xf32>
      %neg3A_583 = arith.subf %neg3A_582, %abs3A_580 : vector<16xf32>
      %exp3A_584 = math.exp %neg3A_583 : vector<16xf32>
      %broadcast_in_dim3A_585 = arith.constant -0.0174140781 : f32
      %broadcast_in_dim3A_586 = vector.broadcast %broadcast_in_dim3A_585 : f32 to vector<16xf32>
      %mul3A_587 = arith.mulf %broadcast_in_dim3A_586, %exp3A_584 : vector<16xf32>
      %add3A_588 = arith.constant 0.0826912373 : f32
      %add3A_589 = vector.broadcast %add3A_588 : f32 to vector<16xf32>
      %add3A_590 = arith.addf %mul3A_587, %add3A_589 : vector<16xf32>
      %mul3A_591 = arith.mulf %add3A_590, %exp3A_584 : vector<16xf32>
      %add3A_592 = arith.constant -0.190354332 : f32
      %add3A_593 = vector.broadcast %add3A_592 : f32 to vector<16xf32>
      %add3A_594 = arith.addf %mul3A_591, %add3A_593 : vector<16xf32>
      %mul3A_595 = arith.mulf %add3A_594, %exp3A_584 : vector<16xf32>
      %add3A_596 = arith.constant 0.315747321 : f32
      %add3A_597 = vector.broadcast %add3A_596 : f32 to vector<16xf32>
      %add3A_598 = arith.addf %mul3A_595, %add3A_597 : vector<16xf32>
      %mul3A_599 = arith.mulf %add3A_598, %exp3A_584 : vector<16xf32>
      %add3A_600 = arith.constant -0.497373223 : f32
      %add3A_601 = vector.broadcast %add3A_600 : f32 to vector<16xf32>
      %add3A_602 = arith.addf %mul3A_599, %add3A_601 : vector<16xf32>
      %mul3A_603 = arith.mulf %add3A_602, %exp3A_584 : vector<16xf32>
      %add3A_604 = arith.constant 0.99984771 : f32
      %add3A_605 = vector.broadcast %add3A_604 : f32 to vector<16xf32>
      %add3A_606 = arith.addf %mul3A_603, %add3A_605 : vector<16xf32>
      %mul3A_607 = arith.mulf %add3A_606, %exp3A_584 : vector<16xf32>
      %add3A_608 = arith.constant 1.47206504E-6 : f32
      %add3A_609 = vector.broadcast %add3A_608 : f32 to vector<16xf32>
      %add3A_610 = arith.addf %mul3A_607, %add3A_609 : vector<16xf32>
      %max3A_611 = arith.constant 0.000000e+00 : f32
      %max3A_612 = vector.broadcast %max3A_611 : f32 to vector<16xf32>
      %max3A_613 = arith.maximumf %gather3A_579, %max3A_612 : vector<16xf32>
      %add3A_614 = arith.addf %max3A_613, %add3A_610 : vector<16xf32>
      %mul3A_615 = arith.mulf %add3A_614, %gather3A_578 : vector<16xf32>
      %add3A_616 = arith.addf %add3A_572, %mul3A_615 : vector<16xf32>
      %broadcast_in_dim3A_617 = arith.constant 9 : i32
      %broadcast_in_dim3A_618 = vector.broadcast %broadcast_in_dim3A_617 : i32 to vector<16xi32>
      %add3A_619 = arith.constant 9 : i32
      %add3A_620 = vector.broadcast %add3A_619 : i32 to vector<16xi32>
      %add3A_621 = arith.addi %mul3A_221, %add3A_620 : vector<16xi32>
      %gather3A_622 = tpu.vector_load_idx %arg8[%add3A_621] : memref<8192xf32, #tpu.memory_space<vmem>>[vector<16xi32>], vector<16xf32>,
      %gather3A_623 = tpu.vector_load_idx %arg9[%broadcast_in_dim3A_188, %add3A_215, %broadcast_in_dim3A_618] : memref<4x128x16xf32, #tpu.memory_space<vmem>>[vector<16xi32>, vector<16xi32>, vector<16xi32>], vector<16xf32>,
      %abs3A_624 = math.absf %gather3A_623 : vector<16xf32>
      %neg3A_625 = arith.constant 0.000000e+00 : f32
      %neg3A_626 = vector.broadcast %neg3A_625 : f32 to vector<16xf32>
      %neg3A_627 = arith.subf %neg3A_626, %abs3A_624 : vector<16xf32>
      %exp3A_628 = math.exp %neg3A_627 : vector<16xf32>
      %broadcast_in_dim3A_629 = arith.constant -0.0174140781 : f32
      %broadcast_in_dim3A_630 = vector.broadcast %broadcast_in_dim3A_629 : f32 to vector<16xf32>
      %mul3A_631 = arith.mulf %broadcast_in_dim3A_630, %exp3A_628 : vector<16xf32>
      %add3A_632 = arith.constant 0.0826912373 : f32
      %add3A_633 = vector.broadcast %add3A_632 : f32 to vector<16xf32>
      %add3A_634 = arith.addf %mul3A_631, %add3A_633 : vector<16xf32>
      %mul3A_635 = arith.mulf %add3A_634, %exp3A_628 : vector<16xf32>
      %add3A_636 = arith.constant -0.190354332 : f32
      %add3A_637 = vector.broadcast %add3A_636 : f32 to vector<16xf32>
      %add3A_638 = arith.addf %mul3A_635, %add3A_637 : vector<16xf32>
      %mul3A_639 = arith.mulf %add3A_638, %exp3A_628 : vector<16xf32>
      %add3A_640 = arith.constant 0.315747321 : f32
      %add3A_641 = vector.broadcast %add3A_640 : f32 to vector<16xf32>
      %add3A_642 = arith.addf %mul3A_639, %add3A_641 : vector<16xf32>
      %mul3A_643 = arith.mulf %add3A_642, %exp3A_628 : vector<16xf32>
      %add3A_644 = arith.constant -0.497373223 : f32
      %add3A_645 = vector.broadcast %add3A_644 : f32 to vector<16xf32>
      %add3A_646 = arith.addf %mul3A_643, %add3A_645 : vector<16xf32>
      %mul3A_647 = arith.mulf %add3A_646, %exp3A_628 : vector<16xf32>
      %add3A_648 = arith.constant 0.99984771 : f32
      %add3A_649 = vector.broadcast %add3A_648 : f32 to vector<16xf32>
      %add3A_650 = arith.addf %mul3A_647, %add3A_649 : vector<16xf32>
      %mul3A_651 = arith.mulf %add3A_650, %exp3A_628 : vector<16xf32>
      %add3A_652 = arith.constant 1.47206504E-6 : f32
      %add3A_653 = vector.broadcast %add3A_652 : f32 to vector<16xf32>
      %add3A_654 = arith.addf %mul3A_651, %add3A_653 : vector<16xf32>
      %max3A_655 = arith.constant 0.000000e+00 : f32
      %max3A_656 = vector.broadcast %max3A_655 : f32 to vector<16xf32>
      %max3A_657 = arith.maximumf %gather3A_623, %max3A_656 : vector<16xf32>
      %add3A_658 = arith.addf %max3A_657, %add3A_654 : vector<16xf32>
      %mul3A_659 = arith.mulf %add3A_658, %gather3A_622 : vector<16xf32>
      %add3A_660 = arith.addf %add3A_616, %mul3A_659 : vector<16xf32>
      %broadcast_in_dim3A_661 = arith.constant 10 : i32
      %broadcast_in_dim3A_662 = vector.broadcast %broadcast_in_dim3A_661 : i32 to vector<16xi32>
      %add3A_663 = arith.constant 10 : i32
      %add3A_664 = vector.broadcast %add3A_663 : i32 to vector<16xi32>
      %add3A_665 = arith.addi %mul3A_221, %add3A_664 : vector<16xi32>
      %gather3A_666 = tpu.vector_load_idx %arg8[%add3A_665] : memref<8192xf32, #tpu.memory_space<vmem>>[vector<16xi32>], vector<16xf32>,
      %gather3A_667 = tpu.vector_load_idx %arg9[%broadcast_in_dim3A_188, %add3A_215, %broadcast_in_dim3A_662] : memref<4x128x16xf32, #tpu.memory_space<vmem>>[vector<16xi32>, vector<16xi32>, vector<16xi32>], vector<16xf32>,
      %abs3A_668 = math.absf %gather3A_667 : vector<16xf32>
      %neg3A_669 = arith.constant 0.000000e+00 : f32
      %neg3A_670 = vector.broadcast %neg3A_669 : f32 to vector<16xf32>
      %neg3A_671 = arith.subf %neg3A_670, %abs3A_668 : vector<16xf32>
      %exp3A_672 = math.exp %neg3A_671 : vector<16xf32>
      %broadcast_in_dim3A_673 = arith.constant -0.0174140781 : f32
      %broadcast_in_dim3A_674 = vector.broadcast %broadcast_in_dim3A_673 : f32 to vector<16xf32>
      %mul3A_675 = arith.mulf %broadcast_in_dim3A_674, %exp3A_672 : vector<16xf32>
      %add3A_676 = arith.constant 0.0826912373 : f32
      %add3A_677 = vector.broadcast %add3A_676 : f32 to vector<16xf32>
      %add3A_678 = arith.addf %mul3A_675, %add3A_677 : vector<16xf32>
      %mul3A_679 = arith.mulf %add3A_678, %exp3A_672 : vector<16xf32>
      %add3A_680 = arith.constant -0.190354332 : f32
      %add3A_681 = vector.broadcast %add3A_680 : f32 to vector<16xf32>
      %add3A_682 = arith.addf %mul3A_679, %add3A_681 : vector<16xf32>
      %mul3A_683 = arith.mulf %add3A_682, %exp3A_672 : vector<16xf32>
      %add3A_684 = arith.constant 0.315747321 : f32
      %add3A_685 = vector.broadcast %add3A_684 : f32 to vector<16xf32>
      %add3A_686 = arith.addf %mul3A_683, %add3A_685 : vector<16xf32>
      %mul3A_687 = arith.mulf %add3A_686, %exp3A_672 : vector<16xf32>
      %add3A_688 = arith.constant -0.497373223 : f32
      %add3A_689 = vector.broadcast %add3A_688 : f32 to vector<16xf32>
      %add3A_690 = arith.addf %mul3A_687, %add3A_689 : vector<16xf32>
      %mul3A_691 = arith.mulf %add3A_690, %exp3A_672 : vector<16xf32>
      %add3A_692 = arith.constant 0.99984771 : f32
      %add3A_693 = vector.broadcast %add3A_692 : f32 to vector<16xf32>
      %add3A_694 = arith.addf %mul3A_691, %add3A_693 : vector<16xf32>
      %mul3A_695 = arith.mulf %add3A_694, %exp3A_672 : vector<16xf32>
      %add3A_696 = arith.constant 1.47206504E-6 : f32
      %add3A_697 = vector.broadcast %add3A_696 : f32 to vector<16xf32>
      %add3A_698 = arith.addf %mul3A_695, %add3A_697 : vector<16xf32>
      %max3A_699 = arith.constant 0.000000e+00 : f32
      %max3A_700 = vector.broadcast %max3A_699 : f32 to vector<16xf32>
      %max3A_701 = arith.maximumf %gather3A_667, %max3A_700 : vector<16xf32>
      %add3A_702 = arith.addf %max3A_701, %add3A_698 : vector<16xf32>
      %mul3A_703 = arith.mulf %add3A_702, %gather3A_666 : vector<16xf32>
      %add3A_704 = arith.addf %add3A_660, %mul3A_703 : vector<16xf32>
      %broadcast_in_dim3A_705 = arith.constant 11 : i32
      %broadcast_in_dim3A_706 = vector.broadcast %broadcast_in_dim3A_705 : i32 to vector<16xi32>
      %add3A_707 = arith.constant 11 : i32
      %add3A_708 = vector.broadcast %add3A_707 : i32 to vector<16xi32>
      %add3A_709 = arith.addi %mul3A_221, %add3A_708 : vector<16xi32>
      %gather3A_710 = tpu.vector_load_idx %arg8[%add3A_709] : memref<8192xf32, #tpu.memory_space<vmem>>[vector<16xi32>], vector<16xf32>,
      %gather3A_711 = tpu.vector_load_idx %arg9[%broadcast_in_dim3A_188, %add3A_215, %broadcast_in_dim3A_706] : memref<4x128x16xf32, #tpu.memory_space<vmem>>[vector<16xi32>, vector<16xi32>, vector<16xi32>], vector<16xf32>,
      %abs3A_712 = math.absf %gather3A_711 : vector<16xf32>
      %neg3A_713 = arith.constant 0.000000e+00 : f32
      %neg3A_714 = vector.broadcast %neg3A_713 : f32 to vector<16xf32>
      %neg3A_715 = arith.subf %neg3A_714, %abs3A_712 : vector<16xf32>
      %exp3A_716 = math.exp %neg3A_715 : vector<16xf32>
      %broadcast_in_dim3A_717 = arith.constant -0.0174140781 : f32
      %broadcast_in_dim3A_718 = vector.broadcast %broadcast_in_dim3A_717 : f32 to vector<16xf32>
      %mul3A_719 = arith.mulf %broadcast_in_dim3A_718, %exp3A_716 : vector<16xf32>
      %add3A_720 = arith.constant 0.0826912373 : f32
      %add3A_721 = vector.broadcast %add3A_720 : f32 to vector<16xf32>
      %add3A_722 = arith.addf %mul3A_719, %add3A_721 : vector<16xf32>
      %mul3A_723 = arith.mulf %add3A_722, %exp3A_716 : vector<16xf32>
      %add3A_724 = arith.constant -0.190354332 : f32
      %add3A_725 = vector.broadcast %add3A_724 : f32 to vector<16xf32>
      %add3A_726 = arith.addf %mul3A_723, %add3A_725 : vector<16xf32>
      %mul3A_727 = arith.mulf %add3A_726, %exp3A_716 : vector<16xf32>
      %add3A_728 = arith.constant 0.315747321 : f32
      %add3A_729 = vector.broadcast %add3A_728 : f32 to vector<16xf32>
      %add3A_730 = arith.addf %mul3A_727, %add3A_729 : vector<16xf32>
      %mul3A_731 = arith.mulf %add3A_730, %exp3A_716 : vector<16xf32>
      %add3A_732 = arith.constant -0.497373223 : f32
      %add3A_733 = vector.broadcast %add3A_732 : f32 to vector<16xf32>
      %add3A_734 = arith.addf %mul3A_731, %add3A_733 : vector<16xf32>
      %mul3A_735 = arith.mulf %add3A_734, %exp3A_716 : vector<16xf32>
      %add3A_736 = arith.constant 0.99984771 : f32
      %add3A_737 = vector.broadcast %add3A_736 : f32 to vector<16xf32>
      %add3A_738 = arith.addf %mul3A_735, %add3A_737 : vector<16xf32>
      %mul3A_739 = arith.mulf %add3A_738, %exp3A_716 : vector<16xf32>
      %add3A_740 = arith.constant 1.47206504E-6 : f32
      %add3A_741 = vector.broadcast %add3A_740 : f32 to vector<16xf32>
      %add3A_742 = arith.addf %mul3A_739, %add3A_741 : vector<16xf32>
      %max3A_743 = arith.constant 0.000000e+00 : f32
      %max3A_744 = vector.broadcast %max3A_743 : f32 to vector<16xf32>
      %max3A_745 = arith.maximumf %gather3A_711, %max3A_744 : vector<16xf32>
      %add3A_746 = arith.addf %max3A_745, %add3A_742 : vector<16xf32>
      %mul3A_747 = arith.mulf %add3A_746, %gather3A_710 : vector<16xf32>
      %add3A_748 = arith.addf %add3A_704, %mul3A_747 : vector<16xf32>
      %broadcast_in_dim3A_749 = arith.constant 12 : i32
      %broadcast_in_dim3A_750 = vector.broadcast %broadcast_in_dim3A_749 : i32 to vector<16xi32>
      %add3A_751 = arith.constant 12 : i32
      %add3A_752 = vector.broadcast %add3A_751 : i32 to vector<16xi32>
      %add3A_753 = arith.addi %mul3A_221, %add3A_752 : vector<16xi32>
      %gather3A_754 = tpu.vector_load_idx %arg8[%add3A_753] : memref<8192xf32, #tpu.memory_space<vmem>>[vector<16xi32>], vector<16xf32>,
      %gather3A_755 = tpu.vector_load_idx %arg9[%broadcast_in_dim3A_188, %add3A_215, %broadcast_in_dim3A_750] : memref<4x128x16xf32, #tpu.memory_space<vmem>>[vector<16xi32>, vector<16xi32>, vector<16xi32>], vector<16xf32>,
      %abs3A_756 = math.absf %gather3A_755 : vector<16xf32>
      %neg3A_757 = arith.constant 0.000000e+00 : f32
      %neg3A_758 = vector.broadcast %neg3A_757 : f32 to vector<16xf32>
      %neg3A_759 = arith.subf %neg3A_758, %abs3A_756 : vector<16xf32>
      %exp3A_760 = math.exp %neg3A_759 : vector<16xf32>
      %broadcast_in_dim3A_761 = arith.constant -0.0174140781 : f32
      %broadcast_in_dim3A_762 = vector.broadcast %broadcast_in_dim3A_761 : f32 to vector<16xf32>
      %mul3A_763 = arith.mulf %broadcast_in_dim3A_762, %exp3A_760 : vector<16xf32>
      %add3A_764 = arith.constant 0.0826912373 : f32
      %add3A_765 = vector.broadcast %add3A_764 : f32 to vector<16xf32>
      %add3A_766 = arith.addf %mul3A_763, %add3A_765 : vector<16xf32>
      %mul3A_767 = arith.mulf %add3A_766, %exp3A_760 : vector<16xf32>
      %add3A_768 = arith.constant -0.190354332 : f32
      %add3A_769 = vector.broadcast %add3A_768 : f32 to vector<16xf32>
      %add3A_770 = arith.addf %mul3A_767, %add3A_769 : vector<16xf32>
      %mul3A_771 = arith.mulf %add3A_770, %exp3A_760 : vector<16xf32>
      %add3A_772 = arith.constant 0.315747321 : f32
      %add3A_773 = vector.broadcast %add3A_772 : f32 to vector<16xf32>
      %add3A_774 = arith.addf %mul3A_771, %add3A_773 : vector<16xf32>
      %mul3A_775 = arith.mulf %add3A_774, %exp3A_760 : vector<16xf32>
      %add3A_776 = arith.constant -0.497373223 : f32
      %add3A_777 = vector.broadcast %add3A_776 : f32 to vector<16xf32>
      %add3A_778 = arith.addf %mul3A_775, %add3A_777 : vector<16xf32>
      %mul3A_779 = arith.mulf %add3A_778, %exp3A_760 : vector<16xf32>
      %add3A_780 = arith.constant 0.99984771 : f32
      %add3A_781 = vector.broadcast %add3A_780 : f32 to vector<16xf32>
      %add3A_782 = arith.addf %mul3A_779, %add3A_781 : vector<16xf32>
      %mul3A_783 = arith.mulf %add3A_782, %exp3A_760 : vector<16xf32>
      %add3A_784 = arith.constant 1.47206504E-6 : f32
      %add3A_785 = vector.broadcast %add3A_784 : f32 to vector<16xf32>
      %add3A_786 = arith.addf %mul3A_783, %add3A_785 : vector<16xf32>
      %max3A_787 = arith.constant 0.000000e+00 : f32
      %max3A_788 = vector.broadcast %max3A_787 : f32 to vector<16xf32>
      %max3A_789 = arith.maximumf %gather3A_755, %max3A_788 : vector<16xf32>
      %add3A_790 = arith.addf %max3A_789, %add3A_786 : vector<16xf32>
      %mul3A_791 = arith.mulf %add3A_790, %gather3A_754 : vector<16xf32>
      %add3A_792 = arith.addf %add3A_748, %mul3A_791 : vector<16xf32>
      %broadcast_in_dim3A_793 = arith.constant 13 : i32
      %broadcast_in_dim3A_794 = vector.broadcast %broadcast_in_dim3A_793 : i32 to vector<16xi32>
      %add3A_795 = arith.constant 13 : i32
      %add3A_796 = vector.broadcast %add3A_795 : i32 to vector<16xi32>
      %add3A_797 = arith.addi %mul3A_221, %add3A_796 : vector<16xi32>
      %gather3A_798 = tpu.vector_load_idx %arg8[%add3A_797] : memref<8192xf32, #tpu.memory_space<vmem>>[vector<16xi32>], vector<16xf32>,
      %gather3A_799 = tpu.vector_load_idx %arg9[%broadcast_in_dim3A_188, %add3A_215, %broadcast_in_dim3A_794] : memref<4x128x16xf32, #tpu.memory_space<vmem>>[vector<16xi32>, vector<16xi32>, vector<16xi32>], vector<16xf32>,
      %abs3A_800 = math.absf %gather3A_799 : vector<16xf32>
      %neg3A_801 = arith.constant 0.000000e+00 : f32
      %neg3A_802 = vector.broadcast %neg3A_801 : f32 to vector<16xf32>
      %neg3A_803 = arith.subf %neg3A_802, %abs3A_800 : vector<16xf32>
      %exp3A_804 = math.exp %neg3A_803 : vector<16xf32>
      %broadcast_in_dim3A_805 = arith.constant -0.0174140781 : f32
      %broadcast_in_dim3A_806 = vector.broadcast %broadcast_in_dim3A_805 : f32 to vector<16xf32>
      %mul3A_807 = arith.mulf %broadcast_in_dim3A_806, %exp3A_804 : vector<16xf32>
      %add3A_808 = arith.constant 0.0826912373 : f32
      %add3A_809 = vector.broadcast %add3A_808 : f32 to vector<16xf32>
      %add3A_810 = arith.addf %mul3A_807, %add3A_809 : vector<16xf32>
      %mul3A_811 = arith.mulf %add3A_810, %exp3A_804 : vector<16xf32>
      %add3A_812 = arith.constant -0.190354332 : f32
      %add3A_813 = vector.broadcast %add3A_812 : f32 to vector<16xf32>
      %add3A_814 = arith.addf %mul3A_811, %add3A_813 : vector<16xf32>
      %mul3A_815 = arith.mulf %add3A_814, %exp3A_804 : vector<16xf32>
      %add3A_816 = arith.constant 0.315747321 : f32
      %add3A_817 = vector.broadcast %add3A_816 : f32 to vector<16xf32>
      %add3A_818 = arith.addf %mul3A_815, %add3A_817 : vector<16xf32>
      %mul3A_819 = arith.mulf %add3A_818, %exp3A_804 : vector<16xf32>
      %add3A_820 = arith.constant -0.497373223 : f32
      %add3A_821 = vector.broadcast %add3A_820 : f32 to vector<16xf32>
      %add3A_822 = arith.addf %mul3A_819, %add3A_821 : vector<16xf32>
      %mul3A_823 = arith.mulf %add3A_822, %exp3A_804 : vector<16xf32>
      %add3A_824 = arith.constant 0.99984771 : f32
      %add3A_825 = vector.broadcast %add3A_824 : f32 to vector<16xf32>
      %add3A_826 = arith.addf %mul3A_823, %add3A_825 : vector<16xf32>
      %mul3A_827 = arith.mulf %add3A_826, %exp3A_804 : vector<16xf32>
      %add3A_828 = arith.constant 1.47206504E-6 : f32
      %add3A_829 = vector.broadcast %add3A_828 : f32 to vector<16xf32>
      %add3A_830 = arith.addf %mul3A_827, %add3A_829 : vector<16xf32>
      %max3A_831 = arith.constant 0.000000e+00 : f32
      %max3A_832 = vector.broadcast %max3A_831 : f32 to vector<16xf32>
      %max3A_833 = arith.maximumf %gather3A_799, %max3A_832 : vector<16xf32>
      %add3A_834 = arith.addf %max3A_833, %add3A_830 : vector<16xf32>
      %mul3A_835 = arith.mulf %add3A_834, %gather3A_798 : vector<16xf32>
      %add3A_836 = arith.addf %add3A_792, %mul3A_835 : vector<16xf32>
      %broadcast_in_dim3A_837 = arith.constant 14 : i32
      %broadcast_in_dim3A_838 = vector.broadcast %broadcast_in_dim3A_837 : i32 to vector<16xi32>
      %add3A_839 = arith.constant 14 : i32
      %add3A_840 = vector.broadcast %add3A_839 : i32 to vector<16xi32>
      %add3A_841 = arith.addi %mul3A_221, %add3A_840 : vector<16xi32>
      %gather3A_842 = tpu.vector_load_idx %arg8[%add3A_841] : memref<8192xf32, #tpu.memory_space<vmem>>[vector<16xi32>], vector<16xf32>,
      %gather3A_843 = tpu.vector_load_idx %arg9[%broadcast_in_dim3A_188, %add3A_215, %broadcast_in_dim3A_838] : memref<4x128x16xf32, #tpu.memory_space<vmem>>[vector<16xi32>, vector<16xi32>, vector<16xi32>], vector<16xf32>,
      %abs3A_844 = math.absf %gather3A_843 : vector<16xf32>
      %neg3A_845 = arith.constant 0.000000e+00 : f32
      %neg3A_846 = vector.broadcast %neg3A_845 : f32 to vector<16xf32>
      %neg3A_847 = arith.subf %neg3A_846, %abs3A_844 : vector<16xf32>
      %exp3A_848 = math.exp %neg3A_847 : vector<16xf32>
      %broadcast_in_dim3A_849 = arith.constant -0.0174140781 : f32
      %broadcast_in_dim3A_850 = vector.broadcast %broadcast_in_dim3A_849 : f32 to vector<16xf32>
      %mul3A_851 = arith.mulf %broadcast_in_dim3A_850, %exp3A_848 : vector<16xf32>
      %add3A_852 = arith.constant 0.0826912373 : f32
      %add3A_853 = vector.broadcast %add3A_852 : f32 to vector<16xf32>
      %add3A_854 = arith.addf %mul3A_851, %add3A_853 : vector<16xf32>
      %mul3A_855 = arith.mulf %add3A_854, %exp3A_848 : vector<16xf32>
      %add3A_856 = arith.constant -0.190354332 : f32
      %add3A_857 = vector.broadcast %add3A_856 : f32 to vector<16xf32>
      %add3A_858 = arith.addf %mul3A_855, %add3A_857 : vector<16xf32>
      %mul3A_859 = arith.mulf %add3A_858, %exp3A_848 : vector<16xf32>
      %add3A_860 = arith.constant 0.315747321 : f32
      %add3A_861 = vector.broadcast %add3A_860 : f32 to vector<16xf32>
      %add3A_862 = arith.addf %mul3A_859, %add3A_861 : vector<16xf32>
      %mul3A_863 = arith.mulf %add3A_862, %exp3A_848 : vector<16xf32>
      %add3A_864 = arith.constant -0.497373223 : f32
      %add3A_865 = vector.broadcast %add3A_864 : f32 to vector<16xf32>
      %add3A_866 = arith.addf %mul3A_863, %add3A_865 : vector<16xf32>
      %mul3A_867 = arith.mulf %add3A_866, %exp3A_848 : vector<16xf32>
      %add3A_868 = arith.constant 0.99984771 : f32
      %add3A_869 = vector.broadcast %add3A_868 : f32 to vector<16xf32>
      %add3A_870 = arith.addf %mul3A_867, %add3A_869 : vector<16xf32>
      %mul3A_871 = arith.mulf %add3A_870, %exp3A_848 : vector<16xf32>
      %add3A_872 = arith.constant 1.47206504E-6 : f32
      %add3A_873 = vector.broadcast %add3A_872 : f32 to vector<16xf32>
      %add3A_874 = arith.addf %mul3A_871, %add3A_873 : vector<16xf32>
      %max3A_875 = arith.constant 0.000000e+00 : f32
      %max3A_876 = vector.broadcast %max3A_875 : f32 to vector<16xf32>
      %max3A_877 = arith.maximumf %gather3A_843, %max3A_876 : vector<16xf32>
      %add3A_878 = arith.addf %max3A_877, %add3A_874 : vector<16xf32>
      %mul3A_879 = arith.mulf %add3A_878, %gather3A_842 : vector<16xf32>
      %add3A_880 = arith.addf %add3A_836, %mul3A_879 : vector<16xf32>
      %broadcast_in_dim3A_881 = arith.constant 15 : i32
      %broadcast_in_dim3A_882 = vector.broadcast %broadcast_in_dim3A_881 : i32 to vector<16xi32>
      %add3A_883 = arith.constant 15 : i32
      %add3A_884 = vector.broadcast %add3A_883 : i32 to vector<16xi32>
      %add3A_885 = arith.addi %mul3A_221, %add3A_884 : vector<16xi32>
      %gather3A_886 = tpu.vector_load_idx %arg8[%add3A_885] : memref<8192xf32, #tpu.memory_space<vmem>>[vector<16xi32>], vector<16xf32>,
      %gather3A_887 = tpu.vector_load_idx %arg9[%broadcast_in_dim3A_188, %add3A_215, %broadcast_in_dim3A_882] : memref<4x128x16xf32, #tpu.memory_space<vmem>>[vector<16xi32>, vector<16xi32>, vector<16xi32>], vector<16xf32>,
      %abs3A_888 = math.absf %gather3A_887 : vector<16xf32>
      %neg3A_889 = arith.constant 0.000000e+00 : f32
      %neg3A_890 = vector.broadcast %neg3A_889 : f32 to vector<16xf32>
      %neg3A_891 = arith.subf %neg3A_890, %abs3A_888 : vector<16xf32>
      %exp3A_892 = math.exp %neg3A_891 : vector<16xf32>
      %broadcast_in_dim3A_893 = arith.constant -0.0174140781 : f32
      %broadcast_in_dim3A_894 = vector.broadcast %broadcast_in_dim3A_893 : f32 to vector<16xf32>
      %mul3A_895 = arith.mulf %broadcast_in_dim3A_894, %exp3A_892 : vector<16xf32>
      %add3A_896 = arith.constant 0.0826912373 : f32
      %add3A_897 = vector.broadcast %add3A_896 : f32 to vector<16xf32>
      %add3A_898 = arith.addf %mul3A_895, %add3A_897 : vector<16xf32>
      %mul3A_899 = arith.mulf %add3A_898, %exp3A_892 : vector<16xf32>
      %add3A_900 = arith.constant -0.190354332 : f32
      %add3A_901 = vector.broadcast %add3A_900 : f32 to vector<16xf32>
      %add3A_902 = arith.addf %mul3A_899, %add3A_901 : vector<16xf32>
      %mul3A_903 = arith.mulf %add3A_902, %exp3A_892 : vector<16xf32>
      %add3A_904 = arith.constant 0.315747321 : f32
      %add3A_905 = vector.broadcast %add3A_904 : f32 to vector<16xf32>
      %add3A_906 = arith.addf %mul3A_903, %add3A_905 : vector<16xf32>
      %mul3A_907 = arith.mulf %add3A_906, %exp3A_892 : vector<16xf32>
      %add3A_908 = arith.constant -0.497373223 : f32
      %add3A_909 = vector.broadcast %add3A_908 : f32 to vector<16xf32>
      %add3A_910 = arith.addf %mul3A_907, %add3A_909 : vector<16xf32>
      %mul3A_911 = arith.mulf %add3A_910, %exp3A_892 : vector<16xf32>
      %add3A_912 = arith.constant 0.99984771 : f32
      %add3A_913 = vector.broadcast %add3A_912 : f32 to vector<16xf32>
      %add3A_914 = arith.addf %mul3A_911, %add3A_913 : vector<16xf32>
      %mul3A_915 = arith.mulf %add3A_914, %exp3A_892 : vector<16xf32>
      %add3A_916 = arith.constant 1.47206504E-6 : f32
      %add3A_917 = vector.broadcast %add3A_916 : f32 to vector<16xf32>
      %add3A_918 = arith.addf %mul3A_915, %add3A_917 : vector<16xf32>
      %max3A_919 = arith.constant 0.000000e+00 : f32
      %max3A_920 = vector.broadcast %max3A_919 : f32 to vector<16xf32>
      %max3A_921 = arith.maximumf %gather3A_887, %max3A_920 : vector<16xf32>
      %add3A_922 = arith.addf %max3A_921, %add3A_918 : vector<16xf32>
      %mul3A_923 = arith.mulf %add3A_922, %gather3A_886 : vector<16xf32>
      %add3A_924 = arith.addf %add3A_880, %mul3A_923 : vector<16xf32>
      %neg3A_925 = arith.constant 0.000000e+00 : f32
      %neg3A_926 = vector.broadcast %neg3A_925 : f32 to vector<16xf32>
      %neg3A_927 = arith.subf %neg3A_926, %add3A_924 : vector<16xf32>
      %exp3A_928 = math.exp %neg3A_927 : vector<16xf32>
      %add3A_929 = arith.constant 1.000000e+00 : f32
      %add3A_930 = vector.broadcast %add3A_929 : f32 to vector<16xf32>
      %add3A_931 = arith.addf %add3A_930, %exp3A_928 : vector<16xf32>
      %div3A = arith.constant 1.000000e+00 : f32
      %div3A_932 = vector.broadcast %div3A : f32 to vector<16xf32>
      %div3A_933 = arith.divf %div3A_932, %add3A_931 : vector<16xf32>
      %mul3A_934 = arith.constant 16 : i32
      %mul3A_935 = arith.muli %scan3A_211, %mul3A_934 : i32
      %add3A_936 = arith.constant 128 : i32
      %add3A_937 = arith.addi %add3A_936, %mul3A_935 : i32
      %swap3A = arith.index_cast %add3A_937 : i32 to index
      %swap3A_938 = tpu.vector_load %arg11[%swap3A] {strides = array<i32>} : memref<512xf32, #tpu.memory_space<vmem>>, vector<16xf32>,
      tpu.vector_store %arg11[%swap3A], %div3A_933 {strides = array<i32>} : memref<512xf32, #tpu.memory_space<vmem>>, vector<16xf32>,
    }
    %scan3A_194 = arith.constant 8 : i32
    %broadcast_in_dim3A_195 = arith.constant 2 : i32
    %broadcast_in_dim3A_196 = vector.broadcast %broadcast_in_dim3A_195 : i32 to vector<16xi32>
    %scan3A_197 = arith.constant 0 : i32
    %scan3A_198 = arith.constant 0 : i32
    %scan3A_199 = arith.constant 8 : i32
    %scan3A_200 = arith.addi %scan3A_198, %scan3A_199 : i32
    %scan3A_201 = arith.constant 1 : i32
    scf.for %scan3A_211 = %scan3A_198 to %scan3A_200 step %scan3A_201  : i32 {
      %mul3A_212 = arith.constant 16 : i32
      %mul3A_213 = arith.muli %scan3A_211, %mul3A_212 : i32
      %add3A_214 = vector.broadcast %mul3A_213 : i32 to vector<16xi32>
      %add3A_215 = arith.addi %add3A_214, %iota3A : vector<16xi32>
      %add3A_216 = arith.constant 256 : i32
      %add3A_217 = vector.broadcast %add3A_216 : i32 to vector<16xi32>
      %add3A_218 = arith.addi %add3A_217, %add3A_215 : vector<16xi32>
      %mul3A_219 = arith.constant 16 : i32
      %mul3A_220 = vector.broadcast %mul3A_219 : i32 to vector<16xi32>
      %mul3A_221 = arith.muli %add3A_218, %mul3A_220 : vector<16xi32>
      %gather3A = tpu.vector_load_idx %arg10[%broadcast_in_dim3A_196, %add3A_215] : memref<4x128xf32, #tpu.memory_space<vmem>>[vector<16xi32>, vector<16xi32>], vector<16xf32>,
      %neg3A = arith.constant 0.000000e+00 : f32
      %neg3A_222 = vector.broadcast %neg3A : f32 to vector<16xf32>
      %neg3A_223 = arith.subf %neg3A_222, %gather3A : vector<16xf32>
      %broadcast_in_dim3A_224 = arith.constant 0 : i32
      %broadcast_in_dim3A_225 = vector.broadcast %broadcast_in_dim3A_224 : i32 to vector<16xi32>
      %add3A_226 = arith.constant 0 : i32
      %add3A_227 = vector.broadcast %add3A_226 : i32 to vector<16xi32>
      %add3A_228 = arith.addi %mul3A_221, %add3A_227 : vector<16xi32>
      %gather3A_229 = tpu.vector_load_idx %arg8[%add3A_228] : memref<8192xf32, #tpu.memory_space<vmem>>[vector<16xi32>], vector<16xf32>,
      %gather3A_230 = tpu.vector_load_idx %arg9[%broadcast_in_dim3A_196, %add3A_215, %broadcast_in_dim3A_225] : memref<4x128x16xf32, #tpu.memory_space<vmem>>[vector<16xi32>, vector<16xi32>, vector<16xi32>], vector<16xf32>,
      %abs3A = math.absf %gather3A_230 : vector<16xf32>
      %neg3A_231 = arith.constant 0.000000e+00 : f32
      %neg3A_232 = vector.broadcast %neg3A_231 : f32 to vector<16xf32>
      %neg3A_233 = arith.subf %neg3A_232, %abs3A : vector<16xf32>
      %exp3A = math.exp %neg3A_233 : vector<16xf32>
      %broadcast_in_dim3A_234 = arith.constant -0.0174140781 : f32
      %broadcast_in_dim3A_235 = vector.broadcast %broadcast_in_dim3A_234 : f32 to vector<16xf32>
      %mul3A_236 = arith.mulf %broadcast_in_dim3A_235, %exp3A : vector<16xf32>
      %add3A_237 = arith.constant 0.0826912373 : f32
      %add3A_238 = vector.broadcast %add3A_237 : f32 to vector<16xf32>
      %add3A_239 = arith.addf %mul3A_236, %add3A_238 : vector<16xf32>
      %mul3A_240 = arith.mulf %add3A_239, %exp3A : vector<16xf32>
      %add3A_241 = arith.constant -0.190354332 : f32
      %add3A_242 = vector.broadcast %add3A_241 : f32 to vector<16xf32>
      %add3A_243 = arith.addf %mul3A_240, %add3A_242 : vector<16xf32>
      %mul3A_244 = arith.mulf %add3A_243, %exp3A : vector<16xf32>
      %add3A_245 = arith.constant 0.315747321 : f32
      %add3A_246 = vector.broadcast %add3A_245 : f32 to vector<16xf32>
      %add3A_247 = arith.addf %mul3A_244, %add3A_246 : vector<16xf32>
      %mul3A_248 = arith.mulf %add3A_247, %exp3A : vector<16xf32>
      %add3A_249 = arith.constant -0.497373223 : f32
      %add3A_250 = vector.broadcast %add3A_249 : f32 to vector<16xf32>
      %add3A_251 = arith.addf %mul3A_248, %add3A_250 : vector<16xf32>
      %mul3A_252 = arith.mulf %add3A_251, %exp3A : vector<16xf32>
      %add3A_253 = arith.constant 0.99984771 : f32
      %add3A_254 = vector.broadcast %add3A_253 : f32 to vector<16xf32>
      %add3A_255 = arith.addf %mul3A_252, %add3A_254 : vector<16xf32>
      %mul3A_256 = arith.mulf %add3A_255, %exp3A : vector<16xf32>
      %add3A_257 = arith.constant 1.47206504E-6 : f32
      %add3A_258 = vector.broadcast %add3A_257 : f32 to vector<16xf32>
      %add3A_259 = arith.addf %mul3A_256, %add3A_258 : vector<16xf32>
      %max3A = arith.constant 0.000000e+00 : f32
      %max3A_260 = vector.broadcast %max3A : f32 to vector<16xf32>
      %max3A_261 = arith.maximumf %gather3A_230, %max3A_260 : vector<16xf32>
      %add3A_262 = arith.addf %max3A_261, %add3A_259 : vector<16xf32>
      %mul3A_263 = arith.mulf %add3A_262, %gather3A_229 : vector<16xf32>
      %add3A_264 = arith.addf %neg3A_223, %mul3A_263 : vector<16xf32>
      %broadcast_in_dim3A_265 = arith.constant 1 : i32
      %broadcast_in_dim3A_266 = vector.broadcast %broadcast_in_dim3A_265 : i32 to vector<16xi32>
      %add3A_267 = arith.constant 1 : i32
      %add3A_268 = vector.broadcast %add3A_267 : i32 to vector<16xi32>
      %add3A_269 = arith.addi %mul3A_221, %add3A_268 : vector<16xi32>
      %gather3A_270 = tpu.vector_load_idx %arg8[%add3A_269] : memref<8192xf32, #tpu.memory_space<vmem>>[vector<16xi32>], vector<16xf32>,
      %gather3A_271 = tpu.vector_load_idx %arg9[%broadcast_in_dim3A_196, %add3A_215, %broadcast_in_dim3A_266] : memref<4x128x16xf32, #tpu.memory_space<vmem>>[vector<16xi32>, vector<16xi32>, vector<16xi32>], vector<16xf32>,
      %abs3A_272 = math.absf %gather3A_271 : vector<16xf32>
      %neg3A_273 = arith.constant 0.000000e+00 : f32
      %neg3A_274 = vector.broadcast %neg3A_273 : f32 to vector<16xf32>
      %neg3A_275 = arith.subf %neg3A_274, %abs3A_272 : vector<16xf32>
      %exp3A_276 = math.exp %neg3A_275 : vector<16xf32>
      %broadcast_in_dim3A_277 = arith.constant -0.0174140781 : f32
      %broadcast_in_dim3A_278 = vector.broadcast %broadcast_in_dim3A_277 : f32 to vector<16xf32>
      %mul3A_279 = arith.mulf %broadcast_in_dim3A_278, %exp3A_276 : vector<16xf32>
      %add3A_280 = arith.constant 0.0826912373 : f32
      %add3A_281 = vector.broadcast %add3A_280 : f32 to vector<16xf32>
      %add3A_282 = arith.addf %mul3A_279, %add3A_281 : vector<16xf32>
      %mul3A_283 = arith.mulf %add3A_282, %exp3A_276 : vector<16xf32>
      %add3A_284 = arith.constant -0.190354332 : f32
      %add3A_285 = vector.broadcast %add3A_284 : f32 to vector<16xf32>
      %add3A_286 = arith.addf %mul3A_283, %add3A_285 : vector<16xf32>
      %mul3A_287 = arith.mulf %add3A_286, %exp3A_276 : vector<16xf32>
      %add3A_288 = arith.constant 0.315747321 : f32
      %add3A_289 = vector.broadcast %add3A_288 : f32 to vector<16xf32>
      %add3A_290 = arith.addf %mul3A_287, %add3A_289 : vector<16xf32>
      %mul3A_291 = arith.mulf %add3A_290, %exp3A_276 : vector<16xf32>
      %add3A_292 = arith.constant -0.497373223 : f32
      %add3A_293 = vector.broadcast %add3A_292 : f32 to vector<16xf32>
      %add3A_294 = arith.addf %mul3A_291, %add3A_293 : vector<16xf32>
      %mul3A_295 = arith.mulf %add3A_294, %exp3A_276 : vector<16xf32>
      %add3A_296 = arith.constant 0.99984771 : f32
      %add3A_297 = vector.broadcast %add3A_296 : f32 to vector<16xf32>
      %add3A_298 = arith.addf %mul3A_295, %add3A_297 : vector<16xf32>
      %mul3A_299 = arith.mulf %add3A_298, %exp3A_276 : vector<16xf32>
      %add3A_300 = arith.constant 1.47206504E-6 : f32
      %add3A_301 = vector.broadcast %add3A_300 : f32 to vector<16xf32>
      %add3A_302 = arith.addf %mul3A_299, %add3A_301 : vector<16xf32>
      %max3A_303 = arith.constant 0.000000e+00 : f32
      %max3A_304 = vector.broadcast %max3A_303 : f32 to vector<16xf32>
      %max3A_305 = arith.maximumf %gather3A_271, %max3A_304 : vector<16xf32>
      %add3A_306 = arith.addf %max3A_305, %add3A_302 : vector<16xf32>
      %mul3A_307 = arith.mulf %add3A_306, %gather3A_270 : vector<16xf32>
      %add3A_308 = arith.addf %add3A_264, %mul3A_307 : vector<16xf32>
      %broadcast_in_dim3A_309 = arith.constant 2 : i32
      %broadcast_in_dim3A_310 = vector.broadcast %broadcast_in_dim3A_309 : i32 to vector<16xi32>
      %add3A_311 = arith.constant 2 : i32
      %add3A_312 = vector.broadcast %add3A_311 : i32 to vector<16xi32>
      %add3A_313 = arith.addi %mul3A_221, %add3A_312 : vector<16xi32>
      %gather3A_314 = tpu.vector_load_idx %arg8[%add3A_313] : memref<8192xf32, #tpu.memory_space<vmem>>[vector<16xi32>], vector<16xf32>,
      %gather3A_315 = tpu.vector_load_idx %arg9[%broadcast_in_dim3A_196, %add3A_215, %broadcast_in_dim3A_310] : memref<4x128x16xf32, #tpu.memory_space<vmem>>[vector<16xi32>, vector<16xi32>, vector<16xi32>], vector<16xf32>,
      %abs3A_316 = math.absf %gather3A_315 : vector<16xf32>
      %neg3A_317 = arith.constant 0.000000e+00 : f32
      %neg3A_318 = vector.broadcast %neg3A_317 : f32 to vector<16xf32>
      %neg3A_319 = arith.subf %neg3A_318, %abs3A_316 : vector<16xf32>
      %exp3A_320 = math.exp %neg3A_319 : vector<16xf32>
      %broadcast_in_dim3A_321 = arith.constant -0.0174140781 : f32
      %broadcast_in_dim3A_322 = vector.broadcast %broadcast_in_dim3A_321 : f32 to vector<16xf32>
      %mul3A_323 = arith.mulf %broadcast_in_dim3A_322, %exp3A_320 : vector<16xf32>
      %add3A_324 = arith.constant 0.0826912373 : f32
      %add3A_325 = vector.broadcast %add3A_324 : f32 to vector<16xf32>
      %add3A_326 = arith.addf %mul3A_323, %add3A_325 : vector<16xf32>
      %mul3A_327 = arith.mulf %add3A_326, %exp3A_320 : vector<16xf32>
      %add3A_328 = arith.constant -0.190354332 : f32
      %add3A_329 = vector.broadcast %add3A_328 : f32 to vector<16xf32>
      %add3A_330 = arith.addf %mul3A_327, %add3A_329 : vector<16xf32>
      %mul3A_331 = arith.mulf %add3A_330, %exp3A_320 : vector<16xf32>
      %add3A_332 = arith.constant 0.315747321 : f32
      %add3A_333 = vector.broadcast %add3A_332 : f32 to vector<16xf32>
      %add3A_334 = arith.addf %mul3A_331, %add3A_333 : vector<16xf32>
      %mul3A_335 = arith.mulf %add3A_334, %exp3A_320 : vector<16xf32>
      %add3A_336 = arith.constant -0.497373223 : f32
      %add3A_337 = vector.broadcast %add3A_336 : f32 to vector<16xf32>
      %add3A_338 = arith.addf %mul3A_335, %add3A_337 : vector<16xf32>
      %mul3A_339 = arith.mulf %add3A_338, %exp3A_320 : vector<16xf32>
      %add3A_340 = arith.constant 0.99984771 : f32
      %add3A_341 = vector.broadcast %add3A_340 : f32 to vector<16xf32>
      %add3A_342 = arith.addf %mul3A_339, %add3A_341 : vector<16xf32>
      %mul3A_343 = arith.mulf %add3A_342, %exp3A_320 : vector<16xf32>
      %add3A_344 = arith.constant 1.47206504E-6 : f32
      %add3A_345 = vector.broadcast %add3A_344 : f32 to vector<16xf32>
      %add3A_346 = arith.addf %mul3A_343, %add3A_345 : vector<16xf32>
      %max3A_347 = arith.constant 0.000000e+00 : f32
      %max3A_348 = vector.broadcast %max3A_347 : f32 to vector<16xf32>
      %max3A_349 = arith.maximumf %gather3A_315, %max3A_348 : vector<16xf32>
      %add3A_350 = arith.addf %max3A_349, %add3A_346 : vector<16xf32>
      %mul3A_351 = arith.mulf %add3A_350, %gather3A_314 : vector<16xf32>
      %add3A_352 = arith.addf %add3A_308, %mul3A_351 : vector<16xf32>
      %broadcast_in_dim3A_353 = arith.constant 3 : i32
      %broadcast_in_dim3A_354 = vector.broadcast %broadcast_in_dim3A_353 : i32 to vector<16xi32>
      %add3A_355 = arith.constant 3 : i32
      %add3A_356 = vector.broadcast %add3A_355 : i32 to vector<16xi32>
      %add3A_357 = arith.addi %mul3A_221, %add3A_356 : vector<16xi32>
      %gather3A_358 = tpu.vector_load_idx %arg8[%add3A_357] : memref<8192xf32, #tpu.memory_space<vmem>>[vector<16xi32>], vector<16xf32>,
      %gather3A_359 = tpu.vector_load_idx %arg9[%broadcast_in_dim3A_196, %add3A_215, %broadcast_in_dim3A_354] : memref<4x128x16xf32, #tpu.memory_space<vmem>>[vector<16xi32>, vector<16xi32>, vector<16xi32>], vector<16xf32>,
      %abs3A_360 = math.absf %gather3A_359 : vector<16xf32>
      %neg3A_361 = arith.constant 0.000000e+00 : f32
      %neg3A_362 = vector.broadcast %neg3A_361 : f32 to vector<16xf32>
      %neg3A_363 = arith.subf %neg3A_362, %abs3A_360 : vector<16xf32>
      %exp3A_364 = math.exp %neg3A_363 : vector<16xf32>
      %broadcast_in_dim3A_365 = arith.constant -0.0174140781 : f32
      %broadcast_in_dim3A_366 = vector.broadcast %broadcast_in_dim3A_365 : f32 to vector<16xf32>
      %mul3A_367 = arith.mulf %broadcast_in_dim3A_366, %exp3A_364 : vector<16xf32>
      %add3A_368 = arith.constant 0.0826912373 : f32
      %add3A_369 = vector.broadcast %add3A_368 : f32 to vector<16xf32>
      %add3A_370 = arith.addf %mul3A_367, %add3A_369 : vector<16xf32>
      %mul3A_371 = arith.mulf %add3A_370, %exp3A_364 : vector<16xf32>
      %add3A_372 = arith.constant -0.190354332 : f32
      %add3A_373 = vector.broadcast %add3A_372 : f32 to vector<16xf32>
      %add3A_374 = arith.addf %mul3A_371, %add3A_373 : vector<16xf32>
      %mul3A_375 = arith.mulf %add3A_374, %exp3A_364 : vector<16xf32>
      %add3A_376 = arith.constant 0.315747321 : f32
      %add3A_377 = vector.broadcast %add3A_376 : f32 to vector<16xf32>
      %add3A_378 = arith.addf %mul3A_375, %add3A_377 : vector<16xf32>
      %mul3A_379 = arith.mulf %add3A_378, %exp3A_364 : vector<16xf32>
      %add3A_380 = arith.constant -0.497373223 : f32
      %add3A_381 = vector.broadcast %add3A_380 : f32 to vector<16xf32>
      %add3A_382 = arith.addf %mul3A_379, %add3A_381 : vector<16xf32>
      %mul3A_383 = arith.mulf %add3A_382, %exp3A_364 : vector<16xf32>
      %add3A_384 = arith.constant 0.99984771 : f32
      %add3A_385 = vector.broadcast %add3A_384 : f32 to vector<16xf32>
      %add3A_386 = arith.addf %mul3A_383, %add3A_385 : vector<16xf32>
      %mul3A_387 = arith.mulf %add3A_386, %exp3A_364 : vector<16xf32>
      %add3A_388 = arith.constant 1.47206504E-6 : f32
      %add3A_389 = vector.broadcast %add3A_388 : f32 to vector<16xf32>
      %add3A_390 = arith.addf %mul3A_387, %add3A_389 : vector<16xf32>
      %max3A_391 = arith.constant 0.000000e+00 : f32
      %max3A_392 = vector.broadcast %max3A_391 : f32 to vector<16xf32>
      %max3A_393 = arith.maximumf %gather3A_359, %max3A_392 : vector<16xf32>
      %add3A_394 = arith.addf %max3A_393, %add3A_390 : vector<16xf32>
      %mul3A_395 = arith.mulf %add3A_394, %gather3A_358 : vector<16xf32>
      %add3A_396 = arith.addf %add3A_352, %mul3A_395 : vector<16xf32>
      %broadcast_in_dim3A_397 = arith.constant 4 : i32
      %broadcast_in_dim3A_398 = vector.broadcast %broadcast_in_dim3A_397 : i32 to vector<16xi32>
      %add3A_399 = arith.constant 4 : i32
      %add3A_400 = vector.broadcast %add3A_399 : i32 to vector<16xi32>
      %add3A_401 = arith.addi %mul3A_221, %add3A_400 : vector<16xi32>
      %gather3A_402 = tpu.vector_load_idx %arg8[%add3A_401] : memref<8192xf32, #tpu.memory_space<vmem>>[vector<16xi32>], vector<16xf32>,
      %gather3A_403 = tpu.vector_load_idx %arg9[%broadcast_in_dim3A_196, %add3A_215, %broadcast_in_dim3A_398] : memref<4x128x16xf32, #tpu.memory_space<vmem>>[vector<16xi32>, vector<16xi32>, vector<16xi32>], vector<16xf32>,
      %abs3A_404 = math.absf %gather3A_403 : vector<16xf32>
      %neg3A_405 = arith.constant 0.000000e+00 : f32
      %neg3A_406 = vector.broadcast %neg3A_405 : f32 to vector<16xf32>
      %neg3A_407 = arith.subf %neg3A_406, %abs3A_404 : vector<16xf32>
      %exp3A_408 = math.exp %neg3A_407 : vector<16xf32>
      %broadcast_in_dim3A_409 = arith.constant -0.0174140781 : f32
      %broadcast_in_dim3A_410 = vector.broadcast %broadcast_in_dim3A_409 : f32 to vector<16xf32>
      %mul3A_411 = arith.mulf %broadcast_in_dim3A_410, %exp3A_408 : vector<16xf32>
      %add3A_412 = arith.constant 0.0826912373 : f32
      %add3A_413 = vector.broadcast %add3A_412 : f32 to vector<16xf32>
      %add3A_414 = arith.addf %mul3A_411, %add3A_413 : vector<16xf32>
      %mul3A_415 = arith.mulf %add3A_414, %exp3A_408 : vector<16xf32>
      %add3A_416 = arith.constant -0.190354332 : f32
      %add3A_417 = vector.broadcast %add3A_416 : f32 to vector<16xf32>
      %add3A_418 = arith.addf %mul3A_415, %add3A_417 : vector<16xf32>
      %mul3A_419 = arith.mulf %add3A_418, %exp3A_408 : vector<16xf32>
      %add3A_420 = arith.constant 0.315747321 : f32
      %add3A_421 = vector.broadcast %add3A_420 : f32 to vector<16xf32>
      %add3A_422 = arith.addf %mul3A_419, %add3A_421 : vector<16xf32>
      %mul3A_423 = arith.mulf %add3A_422, %exp3A_408 : vector<16xf32>
      %add3A_424 = arith.constant -0.497373223 : f32
      %add3A_425 = vector.broadcast %add3A_424 : f32 to vector<16xf32>
      %add3A_426 = arith.addf %mul3A_423, %add3A_425 : vector<16xf32>
      %mul3A_427 = arith.mulf %add3A_426, %exp3A_408 : vector<16xf32>
      %add3A_428 = arith.constant 0.99984771 : f32
      %add3A_429 = vector.broadcast %add3A_428 : f32 to vector<16xf32>
      %add3A_430 = arith.addf %mul3A_427, %add3A_429 : vector<16xf32>
      %mul3A_431 = arith.mulf %add3A_430, %exp3A_408 : vector<16xf32>
      %add3A_432 = arith.constant 1.47206504E-6 : f32
      %add3A_433 = vector.broadcast %add3A_432 : f32 to vector<16xf32>
      %add3A_434 = arith.addf %mul3A_431, %add3A_433 : vector<16xf32>
      %max3A_435 = arith.constant 0.000000e+00 : f32
      %max3A_436 = vector.broadcast %max3A_435 : f32 to vector<16xf32>
      %max3A_437 = arith.maximumf %gather3A_403, %max3A_436 : vector<16xf32>
      %add3A_438 = arith.addf %max3A_437, %add3A_434 : vector<16xf32>
      %mul3A_439 = arith.mulf %add3A_438, %gather3A_402 : vector<16xf32>
      %add3A_440 = arith.addf %add3A_396, %mul3A_439 : vector<16xf32>
      %broadcast_in_dim3A_441 = arith.constant 5 : i32
      %broadcast_in_dim3A_442 = vector.broadcast %broadcast_in_dim3A_441 : i32 to vector<16xi32>
      %add3A_443 = arith.constant 5 : i32
      %add3A_444 = vector.broadcast %add3A_443 : i32 to vector<16xi32>
      %add3A_445 = arith.addi %mul3A_221, %add3A_444 : vector<16xi32>
      %gather3A_446 = tpu.vector_load_idx %arg8[%add3A_445] : memref<8192xf32, #tpu.memory_space<vmem>>[vector<16xi32>], vector<16xf32>,
      %gather3A_447 = tpu.vector_load_idx %arg9[%broadcast_in_dim3A_196, %add3A_215, %broadcast_in_dim3A_442] : memref<4x128x16xf32, #tpu.memory_space<vmem>>[vector<16xi32>, vector<16xi32>, vector<16xi32>], vector<16xf32>,
      %abs3A_448 = math.absf %gather3A_447 : vector<16xf32>
      %neg3A_449 = arith.constant 0.000000e+00 : f32
      %neg3A_450 = vector.broadcast %neg3A_449 : f32 to vector<16xf32>
      %neg3A_451 = arith.subf %neg3A_450, %abs3A_448 : vector<16xf32>
      %exp3A_452 = math.exp %neg3A_451 : vector<16xf32>
      %broadcast_in_dim3A_453 = arith.constant -0.0174140781 : f32
      %broadcast_in_dim3A_454 = vector.broadcast %broadcast_in_dim3A_453 : f32 to vector<16xf32>
      %mul3A_455 = arith.mulf %broadcast_in_dim3A_454, %exp3A_452 : vector<16xf32>
      %add3A_456 = arith.constant 0.0826912373 : f32
      %add3A_457 = vector.broadcast %add3A_456 : f32 to vector<16xf32>
      %add3A_458 = arith.addf %mul3A_455, %add3A_457 : vector<16xf32>
      %mul3A_459 = arith.mulf %add3A_458, %exp3A_452 : vector<16xf32>
      %add3A_460 = arith.constant -0.190354332 : f32
      %add3A_461 = vector.broadcast %add3A_460 : f32 to vector<16xf32>
      %add3A_462 = arith.addf %mul3A_459, %add3A_461 : vector<16xf32>
      %mul3A_463 = arith.mulf %add3A_462, %exp3A_452 : vector<16xf32>
      %add3A_464 = arith.constant 0.315747321 : f32
      %add3A_465 = vector.broadcast %add3A_464 : f32 to vector<16xf32>
      %add3A_466 = arith.addf %mul3A_463, %add3A_465 : vector<16xf32>
      %mul3A_467 = arith.mulf %add3A_466, %exp3A_452 : vector<16xf32>
      %add3A_468 = arith.constant -0.497373223 : f32
      %add3A_469 = vector.broadcast %add3A_468 : f32 to vector<16xf32>
      %add3A_470 = arith.addf %mul3A_467, %add3A_469 : vector<16xf32>
      %mul3A_471 = arith.mulf %add3A_470, %exp3A_452 : vector<16xf32>
      %add3A_472 = arith.constant 0.99984771 : f32
      %add3A_473 = vector.broadcast %add3A_472 : f32 to vector<16xf32>
      %add3A_474 = arith.addf %mul3A_471, %add3A_473 : vector<16xf32>
      %mul3A_475 = arith.mulf %add3A_474, %exp3A_452 : vector<16xf32>
      %add3A_476 = arith.constant 1.47206504E-6 : f32
      %add3A_477 = vector.broadcast %add3A_476 : f32 to vector<16xf32>
      %add3A_478 = arith.addf %mul3A_475, %add3A_477 : vector<16xf32>
      %max3A_479 = arith.constant 0.000000e+00 : f32
      %max3A_480 = vector.broadcast %max3A_479 : f32 to vector<16xf32>
      %max3A_481 = arith.maximumf %gather3A_447, %max3A_480 : vector<16xf32>
      %add3A_482 = arith.addf %max3A_481, %add3A_478 : vector<16xf32>
      %mul3A_483 = arith.mulf %add3A_482, %gather3A_446 : vector<16xf32>
      %add3A_484 = arith.addf %add3A_440, %mul3A_483 : vector<16xf32>
      %broadcast_in_dim3A_485 = arith.constant 6 : i32
      %broadcast_in_dim3A_486 = vector.broadcast %broadcast_in_dim3A_485 : i32 to vector<16xi32>
      %add3A_487 = arith.constant 6 : i32
      %add3A_488 = vector.broadcast %add3A_487 : i32 to vector<16xi32>
      %add3A_489 = arith.addi %mul3A_221, %add3A_488 : vector<16xi32>
      %gather3A_490 = tpu.vector_load_idx %arg8[%add3A_489] : memref<8192xf32, #tpu.memory_space<vmem>>[vector<16xi32>], vector<16xf32>,
      %gather3A_491 = tpu.vector_load_idx %arg9[%broadcast_in_dim3A_196, %add3A_215, %broadcast_in_dim3A_486] : memref<4x128x16xf32, #tpu.memory_space<vmem>>[vector<16xi32>, vector<16xi32>, vector<16xi32>], vector<16xf32>,
      %abs3A_492 = math.absf %gather3A_491 : vector<16xf32>
      %neg3A_493 = arith.constant 0.000000e+00 : f32
      %neg3A_494 = vector.broadcast %neg3A_493 : f32 to vector<16xf32>
      %neg3A_495 = arith.subf %neg3A_494, %abs3A_492 : vector<16xf32>
      %exp3A_496 = math.exp %neg3A_495 : vector<16xf32>
      %broadcast_in_dim3A_497 = arith.constant -0.0174140781 : f32
      %broadcast_in_dim3A_498 = vector.broadcast %broadcast_in_dim3A_497 : f32 to vector<16xf32>
      %mul3A_499 = arith.mulf %broadcast_in_dim3A_498, %exp3A_496 : vector<16xf32>
      %add3A_500 = arith.constant 0.0826912373 : f32
      %add3A_501 = vector.broadcast %add3A_500 : f32 to vector<16xf32>
      %add3A_502 = arith.addf %mul3A_499, %add3A_501 : vector<16xf32>
      %mul3A_503 = arith.mulf %add3A_502, %exp3A_496 : vector<16xf32>
      %add3A_504 = arith.constant -0.190354332 : f32
      %add3A_505 = vector.broadcast %add3A_504 : f32 to vector<16xf32>
      %add3A_506 = arith.addf %mul3A_503, %add3A_505 : vector<16xf32>
      %mul3A_507 = arith.mulf %add3A_506, %exp3A_496 : vector<16xf32>
      %add3A_508 = arith.constant 0.315747321 : f32
      %add3A_509 = vector.broadcast %add3A_508 : f32 to vector<16xf32>
      %add3A_510 = arith.addf %mul3A_507, %add3A_509 : vector<16xf32>
      %mul3A_511 = arith.mulf %add3A_510, %exp3A_496 : vector<16xf32>
      %add3A_512 = arith.constant -0.497373223 : f32
      %add3A_513 = vector.broadcast %add3A_512 : f32 to vector<16xf32>
      %add3A_514 = arith.addf %mul3A_511, %add3A_513 : vector<16xf32>
      %mul3A_515 = arith.mulf %add3A_514, %exp3A_496 : vector<16xf32>
      %add3A_516 = arith.constant 0.99984771 : f32
      %add3A_517 = vector.broadcast %add3A_516 : f32 to vector<16xf32>
      %add3A_518 = arith.addf %mul3A_515, %add3A_517 : vector<16xf32>
      %mul3A_519 = arith.mulf %add3A_518, %exp3A_496 : vector<16xf32>
      %add3A_520 = arith.constant 1.47206504E-6 : f32
      %add3A_521 = vector.broadcast %add3A_520 : f32 to vector<16xf32>
      %add3A_522 = arith.addf %mul3A_519, %add3A_521 : vector<16xf32>
      %max3A_523 = arith.constant 0.000000e+00 : f32
      %max3A_524 = vector.broadcast %max3A_523 : f32 to vector<16xf32>
      %max3A_525 = arith.maximumf %gather3A_491, %max3A_524 : vector<16xf32>
      %add3A_526 = arith.addf %max3A_525, %add3A_522 : vector<16xf32>
      %mul3A_527 = arith.mulf %add3A_526, %gather3A_490 : vector<16xf32>
      %add3A_528 = arith.addf %add3A_484, %mul3A_527 : vector<16xf32>
      %broadcast_in_dim3A_529 = arith.constant 7 : i32
      %broadcast_in_dim3A_530 = vector.broadcast %broadcast_in_dim3A_529 : i32 to vector<16xi32>
      %add3A_531 = arith.constant 7 : i32
      %add3A_532 = vector.broadcast %add3A_531 : i32 to vector<16xi32>
      %add3A_533 = arith.addi %mul3A_221, %add3A_532 : vector<16xi32>
      %gather3A_534 = tpu.vector_load_idx %arg8[%add3A_533] : memref<8192xf32, #tpu.memory_space<vmem>>[vector<16xi32>], vector<16xf32>,
      %gather3A_535 = tpu.vector_load_idx %arg9[%broadcast_in_dim3A_196, %add3A_215, %broadcast_in_dim3A_530] : memref<4x128x16xf32, #tpu.memory_space<vmem>>[vector<16xi32>, vector<16xi32>, vector<16xi32>], vector<16xf32>,
      %abs3A_536 = math.absf %gather3A_535 : vector<16xf32>
      %neg3A_537 = arith.constant 0.000000e+00 : f32
      %neg3A_538 = vector.broadcast %neg3A_537 : f32 to vector<16xf32>
      %neg3A_539 = arith.subf %neg3A_538, %abs3A_536 : vector<16xf32>
      %exp3A_540 = math.exp %neg3A_539 : vector<16xf32>
      %broadcast_in_dim3A_541 = arith.constant -0.0174140781 : f32
      %broadcast_in_dim3A_542 = vector.broadcast %broadcast_in_dim3A_541 : f32 to vector<16xf32>
      %mul3A_543 = arith.mulf %broadcast_in_dim3A_542, %exp3A_540 : vector<16xf32>
      %add3A_544 = arith.constant 0.0826912373 : f32
      %add3A_545 = vector.broadcast %add3A_544 : f32 to vector<16xf32>
      %add3A_546 = arith.addf %mul3A_543, %add3A_545 : vector<16xf32>
      %mul3A_547 = arith.mulf %add3A_546, %exp3A_540 : vector<16xf32>
      %add3A_548 = arith.constant -0.190354332 : f32
      %add3A_549 = vector.broadcast %add3A_548 : f32 to vector<16xf32>
      %add3A_550 = arith.addf %mul3A_547, %add3A_549 : vector<16xf32>
      %mul3A_551 = arith.mulf %add3A_550, %exp3A_540 : vector<16xf32>
      %add3A_552 = arith.constant 0.315747321 : f32
      %add3A_553 = vector.broadcast %add3A_552 : f32 to vector<16xf32>
      %add3A_554 = arith.addf %mul3A_551, %add3A_553 : vector<16xf32>
      %mul3A_555 = arith.mulf %add3A_554, %exp3A_540 : vector<16xf32>
      %add3A_556 = arith.constant -0.497373223 : f32
      %add3A_557 = vector.broadcast %add3A_556 : f32 to vector<16xf32>
      %add3A_558 = arith.addf %mul3A_555, %add3A_557 : vector<16xf32>
      %mul3A_559 = arith.mulf %add3A_558, %exp3A_540 : vector<16xf32>
      %add3A_560 = arith.constant 0.99984771 : f32
      %add3A_561 = vector.broadcast %add3A_560 : f32 to vector<16xf32>
      %add3A_562 = arith.addf %mul3A_559, %add3A_561 : vector<16xf32>
      %mul3A_563 = arith.mulf %add3A_562, %exp3A_540 : vector<16xf32>
      %add3A_564 = arith.constant 1.47206504E-6 : f32
      %add3A_565 = vector.broadcast %add3A_564 : f32 to vector<16xf32>
      %add3A_566 = arith.addf %mul3A_563, %add3A_565 : vector<16xf32>
      %max3A_567 = arith.constant 0.000000e+00 : f32
      %max3A_568 = vector.broadcast %max3A_567 : f32 to vector<16xf32>
      %max3A_569 = arith.maximumf %gather3A_535, %max3A_568 : vector<16xf32>
      %add3A_570 = arith.addf %max3A_569, %add3A_566 : vector<16xf32>
      %mul3A_571 = arith.mulf %add3A_570, %gather3A_534 : vector<16xf32>
      %add3A_572 = arith.addf %add3A_528, %mul3A_571 : vector<16xf32>
      %broadcast_in_dim3A_573 = arith.constant 8 : i32
      %broadcast_in_dim3A_574 = vector.broadcast %broadcast_in_dim3A_573 : i32 to vector<16xi32>
      %add3A_575 = arith.constant 8 : i32
      %add3A_576 = vector.broadcast %add3A_575 : i32 to vector<16xi32>
      %add3A_577 = arith.addi %mul3A_221, %add3A_576 : vector<16xi32>
      %gather3A_578 = tpu.vector_load_idx %arg8[%add3A_577] : memref<8192xf32, #tpu.memory_space<vmem>>[vector<16xi32>], vector<16xf32>,
      %gather3A_579 = tpu.vector_load_idx %arg9[%broadcast_in_dim3A_196, %add3A_215, %broadcast_in_dim3A_574] : memref<4x128x16xf32, #tpu.memory_space<vmem>>[vector<16xi32>, vector<16xi32>, vector<16xi32>], vector<16xf32>,
      %abs3A_580 = math.absf %gather3A_579 : vector<16xf32>
      %neg3A_581 = arith.constant 0.000000e+00 : f32
      %neg3A_582 = vector.broadcast %neg3A_581 : f32 to vector<16xf32>
      %neg3A_583 = arith.subf %neg3A_582, %abs3A_580 : vector<16xf32>
      %exp3A_584 = math.exp %neg3A_583 : vector<16xf32>
      %broadcast_in_dim3A_585 = arith.constant -0.0174140781 : f32
      %broadcast_in_dim3A_586 = vector.broadcast %broadcast_in_dim3A_585 : f32 to vector<16xf32>
      %mul3A_587 = arith.mulf %broadcast_in_dim3A_586, %exp3A_584 : vector<16xf32>
      %add3A_588 = arith.constant 0.0826912373 : f32
      %add3A_589 = vector.broadcast %add3A_588 : f32 to vector<16xf32>
      %add3A_590 = arith.addf %mul3A_587, %add3A_589 : vector<16xf32>
      %mul3A_591 = arith.mulf %add3A_590, %exp3A_584 : vector<16xf32>
      %add3A_592 = arith.constant -0.190354332 : f32
      %add3A_593 = vector.broadcast %add3A_592 : f32 to vector<16xf32>
      %add3A_594 = arith.addf %mul3A_591, %add3A_593 : vector<16xf32>
      %mul3A_595 = arith.mulf %add3A_594, %exp3A_584 : vector<16xf32>
      %add3A_596 = arith.constant 0.315747321 : f32
      %add3A_597 = vector.broadcast %add3A_596 : f32 to vector<16xf32>
      %add3A_598 = arith.addf %mul3A_595, %add3A_597 : vector<16xf32>
      %mul3A_599 = arith.mulf %add3A_598, %exp3A_584 : vector<16xf32>
      %add3A_600 = arith.constant -0.497373223 : f32
      %add3A_601 = vector.broadcast %add3A_600 : f32 to vector<16xf32>
      %add3A_602 = arith.addf %mul3A_599, %add3A_601 : vector<16xf32>
      %mul3A_603 = arith.mulf %add3A_602, %exp3A_584 : vector<16xf32>
      %add3A_604 = arith.constant 0.99984771 : f32
      %add3A_605 = vector.broadcast %add3A_604 : f32 to vector<16xf32>
      %add3A_606 = arith.addf %mul3A_603, %add3A_605 : vector<16xf32>
      %mul3A_607 = arith.mulf %add3A_606, %exp3A_584 : vector<16xf32>
      %add3A_608 = arith.constant 1.47206504E-6 : f32
      %add3A_609 = vector.broadcast %add3A_608 : f32 to vector<16xf32>
      %add3A_610 = arith.addf %mul3A_607, %add3A_609 : vector<16xf32>
      %max3A_611 = arith.constant 0.000000e+00 : f32
      %max3A_612 = vector.broadcast %max3A_611 : f32 to vector<16xf32>
      %max3A_613 = arith.maximumf %gather3A_579, %max3A_612 : vector<16xf32>
      %add3A_614 = arith.addf %max3A_613, %add3A_610 : vector<16xf32>
      %mul3A_615 = arith.mulf %add3A_614, %gather3A_578 : vector<16xf32>
      %add3A_616 = arith.addf %add3A_572, %mul3A_615 : vector<16xf32>
      %broadcast_in_dim3A_617 = arith.constant 9 : i32
      %broadcast_in_dim3A_618 = vector.broadcast %broadcast_in_dim3A_617 : i32 to vector<16xi32>
      %add3A_619 = arith.constant 9 : i32
      %add3A_620 = vector.broadcast %add3A_619 : i32 to vector<16xi32>
      %add3A_621 = arith.addi %mul3A_221, %add3A_620 : vector<16xi32>
      %gather3A_622 = tpu.vector_load_idx %arg8[%add3A_621] : memref<8192xf32, #tpu.memory_space<vmem>>[vector<16xi32>], vector<16xf32>,
      %gather3A_623 = tpu.vector_load_idx %arg9[%broadcast_in_dim3A_196, %add3A_215, %broadcast_in_dim3A_618] : memref<4x128x16xf32, #tpu.memory_space<vmem>>[vector<16xi32>, vector<16xi32>, vector<16xi32>], vector<16xf32>,
      %abs3A_624 = math.absf %gather3A_623 : vector<16xf32>
      %neg3A_625 = arith.constant 0.000000e+00 : f32
      %neg3A_626 = vector.broadcast %neg3A_625 : f32 to vector<16xf32>
      %neg3A_627 = arith.subf %neg3A_626, %abs3A_624 : vector<16xf32>
      %exp3A_628 = math.exp %neg3A_627 : vector<16xf32>
      %broadcast_in_dim3A_629 = arith.constant -0.0174140781 : f32
      %broadcast_in_dim3A_630 = vector.broadcast %broadcast_in_dim3A_629 : f32 to vector<16xf32>
      %mul3A_631 = arith.mulf %broadcast_in_dim3A_630, %exp3A_628 : vector<16xf32>
      %add3A_632 = arith.constant 0.0826912373 : f32
      %add3A_633 = vector.broadcast %add3A_632 : f32 to vector<16xf32>
      %add3A_634 = arith.addf %mul3A_631, %add3A_633 : vector<16xf32>
      %mul3A_635 = arith.mulf %add3A_634, %exp3A_628 : vector<16xf32>
      %add3A_636 = arith.constant -0.190354332 : f32
      %add3A_637 = vector.broadcast %add3A_636 : f32 to vector<16xf32>
      %add3A_638 = arith.addf %mul3A_635, %add3A_637 : vector<16xf32>
      %mul3A_639 = arith.mulf %add3A_638, %exp3A_628 : vector<16xf32>
      %add3A_640 = arith.constant 0.315747321 : f32
      %add3A_641 = vector.broadcast %add3A_640 : f32 to vector<16xf32>
      %add3A_642 = arith.addf %mul3A_639, %add3A_641 : vector<16xf32>
      %mul3A_643 = arith.mulf %add3A_642, %exp3A_628 : vector<16xf32>
      %add3A_644 = arith.constant -0.497373223 : f32
      %add3A_645 = vector.broadcast %add3A_644 : f32 to vector<16xf32>
      %add3A_646 = arith.addf %mul3A_643, %add3A_645 : vector<16xf32>
      %mul3A_647 = arith.mulf %add3A_646, %exp3A_628 : vector<16xf32>
      %add3A_648 = arith.constant 0.99984771 : f32
      %add3A_649 = vector.broadcast %add3A_648 : f32 to vector<16xf32>
      %add3A_650 = arith.addf %mul3A_647, %add3A_649 : vector<16xf32>
      %mul3A_651 = arith.mulf %add3A_650, %exp3A_628 : vector<16xf32>
      %add3A_652 = arith.constant 1.47206504E-6 : f32
      %add3A_653 = vector.broadcast %add3A_652 : f32 to vector<16xf32>
      %add3A_654 = arith.addf %mul3A_651, %add3A_653 : vector<16xf32>
      %max3A_655 = arith.constant 0.000000e+00 : f32
      %max3A_656 = vector.broadcast %max3A_655 : f32 to vector<16xf32>
      %max3A_657 = arith.maximumf %gather3A_623, %max3A_656 : vector<16xf32>
      %add3A_658 = arith.addf %max3A_657, %add3A_654 : vector<16xf32>
      %mul3A_659 = arith.mulf %add3A_658, %gather3A_622 : vector<16xf32>
      %add3A_660 = arith.addf %add3A_616, %mul3A_659 : vector<16xf32>
      %broadcast_in_dim3A_661 = arith.constant 10 : i32
      %broadcast_in_dim3A_662 = vector.broadcast %broadcast_in_dim3A_661 : i32 to vector<16xi32>
      %add3A_663 = arith.constant 10 : i32
      %add3A_664 = vector.broadcast %add3A_663 : i32 to vector<16xi32>
      %add3A_665 = arith.addi %mul3A_221, %add3A_664 : vector<16xi32>
      %gather3A_666 = tpu.vector_load_idx %arg8[%add3A_665] : memref<8192xf32, #tpu.memory_space<vmem>>[vector<16xi32>], vector<16xf32>,
      %gather3A_667 = tpu.vector_load_idx %arg9[%broadcast_in_dim3A_196, %add3A_215, %broadcast_in_dim3A_662] : memref<4x128x16xf32, #tpu.memory_space<vmem>>[vector<16xi32>, vector<16xi32>, vector<16xi32>], vector<16xf32>,
      %abs3A_668 = math.absf %gather3A_667 : vector<16xf32>
      %neg3A_669 = arith.constant 0.000000e+00 : f32
      %neg3A_670 = vector.broadcast %neg3A_669 : f32 to vector<16xf32>
      %neg3A_671 = arith.subf %neg3A_670, %abs3A_668 : vector<16xf32>
      %exp3A_672 = math.exp %neg3A_671 : vector<16xf32>
      %broadcast_in_dim3A_673 = arith.constant -0.0174140781 : f32
      %broadcast_in_dim3A_674 = vector.broadcast %broadcast_in_dim3A_673 : f32 to vector<16xf32>
      %mul3A_675 = arith.mulf %broadcast_in_dim3A_674, %exp3A_672 : vector<16xf32>
      %add3A_676 = arith.constant 0.0826912373 : f32
      %add3A_677 = vector.broadcast %add3A_676 : f32 to vector<16xf32>
      %add3A_678 = arith.addf %mul3A_675, %add3A_677 : vector<16xf32>
      %mul3A_679 = arith.mulf %add3A_678, %exp3A_672 : vector<16xf32>
      %add3A_680 = arith.constant -0.190354332 : f32
      %add3A_681 = vector.broadcast %add3A_680 : f32 to vector<16xf32>
      %add3A_682 = arith.addf %mul3A_679, %add3A_681 : vector<16xf32>
      %mul3A_683 = arith.mulf %add3A_682, %exp3A_672 : vector<16xf32>
      %add3A_684 = arith.constant 0.315747321 : f32
      %add3A_685 = vector.broadcast %add3A_684 : f32 to vector<16xf32>
      %add3A_686 = arith.addf %mul3A_683, %add3A_685 : vector<16xf32>
      %mul3A_687 = arith.mulf %add3A_686, %exp3A_672 : vector<16xf32>
      %add3A_688 = arith.constant -0.497373223 : f32
      %add3A_689 = vector.broadcast %add3A_688 : f32 to vector<16xf32>
      %add3A_690 = arith.addf %mul3A_687, %add3A_689 : vector<16xf32>
      %mul3A_691 = arith.mulf %add3A_690, %exp3A_672 : vector<16xf32>
      %add3A_692 = arith.constant 0.99984771 : f32
      %add3A_693 = vector.broadcast %add3A_692 : f32 to vector<16xf32>
      %add3A_694 = arith.addf %mul3A_691, %add3A_693 : vector<16xf32>
      %mul3A_695 = arith.mulf %add3A_694, %exp3A_672 : vector<16xf32>
      %add3A_696 = arith.constant 1.47206504E-6 : f32
      %add3A_697 = vector.broadcast %add3A_696 : f32 to vector<16xf32>
      %add3A_698 = arith.addf %mul3A_695, %add3A_697 : vector<16xf32>
      %max3A_699 = arith.constant 0.000000e+00 : f32
      %max3A_700 = vector.broadcast %max3A_699 : f32 to vector<16xf32>
      %max3A_701 = arith.maximumf %gather3A_667, %max3A_700 : vector<16xf32>
      %add3A_702 = arith.addf %max3A_701, %add3A_698 : vector<16xf32>
      %mul3A_703 = arith.mulf %add3A_702, %gather3A_666 : vector<16xf32>
      %add3A_704 = arith.addf %add3A_660, %mul3A_703 : vector<16xf32>
      %broadcast_in_dim3A_705 = arith.constant 11 : i32
      %broadcast_in_dim3A_706 = vector.broadcast %broadcast_in_dim3A_705 : i32 to vector<16xi32>
      %add3A_707 = arith.constant 11 : i32
      %add3A_708 = vector.broadcast %add3A_707 : i32 to vector<16xi32>
      %add3A_709 = arith.addi %mul3A_221, %add3A_708 : vector<16xi32>
      %gather3A_710 = tpu.vector_load_idx %arg8[%add3A_709] : memref<8192xf32, #tpu.memory_space<vmem>>[vector<16xi32>], vector<16xf32>,
      %gather3A_711 = tpu.vector_load_idx %arg9[%broadcast_in_dim3A_196, %add3A_215, %broadcast_in_dim3A_706] : memref<4x128x16xf32, #tpu.memory_space<vmem>>[vector<16xi32>, vector<16xi32>, vector<16xi32>], vector<16xf32>,
      %abs3A_712 = math.absf %gather3A_711 : vector<16xf32>
      %neg3A_713 = arith.constant 0.000000e+00 : f32
      %neg3A_714 = vector.broadcast %neg3A_713 : f32 to vector<16xf32>
      %neg3A_715 = arith.subf %neg3A_714, %abs3A_712 : vector<16xf32>
      %exp3A_716 = math.exp %neg3A_715 : vector<16xf32>
      %broadcast_in_dim3A_717 = arith.constant -0.0174140781 : f32
      %broadcast_in_dim3A_718 = vector.broadcast %broadcast_in_dim3A_717 : f32 to vector<16xf32>
      %mul3A_719 = arith.mulf %broadcast_in_dim3A_718, %exp3A_716 : vector<16xf32>
      %add3A_720 = arith.constant 0.0826912373 : f32
      %add3A_721 = vector.broadcast %add3A_720 : f32 to vector<16xf32>
      %add3A_722 = arith.addf %mul3A_719, %add3A_721 : vector<16xf32>
      %mul3A_723 = arith.mulf %add3A_722, %exp3A_716 : vector<16xf32>
      %add3A_724 = arith.constant -0.190354332 : f32
      %add3A_725 = vector.broadcast %add3A_724 : f32 to vector<16xf32>
      %add3A_726 = arith.addf %mul3A_723, %add3A_725 : vector<16xf32>
      %mul3A_727 = arith.mulf %add3A_726, %exp3A_716 : vector<16xf32>
      %add3A_728 = arith.constant 0.315747321 : f32
      %add3A_729 = vector.broadcast %add3A_728 : f32 to vector<16xf32>
      %add3A_730 = arith.addf %mul3A_727, %add3A_729 : vector<16xf32>
      %mul3A_731 = arith.mulf %add3A_730, %exp3A_716 : vector<16xf32>
      %add3A_732 = arith.constant -0.497373223 : f32
      %add3A_733 = vector.broadcast %add3A_732 : f32 to vector<16xf32>
      %add3A_734 = arith.addf %mul3A_731, %add3A_733 : vector<16xf32>
      %mul3A_735 = arith.mulf %add3A_734, %exp3A_716 : vector<16xf32>
      %add3A_736 = arith.constant 0.99984771 : f32
      %add3A_737 = vector.broadcast %add3A_736 : f32 to vector<16xf32>
      %add3A_738 = arith.addf %mul3A_735, %add3A_737 : vector<16xf32>
      %mul3A_739 = arith.mulf %add3A_738, %exp3A_716 : vector<16xf32>
      %add3A_740 = arith.constant 1.47206504E-6 : f32
      %add3A_741 = vector.broadcast %add3A_740 : f32 to vector<16xf32>
      %add3A_742 = arith.addf %mul3A_739, %add3A_741 : vector<16xf32>
      %max3A_743 = arith.constant 0.000000e+00 : f32
      %max3A_744 = vector.broadcast %max3A_743 : f32 to vector<16xf32>
      %max3A_745 = arith.maximumf %gather3A_711, %max3A_744 : vector<16xf32>
      %add3A_746 = arith.addf %max3A_745, %add3A_742 : vector<16xf32>
      %mul3A_747 = arith.mulf %add3A_746, %gather3A_710 : vector<16xf32>
      %add3A_748 = arith.addf %add3A_704, %mul3A_747 : vector<16xf32>
      %broadcast_in_dim3A_749 = arith.constant 12 : i32
      %broadcast_in_dim3A_750 = vector.broadcast %broadcast_in_dim3A_749 : i32 to vector<16xi32>
      %add3A_751 = arith.constant 12 : i32
      %add3A_752 = vector.broadcast %add3A_751 : i32 to vector<16xi32>
      %add3A_753 = arith.addi %mul3A_221, %add3A_752 : vector<16xi32>
      %gather3A_754 = tpu.vector_load_idx %arg8[%add3A_753] : memref<8192xf32, #tpu.memory_space<vmem>>[vector<16xi32>], vector<16xf32>,
      %gather3A_755 = tpu.vector_load_idx %arg9[%broadcast_in_dim3A_196, %add3A_215, %broadcast_in_dim3A_750] : memref<4x128x16xf32, #tpu.memory_space<vmem>>[vector<16xi32>, vector<16xi32>, vector<16xi32>], vector<16xf32>,
      %abs3A_756 = math.absf %gather3A_755 : vector<16xf32>
      %neg3A_757 = arith.constant 0.000000e+00 : f32
      %neg3A_758 = vector.broadcast %neg3A_757 : f32 to vector<16xf32>
      %neg3A_759 = arith.subf %neg3A_758, %abs3A_756 : vector<16xf32>
      %exp3A_760 = math.exp %neg3A_759 : vector<16xf32>
      %broadcast_in_dim3A_761 = arith.constant -0.0174140781 : f32
      %broadcast_in_dim3A_762 = vector.broadcast %broadcast_in_dim3A_761 : f32 to vector<16xf32>
      %mul3A_763 = arith.mulf %broadcast_in_dim3A_762, %exp3A_760 : vector<16xf32>
      %add3A_764 = arith.constant 0.0826912373 : f32
      %add3A_765 = vector.broadcast %add3A_764 : f32 to vector<16xf32>
      %add3A_766 = arith.addf %mul3A_763, %add3A_765 : vector<16xf32>
      %mul3A_767 = arith.mulf %add3A_766, %exp3A_760 : vector<16xf32>
      %add3A_768 = arith.constant -0.190354332 : f32
      %add3A_769 = vector.broadcast %add3A_768 : f32 to vector<16xf32>
      %add3A_770 = arith.addf %mul3A_767, %add3A_769 : vector<16xf32>
      %mul3A_771 = arith.mulf %add3A_770, %exp3A_760 : vector<16xf32>
      %add3A_772 = arith.constant 0.315747321 : f32
      %add3A_773 = vector.broadcast %add3A_772 : f32 to vector<16xf32>
      %add3A_774 = arith.addf %mul3A_771, %add3A_773 : vector<16xf32>
      %mul3A_775 = arith.mulf %add3A_774, %exp3A_760 : vector<16xf32>
      %add3A_776 = arith.constant -0.497373223 : f32
      %add3A_777 = vector.broadcast %add3A_776 : f32 to vector<16xf32>
      %add3A_778 = arith.addf %mul3A_775, %add3A_777 : vector<16xf32>
      %mul3A_779 = arith.mulf %add3A_778, %exp3A_760 : vector<16xf32>
      %add3A_780 = arith.constant 0.99984771 : f32
      %add3A_781 = vector.broadcast %add3A_780 : f32 to vector<16xf32>
      %add3A_782 = arith.addf %mul3A_779, %add3A_781 : vector<16xf32>
      %mul3A_783 = arith.mulf %add3A_782, %exp3A_760 : vector<16xf32>
      %add3A_784 = arith.constant 1.47206504E-6 : f32
      %add3A_785 = vector.broadcast %add3A_784 : f32 to vector<16xf32>
      %add3A_786 = arith.addf %mul3A_783, %add3A_785 : vector<16xf32>
      %max3A_787 = arith.constant 0.000000e+00 : f32
      %max3A_788 = vector.broadcast %max3A_787 : f32 to vector<16xf32>
      %max3A_789 = arith.maximumf %gather3A_755, %max3A_788 : vector<16xf32>
      %add3A_790 = arith.addf %max3A_789, %add3A_786 : vector<16xf32>
      %mul3A_791 = arith.mulf %add3A_790, %gather3A_754 : vector<16xf32>
      %add3A_792 = arith.addf %add3A_748, %mul3A_791 : vector<16xf32>
      %broadcast_in_dim3A_793 = arith.constant 13 : i32
      %broadcast_in_dim3A_794 = vector.broadcast %broadcast_in_dim3A_793 : i32 to vector<16xi32>
      %add3A_795 = arith.constant 13 : i32
      %add3A_796 = vector.broadcast %add3A_795 : i32 to vector<16xi32>
      %add3A_797 = arith.addi %mul3A_221, %add3A_796 : vector<16xi32>
      %gather3A_798 = tpu.vector_load_idx %arg8[%add3A_797] : memref<8192xf32, #tpu.memory_space<vmem>>[vector<16xi32>], vector<16xf32>,
      %gather3A_799 = tpu.vector_load_idx %arg9[%broadcast_in_dim3A_196, %add3A_215, %broadcast_in_dim3A_794] : memref<4x128x16xf32, #tpu.memory_space<vmem>>[vector<16xi32>, vector<16xi32>, vector<16xi32>], vector<16xf32>,
      %abs3A_800 = math.absf %gather3A_799 : vector<16xf32>
      %neg3A_801 = arith.constant 0.000000e+00 : f32
      %neg3A_802 = vector.broadcast %neg3A_801 : f32 to vector<16xf32>
      %neg3A_803 = arith.subf %neg3A_802, %abs3A_800 : vector<16xf32>
      %exp3A_804 = math.exp %neg3A_803 : vector<16xf32>
      %broadcast_in_dim3A_805 = arith.constant -0.0174140781 : f32
      %broadcast_in_dim3A_806 = vector.broadcast %broadcast_in_dim3A_805 : f32 to vector<16xf32>
      %mul3A_807 = arith.mulf %broadcast_in_dim3A_806, %exp3A_804 : vector<16xf32>
      %add3A_808 = arith.constant 0.0826912373 : f32
      %add3A_809 = vector.broadcast %add3A_808 : f32 to vector<16xf32>
      %add3A_810 = arith.addf %mul3A_807, %add3A_809 : vector<16xf32>
      %mul3A_811 = arith.mulf %add3A_810, %exp3A_804 : vector<16xf32>
      %add3A_812 = arith.constant -0.190354332 : f32
      %add3A_813 = vector.broadcast %add3A_812 : f32 to vector<16xf32>
      %add3A_814 = arith.addf %mul3A_811, %add3A_813 : vector<16xf32>
      %mul3A_815 = arith.mulf %add3A_814, %exp3A_804 : vector<16xf32>
      %add3A_816 = arith.constant 0.315747321 : f32
      %add3A_817 = vector.broadcast %add3A_816 : f32 to vector<16xf32>
      %add3A_818 = arith.addf %mul3A_815, %add3A_817 : vector<16xf32>
      %mul3A_819 = arith.mulf %add3A_818, %exp3A_804 : vector<16xf32>
      %add3A_820 = arith.constant -0.497373223 : f32
      %add3A_821 = vector.broadcast %add3A_820 : f32 to vector<16xf32>
      %add3A_822 = arith.addf %mul3A_819, %add3A_821 : vector<16xf32>
      %mul3A_823 = arith.mulf %add3A_822, %exp3A_804 : vector<16xf32>
      %add3A_824 = arith.constant 0.99984771 : f32
      %add3A_825 = vector.broadcast %add3A_824 : f32 to vector<16xf32>
      %add3A_826 = arith.addf %mul3A_823, %add3A_825 : vector<16xf32>
      %mul3A_827 = arith.mulf %add3A_826, %exp3A_804 : vector<16xf32>
      %add3A_828 = arith.constant 1.47206504E-6 : f32
      %add3A_829 = vector.broadcast %add3A_828 : f32 to vector<16xf32>
      %add3A_830 = arith.addf %mul3A_827, %add3A_829 : vector<16xf32>
      %max3A_831 = arith.constant 0.000000e+00 : f32
      %max3A_832 = vector.broadcast %max3A_831 : f32 to vector<16xf32>
      %max3A_833 = arith.maximumf %gather3A_799, %max3A_832 : vector<16xf32>
      %add3A_834 = arith.addf %max3A_833, %add3A_830 : vector<16xf32>
      %mul3A_835 = arith.mulf %add3A_834, %gather3A_798 : vector<16xf32>
      %add3A_836 = arith.addf %add3A_792, %mul3A_835 : vector<16xf32>
      %broadcast_in_dim3A_837 = arith.constant 14 : i32
      %broadcast_in_dim3A_838 = vector.broadcast %broadcast_in_dim3A_837 : i32 to vector<16xi32>
      %add3A_839 = arith.constant 14 : i32
      %add3A_840 = vector.broadcast %add3A_839 : i32 to vector<16xi32>
      %add3A_841 = arith.addi %mul3A_221, %add3A_840 : vector<16xi32>
      %gather3A_842 = tpu.vector_load_idx %arg8[%add3A_841] : memref<8192xf32, #tpu.memory_space<vmem>>[vector<16xi32>], vector<16xf32>,
      %gather3A_843 = tpu.vector_load_idx %arg9[%broadcast_in_dim3A_196, %add3A_215, %broadcast_in_dim3A_838] : memref<4x128x16xf32, #tpu.memory_space<vmem>>[vector<16xi32>, vector<16xi32>, vector<16xi32>], vector<16xf32>,
      %abs3A_844 = math.absf %gather3A_843 : vector<16xf32>
      %neg3A_845 = arith.constant 0.000000e+00 : f32
      %neg3A_846 = vector.broadcast %neg3A_845 : f32 to vector<16xf32>
      %neg3A_847 = arith.subf %neg3A_846, %abs3A_844 : vector<16xf32>
      %exp3A_848 = math.exp %neg3A_847 : vector<16xf32>
      %broadcast_in_dim3A_849 = arith.constant -0.0174140781 : f32
      %broadcast_in_dim3A_850 = vector.broadcast %broadcast_in_dim3A_849 : f32 to vector<16xf32>
      %mul3A_851 = arith.mulf %broadcast_in_dim3A_850, %exp3A_848 : vector<16xf32>
      %add3A_852 = arith.constant 0.0826912373 : f32
      %add3A_853 = vector.broadcast %add3A_852 : f32 to vector<16xf32>
      %add3A_854 = arith.addf %mul3A_851, %add3A_853 : vector<16xf32>
      %mul3A_855 = arith.mulf %add3A_854, %exp3A_848 : vector<16xf32>
      %add3A_856 = arith.constant -0.190354332 : f32
      %add3A_857 = vector.broadcast %add3A_856 : f32 to vector<16xf32>
      %add3A_858 = arith.addf %mul3A_855, %add3A_857 : vector<16xf32>
      %mul3A_859 = arith.mulf %add3A_858, %exp3A_848 : vector<16xf32>
      %add3A_860 = arith.constant 0.315747321 : f32
      %add3A_861 = vector.broadcast %add3A_860 : f32 to vector<16xf32>
      %add3A_862 = arith.addf %mul3A_859, %add3A_861 : vector<16xf32>
      %mul3A_863 = arith.mulf %add3A_862, %exp3A_848 : vector<16xf32>
      %add3A_864 = arith.constant -0.497373223 : f32
      %add3A_865 = vector.broadcast %add3A_864 : f32 to vector<16xf32>
      %add3A_866 = arith.addf %mul3A_863, %add3A_865 : vector<16xf32>
      %mul3A_867 = arith.mulf %add3A_866, %exp3A_848 : vector<16xf32>
      %add3A_868 = arith.constant 0.99984771 : f32
      %add3A_869 = vector.broadcast %add3A_868 : f32 to vector<16xf32>
      %add3A_870 = arith.addf %mul3A_867, %add3A_869 : vector<16xf32>
      %mul3A_871 = arith.mulf %add3A_870, %exp3A_848 : vector<16xf32>
      %add3A_872 = arith.constant 1.47206504E-6 : f32
      %add3A_873 = vector.broadcast %add3A_872 : f32 to vector<16xf32>
      %add3A_874 = arith.addf %mul3A_871, %add3A_873 : vector<16xf32>
      %max3A_875 = arith.constant 0.000000e+00 : f32
      %max3A_876 = vector.broadcast %max3A_875 : f32 to vector<16xf32>
      %max3A_877 = arith.maximumf %gather3A_843, %max3A_876 : vector<16xf32>
      %add3A_878 = arith.addf %max3A_877, %add3A_874 : vector<16xf32>
      %mul3A_879 = arith.mulf %add3A_878, %gather3A_842 : vector<16xf32>
      %add3A_880 = arith.addf %add3A_836, %mul3A_879 : vector<16xf32>
      %broadcast_in_dim3A_881 = arith.constant 15 : i32
      %broadcast_in_dim3A_882 = vector.broadcast %broadcast_in_dim3A_881 : i32 to vector<16xi32>
      %add3A_883 = arith.constant 15 : i32
      %add3A_884 = vector.broadcast %add3A_883 : i32 to vector<16xi32>
      %add3A_885 = arith.addi %mul3A_221, %add3A_884 : vector<16xi32>
      %gather3A_886 = tpu.vector_load_idx %arg8[%add3A_885] : memref<8192xf32, #tpu.memory_space<vmem>>[vector<16xi32>], vector<16xf32>,
      %gather3A_887 = tpu.vector_load_idx %arg9[%broadcast_in_dim3A_196, %add3A_215, %broadcast_in_dim3A_882] : memref<4x128x16xf32, #tpu.memory_space<vmem>>[vector<16xi32>, vector<16xi32>, vector<16xi32>], vector<16xf32>,
      %abs3A_888 = math.absf %gather3A_887 : vector<16xf32>
      %neg3A_889 = arith.constant 0.000000e+00 : f32
      %neg3A_890 = vector.broadcast %neg3A_889 : f32 to vector<16xf32>
      %neg3A_891 = arith.subf %neg3A_890, %abs3A_888 : vector<16xf32>
      %exp3A_892 = math.exp %neg3A_891 : vector<16xf32>
      %broadcast_in_dim3A_893 = arith.constant -0.0174140781 : f32
      %broadcast_in_dim3A_894 = vector.broadcast %broadcast_in_dim3A_893 : f32 to vector<16xf32>
      %mul3A_895 = arith.mulf %broadcast_in_dim3A_894, %exp3A_892 : vector<16xf32>
      %add3A_896 = arith.constant 0.0826912373 : f32
      %add3A_897 = vector.broadcast %add3A_896 : f32 to vector<16xf32>
      %add3A_898 = arith.addf %mul3A_895, %add3A_897 : vector<16xf32>
      %mul3A_899 = arith.mulf %add3A_898, %exp3A_892 : vector<16xf32>
      %add3A_900 = arith.constant -0.190354332 : f32
      %add3A_901 = vector.broadcast %add3A_900 : f32 to vector<16xf32>
      %add3A_902 = arith.addf %mul3A_899, %add3A_901 : vector<16xf32>
      %mul3A_903 = arith.mulf %add3A_902, %exp3A_892 : vector<16xf32>
      %add3A_904 = arith.constant 0.315747321 : f32
      %add3A_905 = vector.broadcast %add3A_904 : f32 to vector<16xf32>
      %add3A_906 = arith.addf %mul3A_903, %add3A_905 : vector<16xf32>
      %mul3A_907 = arith.mulf %add3A_906, %exp3A_892 : vector<16xf32>
      %add3A_908 = arith.constant -0.497373223 : f32
      %add3A_909 = vector.broadcast %add3A_908 : f32 to vector<16xf32>
      %add3A_910 = arith.addf %mul3A_907, %add3A_909 : vector<16xf32>
      %mul3A_911 = arith.mulf %add3A_910, %exp3A_892 : vector<16xf32>
      %add3A_912 = arith.constant 0.99984771 : f32
      %add3A_913 = vector.broadcast %add3A_912 : f32 to vector<16xf32>
      %add3A_914 = arith.addf %mul3A_911, %add3A_913 : vector<16xf32>
      %mul3A_915 = arith.mulf %add3A_914, %exp3A_892 : vector<16xf32>
      %add3A_916 = arith.constant 1.47206504E-6 : f32
      %add3A_917 = vector.broadcast %add3A_916 : f32 to vector<16xf32>
      %add3A_918 = arith.addf %mul3A_915, %add3A_917 : vector<16xf32>
      %max3A_919 = arith.constant 0.000000e+00 : f32
      %max3A_920 = vector.broadcast %max3A_919 : f32 to vector<16xf32>
      %max3A_921 = arith.maximumf %gather3A_887, %max3A_920 : vector<16xf32>
      %add3A_922 = arith.addf %max3A_921, %add3A_918 : vector<16xf32>
      %mul3A_923 = arith.mulf %add3A_922, %gather3A_886 : vector<16xf32>
      %add3A_924 = arith.addf %add3A_880, %mul3A_923 : vector<16xf32>
      %neg3A_925 = arith.constant 0.000000e+00 : f32
      %neg3A_926 = vector.broadcast %neg3A_925 : f32 to vector<16xf32>
      %neg3A_927 = arith.subf %neg3A_926, %add3A_924 : vector<16xf32>
      %exp3A_928 = math.exp %neg3A_927 : vector<16xf32>
      %add3A_929 = arith.constant 1.000000e+00 : f32
      %add3A_930 = vector.broadcast %add3A_929 : f32 to vector<16xf32>
      %add3A_931 = arith.addf %add3A_930, %exp3A_928 : vector<16xf32>
      %div3A = arith.constant 1.000000e+00 : f32
      %div3A_932 = vector.broadcast %div3A : f32 to vector<16xf32>
      %div3A_933 = arith.divf %div3A_932, %add3A_931 : vector<16xf32>
      %mul3A_934 = arith.constant 16 : i32
      %mul3A_935 = arith.muli %scan3A_211, %mul3A_934 : i32
      %add3A_936 = arith.constant 256 : i32
      %add3A_937 = arith.addi %add3A_936, %mul3A_935 : i32
      %swap3A = arith.index_cast %add3A_937 : i32 to index
      %swap3A_938 = tpu.vector_load %arg11[%swap3A] {strides = array<i32>} : memref<512xf32, #tpu.memory_space<vmem>>, vector<16xf32>,
      tpu.vector_store %arg11[%swap3A], %div3A_933 {strides = array<i32>} : memref<512xf32, #tpu.memory_space<vmem>>, vector<16xf32>,
    }
    %scan3A_202 = arith.constant 8 : i32
    %broadcast_in_dim3A_203 = arith.constant 3 : i32
    %broadcast_in_dim3A_204 = vector.broadcast %broadcast_in_dim3A_203 : i32 to vector<16xi32>
    %scan3A_205 = arith.constant 0 : i32
    %scan3A_206 = arith.constant 0 : i32
    %scan3A_207 = arith.constant 8 : i32
    %scan3A_208 = arith.addi %scan3A_206, %scan3A_207 : i32
    %scan3A_209 = arith.constant 1 : i32
    scf.for %scan3A_211 = %scan3A_206 to %scan3A_208 step %scan3A_209  : i32 {
      %mul3A_212 = arith.constant 16 : i32
      %mul3A_213 = arith.muli %scan3A_211, %mul3A_212 : i32
      %add3A_214 = vector.broadcast %mul3A_213 : i32 to vector<16xi32>
      %add3A_215 = arith.addi %add3A_214, %iota3A : vector<16xi32>
      %add3A_216 = arith.constant 384 : i32
      %add3A_217 = vector.broadcast %add3A_216 : i32 to vector<16xi32>
      %add3A_218 = arith.addi %add3A_217, %add3A_215 : vector<16xi32>
      %mul3A_219 = arith.constant 16 : i32
      %mul3A_220 = vector.broadcast %mul3A_219 : i32 to vector<16xi32>
      %mul3A_221 = arith.muli %add3A_218, %mul3A_220 : vector<16xi32>
      %gather3A = tpu.vector_load_idx %arg10[%broadcast_in_dim3A_204, %add3A_215] : memref<4x128xf32, #tpu.memory_space<vmem>>[vector<16xi32>, vector<16xi32>], vector<16xf32>,
      %neg3A = arith.constant 0.000000e+00 : f32
      %neg3A_222 = vector.broadcast %neg3A : f32 to vector<16xf32>
      %neg3A_223 = arith.subf %neg3A_222, %gather3A : vector<16xf32>
      %broadcast_in_dim3A_224 = arith.constant 0 : i32
      %broadcast_in_dim3A_225 = vector.broadcast %broadcast_in_dim3A_224 : i32 to vector<16xi32>
      %add3A_226 = arith.constant 0 : i32
      %add3A_227 = vector.broadcast %add3A_226 : i32 to vector<16xi32>
      %add3A_228 = arith.addi %mul3A_221, %add3A_227 : vector<16xi32>
      %gather3A_229 = tpu.vector_load_idx %arg8[%add3A_228] : memref<8192xf32, #tpu.memory_space<vmem>>[vector<16xi32>], vector<16xf32>,
      %gather3A_230 = tpu.vector_load_idx %arg9[%broadcast_in_dim3A_204, %add3A_215, %broadcast_in_dim3A_225] : memref<4x128x16xf32, #tpu.memory_space<vmem>>[vector<16xi32>, vector<16xi32>, vector<16xi32>], vector<16xf32>,
      %abs3A = math.absf %gather3A_230 : vector<16xf32>
      %neg3A_231 = arith.constant 0.000000e+00 : f32
      %neg3A_232 = vector.broadcast %neg3A_231 : f32 to vector<16xf32>
      %neg3A_233 = arith.subf %neg3A_232, %abs3A : vector<16xf32>
      %exp3A = math.exp %neg3A_233 : vector<16xf32>
      %broadcast_in_dim3A_234 = arith.constant -0.0174140781 : f32
      %broadcast_in_dim3A_235 = vector.broadcast %broadcast_in_dim3A_234 : f32 to vector<16xf32>
      %mul3A_236 = arith.mulf %broadcast_in_dim3A_235, %exp3A : vector<16xf32>
      %add3A_237 = arith.constant 0.0826912373 : f32
      %add3A_238 = vector.broadcast %add3A_237 : f32 to vector<16xf32>
      %add3A_239 = arith.addf %mul3A_236, %add3A_238 : vector<16xf32>
      %mul3A_240 = arith.mulf %add3A_239, %exp3A : vector<16xf32>
      %add3A_241 = arith.constant -0.190354332 : f32
      %add3A_242 = vector.broadcast %add3A_241 : f32 to vector<16xf32>
      %add3A_243 = arith.addf %mul3A_240, %add3A_242 : vector<16xf32>
      %mul3A_244 = arith.mulf %add3A_243, %exp3A : vector<16xf32>
      %add3A_245 = arith.constant 0.315747321 : f32
      %add3A_246 = vector.broadcast %add3A_245 : f32 to vector<16xf32>
      %add3A_247 = arith.addf %mul3A_244, %add3A_246 : vector<16xf32>
      %mul3A_248 = arith.mulf %add3A_247, %exp3A : vector<16xf32>
      %add3A_249 = arith.constant -0.497373223 : f32
      %add3A_250 = vector.broadcast %add3A_249 : f32 to vector<16xf32>
      %add3A_251 = arith.addf %mul3A_248, %add3A_250 : vector<16xf32>
      %mul3A_252 = arith.mulf %add3A_251, %exp3A : vector<16xf32>
      %add3A_253 = arith.constant 0.99984771 : f32
      %add3A_254 = vector.broadcast %add3A_253 : f32 to vector<16xf32>
      %add3A_255 = arith.addf %mul3A_252, %add3A_254 : vector<16xf32>
      %mul3A_256 = arith.mulf %add3A_255, %exp3A : vector<16xf32>
      %add3A_257 = arith.constant 1.47206504E-6 : f32
      %add3A_258 = vector.broadcast %add3A_257 : f32 to vector<16xf32>
      %add3A_259 = arith.addf %mul3A_256, %add3A_258 : vector<16xf32>
      %max3A = arith.constant 0.000000e+00 : f32
      %max3A_260 = vector.broadcast %max3A : f32 to vector<16xf32>
      %max3A_261 = arith.maximumf %gather3A_230, %max3A_260 : vector<16xf32>
      %add3A_262 = arith.addf %max3A_261, %add3A_259 : vector<16xf32>
      %mul3A_263 = arith.mulf %add3A_262, %gather3A_229 : vector<16xf32>
      %add3A_264 = arith.addf %neg3A_223, %mul3A_263 : vector<16xf32>
      %broadcast_in_dim3A_265 = arith.constant 1 : i32
      %broadcast_in_dim3A_266 = vector.broadcast %broadcast_in_dim3A_265 : i32 to vector<16xi32>
      %add3A_267 = arith.constant 1 : i32
      %add3A_268 = vector.broadcast %add3A_267 : i32 to vector<16xi32>
      %add3A_269 = arith.addi %mul3A_221, %add3A_268 : vector<16xi32>
      %gather3A_270 = tpu.vector_load_idx %arg8[%add3A_269] : memref<8192xf32, #tpu.memory_space<vmem>>[vector<16xi32>], vector<16xf32>,
      %gather3A_271 = tpu.vector_load_idx %arg9[%broadcast_in_dim3A_204, %add3A_215, %broadcast_in_dim3A_266] : memref<4x128x16xf32, #tpu.memory_space<vmem>>[vector<16xi32>, vector<16xi32>, vector<16xi32>], vector<16xf32>,
      %abs3A_272 = math.absf %gather3A_271 : vector<16xf32>
      %neg3A_273 = arith.constant 0.000000e+00 : f32
      %neg3A_274 = vector.broadcast %neg3A_273 : f32 to vector<16xf32>
      %neg3A_275 = arith.subf %neg3A_274, %abs3A_272 : vector<16xf32>
      %exp3A_276 = math.exp %neg3A_275 : vector<16xf32>
      %broadcast_in_dim3A_277 = arith.constant -0.0174140781 : f32
      %broadcast_in_dim3A_278 = vector.broadcast %broadcast_in_dim3A_277 : f32 to vector<16xf32>
      %mul3A_279 = arith.mulf %broadcast_in_dim3A_278, %exp3A_276 : vector<16xf32>
      %add3A_280 = arith.constant 0.0826912373 : f32
      %add3A_281 = vector.broadcast %add3A_280 : f32 to vector<16xf32>
      %add3A_282 = arith.addf %mul3A_279, %add3A_281 : vector<16xf32>
      %mul3A_283 = arith.mulf %add3A_282, %exp3A_276 : vector<16xf32>
      %add3A_284 = arith.constant -0.190354332 : f32
      %add3A_285 = vector.broadcast %add3A_284 : f32 to vector<16xf32>
      %add3A_286 = arith.addf %mul3A_283, %add3A_285 : vector<16xf32>
      %mul3A_287 = arith.mulf %add3A_286, %exp3A_276 : vector<16xf32>
      %add3A_288 = arith.constant 0.315747321 : f32
      %add3A_289 = vector.broadcast %add3A_288 : f32 to vector<16xf32>
      %add3A_290 = arith.addf %mul3A_287, %add3A_289 : vector<16xf32>
      %mul3A_291 = arith.mulf %add3A_290, %exp3A_276 : vector<16xf32>
      %add3A_292 = arith.constant -0.497373223 : f32
      %add3A_293 = vector.broadcast %add3A_292 : f32 to vector<16xf32>
      %add3A_294 = arith.addf %mul3A_291, %add3A_293 : vector<16xf32>
      %mul3A_295 = arith.mulf %add3A_294, %exp3A_276 : vector<16xf32>
      %add3A_296 = arith.constant 0.99984771 : f32
      %add3A_297 = vector.broadcast %add3A_296 : f32 to vector<16xf32>
      %add3A_298 = arith.addf %mul3A_295, %add3A_297 : vector<16xf32>
      %mul3A_299 = arith.mulf %add3A_298, %exp3A_276 : vector<16xf32>
      %add3A_300 = arith.constant 1.47206504E-6 : f32
      %add3A_301 = vector.broadcast %add3A_300 : f32 to vector<16xf32>
      %add3A_302 = arith.addf %mul3A_299, %add3A_301 : vector<16xf32>
      %max3A_303 = arith.constant 0.000000e+00 : f32
      %max3A_304 = vector.broadcast %max3A_303 : f32 to vector<16xf32>
      %max3A_305 = arith.maximumf %gather3A_271, %max3A_304 : vector<16xf32>
      %add3A_306 = arith.addf %max3A_305, %add3A_302 : vector<16xf32>
      %mul3A_307 = arith.mulf %add3A_306, %gather3A_270 : vector<16xf32>
      %add3A_308 = arith.addf %add3A_264, %mul3A_307 : vector<16xf32>
      %broadcast_in_dim3A_309 = arith.constant 2 : i32
      %broadcast_in_dim3A_310 = vector.broadcast %broadcast_in_dim3A_309 : i32 to vector<16xi32>
      %add3A_311 = arith.constant 2 : i32
      %add3A_312 = vector.broadcast %add3A_311 : i32 to vector<16xi32>
      %add3A_313 = arith.addi %mul3A_221, %add3A_312 : vector<16xi32>
      %gather3A_314 = tpu.vector_load_idx %arg8[%add3A_313] : memref<8192xf32, #tpu.memory_space<vmem>>[vector<16xi32>], vector<16xf32>,
      %gather3A_315 = tpu.vector_load_idx %arg9[%broadcast_in_dim3A_204, %add3A_215, %broadcast_in_dim3A_310] : memref<4x128x16xf32, #tpu.memory_space<vmem>>[vector<16xi32>, vector<16xi32>, vector<16xi32>], vector<16xf32>,
      %abs3A_316 = math.absf %gather3A_315 : vector<16xf32>
      %neg3A_317 = arith.constant 0.000000e+00 : f32
      %neg3A_318 = vector.broadcast %neg3A_317 : f32 to vector<16xf32>
      %neg3A_319 = arith.subf %neg3A_318, %abs3A_316 : vector<16xf32>
      %exp3A_320 = math.exp %neg3A_319 : vector<16xf32>
      %broadcast_in_dim3A_321 = arith.constant -0.0174140781 : f32
      %broadcast_in_dim3A_322 = vector.broadcast %broadcast_in_dim3A_321 : f32 to vector<16xf32>
      %mul3A_323 = arith.mulf %broadcast_in_dim3A_322, %exp3A_320 : vector<16xf32>
      %add3A_324 = arith.constant 0.0826912373 : f32
      %add3A_325 = vector.broadcast %add3A_324 : f32 to vector<16xf32>
      %add3A_326 = arith.addf %mul3A_323, %add3A_325 : vector<16xf32>
      %mul3A_327 = arith.mulf %add3A_326, %exp3A_320 : vector<16xf32>
      %add3A_328 = arith.constant -0.190354332 : f32
      %add3A_329 = vector.broadcast %add3A_328 : f32 to vector<16xf32>
      %add3A_330 = arith.addf %mul3A_327, %add3A_329 : vector<16xf32>
      %mul3A_331 = arith.mulf %add3A_330, %exp3A_320 : vector<16xf32>
      %add3A_332 = arith.constant 0.315747321 : f32
      %add3A_333 = vector.broadcast %add3A_332 : f32 to vector<16xf32>
      %add3A_334 = arith.addf %mul3A_331, %add3A_333 : vector<16xf32>
      %mul3A_335 = arith.mulf %add3A_334, %exp3A_320 : vector<16xf32>
      %add3A_336 = arith.constant -0.497373223 : f32
      %add3A_337 = vector.broadcast %add3A_336 : f32 to vector<16xf32>
      %add3A_338 = arith.addf %mul3A_335, %add3A_337 : vector<16xf32>
      %mul3A_339 = arith.mulf %add3A_338, %exp3A_320 : vector<16xf32>
      %add3A_340 = arith.constant 0.99984771 : f32
      %add3A_341 = vector.broadcast %add3A_340 : f32 to vector<16xf32>
      %add3A_342 = arith.addf %mul3A_339, %add3A_341 : vector<16xf32>
      %mul3A_343 = arith.mulf %add3A_342, %exp3A_320 : vector<16xf32>
      %add3A_344 = arith.constant 1.47206504E-6 : f32
      %add3A_345 = vector.broadcast %add3A_344 : f32 to vector<16xf32>
      %add3A_346 = arith.addf %mul3A_343, %add3A_345 : vector<16xf32>
      %max3A_347 = arith.constant 0.000000e+00 : f32
      %max3A_348 = vector.broadcast %max3A_347 : f32 to vector<16xf32>
      %max3A_349 = arith.maximumf %gather3A_315, %max3A_348 : vector<16xf32>
      %add3A_350 = arith.addf %max3A_349, %add3A_346 : vector<16xf32>
      %mul3A_351 = arith.mulf %add3A_350, %gather3A_314 : vector<16xf32>
      %add3A_352 = arith.addf %add3A_308, %mul3A_351 : vector<16xf32>
      %broadcast_in_dim3A_353 = arith.constant 3 : i32
      %broadcast_in_dim3A_354 = vector.broadcast %broadcast_in_dim3A_353 : i32 to vector<16xi32>
      %add3A_355 = arith.constant 3 : i32
      %add3A_356 = vector.broadcast %add3A_355 : i32 to vector<16xi32>
      %add3A_357 = arith.addi %mul3A_221, %add3A_356 : vector<16xi32>
      %gather3A_358 = tpu.vector_load_idx %arg8[%add3A_357] : memref<8192xf32, #tpu.memory_space<vmem>>[vector<16xi32>], vector<16xf32>,
      %gather3A_359 = tpu.vector_load_idx %arg9[%broadcast_in_dim3A_204, %add3A_215, %broadcast_in_dim3A_354] : memref<4x128x16xf32, #tpu.memory_space<vmem>>[vector<16xi32>, vector<16xi32>, vector<16xi32>], vector<16xf32>,
      %abs3A_360 = math.absf %gather3A_359 : vector<16xf32>
      %neg3A_361 = arith.constant 0.000000e+00 : f32
      %neg3A_362 = vector.broadcast %neg3A_361 : f32 to vector<16xf32>
      %neg3A_363 = arith.subf %neg3A_362, %abs3A_360 : vector<16xf32>
      %exp3A_364 = math.exp %neg3A_363 : vector<16xf32>
      %broadcast_in_dim3A_365 = arith.constant -0.0174140781 : f32
      %broadcast_in_dim3A_366 = vector.broadcast %broadcast_in_dim3A_365 : f32 to vector<16xf32>
      %mul3A_367 = arith.mulf %broadcast_in_dim3A_366, %exp3A_364 : vector<16xf32>
      %add3A_368 = arith.constant 0.0826912373 : f32
      %add3A_369 = vector.broadcast %add3A_368 : f32 to vector<16xf32>
      %add3A_370 = arith.addf %mul3A_367, %add3A_369 : vector<16xf32>
      %mul3A_371 = arith.mulf %add3A_370, %exp3A_364 : vector<16xf32>
      %add3A_372 = arith.constant -0.190354332 : f32
      %add3A_373 = vector.broadcast %add3A_372 : f32 to vector<16xf32>
      %add3A_374 = arith.addf %mul3A_371, %add3A_373 : vector<16xf32>
      %mul3A_375 = arith.mulf %add3A_374, %exp3A_364 : vector<16xf32>
      %add3A_376 = arith.constant 0.315747321 : f32
      %add3A_377 = vector.broadcast %add3A_376 : f32 to vector<16xf32>
      %add3A_378 = arith.addf %mul3A_375, %add3A_377 : vector<16xf32>
      %mul3A_379 = arith.mulf %add3A_378, %exp3A_364 : vector<16xf32>
      %add3A_380 = arith.constant -0.497373223 : f32
      %add3A_381 = vector.broadcast %add3A_380 : f32 to vector<16xf32>
      %add3A_382 = arith.addf %mul3A_379, %add3A_381 : vector<16xf32>
      %mul3A_383 = arith.mulf %add3A_382, %exp3A_364 : vector<16xf32>
      %add3A_384 = arith.constant 0.99984771 : f32
      %add3A_385 = vector.broadcast %add3A_384 : f32 to vector<16xf32>
      %add3A_386 = arith.addf %mul3A_383, %add3A_385 : vector<16xf32>
      %mul3A_387 = arith.mulf %add3A_386, %exp3A_364 : vector<16xf32>
      %add3A_388 = arith.constant 1.47206504E-6 : f32
      %add3A_389 = vector.broadcast %add3A_388 : f32 to vector<16xf32>
      %add3A_390 = arith.addf %mul3A_387, %add3A_389 : vector<16xf32>
      %max3A_391 = arith.constant 0.000000e+00 : f32
      %max3A_392 = vector.broadcast %max3A_391 : f32 to vector<16xf32>
      %max3A_393 = arith.maximumf %gather3A_359, %max3A_392 : vector<16xf32>
      %add3A_394 = arith.addf %max3A_393, %add3A_390 : vector<16xf32>
      %mul3A_395 = arith.mulf %add3A_394, %gather3A_358 : vector<16xf32>
      %add3A_396 = arith.addf %add3A_352, %mul3A_395 : vector<16xf32>
      %broadcast_in_dim3A_397 = arith.constant 4 : i32
      %broadcast_in_dim3A_398 = vector.broadcast %broadcast_in_dim3A_397 : i32 to vector<16xi32>
      %add3A_399 = arith.constant 4 : i32
      %add3A_400 = vector.broadcast %add3A_399 : i32 to vector<16xi32>
      %add3A_401 = arith.addi %mul3A_221, %add3A_400 : vector<16xi32>
      %gather3A_402 = tpu.vector_load_idx %arg8[%add3A_401] : memref<8192xf32, #tpu.memory_space<vmem>>[vector<16xi32>], vector<16xf32>,
      %gather3A_403 = tpu.vector_load_idx %arg9[%broadcast_in_dim3A_204, %add3A_215, %broadcast_in_dim3A_398] : memref<4x128x16xf32, #tpu.memory_space<vmem>>[vector<16xi32>, vector<16xi32>, vector<16xi32>], vector<16xf32>,
      %abs3A_404 = math.absf %gather3A_403 : vector<16xf32>
      %neg3A_405 = arith.constant 0.000000e+00 : f32
      %neg3A_406 = vector.broadcast %neg3A_405 : f32 to vector<16xf32>
      %neg3A_407 = arith.subf %neg3A_406, %abs3A_404 : vector<16xf32>
      %exp3A_408 = math.exp %neg3A_407 : vector<16xf32>
      %broadcast_in_dim3A_409 = arith.constant -0.0174140781 : f32
      %broadcast_in_dim3A_410 = vector.broadcast %broadcast_in_dim3A_409 : f32 to vector<16xf32>
      %mul3A_411 = arith.mulf %broadcast_in_dim3A_410, %exp3A_408 : vector<16xf32>
      %add3A_412 = arith.constant 0.0826912373 : f32
      %add3A_413 = vector.broadcast %add3A_412 : f32 to vector<16xf32>
      %add3A_414 = arith.addf %mul3A_411, %add3A_413 : vector<16xf32>
      %mul3A_415 = arith.mulf %add3A_414, %exp3A_408 : vector<16xf32>
      %add3A_416 = arith.constant -0.190354332 : f32
      %add3A_417 = vector.broadcast %add3A_416 : f32 to vector<16xf32>
      %add3A_418 = arith.addf %mul3A_415, %add3A_417 : vector<16xf32>
      %mul3A_419 = arith.mulf %add3A_418, %exp3A_408 : vector<16xf32>
      %add3A_420 = arith.constant 0.315747321 : f32
      %add3A_421 = vector.broadcast %add3A_420 : f32 to vector<16xf32>
      %add3A_422 = arith.addf %mul3A_419, %add3A_421 : vector<16xf32>
      %mul3A_423 = arith.mulf %add3A_422, %exp3A_408 : vector<16xf32>
      %add3A_424 = arith.constant -0.497373223 : f32
      %add3A_425 = vector.broadcast %add3A_424 : f32 to vector<16xf32>
      %add3A_426 = arith.addf %mul3A_423, %add3A_425 : vector<16xf32>
      %mul3A_427 = arith.mulf %add3A_426, %exp3A_408 : vector<16xf32>
      %add3A_428 = arith.constant 0.99984771 : f32
      %add3A_429 = vector.broadcast %add3A_428 : f32 to vector<16xf32>
      %add3A_430 = arith.addf %mul3A_427, %add3A_429 : vector<16xf32>
      %mul3A_431 = arith.mulf %add3A_430, %exp3A_408 : vector<16xf32>
      %add3A_432 = arith.constant 1.47206504E-6 : f32
      %add3A_433 = vector.broadcast %add3A_432 : f32 to vector<16xf32>
      %add3A_434 = arith.addf %mul3A_431, %add3A_433 : vector<16xf32>
      %max3A_435 = arith.constant 0.000000e+00 : f32
      %max3A_436 = vector.broadcast %max3A_435 : f32 to vector<16xf32>
      %max3A_437 = arith.maximumf %gather3A_403, %max3A_436 : vector<16xf32>
      %add3A_438 = arith.addf %max3A_437, %add3A_434 : vector<16xf32>
      %mul3A_439 = arith.mulf %add3A_438, %gather3A_402 : vector<16xf32>
      %add3A_440 = arith.addf %add3A_396, %mul3A_439 : vector<16xf32>
      %broadcast_in_dim3A_441 = arith.constant 5 : i32
      %broadcast_in_dim3A_442 = vector.broadcast %broadcast_in_dim3A_441 : i32 to vector<16xi32>
      %add3A_443 = arith.constant 5 : i32
      %add3A_444 = vector.broadcast %add3A_443 : i32 to vector<16xi32>
      %add3A_445 = arith.addi %mul3A_221, %add3A_444 : vector<16xi32>
      %gather3A_446 = tpu.vector_load_idx %arg8[%add3A_445] : memref<8192xf32, #tpu.memory_space<vmem>>[vector<16xi32>], vector<16xf32>,
      %gather3A_447 = tpu.vector_load_idx %arg9[%broadcast_in_dim3A_204, %add3A_215, %broadcast_in_dim3A_442] : memref<4x128x16xf32, #tpu.memory_space<vmem>>[vector<16xi32>, vector<16xi32>, vector<16xi32>], vector<16xf32>,
      %abs3A_448 = math.absf %gather3A_447 : vector<16xf32>
      %neg3A_449 = arith.constant 0.000000e+00 : f32
      %neg3A_450 = vector.broadcast %neg3A_449 : f32 to vector<16xf32>
      %neg3A_451 = arith.subf %neg3A_450, %abs3A_448 : vector<16xf32>
      %exp3A_452 = math.exp %neg3A_451 : vector<16xf32>
      %broadcast_in_dim3A_453 = arith.constant -0.0174140781 : f32
      %broadcast_in_dim3A_454 = vector.broadcast %broadcast_in_dim3A_453 : f32 to vector<16xf32>
      %mul3A_455 = arith.mulf %broadcast_in_dim3A_454, %exp3A_452 : vector<16xf32>
      %add3A_456 = arith.constant 0.0826912373 : f32
      %add3A_457 = vector.broadcast %add3A_456 : f32 to vector<16xf32>
      %add3A_458 = arith.addf %mul3A_455, %add3A_457 : vector<16xf32>
      %mul3A_459 = arith.mulf %add3A_458, %exp3A_452 : vector<16xf32>
      %add3A_460 = arith.constant -0.190354332 : f32
      %add3A_461 = vector.broadcast %add3A_460 : f32 to vector<16xf32>
      %add3A_462 = arith.addf %mul3A_459, %add3A_461 : vector<16xf32>
      %mul3A_463 = arith.mulf %add3A_462, %exp3A_452 : vector<16xf32>
      %add3A_464 = arith.constant 0.315747321 : f32
      %add3A_465 = vector.broadcast %add3A_464 : f32 to vector<16xf32>
      %add3A_466 = arith.addf %mul3A_463, %add3A_465 : vector<16xf32>
      %mul3A_467 = arith.mulf %add3A_466, %exp3A_452 : vector<16xf32>
      %add3A_468 = arith.constant -0.497373223 : f32
      %add3A_469 = vector.broadcast %add3A_468 : f32 to vector<16xf32>
      %add3A_470 = arith.addf %mul3A_467, %add3A_469 : vector<16xf32>
      %mul3A_471 = arith.mulf %add3A_470, %exp3A_452 : vector<16xf32>
      %add3A_472 = arith.constant 0.99984771 : f32
      %add3A_473 = vector.broadcast %add3A_472 : f32 to vector<16xf32>
      %add3A_474 = arith.addf %mul3A_471, %add3A_473 : vector<16xf32>
      %mul3A_475 = arith.mulf %add3A_474, %exp3A_452 : vector<16xf32>
      %add3A_476 = arith.constant 1.47206504E-6 : f32
      %add3A_477 = vector.broadcast %add3A_476 : f32 to vector<16xf32>
      %add3A_478 = arith.addf %mul3A_475, %add3A_477 : vector<16xf32>
      %max3A_479 = arith.constant 0.000000e+00 : f32
      %max3A_480 = vector.broadcast %max3A_479 : f32 to vector<16xf32>
      %max3A_481 = arith.maximumf %gather3A_447, %max3A_480 : vector<16xf32>
      %add3A_482 = arith.addf %max3A_481, %add3A_478 : vector<16xf32>
      %mul3A_483 = arith.mulf %add3A_482, %gather3A_446 : vector<16xf32>
      %add3A_484 = arith.addf %add3A_440, %mul3A_483 : vector<16xf32>
      %broadcast_in_dim3A_485 = arith.constant 6 : i32
      %broadcast_in_dim3A_486 = vector.broadcast %broadcast_in_dim3A_485 : i32 to vector<16xi32>
      %add3A_487 = arith.constant 6 : i32
      %add3A_488 = vector.broadcast %add3A_487 : i32 to vector<16xi32>
      %add3A_489 = arith.addi %mul3A_221, %add3A_488 : vector<16xi32>
      %gather3A_490 = tpu.vector_load_idx %arg8[%add3A_489] : memref<8192xf32, #tpu.memory_space<vmem>>[vector<16xi32>], vector<16xf32>,
      %gather3A_491 = tpu.vector_load_idx %arg9[%broadcast_in_dim3A_204, %add3A_215, %broadcast_in_dim3A_486] : memref<4x128x16xf32, #tpu.memory_space<vmem>>[vector<16xi32>, vector<16xi32>, vector<16xi32>], vector<16xf32>,
      %abs3A_492 = math.absf %gather3A_491 : vector<16xf32>
      %neg3A_493 = arith.constant 0.000000e+00 : f32
      %neg3A_494 = vector.broadcast %neg3A_493 : f32 to vector<16xf32>
      %neg3A_495 = arith.subf %neg3A_494, %abs3A_492 : vector<16xf32>
      %exp3A_496 = math.exp %neg3A_495 : vector<16xf32>
      %broadcast_in_dim3A_497 = arith.constant -0.0174140781 : f32
      %broadcast_in_dim3A_498 = vector.broadcast %broadcast_in_dim3A_497 : f32 to vector<16xf32>
      %mul3A_499 = arith.mulf %broadcast_in_dim3A_498, %exp3A_496 : vector<16xf32>
      %add3A_500 = arith.constant 0.0826912373 : f32
      %add3A_501 = vector.broadcast %add3A_500 : f32 to vector<16xf32>
      %add3A_502 = arith.addf %mul3A_499, %add3A_501 : vector<16xf32>
      %mul3A_503 = arith.mulf %add3A_502, %exp3A_496 : vector<16xf32>
      %add3A_504 = arith.constant -0.190354332 : f32
      %add3A_505 = vector.broadcast %add3A_504 : f32 to vector<16xf32>
      %add3A_506 = arith.addf %mul3A_503, %add3A_505 : vector<16xf32>
      %mul3A_507 = arith.mulf %add3A_506, %exp3A_496 : vector<16xf32>
      %add3A_508 = arith.constant 0.315747321 : f32
      %add3A_509 = vector.broadcast %add3A_508 : f32 to vector<16xf32>
      %add3A_510 = arith.addf %mul3A_507, %add3A_509 : vector<16xf32>
      %mul3A_511 = arith.mulf %add3A_510, %exp3A_496 : vector<16xf32>
      %add3A_512 = arith.constant -0.497373223 : f32
      %add3A_513 = vector.broadcast %add3A_512 : f32 to vector<16xf32>
      %add3A_514 = arith.addf %mul3A_511, %add3A_513 : vector<16xf32>
      %mul3A_515 = arith.mulf %add3A_514, %exp3A_496 : vector<16xf32>
      %add3A_516 = arith.constant 0.99984771 : f32
      %add3A_517 = vector.broadcast %add3A_516 : f32 to vector<16xf32>
      %add3A_518 = arith.addf %mul3A_515, %add3A_517 : vector<16xf32>
      %mul3A_519 = arith.mulf %add3A_518, %exp3A_496 : vector<16xf32>
      %add3A_520 = arith.constant 1.47206504E-6 : f32
      %add3A_521 = vector.broadcast %add3A_520 : f32 to vector<16xf32>
      %add3A_522 = arith.addf %mul3A_519, %add3A_521 : vector<16xf32>
      %max3A_523 = arith.constant 0.000000e+00 : f32
      %max3A_524 = vector.broadcast %max3A_523 : f32 to vector<16xf32>
      %max3A_525 = arith.maximumf %gather3A_491, %max3A_524 : vector<16xf32>
      %add3A_526 = arith.addf %max3A_525, %add3A_522 : vector<16xf32>
      %mul3A_527 = arith.mulf %add3A_526, %gather3A_490 : vector<16xf32>
      %add3A_528 = arith.addf %add3A_484, %mul3A_527 : vector<16xf32>
      %broadcast_in_dim3A_529 = arith.constant 7 : i32
      %broadcast_in_dim3A_530 = vector.broadcast %broadcast_in_dim3A_529 : i32 to vector<16xi32>
      %add3A_531 = arith.constant 7 : i32
      %add3A_532 = vector.broadcast %add3A_531 : i32 to vector<16xi32>
      %add3A_533 = arith.addi %mul3A_221, %add3A_532 : vector<16xi32>
      %gather3A_534 = tpu.vector_load_idx %arg8[%add3A_533] : memref<8192xf32, #tpu.memory_space<vmem>>[vector<16xi32>], vector<16xf32>,
      %gather3A_535 = tpu.vector_load_idx %arg9[%broadcast_in_dim3A_204, %add3A_215, %broadcast_in_dim3A_530] : memref<4x128x16xf32, #tpu.memory_space<vmem>>[vector<16xi32>, vector<16xi32>, vector<16xi32>], vector<16xf32>,
      %abs3A_536 = math.absf %gather3A_535 : vector<16xf32>
      %neg3A_537 = arith.constant 0.000000e+00 : f32
      %neg3A_538 = vector.broadcast %neg3A_537 : f32 to vector<16xf32>
      %neg3A_539 = arith.subf %neg3A_538, %abs3A_536 : vector<16xf32>
      %exp3A_540 = math.exp %neg3A_539 : vector<16xf32>
      %broadcast_in_dim3A_541 = arith.constant -0.0174140781 : f32
      %broadcast_in_dim3A_542 = vector.broadcast %broadcast_in_dim3A_541 : f32 to vector<16xf32>
      %mul3A_543 = arith.mulf %broadcast_in_dim3A_542, %exp3A_540 : vector<16xf32>
      %add3A_544 = arith.constant 0.0826912373 : f32
      %add3A_545 = vector.broadcast %add3A_544 : f32 to vector<16xf32>
      %add3A_546 = arith.addf %mul3A_543, %add3A_545 : vector<16xf32>
      %mul3A_547 = arith.mulf %add3A_546, %exp3A_540 : vector<16xf32>
      %add3A_548 = arith.constant -0.190354332 : f32
      %add3A_549 = vector.broadcast %add3A_548 : f32 to vector<16xf32>
      %add3A_550 = arith.addf %mul3A_547, %add3A_549 : vector<16xf32>
      %mul3A_551 = arith.mulf %add3A_550, %exp3A_540 : vector<16xf32>
      %add3A_552 = arith.constant 0.315747321 : f32
      %add3A_553 = vector.broadcast %add3A_552 : f32 to vector<16xf32>
      %add3A_554 = arith.addf %mul3A_551, %add3A_553 : vector<16xf32>
      %mul3A_555 = arith.mulf %add3A_554, %exp3A_540 : vector<16xf32>
      %add3A_556 = arith.constant -0.497373223 : f32
      %add3A_557 = vector.broadcast %add3A_556 : f32 to vector<16xf32>
      %add3A_558 = arith.addf %mul3A_555, %add3A_557 : vector<16xf32>
      %mul3A_559 = arith.mulf %add3A_558, %exp3A_540 : vector<16xf32>
      %add3A_560 = arith.constant 0.99984771 : f32
      %add3A_561 = vector.broadcast %add3A_560 : f32 to vector<16xf32>
      %add3A_562 = arith.addf %mul3A_559, %add3A_561 : vector<16xf32>
      %mul3A_563 = arith.mulf %add3A_562, %exp3A_540 : vector<16xf32>
      %add3A_564 = arith.constant 1.47206504E-6 : f32
      %add3A_565 = vector.broadcast %add3A_564 : f32 to vector<16xf32>
      %add3A_566 = arith.addf %mul3A_563, %add3A_565 : vector<16xf32>
      %max3A_567 = arith.constant 0.000000e+00 : f32
      %max3A_568 = vector.broadcast %max3A_567 : f32 to vector<16xf32>
      %max3A_569 = arith.maximumf %gather3A_535, %max3A_568 : vector<16xf32>
      %add3A_570 = arith.addf %max3A_569, %add3A_566 : vector<16xf32>
      %mul3A_571 = arith.mulf %add3A_570, %gather3A_534 : vector<16xf32>
      %add3A_572 = arith.addf %add3A_528, %mul3A_571 : vector<16xf32>
      %broadcast_in_dim3A_573 = arith.constant 8 : i32
      %broadcast_in_dim3A_574 = vector.broadcast %broadcast_in_dim3A_573 : i32 to vector<16xi32>
      %add3A_575 = arith.constant 8 : i32
      %add3A_576 = vector.broadcast %add3A_575 : i32 to vector<16xi32>
      %add3A_577 = arith.addi %mul3A_221, %add3A_576 : vector<16xi32>
      %gather3A_578 = tpu.vector_load_idx %arg8[%add3A_577] : memref<8192xf32, #tpu.memory_space<vmem>>[vector<16xi32>], vector<16xf32>,
      %gather3A_579 = tpu.vector_load_idx %arg9[%broadcast_in_dim3A_204, %add3A_215, %broadcast_in_dim3A_574] : memref<4x128x16xf32, #tpu.memory_space<vmem>>[vector<16xi32>, vector<16xi32>, vector<16xi32>], vector<16xf32>,
      %abs3A_580 = math.absf %gather3A_579 : vector<16xf32>
      %neg3A_581 = arith.constant 0.000000e+00 : f32
      %neg3A_582 = vector.broadcast %neg3A_581 : f32 to vector<16xf32>
      %neg3A_583 = arith.subf %neg3A_582, %abs3A_580 : vector<16xf32>
      %exp3A_584 = math.exp %neg3A_583 : vector<16xf32>
      %broadcast_in_dim3A_585 = arith.constant -0.0174140781 : f32
      %broadcast_in_dim3A_586 = vector.broadcast %broadcast_in_dim3A_585 : f32 to vector<16xf32>
      %mul3A_587 = arith.mulf %broadcast_in_dim3A_586, %exp3A_584 : vector<16xf32>
      %add3A_588 = arith.constant 0.0826912373 : f32
      %add3A_589 = vector.broadcast %add3A_588 : f32 to vector<16xf32>
      %add3A_590 = arith.addf %mul3A_587, %add3A_589 : vector<16xf32>
      %mul3A_591 = arith.mulf %add3A_590, %exp3A_584 : vector<16xf32>
      %add3A_592 = arith.constant -0.190354332 : f32
      %add3A_593 = vector.broadcast %add3A_592 : f32 to vector<16xf32>
      %add3A_594 = arith.addf %mul3A_591, %add3A_593 : vector<16xf32>
      %mul3A_595 = arith.mulf %add3A_594, %exp3A_584 : vector<16xf32>
      %add3A_596 = arith.constant 0.315747321 : f32
      %add3A_597 = vector.broadcast %add3A_596 : f32 to vector<16xf32>
      %add3A_598 = arith.addf %mul3A_595, %add3A_597 : vector<16xf32>
      %mul3A_599 = arith.mulf %add3A_598, %exp3A_584 : vector<16xf32>
      %add3A_600 = arith.constant -0.497373223 : f32
      %add3A_601 = vector.broadcast %add3A_600 : f32 to vector<16xf32>
      %add3A_602 = arith.addf %mul3A_599, %add3A_601 : vector<16xf32>
      %mul3A_603 = arith.mulf %add3A_602, %exp3A_584 : vector<16xf32>
      %add3A_604 = arith.constant 0.99984771 : f32
      %add3A_605 = vector.broadcast %add3A_604 : f32 to vector<16xf32>
      %add3A_606 = arith.addf %mul3A_603, %add3A_605 : vector<16xf32>
      %mul3A_607 = arith.mulf %add3A_606, %exp3A_584 : vector<16xf32>
      %add3A_608 = arith.constant 1.47206504E-6 : f32
      %add3A_609 = vector.broadcast %add3A_608 : f32 to vector<16xf32>
      %add3A_610 = arith.addf %mul3A_607, %add3A_609 : vector<16xf32>
      %max3A_611 = arith.constant 0.000000e+00 : f32
      %max3A_612 = vector.broadcast %max3A_611 : f32 to vector<16xf32>
      %max3A_613 = arith.maximumf %gather3A_579, %max3A_612 : vector<16xf32>
      %add3A_614 = arith.addf %max3A_613, %add3A_610 : vector<16xf32>
      %mul3A_615 = arith.mulf %add3A_614, %gather3A_578 : vector<16xf32>
      %add3A_616 = arith.addf %add3A_572, %mul3A_615 : vector<16xf32>
      %broadcast_in_dim3A_617 = arith.constant 9 : i32
      %broadcast_in_dim3A_618 = vector.broadcast %broadcast_in_dim3A_617 : i32 to vector<16xi32>
      %add3A_619 = arith.constant 9 : i32
      %add3A_620 = vector.broadcast %add3A_619 : i32 to vector<16xi32>
      %add3A_621 = arith.addi %mul3A_221, %add3A_620 : vector<16xi32>
      %gather3A_622 = tpu.vector_load_idx %arg8[%add3A_621] : memref<8192xf32, #tpu.memory_space<vmem>>[vector<16xi32>], vector<16xf32>,
      %gather3A_623 = tpu.vector_load_idx %arg9[%broadcast_in_dim3A_204, %add3A_215, %broadcast_in_dim3A_618] : memref<4x128x16xf32, #tpu.memory_space<vmem>>[vector<16xi32>, vector<16xi32>, vector<16xi32>], vector<16xf32>,
      %abs3A_624 = math.absf %gather3A_623 : vector<16xf32>
      %neg3A_625 = arith.constant 0.000000e+00 : f32
      %neg3A_626 = vector.broadcast %neg3A_625 : f32 to vector<16xf32>
      %neg3A_627 = arith.subf %neg3A_626, %abs3A_624 : vector<16xf32>
      %exp3A_628 = math.exp %neg3A_627 : vector<16xf32>
      %broadcast_in_dim3A_629 = arith.constant -0.0174140781 : f32
      %broadcast_in_dim3A_630 = vector.broadcast %broadcast_in_dim3A_629 : f32 to vector<16xf32>
      %mul3A_631 = arith.mulf %broadcast_in_dim3A_630, %exp3A_628 : vector<16xf32>
      %add3A_632 = arith.constant 0.0826912373 : f32
      %add3A_633 = vector.broadcast %add3A_632 : f32 to vector<16xf32>
      %add3A_634 = arith.addf %mul3A_631, %add3A_633 : vector<16xf32>
      %mul3A_635 = arith.mulf %add3A_634, %exp3A_628 : vector<16xf32>
      %add3A_636 = arith.constant -0.190354332 : f32
      %add3A_637 = vector.broadcast %add3A_636 : f32 to vector<16xf32>
      %add3A_638 = arith.addf %mul3A_635, %add3A_637 : vector<16xf32>
      %mul3A_639 = arith.mulf %add3A_638, %exp3A_628 : vector<16xf32>
      %add3A_640 = arith.constant 0.315747321 : f32
      %add3A_641 = vector.broadcast %add3A_640 : f32 to vector<16xf32>
      %add3A_642 = arith.addf %mul3A_639, %add3A_641 : vector<16xf32>
      %mul3A_643 = arith.mulf %add3A_642, %exp3A_628 : vector<16xf32>
      %add3A_644 = arith.constant -0.497373223 : f32
      %add3A_645 = vector.broadcast %add3A_644 : f32 to vector<16xf32>
      %add3A_646 = arith.addf %mul3A_643, %add3A_645 : vector<16xf32>
      %mul3A_647 = arith.mulf %add3A_646, %exp3A_628 : vector<16xf32>
      %add3A_648 = arith.constant 0.99984771 : f32
      %add3A_649 = vector.broadcast %add3A_648 : f32 to vector<16xf32>
      %add3A_650 = arith.addf %mul3A_647, %add3A_649 : vector<16xf32>
      %mul3A_651 = arith.mulf %add3A_650, %exp3A_628 : vector<16xf32>
      %add3A_652 = arith.constant 1.47206504E-6 : f32
      %add3A_653 = vector.broadcast %add3A_652 : f32 to vector<16xf32>
      %add3A_654 = arith.addf %mul3A_651, %add3A_653 : vector<16xf32>
      %max3A_655 = arith.constant 0.000000e+00 : f32
      %max3A_656 = vector.broadcast %max3A_655 : f32 to vector<16xf32>
      %max3A_657 = arith.maximumf %gather3A_623, %max3A_656 : vector<16xf32>
      %add3A_658 = arith.addf %max3A_657, %add3A_654 : vector<16xf32>
      %mul3A_659 = arith.mulf %add3A_658, %gather3A_622 : vector<16xf32>
      %add3A_660 = arith.addf %add3A_616, %mul3A_659 : vector<16xf32>
      %broadcast_in_dim3A_661 = arith.constant 10 : i32
      %broadcast_in_dim3A_662 = vector.broadcast %broadcast_in_dim3A_661 : i32 to vector<16xi32>
      %add3A_663 = arith.constant 10 : i32
      %add3A_664 = vector.broadcast %add3A_663 : i32 to vector<16xi32>
      %add3A_665 = arith.addi %mul3A_221, %add3A_664 : vector<16xi32>
      %gather3A_666 = tpu.vector_load_idx %arg8[%add3A_665] : memref<8192xf32, #tpu.memory_space<vmem>>[vector<16xi32>], vector<16xf32>,
      %gather3A_667 = tpu.vector_load_idx %arg9[%broadcast_in_dim3A_204, %add3A_215, %broadcast_in_dim3A_662] : memref<4x128x16xf32, #tpu.memory_space<vmem>>[vector<16xi32>, vector<16xi32>, vector<16xi32>], vector<16xf32>,
      %abs3A_668 = math.absf %gather3A_667 : vector<16xf32>
      %neg3A_669 = arith.constant 0.000000e+00 : f32
      %neg3A_670 = vector.broadcast %neg3A_669 : f32 to vector<16xf32>
      %neg3A_671 = arith.subf %neg3A_670, %abs3A_668 : vector<16xf32>
      %exp3A_672 = math.exp %neg3A_671 : vector<16xf32>
      %broadcast_in_dim3A_673 = arith.constant -0.0174140781 : f32
      %broadcast_in_dim3A_674 = vector.broadcast %broadcast_in_dim3A_673 : f32 to vector<16xf32>
      %mul3A_675 = arith.mulf %broadcast_in_dim3A_674, %exp3A_672 : vector<16xf32>
      %add3A_676 = arith.constant 0.0826912373 : f32
      %add3A_677 = vector.broadcast %add3A_676 : f32 to vector<16xf32>
      %add3A_678 = arith.addf %mul3A_675, %add3A_677 : vector<16xf32>
      %mul3A_679 = arith.mulf %add3A_678, %exp3A_672 : vector<16xf32>
      %add3A_680 = arith.constant -0.190354332 : f32
      %add3A_681 = vector.broadcast %add3A_680 : f32 to vector<16xf32>
      %add3A_682 = arith.addf %mul3A_679, %add3A_681 : vector<16xf32>
      %mul3A_683 = arith.mulf %add3A_682, %exp3A_672 : vector<16xf32>
      %add3A_684 = arith.constant 0.315747321 : f32
      %add3A_685 = vector.broadcast %add3A_684 : f32 to vector<16xf32>
      %add3A_686 = arith.addf %mul3A_683, %add3A_685 : vector<16xf32>
      %mul3A_687 = arith.mulf %add3A_686, %exp3A_672 : vector<16xf32>
      %add3A_688 = arith.constant -0.497373223 : f32
      %add3A_689 = vector.broadcast %add3A_688 : f32 to vector<16xf32>
      %add3A_690 = arith.addf %mul3A_687, %add3A_689 : vector<16xf32>
      %mul3A_691 = arith.mulf %add3A_690, %exp3A_672 : vector<16xf32>
      %add3A_692 = arith.constant 0.99984771 : f32
      %add3A_693 = vector.broadcast %add3A_692 : f32 to vector<16xf32>
      %add3A_694 = arith.addf %mul3A_691, %add3A_693 : vector<16xf32>
      %mul3A_695 = arith.mulf %add3A_694, %exp3A_672 : vector<16xf32>
      %add3A_696 = arith.constant 1.47206504E-6 : f32
      %add3A_697 = vector.broadcast %add3A_696 : f32 to vector<16xf32>
      %add3A_698 = arith.addf %mul3A_695, %add3A_697 : vector<16xf32>
      %max3A_699 = arith.constant 0.000000e+00 : f32
      %max3A_700 = vector.broadcast %max3A_699 : f32 to vector<16xf32>
      %max3A_701 = arith.maximumf %gather3A_667, %max3A_700 : vector<16xf32>
      %add3A_702 = arith.addf %max3A_701, %add3A_698 : vector<16xf32>
      %mul3A_703 = arith.mulf %add3A_702, %gather3A_666 : vector<16xf32>
      %add3A_704 = arith.addf %add3A_660, %mul3A_703 : vector<16xf32>
      %broadcast_in_dim3A_705 = arith.constant 11 : i32
      %broadcast_in_dim3A_706 = vector.broadcast %broadcast_in_dim3A_705 : i32 to vector<16xi32>
      %add3A_707 = arith.constant 11 : i32
      %add3A_708 = vector.broadcast %add3A_707 : i32 to vector<16xi32>
      %add3A_709 = arith.addi %mul3A_221, %add3A_708 : vector<16xi32>
      %gather3A_710 = tpu.vector_load_idx %arg8[%add3A_709] : memref<8192xf32, #tpu.memory_space<vmem>>[vector<16xi32>], vector<16xf32>,
      %gather3A_711 = tpu.vector_load_idx %arg9[%broadcast_in_dim3A_204, %add3A_215, %broadcast_in_dim3A_706] : memref<4x128x16xf32, #tpu.memory_space<vmem>>[vector<16xi32>, vector<16xi32>, vector<16xi32>], vector<16xf32>,
      %abs3A_712 = math.absf %gather3A_711 : vector<16xf32>
      %neg3A_713 = arith.constant 0.000000e+00 : f32
      %neg3A_714 = vector.broadcast %neg3A_713 : f32 to vector<16xf32>
      %neg3A_715 = arith.subf %neg3A_714, %abs3A_712 : vector<16xf32>
      %exp3A_716 = math.exp %neg3A_715 : vector<16xf32>
      %broadcast_in_dim3A_717 = arith.constant -0.0174140781 : f32
      %broadcast_in_dim3A_718 = vector.broadcast %broadcast_in_dim3A_717 : f32 to vector<16xf32>
      %mul3A_719 = arith.mulf %broadcast_in_dim3A_718, %exp3A_716 : vector<16xf32>
      %add3A_720 = arith.constant 0.0826912373 : f32
      %add3A_721 = vector.broadcast %add3A_720 : f32 to vector<16xf32>
      %add3A_722 = arith.addf %mul3A_719, %add3A_721 : vector<16xf32>
      %mul3A_723 = arith.mulf %add3A_722, %exp3A_716 : vector<16xf32>
      %add3A_724 = arith.constant -0.190354332 : f32
      %add3A_725 = vector.broadcast %add3A_724 : f32 to vector<16xf32>
      %add3A_726 = arith.addf %mul3A_723, %add3A_725 : vector<16xf32>
      %mul3A_727 = arith.mulf %add3A_726, %exp3A_716 : vector<16xf32>
      %add3A_728 = arith.constant 0.315747321 : f32
      %add3A_729 = vector.broadcast %add3A_728 : f32 to vector<16xf32>
      %add3A_730 = arith.addf %mul3A_727, %add3A_729 : vector<16xf32>
      %mul3A_731 = arith.mulf %add3A_730, %exp3A_716 : vector<16xf32>
      %add3A_732 = arith.constant -0.497373223 : f32
      %add3A_733 = vector.broadcast %add3A_732 : f32 to vector<16xf32>
      %add3A_734 = arith.addf %mul3A_731, %add3A_733 : vector<16xf32>
      %mul3A_735 = arith.mulf %add3A_734, %exp3A_716 : vector<16xf32>
      %add3A_736 = arith.constant 0.99984771 : f32
      %add3A_737 = vector.broadcast %add3A_736 : f32 to vector<16xf32>
      %add3A_738 = arith.addf %mul3A_735, %add3A_737 : vector<16xf32>
      %mul3A_739 = arith.mulf %add3A_738, %exp3A_716 : vector<16xf32>
      %add3A_740 = arith.constant 1.47206504E-6 : f32
      %add3A_741 = vector.broadcast %add3A_740 : f32 to vector<16xf32>
      %add3A_742 = arith.addf %mul3A_739, %add3A_741 : vector<16xf32>
      %max3A_743 = arith.constant 0.000000e+00 : f32
      %max3A_744 = vector.broadcast %max3A_743 : f32 to vector<16xf32>
      %max3A_745 = arith.maximumf %gather3A_711, %max3A_744 : vector<16xf32>
      %add3A_746 = arith.addf %max3A_745, %add3A_742 : vector<16xf32>
      %mul3A_747 = arith.mulf %add3A_746, %gather3A_710 : vector<16xf32>
      %add3A_748 = arith.addf %add3A_704, %mul3A_747 : vector<16xf32>
      %broadcast_in_dim3A_749 = arith.constant 12 : i32
      %broadcast_in_dim3A_750 = vector.broadcast %broadcast_in_dim3A_749 : i32 to vector<16xi32>
      %add3A_751 = arith.constant 12 : i32
      %add3A_752 = vector.broadcast %add3A_751 : i32 to vector<16xi32>
      %add3A_753 = arith.addi %mul3A_221, %add3A_752 : vector<16xi32>
      %gather3A_754 = tpu.vector_load_idx %arg8[%add3A_753] : memref<8192xf32, #tpu.memory_space<vmem>>[vector<16xi32>], vector<16xf32>,
      %gather3A_755 = tpu.vector_load_idx %arg9[%broadcast_in_dim3A_204, %add3A_215, %broadcast_in_dim3A_750] : memref<4x128x16xf32, #tpu.memory_space<vmem>>[vector<16xi32>, vector<16xi32>, vector<16xi32>], vector<16xf32>,
      %abs3A_756 = math.absf %gather3A_755 : vector<16xf32>
      %neg3A_757 = arith.constant 0.000000e+00 : f32
      %neg3A_758 = vector.broadcast %neg3A_757 : f32 to vector<16xf32>
      %neg3A_759 = arith.subf %neg3A_758, %abs3A_756 : vector<16xf32>
      %exp3A_760 = math.exp %neg3A_759 : vector<16xf32>
      %broadcast_in_dim3A_761 = arith.constant -0.0174140781 : f32
      %broadcast_in_dim3A_762 = vector.broadcast %broadcast_in_dim3A_761 : f32 to vector<16xf32>
      %mul3A_763 = arith.mulf %broadcast_in_dim3A_762, %exp3A_760 : vector<16xf32>
      %add3A_764 = arith.constant 0.0826912373 : f32
      %add3A_765 = vector.broadcast %add3A_764 : f32 to vector<16xf32>
      %add3A_766 = arith.addf %mul3A_763, %add3A_765 : vector<16xf32>
      %mul3A_767 = arith.mulf %add3A_766, %exp3A_760 : vector<16xf32>
      %add3A_768 = arith.constant -0.190354332 : f32
      %add3A_769 = vector.broadcast %add3A_768 : f32 to vector<16xf32>
      %add3A_770 = arith.addf %mul3A_767, %add3A_769 : vector<16xf32>
      %mul3A_771 = arith.mulf %add3A_770, %exp3A_760 : vector<16xf32>
      %add3A_772 = arith.constant 0.315747321 : f32
      %add3A_773 = vector.broadcast %add3A_772 : f32 to vector<16xf32>
      %add3A_774 = arith.addf %mul3A_771, %add3A_773 : vector<16xf32>
      %mul3A_775 = arith.mulf %add3A_774, %exp3A_760 : vector<16xf32>
      %add3A_776 = arith.constant -0.497373223 : f32
      %add3A_777 = vector.broadcast %add3A_776 : f32 to vector<16xf32>
      %add3A_778 = arith.addf %mul3A_775, %add3A_777 : vector<16xf32>
      %mul3A_779 = arith.mulf %add3A_778, %exp3A_760 : vector<16xf32>
      %add3A_780 = arith.constant 0.99984771 : f32
      %add3A_781 = vector.broadcast %add3A_780 : f32 to vector<16xf32>
      %add3A_782 = arith.addf %mul3A_779, %add3A_781 : vector<16xf32>
      %mul3A_783 = arith.mulf %add3A_782, %exp3A_760 : vector<16xf32>
      %add3A_784 = arith.constant 1.47206504E-6 : f32
      %add3A_785 = vector.broadcast %add3A_784 : f32 to vector<16xf32>
      %add3A_786 = arith.addf %mul3A_783, %add3A_785 : vector<16xf32>
      %max3A_787 = arith.constant 0.000000e+00 : f32
      %max3A_788 = vector.broadcast %max3A_787 : f32 to vector<16xf32>
      %max3A_789 = arith.maximumf %gather3A_755, %max3A_788 : vector<16xf32>
      %add3A_790 = arith.addf %max3A_789, %add3A_786 : vector<16xf32>
      %mul3A_791 = arith.mulf %add3A_790, %gather3A_754 : vector<16xf32>
      %add3A_792 = arith.addf %add3A_748, %mul3A_791 : vector<16xf32>
      %broadcast_in_dim3A_793 = arith.constant 13 : i32
      %broadcast_in_dim3A_794 = vector.broadcast %broadcast_in_dim3A_793 : i32 to vector<16xi32>
      %add3A_795 = arith.constant 13 : i32
      %add3A_796 = vector.broadcast %add3A_795 : i32 to vector<16xi32>
      %add3A_797 = arith.addi %mul3A_221, %add3A_796 : vector<16xi32>
      %gather3A_798 = tpu.vector_load_idx %arg8[%add3A_797] : memref<8192xf32, #tpu.memory_space<vmem>>[vector<16xi32>], vector<16xf32>,
      %gather3A_799 = tpu.vector_load_idx %arg9[%broadcast_in_dim3A_204, %add3A_215, %broadcast_in_dim3A_794] : memref<4x128x16xf32, #tpu.memory_space<vmem>>[vector<16xi32>, vector<16xi32>, vector<16xi32>], vector<16xf32>,
      %abs3A_800 = math.absf %gather3A_799 : vector<16xf32>
      %neg3A_801 = arith.constant 0.000000e+00 : f32
      %neg3A_802 = vector.broadcast %neg3A_801 : f32 to vector<16xf32>
      %neg3A_803 = arith.subf %neg3A_802, %abs3A_800 : vector<16xf32>
      %exp3A_804 = math.exp %neg3A_803 : vector<16xf32>
      %broadcast_in_dim3A_805 = arith.constant -0.0174140781 : f32
      %broadcast_in_dim3A_806 = vector.broadcast %broadcast_in_dim3A_805 : f32 to vector<16xf32>
      %mul3A_807 = arith.mulf %broadcast_in_dim3A_806, %exp3A_804 : vector<16xf32>
      %add3A_808 = arith.constant 0.0826912373 : f32
      %add3A_809 = vector.broadcast %add3A_808 : f32 to vector<16xf32>
      %add3A_810 = arith.addf %mul3A_807, %add3A_809 : vector<16xf32>
      %mul3A_811 = arith.mulf %add3A_810, %exp3A_804 : vector<16xf32>
      %add3A_812 = arith.constant -0.190354332 : f32
      %add3A_813 = vector.broadcast %add3A_812 : f32 to vector<16xf32>
      %add3A_814 = arith.addf %mul3A_811, %add3A_813 : vector<16xf32>
      %mul3A_815 = arith.mulf %add3A_814, %exp3A_804 : vector<16xf32>
      %add3A_816 = arith.constant 0.315747321 : f32
      %add3A_817 = vector.broadcast %add3A_816 : f32 to vector<16xf32>
      %add3A_818 = arith.addf %mul3A_815, %add3A_817 : vector<16xf32>
      %mul3A_819 = arith.mulf %add3A_818, %exp3A_804 : vector<16xf32>
      %add3A_820 = arith.constant -0.497373223 : f32
      %add3A_821 = vector.broadcast %add3A_820 : f32 to vector<16xf32>
      %add3A_822 = arith.addf %mul3A_819, %add3A_821 : vector<16xf32>
      %mul3A_823 = arith.mulf %add3A_822, %exp3A_804 : vector<16xf32>
      %add3A_824 = arith.constant 0.99984771 : f32
      %add3A_825 = vector.broadcast %add3A_824 : f32 to vector<16xf32>
      %add3A_826 = arith.addf %mul3A_823, %add3A_825 : vector<16xf32>
      %mul3A_827 = arith.mulf %add3A_826, %exp3A_804 : vector<16xf32>
      %add3A_828 = arith.constant 1.47206504E-6 : f32
      %add3A_829 = vector.broadcast %add3A_828 : f32 to vector<16xf32>
      %add3A_830 = arith.addf %mul3A_827, %add3A_829 : vector<16xf32>
      %max3A_831 = arith.constant 0.000000e+00 : f32
      %max3A_832 = vector.broadcast %max3A_831 : f32 to vector<16xf32>
      %max3A_833 = arith.maximumf %gather3A_799, %max3A_832 : vector<16xf32>
      %add3A_834 = arith.addf %max3A_833, %add3A_830 : vector<16xf32>
      %mul3A_835 = arith.mulf %add3A_834, %gather3A_798 : vector<16xf32>
      %add3A_836 = arith.addf %add3A_792, %mul3A_835 : vector<16xf32>
      %broadcast_in_dim3A_837 = arith.constant 14 : i32
      %broadcast_in_dim3A_838 = vector.broadcast %broadcast_in_dim3A_837 : i32 to vector<16xi32>
      %add3A_839 = arith.constant 14 : i32
      %add3A_840 = vector.broadcast %add3A_839 : i32 to vector<16xi32>
      %add3A_841 = arith.addi %mul3A_221, %add3A_840 : vector<16xi32>
      %gather3A_842 = tpu.vector_load_idx %arg8[%add3A_841] : memref<8192xf32, #tpu.memory_space<vmem>>[vector<16xi32>], vector<16xf32>,
      %gather3A_843 = tpu.vector_load_idx %arg9[%broadcast_in_dim3A_204, %add3A_215, %broadcast_in_dim3A_838] : memref<4x128x16xf32, #tpu.memory_space<vmem>>[vector<16xi32>, vector<16xi32>, vector<16xi32>], vector<16xf32>,
      %abs3A_844 = math.absf %gather3A_843 : vector<16xf32>
      %neg3A_845 = arith.constant 0.000000e+00 : f32
      %neg3A_846 = vector.broadcast %neg3A_845 : f32 to vector<16xf32>
      %neg3A_847 = arith.subf %neg3A_846, %abs3A_844 : vector<16xf32>
      %exp3A_848 = math.exp %neg3A_847 : vector<16xf32>
      %broadcast_in_dim3A_849 = arith.constant -0.0174140781 : f32
      %broadcast_in_dim3A_850 = vector.broadcast %broadcast_in_dim3A_849 : f32 to vector<16xf32>
      %mul3A_851 = arith.mulf %broadcast_in_dim3A_850, %exp3A_848 : vector<16xf32>
      %add3A_852 = arith.constant 0.0826912373 : f32
      %add3A_853 = vector.broadcast %add3A_852 : f32 to vector<16xf32>
      %add3A_854 = arith.addf %mul3A_851, %add3A_853 : vector<16xf32>
      %mul3A_855 = arith.mulf %add3A_854, %exp3A_848 : vector<16xf32>
      %add3A_856 = arith.constant -0.190354332 : f32
      %add3A_857 = vector.broadcast %add3A_856 : f32 to vector<16xf32>
      %add3A_858 = arith.addf %mul3A_855, %add3A_857 : vector<16xf32>
      %mul3A_859 = arith.mulf %add3A_858, %exp3A_848 : vector<16xf32>
      %add3A_860 = arith.constant 0.315747321 : f32
      %add3A_861 = vector.broadcast %add3A_860 : f32 to vector<16xf32>
      %add3A_862 = arith.addf %mul3A_859, %add3A_861 : vector<16xf32>
      %mul3A_863 = arith.mulf %add3A_862, %exp3A_848 : vector<16xf32>
      %add3A_864 = arith.constant -0.497373223 : f32
      %add3A_865 = vector.broadcast %add3A_864 : f32 to vector<16xf32>
      %add3A_866 = arith.addf %mul3A_863, %add3A_865 : vector<16xf32>
      %mul3A_867 = arith.mulf %add3A_866, %exp3A_848 : vector<16xf32>
      %add3A_868 = arith.constant 0.99984771 : f32
      %add3A_869 = vector.broadcast %add3A_868 : f32 to vector<16xf32>
      %add3A_870 = arith.addf %mul3A_867, %add3A_869 : vector<16xf32>
      %mul3A_871 = arith.mulf %add3A_870, %exp3A_848 : vector<16xf32>
      %add3A_872 = arith.constant 1.47206504E-6 : f32
      %add3A_873 = vector.broadcast %add3A_872 : f32 to vector<16xf32>
      %add3A_874 = arith.addf %mul3A_871, %add3A_873 : vector<16xf32>
      %max3A_875 = arith.constant 0.000000e+00 : f32
      %max3A_876 = vector.broadcast %max3A_875 : f32 to vector<16xf32>
      %max3A_877 = arith.maximumf %gather3A_843, %max3A_876 : vector<16xf32>
      %add3A_878 = arith.addf %max3A_877, %add3A_874 : vector<16xf32>
      %mul3A_879 = arith.mulf %add3A_878, %gather3A_842 : vector<16xf32>
      %add3A_880 = arith.addf %add3A_836, %mul3A_879 : vector<16xf32>
      %broadcast_in_dim3A_881 = arith.constant 15 : i32
      %broadcast_in_dim3A_882 = vector.broadcast %broadcast_in_dim3A_881 : i32 to vector<16xi32>
      %add3A_883 = arith.constant 15 : i32
      %add3A_884 = vector.broadcast %add3A_883 : i32 to vector<16xi32>
      %add3A_885 = arith.addi %mul3A_221, %add3A_884 : vector<16xi32>
      %gather3A_886 = tpu.vector_load_idx %arg8[%add3A_885] : memref<8192xf32, #tpu.memory_space<vmem>>[vector<16xi32>], vector<16xf32>,
      %gather3A_887 = tpu.vector_load_idx %arg9[%broadcast_in_dim3A_204, %add3A_215, %broadcast_in_dim3A_882] : memref<4x128x16xf32, #tpu.memory_space<vmem>>[vector<16xi32>, vector<16xi32>, vector<16xi32>], vector<16xf32>,
      %abs3A_888 = math.absf %gather3A_887 : vector<16xf32>
      %neg3A_889 = arith.constant 0.000000e+00 : f32
      %neg3A_890 = vector.broadcast %neg3A_889 : f32 to vector<16xf32>
      %neg3A_891 = arith.subf %neg3A_890, %abs3A_888 : vector<16xf32>
      %exp3A_892 = math.exp %neg3A_891 : vector<16xf32>
      %broadcast_in_dim3A_893 = arith.constant -0.0174140781 : f32
      %broadcast_in_dim3A_894 = vector.broadcast %broadcast_in_dim3A_893 : f32 to vector<16xf32>
      %mul3A_895 = arith.mulf %broadcast_in_dim3A_894, %exp3A_892 : vector<16xf32>
      %add3A_896 = arith.constant 0.0826912373 : f32
      %add3A_897 = vector.broadcast %add3A_896 : f32 to vector<16xf32>
      %add3A_898 = arith.addf %mul3A_895, %add3A_897 : vector<16xf32>
      %mul3A_899 = arith.mulf %add3A_898, %exp3A_892 : vector<16xf32>
      %add3A_900 = arith.constant -0.190354332 : f32
      %add3A_901 = vector.broadcast %add3A_900 : f32 to vector<16xf32>
      %add3A_902 = arith.addf %mul3A_899, %add3A_901 : vector<16xf32>
      %mul3A_903 = arith.mulf %add3A_902, %exp3A_892 : vector<16xf32>
      %add3A_904 = arith.constant 0.315747321 : f32
      %add3A_905 = vector.broadcast %add3A_904 : f32 to vector<16xf32>
      %add3A_906 = arith.addf %mul3A_903, %add3A_905 : vector<16xf32>
      %mul3A_907 = arith.mulf %add3A_906, %exp3A_892 : vector<16xf32>
      %add3A_908 = arith.constant -0.497373223 : f32
      %add3A_909 = vector.broadcast %add3A_908 : f32 to vector<16xf32>
      %add3A_910 = arith.addf %mul3A_907, %add3A_909 : vector<16xf32>
      %mul3A_911 = arith.mulf %add3A_910, %exp3A_892 : vector<16xf32>
      %add3A_912 = arith.constant 0.99984771 : f32
      %add3A_913 = vector.broadcast %add3A_912 : f32 to vector<16xf32>
      %add3A_914 = arith.addf %mul3A_911, %add3A_913 : vector<16xf32>
      %mul3A_915 = arith.mulf %add3A_914, %exp3A_892 : vector<16xf32>
      %add3A_916 = arith.constant 1.47206504E-6 : f32
      %add3A_917 = vector.broadcast %add3A_916 : f32 to vector<16xf32>
      %add3A_918 = arith.addf %mul3A_915, %add3A_917 : vector<16xf32>
      %max3A_919 = arith.constant 0.000000e+00 : f32
      %max3A_920 = vector.broadcast %max3A_919 : f32 to vector<16xf32>
      %max3A_921 = arith.maximumf %gather3A_887, %max3A_920 : vector<16xf32>
      %add3A_922 = arith.addf %max3A_921, %add3A_918 : vector<16xf32>
      %mul3A_923 = arith.mulf %add3A_922, %gather3A_886 : vector<16xf32>
      %add3A_924 = arith.addf %add3A_880, %mul3A_923 : vector<16xf32>
      %neg3A_925 = arith.constant 0.000000e+00 : f32
      %neg3A_926 = vector.broadcast %neg3A_925 : f32 to vector<16xf32>
      %neg3A_927 = arith.subf %neg3A_926, %add3A_924 : vector<16xf32>
      %exp3A_928 = math.exp %neg3A_927 : vector<16xf32>
      %add3A_929 = arith.constant 1.000000e+00 : f32
      %add3A_930 = vector.broadcast %add3A_929 : f32 to vector<16xf32>
      %add3A_931 = arith.addf %add3A_930, %exp3A_928 : vector<16xf32>
      %div3A = arith.constant 1.000000e+00 : f32
      %div3A_932 = vector.broadcast %div3A : f32 to vector<16xf32>
      %div3A_933 = arith.divf %div3A_932, %add3A_931 : vector<16xf32>
      %mul3A_934 = arith.constant 16 : i32
      %mul3A_935 = arith.muli %scan3A_211, %mul3A_934 : i32
      %add3A_936 = arith.constant 384 : i32
      %add3A_937 = arith.addi %add3A_936, %mul3A_935 : i32
      %swap3A = arith.index_cast %add3A_937 : i32 to index
      %swap3A_938 = tpu.vector_load %arg11[%swap3A] {strides = array<i32>} : memref<512xf32, #tpu.memory_space<vmem>>, vector<16xf32>,
      tpu.vector_store %arg11[%swap3A], %div3A_933 {strides = array<i32>} : memref<512xf32, #tpu.memory_space<vmem>>, vector<16xf32>,
    }
    %scan3A_210 = arith.constant 8 : i32
    "tpu.region"() ({
      %run_scoped3A = tpu.sem_alloc : memref<!tpu.dma_semaphore, #tpu.memory_space<semaphore_mem>>
      %dma_start3A_211 = arith.constant 0 : i32
      %dma_start3A_212 = tpu.memref_slice %arg6[%add3A, %dma_start3A_211] : memref<32x512xf32, #tpu.memory_space<hbm>> -> memref<1x512xf32, #tpu.memory_space<hbm>>
      %dma_start3A_213 = tpu.memref_squeeze %dma_start3A_212 : memref<1x512xf32, #tpu.memory_space<hbm>> -> memref<512xf32, #tpu.memory_space<hbm>>
      %dma_start3A_214 = arith.constant 0 : i32
      %dma_start3A_215 = tpu.memref_slice %arg6[%add3A, %dma_start3A_214] : memref<32x512xf32, #tpu.memory_space<hbm>> -> memref<1x512xf32, #tpu.memory_space<hbm>>
      %dma_start3A_216 = tpu.memref_squeeze %dma_start3A_215 : memref<1x512xf32, #tpu.memory_space<hbm>> -> memref<512xf32, #tpu.memory_space<hbm>>
      tpu.enqueue_dma source(%arg11 : memref<512xf32, #tpu.memory_space<vmem>>) target(%dma_start3A_216 : memref<512xf32, #tpu.memory_space<hbm>>) target_semaphore(%run_scoped3A : memref<!tpu.dma_semaphore, #tpu.memory_space<semaphore_mem>>)
      %dma_wait3A_217 = arith.constant 0 : i32
      %dma_wait3A_218 = tpu.memref_slice %arg6[%add3A, %dma_wait3A_217] : memref<32x512xf32, #tpu.memory_space<hbm>> -> memref<1x512xf32, #tpu.memory_space<hbm>>
      %dma_wait3A_219 = tpu.memref_squeeze %dma_wait3A_218 : memref<1x512xf32, #tpu.memory_space<hbm>> -> memref<512xf32, #tpu.memory_space<hbm>>
      %dma_wait3A_220 = arith.constant 0 : i32
      %dma_wait3A_221 = tpu.memref_slice %arg6[%add3A, %dma_wait3A_220] : memref<32x512xf32, #tpu.memory_space<hbm>> -> memref<1x512xf32, #tpu.memory_space<hbm>>
      %dma_wait3A_222 = tpu.memref_squeeze %dma_wait3A_221 : memref<1x512xf32, #tpu.memory_space<hbm>> -> memref<512xf32, #tpu.memory_space<hbm>>
      tpu.wait_dma2 semaphore(%run_scoped3A : memref<!tpu.dma_semaphore, #tpu.memory_space<semaphore_mem>>) src(%arg11 : memref<512xf32, #tpu.memory_space<vmem>>) dst(%dma_wait3A_222 : memref<512xf32, #tpu.memory_space<hbm>>)
      tpu.yield
    }) : () -> ()
    return
  }
}

#map = affine_map<(d0, d1) -> (0, 0)>
#map1 = affine_map<(d0, d1) -> (0)>
module attributes {stable_mosaic.version = 14 : i64} {
  func.func @_theta_body(%arg0: i32, %arg1: i32, %arg2: memref<32x512xi32, #tpu.memory_space<hbm>>, %arg3: memref<16x1000000xf32, #tpu.memory_space<hbm>>, %arg4: memref<262144xf32, #tpu.memory_space<hbm>>, %arg5: memref<8x512xi32, #tpu.memory_space<vmem>>, %arg6: memref<2x16x16x128xf32, #tpu.memory_space<vmem>>, %arg7: memref<8192xf32, #tpu.memory_space<vmem>>, %arg8: memref<!tpu.dma_semaphore, #tpu.memory_space<semaphore_mem>>) attributes {dimension_semantics = [#tpu.dimension_semantics<core_parallel>, #tpu.dimension_semantics<subcore_parallel>], iteration_bounds = array<i64: 2, 16>, scalar_prefetch = 0 : i64, scratch_operands = 4 : i64, tpu.core_type = #tpu.core_type<sc_vector_subcore>, window_params = [{transform_indices = #map}, {transform_indices = #map}, {transform_indices = #map1}]} {
    %mul3A = arith.constant 2 : i32
    %mul3A_0 = arith.muli %arg1, %mul3A : i32
    %add3A = arith.addi %mul3A_0, %arg0 : i32
    %shift_right_logical3A = arith.constant 3 : i32
    %shift_right_logical3A_1 = arith.shrui %add3A, %shift_right_logical3A : i32
    %mul3A_2 = arith.constant 8 : i32
    %mul3A_3 = arith.muli %shift_right_logical3A_1, %mul3A_2 : i32
    %and3A = arith.constant 7 : i32
    %and3A_4 = arith.andi %add3A, %and3A : i32
    %multiple_of3A = tpu.assume_multiple %mul3A_3, 8 : i32
    "tpu.region"() ({
      %run_scoped3A = tpu.sem_alloc : memref<!tpu.dma_semaphore, #tpu.memory_space<semaphore_mem>>
      %dma_start3A_319 = arith.constant 0 : i32
      %dma_start3A_320 = tpu.memref_slice %arg2[%multiple_of3A, %dma_start3A_319] : memref<32x512xi32, #tpu.memory_space<hbm>> -> memref<8x512xi32, #tpu.memory_space<hbm>>
      %dma_start3A_321 = arith.constant 0 : i32
      %dma_start3A_322 = tpu.memref_slice %arg2[%multiple_of3A, %dma_start3A_321] : memref<32x512xi32, #tpu.memory_space<hbm>> -> memref<8x512xi32, #tpu.memory_space<hbm>>
      tpu.enqueue_dma source(%dma_start3A_322 : memref<8x512xi32, #tpu.memory_space<hbm>>) target(%arg5 : memref<8x512xi32, #tpu.memory_space<vmem>>) target_semaphore(%run_scoped3A : memref<!tpu.dma_semaphore, #tpu.memory_space<semaphore_mem>>)
      %dma_wait3A = arith.constant 0 : i32
      %dma_wait3A_323 = tpu.memref_slice %arg2[%multiple_of3A, %dma_wait3A] : memref<32x512xi32, #tpu.memory_space<hbm>> -> memref<8x512xi32, #tpu.memory_space<hbm>>
      %dma_wait3A_324 = arith.constant 0 : i32
      %dma_wait3A_325 = tpu.memref_slice %arg2[%multiple_of3A, %dma_wait3A_324] : memref<32x512xi32, #tpu.memory_space<hbm>> -> memref<8x512xi32, #tpu.memory_space<hbm>>
      tpu.wait_dma2 semaphore(%run_scoped3A : memref<!tpu.dma_semaphore, #tpu.memory_space<semaphore_mem>>) src(%dma_wait3A_325 : memref<8x512xi32, #tpu.memory_space<hbm>>) dst(%arg5 : memref<8x512xi32, #tpu.memory_space<vmem>>)
      tpu.yield
    }) : () -> ()
    %iota3A = tpu.iota {dimensions = array<i32: 0>} : vector<16xi32>
    %broadcast_in_dim3A = vector.broadcast %and3A_4 : i32 to vector<16xi32>
    %add3A_5 = arith.constant 0 : i32
    %add3A_6 = vector.broadcast %add3A_5 : i32 to vector<16xi32>
    %add3A_7 = arith.addi %add3A_6, %iota3A : vector<16xi32>
    %gather3A = tpu.vector_load_idx %arg5[%broadcast_in_dim3A, %add3A_7] : memref<8x512xi32, #tpu.memory_space<vmem>>[vector<16xi32>, vector<16xi32>], vector<16xi32>,
    %shift_right_logical3A_8 = arith.constant 7 : i32
    %shift_right_logical3A_9 = vector.broadcast %shift_right_logical3A_8 : i32 to vector<16xi32>
    %shift_right_logical3A_10 = arith.shrui %gather3A, %shift_right_logical3A_9 : vector<16xi32>
    %slice3A = vector.extract_strided_slice %shift_right_logical3A_10 {offsets = [0], sizes = [1], strides = [1]} : vector<16xi32> to vector<1xi32>
    %squeeze3A = vector.extract %slice3A[0] : i32 from vector<1xi32>
    %mul3A_11 = arith.constant 128 : i32
    %mul3A_12 = arith.muli %squeeze3A, %mul3A_11 : i32
    %multiple_of3A_13 = tpu.assume_multiple %mul3A_12, 128 : i32
    %dma_start3A = arith.constant 0 : i32
    %dma_start3A_14 = arith.constant 0 : i32
    %dma_start3A_15 = arith.constant 0 : i32
    %dma_start3A_16 = arith.constant 0 : i32
    %dma_start3A_17 = tpu.memref_slice %arg6[%dma_start3A, %dma_start3A_14, %dma_start3A_15, %dma_start3A_16] : memref<2x16x16x128xf32, #tpu.memory_space<vmem>> -> memref<1x1x16x128xf32, #tpu.memory_space<vmem>>
    %dma_start3A_18 = tpu.memref_squeeze %dma_start3A_17 : memref<1x1x16x128xf32, #tpu.memory_space<vmem>> -> memref<16x128xf32, #tpu.memory_space<vmem>>
    %dma_start3A_19 = arith.constant 0 : i32
    %dma_start3A_20 = tpu.memref_slice %arg3[%dma_start3A_19, %multiple_of3A_13] : memref<16x1000000xf32, #tpu.memory_space<hbm>> -> memref<16x128xf32, #tpu.memory_space<hbm>>
    %dma_start3A_21 = arith.constant 0 : i32
    %dma_start3A_22 = arith.constant 0 : i32
    %dma_start3A_23 = tpu.memref_slice %arg6[%dma_start3A, %dma_start3A_14, %dma_start3A_21, %dma_start3A_22] : memref<2x16x16x128xf32, #tpu.memory_space<vmem>> -> memref<1x1x16x128xf32, #tpu.memory_space<vmem>>
    %dma_start3A_24 = tpu.memref_squeeze %dma_start3A_23 : memref<1x1x16x128xf32, #tpu.memory_space<vmem>> -> memref<16x128xf32, #tpu.memory_space<vmem>>
    %dma_start3A_25 = arith.constant 0 : i32
    %dma_start3A_26 = tpu.memref_slice %arg3[%dma_start3A_25, %multiple_of3A_13] : memref<16x1000000xf32, #tpu.memory_space<hbm>> -> memref<16x128xf32, #tpu.memory_space<hbm>>
    tpu.enqueue_dma source(%dma_start3A_26 : memref<16x128xf32, #tpu.memory_space<hbm>>) target(%dma_start3A_24 : memref<16x128xf32, #tpu.memory_space<vmem>>) target_semaphore(%arg8 : memref<!tpu.dma_semaphore, #tpu.memory_space<semaphore_mem>>)
    %slice3A_27 = vector.extract_strided_slice %shift_right_logical3A_10 {offsets = [1], sizes = [1], strides = [1]} : vector<16xi32> to vector<1xi32>
    %squeeze3A_28 = vector.extract %slice3A_27[0] : i32 from vector<1xi32>
    %mul3A_29 = arith.constant 128 : i32
    %mul3A_30 = arith.muli %squeeze3A_28, %mul3A_29 : i32
    %multiple_of3A_31 = tpu.assume_multiple %mul3A_30, 128 : i32
    %dma_start3A_32 = arith.constant 0 : i32
    %dma_start3A_33 = arith.constant 1 : i32
    %dma_start3A_34 = arith.constant 0 : i32
    %dma_start3A_35 = arith.constant 0 : i32
    %dma_start3A_36 = tpu.memref_slice %arg6[%dma_start3A_32, %dma_start3A_33, %dma_start3A_34, %dma_start3A_35] : memref<2x16x16x128xf32, #tpu.memory_space<vmem>> -> memref<1x1x16x128xf32, #tpu.memory_space<vmem>>
    %dma_start3A_37 = tpu.memref_squeeze %dma_start3A_36 : memref<1x1x16x128xf32, #tpu.memory_space<vmem>> -> memref<16x128xf32, #tpu.memory_space<vmem>>
    %dma_start3A_38 = arith.constant 0 : i32
    %dma_start3A_39 = tpu.memref_slice %arg3[%dma_start3A_38, %multiple_of3A_31] : memref<16x1000000xf32, #tpu.memory_space<hbm>> -> memref<16x128xf32, #tpu.memory_space<hbm>>
    %dma_start3A_40 = arith.constant 0 : i32
    %dma_start3A_41 = arith.constant 0 : i32
    %dma_start3A_42 = tpu.memref_slice %arg6[%dma_start3A_32, %dma_start3A_33, %dma_start3A_40, %dma_start3A_41] : memref<2x16x16x128xf32, #tpu.memory_space<vmem>> -> memref<1x1x16x128xf32, #tpu.memory_space<vmem>>
    %dma_start3A_43 = tpu.memref_squeeze %dma_start3A_42 : memref<1x1x16x128xf32, #tpu.memory_space<vmem>> -> memref<16x128xf32, #tpu.memory_space<vmem>>
    %dma_start3A_44 = arith.constant 0 : i32
    %dma_start3A_45 = tpu.memref_slice %arg3[%dma_start3A_44, %multiple_of3A_31] : memref<16x1000000xf32, #tpu.memory_space<hbm>> -> memref<16x128xf32, #tpu.memory_space<hbm>>
    tpu.enqueue_dma source(%dma_start3A_45 : memref<16x128xf32, #tpu.memory_space<hbm>>) target(%dma_start3A_43 : memref<16x128xf32, #tpu.memory_space<vmem>>) target_semaphore(%arg8 : memref<!tpu.dma_semaphore, #tpu.memory_space<semaphore_mem>>)
    %slice3A_46 = vector.extract_strided_slice %shift_right_logical3A_10 {offsets = [2], sizes = [1], strides = [1]} : vector<16xi32> to vector<1xi32>
    %squeeze3A_47 = vector.extract %slice3A_46[0] : i32 from vector<1xi32>
    %mul3A_48 = arith.constant 128 : i32
    %mul3A_49 = arith.muli %squeeze3A_47, %mul3A_48 : i32
    %multiple_of3A_50 = tpu.assume_multiple %mul3A_49, 128 : i32
    %dma_start3A_51 = arith.constant 0 : i32
    %dma_start3A_52 = arith.constant 2 : i32
    %dma_start3A_53 = arith.constant 0 : i32
    %dma_start3A_54 = arith.constant 0 : i32
    %dma_start3A_55 = tpu.memref_slice %arg6[%dma_start3A_51, %dma_start3A_52, %dma_start3A_53, %dma_start3A_54] : memref<2x16x16x128xf32, #tpu.memory_space<vmem>> -> memref<1x1x16x128xf32, #tpu.memory_space<vmem>>
    %dma_start3A_56 = tpu.memref_squeeze %dma_start3A_55 : memref<1x1x16x128xf32, #tpu.memory_space<vmem>> -> memref<16x128xf32, #tpu.memory_space<vmem>>
    %dma_start3A_57 = arith.constant 0 : i32
    %dma_start3A_58 = tpu.memref_slice %arg3[%dma_start3A_57, %multiple_of3A_50] : memref<16x1000000xf32, #tpu.memory_space<hbm>> -> memref<16x128xf32, #tpu.memory_space<hbm>>
    %dma_start3A_59 = arith.constant 0 : i32
    %dma_start3A_60 = arith.constant 0 : i32
    %dma_start3A_61 = tpu.memref_slice %arg6[%dma_start3A_51, %dma_start3A_52, %dma_start3A_59, %dma_start3A_60] : memref<2x16x16x128xf32, #tpu.memory_space<vmem>> -> memref<1x1x16x128xf32, #tpu.memory_space<vmem>>
    %dma_start3A_62 = tpu.memref_squeeze %dma_start3A_61 : memref<1x1x16x128xf32, #tpu.memory_space<vmem>> -> memref<16x128xf32, #tpu.memory_space<vmem>>
    %dma_start3A_63 = arith.constant 0 : i32
    %dma_start3A_64 = tpu.memref_slice %arg3[%dma_start3A_63, %multiple_of3A_50] : memref<16x1000000xf32, #tpu.memory_space<hbm>> -> memref<16x128xf32, #tpu.memory_space<hbm>>
    tpu.enqueue_dma source(%dma_start3A_64 : memref<16x128xf32, #tpu.memory_space<hbm>>) target(%dma_start3A_62 : memref<16x128xf32, #tpu.memory_space<vmem>>) target_semaphore(%arg8 : memref<!tpu.dma_semaphore, #tpu.memory_space<semaphore_mem>>)
    %slice3A_65 = vector.extract_strided_slice %shift_right_logical3A_10 {offsets = [3], sizes = [1], strides = [1]} : vector<16xi32> to vector<1xi32>
    %squeeze3A_66 = vector.extract %slice3A_65[0] : i32 from vector<1xi32>
    %mul3A_67 = arith.constant 128 : i32
    %mul3A_68 = arith.muli %squeeze3A_66, %mul3A_67 : i32
    %multiple_of3A_69 = tpu.assume_multiple %mul3A_68, 128 : i32
    %dma_start3A_70 = arith.constant 0 : i32
    %dma_start3A_71 = arith.constant 3 : i32
    %dma_start3A_72 = arith.constant 0 : i32
    %dma_start3A_73 = arith.constant 0 : i32
    %dma_start3A_74 = tpu.memref_slice %arg6[%dma_start3A_70, %dma_start3A_71, %dma_start3A_72, %dma_start3A_73] : memref<2x16x16x128xf32, #tpu.memory_space<vmem>> -> memref<1x1x16x128xf32, #tpu.memory_space<vmem>>
    %dma_start3A_75 = tpu.memref_squeeze %dma_start3A_74 : memref<1x1x16x128xf32, #tpu.memory_space<vmem>> -> memref<16x128xf32, #tpu.memory_space<vmem>>
    %dma_start3A_76 = arith.constant 0 : i32
    %dma_start3A_77 = tpu.memref_slice %arg3[%dma_start3A_76, %multiple_of3A_69] : memref<16x1000000xf32, #tpu.memory_space<hbm>> -> memref<16x128xf32, #tpu.memory_space<hbm>>
    %dma_start3A_78 = arith.constant 0 : i32
    %dma_start3A_79 = arith.constant 0 : i32
    %dma_start3A_80 = tpu.memref_slice %arg6[%dma_start3A_70, %dma_start3A_71, %dma_start3A_78, %dma_start3A_79] : memref<2x16x16x128xf32, #tpu.memory_space<vmem>> -> memref<1x1x16x128xf32, #tpu.memory_space<vmem>>
    %dma_start3A_81 = tpu.memref_squeeze %dma_start3A_80 : memref<1x1x16x128xf32, #tpu.memory_space<vmem>> -> memref<16x128xf32, #tpu.memory_space<vmem>>
    %dma_start3A_82 = arith.constant 0 : i32
    %dma_start3A_83 = tpu.memref_slice %arg3[%dma_start3A_82, %multiple_of3A_69] : memref<16x1000000xf32, #tpu.memory_space<hbm>> -> memref<16x128xf32, #tpu.memory_space<hbm>>
    tpu.enqueue_dma source(%dma_start3A_83 : memref<16x128xf32, #tpu.memory_space<hbm>>) target(%dma_start3A_81 : memref<16x128xf32, #tpu.memory_space<vmem>>) target_semaphore(%arg8 : memref<!tpu.dma_semaphore, #tpu.memory_space<semaphore_mem>>)
    %slice3A_84 = vector.extract_strided_slice %shift_right_logical3A_10 {offsets = [4], sizes = [1], strides = [1]} : vector<16xi32> to vector<1xi32>
    %squeeze3A_85 = vector.extract %slice3A_84[0] : i32 from vector<1xi32>
    %mul3A_86 = arith.constant 128 : i32
    %mul3A_87 = arith.muli %squeeze3A_85, %mul3A_86 : i32
    %multiple_of3A_88 = tpu.assume_multiple %mul3A_87, 128 : i32
    %dma_start3A_89 = arith.constant 0 : i32
    %dma_start3A_90 = arith.constant 4 : i32
    %dma_start3A_91 = arith.constant 0 : i32
    %dma_start3A_92 = arith.constant 0 : i32
    %dma_start3A_93 = tpu.memref_slice %arg6[%dma_start3A_89, %dma_start3A_90, %dma_start3A_91, %dma_start3A_92] : memref<2x16x16x128xf32, #tpu.memory_space<vmem>> -> memref<1x1x16x128xf32, #tpu.memory_space<vmem>>
    %dma_start3A_94 = tpu.memref_squeeze %dma_start3A_93 : memref<1x1x16x128xf32, #tpu.memory_space<vmem>> -> memref<16x128xf32, #tpu.memory_space<vmem>>
    %dma_start3A_95 = arith.constant 0 : i32
    %dma_start3A_96 = tpu.memref_slice %arg3[%dma_start3A_95, %multiple_of3A_88] : memref<16x1000000xf32, #tpu.memory_space<hbm>> -> memref<16x128xf32, #tpu.memory_space<hbm>>
    %dma_start3A_97 = arith.constant 0 : i32
    %dma_start3A_98 = arith.constant 0 : i32
    %dma_start3A_99 = tpu.memref_slice %arg6[%dma_start3A_89, %dma_start3A_90, %dma_start3A_97, %dma_start3A_98] : memref<2x16x16x128xf32, #tpu.memory_space<vmem>> -> memref<1x1x16x128xf32, #tpu.memory_space<vmem>>
    %dma_start3A_100 = tpu.memref_squeeze %dma_start3A_99 : memref<1x1x16x128xf32, #tpu.memory_space<vmem>> -> memref<16x128xf32, #tpu.memory_space<vmem>>
    %dma_start3A_101 = arith.constant 0 : i32
    %dma_start3A_102 = tpu.memref_slice %arg3[%dma_start3A_101, %multiple_of3A_88] : memref<16x1000000xf32, #tpu.memory_space<hbm>> -> memref<16x128xf32, #tpu.memory_space<hbm>>
    tpu.enqueue_dma source(%dma_start3A_102 : memref<16x128xf32, #tpu.memory_space<hbm>>) target(%dma_start3A_100 : memref<16x128xf32, #tpu.memory_space<vmem>>) target_semaphore(%arg8 : memref<!tpu.dma_semaphore, #tpu.memory_space<semaphore_mem>>)
    %slice3A_103 = vector.extract_strided_slice %shift_right_logical3A_10 {offsets = [5], sizes = [1], strides = [1]} : vector<16xi32> to vector<1xi32>
    %squeeze3A_104 = vector.extract %slice3A_103[0] : i32 from vector<1xi32>
    %mul3A_105 = arith.constant 128 : i32
    %mul3A_106 = arith.muli %squeeze3A_104, %mul3A_105 : i32
    %multiple_of3A_107 = tpu.assume_multiple %mul3A_106, 128 : i32
    %dma_start3A_108 = arith.constant 0 : i32
    %dma_start3A_109 = arith.constant 5 : i32
    %dma_start3A_110 = arith.constant 0 : i32
    %dma_start3A_111 = arith.constant 0 : i32
    %dma_start3A_112 = tpu.memref_slice %arg6[%dma_start3A_108, %dma_start3A_109, %dma_start3A_110, %dma_start3A_111] : memref<2x16x16x128xf32, #tpu.memory_space<vmem>> -> memref<1x1x16x128xf32, #tpu.memory_space<vmem>>
    %dma_start3A_113 = tpu.memref_squeeze %dma_start3A_112 : memref<1x1x16x128xf32, #tpu.memory_space<vmem>> -> memref<16x128xf32, #tpu.memory_space<vmem>>
    %dma_start3A_114 = arith.constant 0 : i32
    %dma_start3A_115 = tpu.memref_slice %arg3[%dma_start3A_114, %multiple_of3A_107] : memref<16x1000000xf32, #tpu.memory_space<hbm>> -> memref<16x128xf32, #tpu.memory_space<hbm>>
    %dma_start3A_116 = arith.constant 0 : i32
    %dma_start3A_117 = arith.constant 0 : i32
    %dma_start3A_118 = tpu.memref_slice %arg6[%dma_start3A_108, %dma_start3A_109, %dma_start3A_116, %dma_start3A_117] : memref<2x16x16x128xf32, #tpu.memory_space<vmem>> -> memref<1x1x16x128xf32, #tpu.memory_space<vmem>>
    %dma_start3A_119 = tpu.memref_squeeze %dma_start3A_118 : memref<1x1x16x128xf32, #tpu.memory_space<vmem>> -> memref<16x128xf32, #tpu.memory_space<vmem>>
    %dma_start3A_120 = arith.constant 0 : i32
    %dma_start3A_121 = tpu.memref_slice %arg3[%dma_start3A_120, %multiple_of3A_107] : memref<16x1000000xf32, #tpu.memory_space<hbm>> -> memref<16x128xf32, #tpu.memory_space<hbm>>
    tpu.enqueue_dma source(%dma_start3A_121 : memref<16x128xf32, #tpu.memory_space<hbm>>) target(%dma_start3A_119 : memref<16x128xf32, #tpu.memory_space<vmem>>) target_semaphore(%arg8 : memref<!tpu.dma_semaphore, #tpu.memory_space<semaphore_mem>>)
    %slice3A_122 = vector.extract_strided_slice %shift_right_logical3A_10 {offsets = [6], sizes = [1], strides = [1]} : vector<16xi32> to vector<1xi32>
    %squeeze3A_123 = vector.extract %slice3A_122[0] : i32 from vector<1xi32>
    %mul3A_124 = arith.constant 128 : i32
    %mul3A_125 = arith.muli %squeeze3A_123, %mul3A_124 : i32
    %multiple_of3A_126 = tpu.assume_multiple %mul3A_125, 128 : i32
    %dma_start3A_127 = arith.constant 0 : i32
    %dma_start3A_128 = arith.constant 6 : i32
    %dma_start3A_129 = arith.constant 0 : i32
    %dma_start3A_130 = arith.constant 0 : i32
    %dma_start3A_131 = tpu.memref_slice %arg6[%dma_start3A_127, %dma_start3A_128, %dma_start3A_129, %dma_start3A_130] : memref<2x16x16x128xf32, #tpu.memory_space<vmem>> -> memref<1x1x16x128xf32, #tpu.memory_space<vmem>>
    %dma_start3A_132 = tpu.memref_squeeze %dma_start3A_131 : memref<1x1x16x128xf32, #tpu.memory_space<vmem>> -> memref<16x128xf32, #tpu.memory_space<vmem>>
    %dma_start3A_133 = arith.constant 0 : i32
    %dma_start3A_134 = tpu.memref_slice %arg3[%dma_start3A_133, %multiple_of3A_126] : memref<16x1000000xf32, #tpu.memory_space<hbm>> -> memref<16x128xf32, #tpu.memory_space<hbm>>
    %dma_start3A_135 = arith.constant 0 : i32
    %dma_start3A_136 = arith.constant 0 : i32
    %dma_start3A_137 = tpu.memref_slice %arg6[%dma_start3A_127, %dma_start3A_128, %dma_start3A_135, %dma_start3A_136] : memref<2x16x16x128xf32, #tpu.memory_space<vmem>> -> memref<1x1x16x128xf32, #tpu.memory_space<vmem>>
    %dma_start3A_138 = tpu.memref_squeeze %dma_start3A_137 : memref<1x1x16x128xf32, #tpu.memory_space<vmem>> -> memref<16x128xf32, #tpu.memory_space<vmem>>
    %dma_start3A_139 = arith.constant 0 : i32
    %dma_start3A_140 = tpu.memref_slice %arg3[%dma_start3A_139, %multiple_of3A_126] : memref<16x1000000xf32, #tpu.memory_space<hbm>> -> memref<16x128xf32, #tpu.memory_space<hbm>>
    tpu.enqueue_dma source(%dma_start3A_140 : memref<16x128xf32, #tpu.memory_space<hbm>>) target(%dma_start3A_138 : memref<16x128xf32, #tpu.memory_space<vmem>>) target_semaphore(%arg8 : memref<!tpu.dma_semaphore, #tpu.memory_space<semaphore_mem>>)
    %slice3A_141 = vector.extract_strided_slice %shift_right_logical3A_10 {offsets = [7], sizes = [1], strides = [1]} : vector<16xi32> to vector<1xi32>
    %squeeze3A_142 = vector.extract %slice3A_141[0] : i32 from vector<1xi32>
    %mul3A_143 = arith.constant 128 : i32
    %mul3A_144 = arith.muli %squeeze3A_142, %mul3A_143 : i32
    %multiple_of3A_145 = tpu.assume_multiple %mul3A_144, 128 : i32
    %dma_start3A_146 = arith.constant 0 : i32
    %dma_start3A_147 = arith.constant 7 : i32
    %dma_start3A_148 = arith.constant 0 : i32
    %dma_start3A_149 = arith.constant 0 : i32
    %dma_start3A_150 = tpu.memref_slice %arg6[%dma_start3A_146, %dma_start3A_147, %dma_start3A_148, %dma_start3A_149] : memref<2x16x16x128xf32, #tpu.memory_space<vmem>> -> memref<1x1x16x128xf32, #tpu.memory_space<vmem>>
    %dma_start3A_151 = tpu.memref_squeeze %dma_start3A_150 : memref<1x1x16x128xf32, #tpu.memory_space<vmem>> -> memref<16x128xf32, #tpu.memory_space<vmem>>
    %dma_start3A_152 = arith.constant 0 : i32
    %dma_start3A_153 = tpu.memref_slice %arg3[%dma_start3A_152, %multiple_of3A_145] : memref<16x1000000xf32, #tpu.memory_space<hbm>> -> memref<16x128xf32, #tpu.memory_space<hbm>>
    %dma_start3A_154 = arith.constant 0 : i32
    %dma_start3A_155 = arith.constant 0 : i32
    %dma_start3A_156 = tpu.memref_slice %arg6[%dma_start3A_146, %dma_start3A_147, %dma_start3A_154, %dma_start3A_155] : memref<2x16x16x128xf32, #tpu.memory_space<vmem>> -> memref<1x1x16x128xf32, #tpu.memory_space<vmem>>
    %dma_start3A_157 = tpu.memref_squeeze %dma_start3A_156 : memref<1x1x16x128xf32, #tpu.memory_space<vmem>> -> memref<16x128xf32, #tpu.memory_space<vmem>>
    %dma_start3A_158 = arith.constant 0 : i32
    %dma_start3A_159 = tpu.memref_slice %arg3[%dma_start3A_158, %multiple_of3A_145] : memref<16x1000000xf32, #tpu.memory_space<hbm>> -> memref<16x128xf32, #tpu.memory_space<hbm>>
    tpu.enqueue_dma source(%dma_start3A_159 : memref<16x128xf32, #tpu.memory_space<hbm>>) target(%dma_start3A_157 : memref<16x128xf32, #tpu.memory_space<vmem>>) target_semaphore(%arg8 : memref<!tpu.dma_semaphore, #tpu.memory_space<semaphore_mem>>)
    %slice3A_160 = vector.extract_strided_slice %shift_right_logical3A_10 {offsets = [8], sizes = [1], strides = [1]} : vector<16xi32> to vector<1xi32>
    %squeeze3A_161 = vector.extract %slice3A_160[0] : i32 from vector<1xi32>
    %mul3A_162 = arith.constant 128 : i32
    %mul3A_163 = arith.muli %squeeze3A_161, %mul3A_162 : i32
    %multiple_of3A_164 = tpu.assume_multiple %mul3A_163, 128 : i32
    %dma_start3A_165 = arith.constant 0 : i32
    %dma_start3A_166 = arith.constant 8 : i32
    %dma_start3A_167 = arith.constant 0 : i32
    %dma_start3A_168 = arith.constant 0 : i32
    %dma_start3A_169 = tpu.memref_slice %arg6[%dma_start3A_165, %dma_start3A_166, %dma_start3A_167, %dma_start3A_168] : memref<2x16x16x128xf32, #tpu.memory_space<vmem>> -> memref<1x1x16x128xf32, #tpu.memory_space<vmem>>
    %dma_start3A_170 = tpu.memref_squeeze %dma_start3A_169 : memref<1x1x16x128xf32, #tpu.memory_space<vmem>> -> memref<16x128xf32, #tpu.memory_space<vmem>>
    %dma_start3A_171 = arith.constant 0 : i32
    %dma_start3A_172 = tpu.memref_slice %arg3[%dma_start3A_171, %multiple_of3A_164] : memref<16x1000000xf32, #tpu.memory_space<hbm>> -> memref<16x128xf32, #tpu.memory_space<hbm>>
    %dma_start3A_173 = arith.constant 0 : i32
    %dma_start3A_174 = arith.constant 0 : i32
    %dma_start3A_175 = tpu.memref_slice %arg6[%dma_start3A_165, %dma_start3A_166, %dma_start3A_173, %dma_start3A_174] : memref<2x16x16x128xf32, #tpu.memory_space<vmem>> -> memref<1x1x16x128xf32, #tpu.memory_space<vmem>>
    %dma_start3A_176 = tpu.memref_squeeze %dma_start3A_175 : memref<1x1x16x128xf32, #tpu.memory_space<vmem>> -> memref<16x128xf32, #tpu.memory_space<vmem>>
    %dma_start3A_177 = arith.constant 0 : i32
    %dma_start3A_178 = tpu.memref_slice %arg3[%dma_start3A_177, %multiple_of3A_164] : memref<16x1000000xf32, #tpu.memory_space<hbm>> -> memref<16x128xf32, #tpu.memory_space<hbm>>
    tpu.enqueue_dma source(%dma_start3A_178 : memref<16x128xf32, #tpu.memory_space<hbm>>) target(%dma_start3A_176 : memref<16x128xf32, #tpu.memory_space<vmem>>) target_semaphore(%arg8 : memref<!tpu.dma_semaphore, #tpu.memory_space<semaphore_mem>>)
    %slice3A_179 = vector.extract_strided_slice %shift_right_logical3A_10 {offsets = [9], sizes = [1], strides = [1]} : vector<16xi32> to vector<1xi32>
    %squeeze3A_180 = vector.extract %slice3A_179[0] : i32 from vector<1xi32>
    %mul3A_181 = arith.constant 128 : i32
    %mul3A_182 = arith.muli %squeeze3A_180, %mul3A_181 : i32
    %multiple_of3A_183 = tpu.assume_multiple %mul3A_182, 128 : i32
    %dma_start3A_184 = arith.constant 0 : i32
    %dma_start3A_185 = arith.constant 9 : i32
    %dma_start3A_186 = arith.constant 0 : i32
    %dma_start3A_187 = arith.constant 0 : i32
    %dma_start3A_188 = tpu.memref_slice %arg6[%dma_start3A_184, %dma_start3A_185, %dma_start3A_186, %dma_start3A_187] : memref<2x16x16x128xf32, #tpu.memory_space<vmem>> -> memref<1x1x16x128xf32, #tpu.memory_space<vmem>>
    %dma_start3A_189 = tpu.memref_squeeze %dma_start3A_188 : memref<1x1x16x128xf32, #tpu.memory_space<vmem>> -> memref<16x128xf32, #tpu.memory_space<vmem>>
    %dma_start3A_190 = arith.constant 0 : i32
    %dma_start3A_191 = tpu.memref_slice %arg3[%dma_start3A_190, %multiple_of3A_183] : memref<16x1000000xf32, #tpu.memory_space<hbm>> -> memref<16x128xf32, #tpu.memory_space<hbm>>
    %dma_start3A_192 = arith.constant 0 : i32
    %dma_start3A_193 = arith.constant 0 : i32
    %dma_start3A_194 = tpu.memref_slice %arg6[%dma_start3A_184, %dma_start3A_185, %dma_start3A_192, %dma_start3A_193] : memref<2x16x16x128xf32, #tpu.memory_space<vmem>> -> memref<1x1x16x128xf32, #tpu.memory_space<vmem>>
    %dma_start3A_195 = tpu.memref_squeeze %dma_start3A_194 : memref<1x1x16x128xf32, #tpu.memory_space<vmem>> -> memref<16x128xf32, #tpu.memory_space<vmem>>
    %dma_start3A_196 = arith.constant 0 : i32
    %dma_start3A_197 = tpu.memref_slice %arg3[%dma_start3A_196, %multiple_of3A_183] : memref<16x1000000xf32, #tpu.memory_space<hbm>> -> memref<16x128xf32, #tpu.memory_space<hbm>>
    tpu.enqueue_dma source(%dma_start3A_197 : memref<16x128xf32, #tpu.memory_space<hbm>>) target(%dma_start3A_195 : memref<16x128xf32, #tpu.memory_space<vmem>>) target_semaphore(%arg8 : memref<!tpu.dma_semaphore, #tpu.memory_space<semaphore_mem>>)
    %slice3A_198 = vector.extract_strided_slice %shift_right_logical3A_10 {offsets = [10], sizes = [1], strides = [1]} : vector<16xi32> to vector<1xi32>
    %squeeze3A_199 = vector.extract %slice3A_198[0] : i32 from vector<1xi32>
    %mul3A_200 = arith.constant 128 : i32
    %mul3A_201 = arith.muli %squeeze3A_199, %mul3A_200 : i32
    %multiple_of3A_202 = tpu.assume_multiple %mul3A_201, 128 : i32
    %dma_start3A_203 = arith.constant 0 : i32
    %dma_start3A_204 = arith.constant 10 : i32
    %dma_start3A_205 = arith.constant 0 : i32
    %dma_start3A_206 = arith.constant 0 : i32
    %dma_start3A_207 = tpu.memref_slice %arg6[%dma_start3A_203, %dma_start3A_204, %dma_start3A_205, %dma_start3A_206] : memref<2x16x16x128xf32, #tpu.memory_space<vmem>> -> memref<1x1x16x128xf32, #tpu.memory_space<vmem>>
    %dma_start3A_208 = tpu.memref_squeeze %dma_start3A_207 : memref<1x1x16x128xf32, #tpu.memory_space<vmem>> -> memref<16x128xf32, #tpu.memory_space<vmem>>
    %dma_start3A_209 = arith.constant 0 : i32
    %dma_start3A_210 = tpu.memref_slice %arg3[%dma_start3A_209, %multiple_of3A_202] : memref<16x1000000xf32, #tpu.memory_space<hbm>> -> memref<16x128xf32, #tpu.memory_space<hbm>>
    %dma_start3A_211 = arith.constant 0 : i32
    %dma_start3A_212 = arith.constant 0 : i32
    %dma_start3A_213 = tpu.memref_slice %arg6[%dma_start3A_203, %dma_start3A_204, %dma_start3A_211, %dma_start3A_212] : memref<2x16x16x128xf32, #tpu.memory_space<vmem>> -> memref<1x1x16x128xf32, #tpu.memory_space<vmem>>
    %dma_start3A_214 = tpu.memref_squeeze %dma_start3A_213 : memref<1x1x16x128xf32, #tpu.memory_space<vmem>> -> memref<16x128xf32, #tpu.memory_space<vmem>>
    %dma_start3A_215 = arith.constant 0 : i32
    %dma_start3A_216 = tpu.memref_slice %arg3[%dma_start3A_215, %multiple_of3A_202] : memref<16x1000000xf32, #tpu.memory_space<hbm>> -> memref<16x128xf32, #tpu.memory_space<hbm>>
    tpu.enqueue_dma source(%dma_start3A_216 : memref<16x128xf32, #tpu.memory_space<hbm>>) target(%dma_start3A_214 : memref<16x128xf32, #tpu.memory_space<vmem>>) target_semaphore(%arg8 : memref<!tpu.dma_semaphore, #tpu.memory_space<semaphore_mem>>)
    %slice3A_217 = vector.extract_strided_slice %shift_right_logical3A_10 {offsets = [11], sizes = [1], strides = [1]} : vector<16xi32> to vector<1xi32>
    %squeeze3A_218 = vector.extract %slice3A_217[0] : i32 from vector<1xi32>
    %mul3A_219 = arith.constant 128 : i32
    %mul3A_220 = arith.muli %squeeze3A_218, %mul3A_219 : i32
    %multiple_of3A_221 = tpu.assume_multiple %mul3A_220, 128 : i32
    %dma_start3A_222 = arith.constant 0 : i32
    %dma_start3A_223 = arith.constant 11 : i32
    %dma_start3A_224 = arith.constant 0 : i32
    %dma_start3A_225 = arith.constant 0 : i32
    %dma_start3A_226 = tpu.memref_slice %arg6[%dma_start3A_222, %dma_start3A_223, %dma_start3A_224, %dma_start3A_225] : memref<2x16x16x128xf32, #tpu.memory_space<vmem>> -> memref<1x1x16x128xf32, #tpu.memory_space<vmem>>
    %dma_start3A_227 = tpu.memref_squeeze %dma_start3A_226 : memref<1x1x16x128xf32, #tpu.memory_space<vmem>> -> memref<16x128xf32, #tpu.memory_space<vmem>>
    %dma_start3A_228 = arith.constant 0 : i32
    %dma_start3A_229 = tpu.memref_slice %arg3[%dma_start3A_228, %multiple_of3A_221] : memref<16x1000000xf32, #tpu.memory_space<hbm>> -> memref<16x128xf32, #tpu.memory_space<hbm>>
    %dma_start3A_230 = arith.constant 0 : i32
    %dma_start3A_231 = arith.constant 0 : i32
    %dma_start3A_232 = tpu.memref_slice %arg6[%dma_start3A_222, %dma_start3A_223, %dma_start3A_230, %dma_start3A_231] : memref<2x16x16x128xf32, #tpu.memory_space<vmem>> -> memref<1x1x16x128xf32, #tpu.memory_space<vmem>>
    %dma_start3A_233 = tpu.memref_squeeze %dma_start3A_232 : memref<1x1x16x128xf32, #tpu.memory_space<vmem>> -> memref<16x128xf32, #tpu.memory_space<vmem>>
    %dma_start3A_234 = arith.constant 0 : i32
    %dma_start3A_235 = tpu.memref_slice %arg3[%dma_start3A_234, %multiple_of3A_221] : memref<16x1000000xf32, #tpu.memory_space<hbm>> -> memref<16x128xf32, #tpu.memory_space<hbm>>
    tpu.enqueue_dma source(%dma_start3A_235 : memref<16x128xf32, #tpu.memory_space<hbm>>) target(%dma_start3A_233 : memref<16x128xf32, #tpu.memory_space<vmem>>) target_semaphore(%arg8 : memref<!tpu.dma_semaphore, #tpu.memory_space<semaphore_mem>>)
    %slice3A_236 = vector.extract_strided_slice %shift_right_logical3A_10 {offsets = [12], sizes = [1], strides = [1]} : vector<16xi32> to vector<1xi32>
    %squeeze3A_237 = vector.extract %slice3A_236[0] : i32 from vector<1xi32>
    %mul3A_238 = arith.constant 128 : i32
    %mul3A_239 = arith.muli %squeeze3A_237, %mul3A_238 : i32
    %multiple_of3A_240 = tpu.assume_multiple %mul3A_239, 128 : i32
    %dma_start3A_241 = arith.constant 0 : i32
    %dma_start3A_242 = arith.constant 12 : i32
    %dma_start3A_243 = arith.constant 0 : i32
    %dma_start3A_244 = arith.constant 0 : i32
    %dma_start3A_245 = tpu.memref_slice %arg6[%dma_start3A_241, %dma_start3A_242, %dma_start3A_243, %dma_start3A_244] : memref<2x16x16x128xf32, #tpu.memory_space<vmem>> -> memref<1x1x16x128xf32, #tpu.memory_space<vmem>>
    %dma_start3A_246 = tpu.memref_squeeze %dma_start3A_245 : memref<1x1x16x128xf32, #tpu.memory_space<vmem>> -> memref<16x128xf32, #tpu.memory_space<vmem>>
    %dma_start3A_247 = arith.constant 0 : i32
    %dma_start3A_248 = tpu.memref_slice %arg3[%dma_start3A_247, %multiple_of3A_240] : memref<16x1000000xf32, #tpu.memory_space<hbm>> -> memref<16x128xf32, #tpu.memory_space<hbm>>
    %dma_start3A_249 = arith.constant 0 : i32
    %dma_start3A_250 = arith.constant 0 : i32
    %dma_start3A_251 = tpu.memref_slice %arg6[%dma_start3A_241, %dma_start3A_242, %dma_start3A_249, %dma_start3A_250] : memref<2x16x16x128xf32, #tpu.memory_space<vmem>> -> memref<1x1x16x128xf32, #tpu.memory_space<vmem>>
    %dma_start3A_252 = tpu.memref_squeeze %dma_start3A_251 : memref<1x1x16x128xf32, #tpu.memory_space<vmem>> -> memref<16x128xf32, #tpu.memory_space<vmem>>
    %dma_start3A_253 = arith.constant 0 : i32
    %dma_start3A_254 = tpu.memref_slice %arg3[%dma_start3A_253, %multiple_of3A_240] : memref<16x1000000xf32, #tpu.memory_space<hbm>> -> memref<16x128xf32, #tpu.memory_space<hbm>>
    tpu.enqueue_dma source(%dma_start3A_254 : memref<16x128xf32, #tpu.memory_space<hbm>>) target(%dma_start3A_252 : memref<16x128xf32, #tpu.memory_space<vmem>>) target_semaphore(%arg8 : memref<!tpu.dma_semaphore, #tpu.memory_space<semaphore_mem>>)
    %slice3A_255 = vector.extract_strided_slice %shift_right_logical3A_10 {offsets = [13], sizes = [1], strides = [1]} : vector<16xi32> to vector<1xi32>
    %squeeze3A_256 = vector.extract %slice3A_255[0] : i32 from vector<1xi32>
    %mul3A_257 = arith.constant 128 : i32
    %mul3A_258 = arith.muli %squeeze3A_256, %mul3A_257 : i32
    %multiple_of3A_259 = tpu.assume_multiple %mul3A_258, 128 : i32
    %dma_start3A_260 = arith.constant 0 : i32
    %dma_start3A_261 = arith.constant 13 : i32
    %dma_start3A_262 = arith.constant 0 : i32
    %dma_start3A_263 = arith.constant 0 : i32
    %dma_start3A_264 = tpu.memref_slice %arg6[%dma_start3A_260, %dma_start3A_261, %dma_start3A_262, %dma_start3A_263] : memref<2x16x16x128xf32, #tpu.memory_space<vmem>> -> memref<1x1x16x128xf32, #tpu.memory_space<vmem>>
    %dma_start3A_265 = tpu.memref_squeeze %dma_start3A_264 : memref<1x1x16x128xf32, #tpu.memory_space<vmem>> -> memref<16x128xf32, #tpu.memory_space<vmem>>
    %dma_start3A_266 = arith.constant 0 : i32
    %dma_start3A_267 = tpu.memref_slice %arg3[%dma_start3A_266, %multiple_of3A_259] : memref<16x1000000xf32, #tpu.memory_space<hbm>> -> memref<16x128xf32, #tpu.memory_space<hbm>>
    %dma_start3A_268 = arith.constant 0 : i32
    %dma_start3A_269 = arith.constant 0 : i32
    %dma_start3A_270 = tpu.memref_slice %arg6[%dma_start3A_260, %dma_start3A_261, %dma_start3A_268, %dma_start3A_269] : memref<2x16x16x128xf32, #tpu.memory_space<vmem>> -> memref<1x1x16x128xf32, #tpu.memory_space<vmem>>
    %dma_start3A_271 = tpu.memref_squeeze %dma_start3A_270 : memref<1x1x16x128xf32, #tpu.memory_space<vmem>> -> memref<16x128xf32, #tpu.memory_space<vmem>>
    %dma_start3A_272 = arith.constant 0 : i32
    %dma_start3A_273 = tpu.memref_slice %arg3[%dma_start3A_272, %multiple_of3A_259] : memref<16x1000000xf32, #tpu.memory_space<hbm>> -> memref<16x128xf32, #tpu.memory_space<hbm>>
    tpu.enqueue_dma source(%dma_start3A_273 : memref<16x128xf32, #tpu.memory_space<hbm>>) target(%dma_start3A_271 : memref<16x128xf32, #tpu.memory_space<vmem>>) target_semaphore(%arg8 : memref<!tpu.dma_semaphore, #tpu.memory_space<semaphore_mem>>)
    %slice3A_274 = vector.extract_strided_slice %shift_right_logical3A_10 {offsets = [14], sizes = [1], strides = [1]} : vector<16xi32> to vector<1xi32>
    %squeeze3A_275 = vector.extract %slice3A_274[0] : i32 from vector<1xi32>
    %mul3A_276 = arith.constant 128 : i32
    %mul3A_277 = arith.muli %squeeze3A_275, %mul3A_276 : i32
    %multiple_of3A_278 = tpu.assume_multiple %mul3A_277, 128 : i32
    %dma_start3A_279 = arith.constant 0 : i32
    %dma_start3A_280 = arith.constant 14 : i32
    %dma_start3A_281 = arith.constant 0 : i32
    %dma_start3A_282 = arith.constant 0 : i32
    %dma_start3A_283 = tpu.memref_slice %arg6[%dma_start3A_279, %dma_start3A_280, %dma_start3A_281, %dma_start3A_282] : memref<2x16x16x128xf32, #tpu.memory_space<vmem>> -> memref<1x1x16x128xf32, #tpu.memory_space<vmem>>
    %dma_start3A_284 = tpu.memref_squeeze %dma_start3A_283 : memref<1x1x16x128xf32, #tpu.memory_space<vmem>> -> memref<16x128xf32, #tpu.memory_space<vmem>>
    %dma_start3A_285 = arith.constant 0 : i32
    %dma_start3A_286 = tpu.memref_slice %arg3[%dma_start3A_285, %multiple_of3A_278] : memref<16x1000000xf32, #tpu.memory_space<hbm>> -> memref<16x128xf32, #tpu.memory_space<hbm>>
    %dma_start3A_287 = arith.constant 0 : i32
    %dma_start3A_288 = arith.constant 0 : i32
    %dma_start3A_289 = tpu.memref_slice %arg6[%dma_start3A_279, %dma_start3A_280, %dma_start3A_287, %dma_start3A_288] : memref<2x16x16x128xf32, #tpu.memory_space<vmem>> -> memref<1x1x16x128xf32, #tpu.memory_space<vmem>>
    %dma_start3A_290 = tpu.memref_squeeze %dma_start3A_289 : memref<1x1x16x128xf32, #tpu.memory_space<vmem>> -> memref<16x128xf32, #tpu.memory_space<vmem>>
    %dma_start3A_291 = arith.constant 0 : i32
    %dma_start3A_292 = tpu.memref_slice %arg3[%dma_start3A_291, %multiple_of3A_278] : memref<16x1000000xf32, #tpu.memory_space<hbm>> -> memref<16x128xf32, #tpu.memory_space<hbm>>
    tpu.enqueue_dma source(%dma_start3A_292 : memref<16x128xf32, #tpu.memory_space<hbm>>) target(%dma_start3A_290 : memref<16x128xf32, #tpu.memory_space<vmem>>) target_semaphore(%arg8 : memref<!tpu.dma_semaphore, #tpu.memory_space<semaphore_mem>>)
    %slice3A_293 = vector.extract_strided_slice %shift_right_logical3A_10 {offsets = [15], sizes = [1], strides = [1]} : vector<16xi32> to vector<1xi32>
    %squeeze3A_294 = vector.extract %slice3A_293[0] : i32 from vector<1xi32>
    %mul3A_295 = arith.constant 128 : i32
    %mul3A_296 = arith.muli %squeeze3A_294, %mul3A_295 : i32
    %multiple_of3A_297 = tpu.assume_multiple %mul3A_296, 128 : i32
    %dma_start3A_298 = arith.constant 0 : i32
    %dma_start3A_299 = arith.constant 15 : i32
    %dma_start3A_300 = arith.constant 0 : i32
    %dma_start3A_301 = arith.constant 0 : i32
    %dma_start3A_302 = tpu.memref_slice %arg6[%dma_start3A_298, %dma_start3A_299, %dma_start3A_300, %dma_start3A_301] : memref<2x16x16x128xf32, #tpu.memory_space<vmem>> -> memref<1x1x16x128xf32, #tpu.memory_space<vmem>>
    %dma_start3A_303 = tpu.memref_squeeze %dma_start3A_302 : memref<1x1x16x128xf32, #tpu.memory_space<vmem>> -> memref<16x128xf32, #tpu.memory_space<vmem>>
    %dma_start3A_304 = arith.constant 0 : i32
    %dma_start3A_305 = tpu.memref_slice %arg3[%dma_start3A_304, %multiple_of3A_297] : memref<16x1000000xf32, #tpu.memory_space<hbm>> -> memref<16x128xf32, #tpu.memory_space<hbm>>
    %dma_start3A_306 = arith.constant 0 : i32
    %dma_start3A_307 = arith.constant 0 : i32
    %dma_start3A_308 = tpu.memref_slice %arg6[%dma_start3A_298, %dma_start3A_299, %dma_start3A_306, %dma_start3A_307] : memref<2x16x16x128xf32, #tpu.memory_space<vmem>> -> memref<1x1x16x128xf32, #tpu.memory_space<vmem>>
    %dma_start3A_309 = tpu.memref_squeeze %dma_start3A_308 : memref<1x1x16x128xf32, #tpu.memory_space<vmem>> -> memref<16x128xf32, #tpu.memory_space<vmem>>
    %dma_start3A_310 = arith.constant 0 : i32
    %dma_start3A_311 = tpu.memref_slice %arg3[%dma_start3A_310, %multiple_of3A_297] : memref<16x1000000xf32, #tpu.memory_space<hbm>> -> memref<16x128xf32, #tpu.memory_space<hbm>>
    tpu.enqueue_dma source(%dma_start3A_311 : memref<16x128xf32, #tpu.memory_space<hbm>>) target(%dma_start3A_309 : memref<16x128xf32, #tpu.memory_space<vmem>>) target_semaphore(%arg8 : memref<!tpu.dma_semaphore, #tpu.memory_space<semaphore_mem>>)
    %scan3A = arith.constant 0 : i32
    %scan3A_312 = arith.constant 0 : i32
    %scan3A_313 = arith.constant 32 : i32
    %scan3A_314 = arith.addi %scan3A_312, %scan3A_313 : i32
    %scan3A_315 = arith.constant 1 : i32
    scf.for %scan3A_319 = %scan3A_312 to %scan3A_314 step %scan3A_315  : i32 {
      %and3A_320 = arith.constant 1 : i32
      %and3A_321 = arith.andi %scan3A_319, %and3A_320 : i32
      %mul3A_322 = arith.constant 16 : i32
      %mul3A_323 = arith.muli %scan3A_319, %mul3A_322 : i32
      %add3A_324 = vector.broadcast %mul3A_323 : i32 to vector<16xi32>
      %add3A_325 = arith.addi %add3A_324, %iota3A : vector<16xi32>
      %gather3A_326 = tpu.vector_load_idx %arg5[%broadcast_in_dim3A, %add3A_325] : memref<8x512xi32, #tpu.memory_space<vmem>>[vector<16xi32>, vector<16xi32>], vector<16xi32>,
      %and3A_327 = arith.constant 127 : i32
      %and3A_328 = vector.broadcast %and3A_327 : i32 to vector<16xi32>
      %and3A_329 = arith.andi %gather3A_326, %and3A_328 : vector<16xi32>
      %add3A_330 = arith.constant 1 : i32
      %add3A_331 = arith.addi %scan3A_319, %add3A_330 : i32
      %lt3A = arith.constant 32 : i32
      %lt3A_332 = arith.cmpi slt, %add3A_331, %lt3A : i32
      %convert_element_type3A = arith.extui %lt3A_332 : i1 to i32
      %cond3A = arith.constant 0 : i32
      %cond3A_333 = arith.cmpi ne, %convert_element_type3A, %cond3A : i32
      scf.if %cond3A_333 {
        %add3A_813 = arith.constant 1 : i32
        %add3A_814 = arith.addi %scan3A_319, %add3A_813 : i32
        %sub3A = arith.constant 1 : i32
        %sub3A_815 = arith.subi %sub3A, %and3A_321 : i32
        %mul3A_816 = arith.constant 16 : i32
        %mul3A_817 = arith.muli %add3A_814, %mul3A_816 : i32
        %add3A_818 = vector.broadcast %mul3A_817 : i32 to vector<16xi32>
        %add3A_819 = arith.addi %add3A_818, %iota3A : vector<16xi32>
        %gather3A_820 = tpu.vector_load_idx %arg5[%broadcast_in_dim3A, %add3A_819] : memref<8x512xi32, #tpu.memory_space<vmem>>[vector<16xi32>, vector<16xi32>], vector<16xi32>,
        %shift_right_logical3A_821 = arith.constant 7 : i32
        %shift_right_logical3A_822 = vector.broadcast %shift_right_logical3A_821 : i32 to vector<16xi32>
        %shift_right_logical3A_823 = arith.shrui %gather3A_820, %shift_right_logical3A_822 : vector<16xi32>
        %slice3A_824 = vector.extract_strided_slice %shift_right_logical3A_823 {offsets = [0], sizes = [1], strides = [1]} : vector<16xi32> to vector<1xi32>
        %squeeze3A_825 = vector.extract %slice3A_824[0] : i32 from vector<1xi32>
        %mul3A_826 = arith.constant 128 : i32
        %mul3A_827 = arith.muli %squeeze3A_825, %mul3A_826 : i32
        %multiple_of3A_828 = tpu.assume_multiple %mul3A_827, 128 : i32
        %dma_start3A_829 = arith.constant 0 : i32
        %dma_start3A_830 = arith.constant 0 : i32
        %dma_start3A_831 = arith.constant 0 : i32
        %dma_start3A_832 = tpu.memref_slice %arg6[%sub3A_815, %dma_start3A_829, %dma_start3A_830, %dma_start3A_831] : memref<2x16x16x128xf32, #tpu.memory_space<vmem>> -> memref<1x1x16x128xf32, #tpu.memory_space<vmem>>
        %dma_start3A_833 = tpu.memref_squeeze %dma_start3A_832 : memref<1x1x16x128xf32, #tpu.memory_space<vmem>> -> memref<16x128xf32, #tpu.memory_space<vmem>>
        %dma_start3A_834 = arith.constant 0 : i32
        %dma_start3A_835 = tpu.memref_slice %arg3[%dma_start3A_834, %multiple_of3A_828] : memref<16x1000000xf32, #tpu.memory_space<hbm>> -> memref<16x128xf32, #tpu.memory_space<hbm>>
        %dma_start3A_836 = arith.constant 0 : i32
        %dma_start3A_837 = arith.constant 0 : i32
        %dma_start3A_838 = tpu.memref_slice %arg6[%sub3A_815, %dma_start3A_829, %dma_start3A_836, %dma_start3A_837] : memref<2x16x16x128xf32, #tpu.memory_space<vmem>> -> memref<1x1x16x128xf32, #tpu.memory_space<vmem>>
        %dma_start3A_839 = tpu.memref_squeeze %dma_start3A_838 : memref<1x1x16x128xf32, #tpu.memory_space<vmem>> -> memref<16x128xf32, #tpu.memory_space<vmem>>
        %dma_start3A_840 = arith.constant 0 : i32
        %dma_start3A_841 = tpu.memref_slice %arg3[%dma_start3A_840, %multiple_of3A_828] : memref<16x1000000xf32, #tpu.memory_space<hbm>> -> memref<16x128xf32, #tpu.memory_space<hbm>>
        tpu.enqueue_dma source(%dma_start3A_841 : memref<16x128xf32, #tpu.memory_space<hbm>>) target(%dma_start3A_839 : memref<16x128xf32, #tpu.memory_space<vmem>>) target_semaphore(%arg8 : memref<!tpu.dma_semaphore, #tpu.memory_space<semaphore_mem>>)
        %slice3A_842 = vector.extract_strided_slice %shift_right_logical3A_823 {offsets = [1], sizes = [1], strides = [1]} : vector<16xi32> to vector<1xi32>
        %squeeze3A_843 = vector.extract %slice3A_842[0] : i32 from vector<1xi32>
        %mul3A_844 = arith.constant 128 : i32
        %mul3A_845 = arith.muli %squeeze3A_843, %mul3A_844 : i32
        %multiple_of3A_846 = tpu.assume_multiple %mul3A_845, 128 : i32
        %dma_start3A_847 = arith.constant 1 : i32
        %dma_start3A_848 = arith.constant 0 : i32
        %dma_start3A_849 = arith.constant 0 : i32
        %dma_start3A_850 = tpu.memref_slice %arg6[%sub3A_815, %dma_start3A_847, %dma_start3A_848, %dma_start3A_849] : memref<2x16x16x128xf32, #tpu.memory_space<vmem>> -> memref<1x1x16x128xf32, #tpu.memory_space<vmem>>
        %dma_start3A_851 = tpu.memref_squeeze %dma_start3A_850 : memref<1x1x16x128xf32, #tpu.memory_space<vmem>> -> memref<16x128xf32, #tpu.memory_space<vmem>>
        %dma_start3A_852 = arith.constant 0 : i32
        %dma_start3A_853 = tpu.memref_slice %arg3[%dma_start3A_852, %multiple_of3A_846] : memref<16x1000000xf32, #tpu.memory_space<hbm>> -> memref<16x128xf32, #tpu.memory_space<hbm>>
        %dma_start3A_854 = arith.constant 0 : i32
        %dma_start3A_855 = arith.constant 0 : i32
        %dma_start3A_856 = tpu.memref_slice %arg6[%sub3A_815, %dma_start3A_847, %dma_start3A_854, %dma_start3A_855] : memref<2x16x16x128xf32, #tpu.memory_space<vmem>> -> memref<1x1x16x128xf32, #tpu.memory_space<vmem>>
        %dma_start3A_857 = tpu.memref_squeeze %dma_start3A_856 : memref<1x1x16x128xf32, #tpu.memory_space<vmem>> -> memref<16x128xf32, #tpu.memory_space<vmem>>
        %dma_start3A_858 = arith.constant 0 : i32
        %dma_start3A_859 = tpu.memref_slice %arg3[%dma_start3A_858, %multiple_of3A_846] : memref<16x1000000xf32, #tpu.memory_space<hbm>> -> memref<16x128xf32, #tpu.memory_space<hbm>>
        tpu.enqueue_dma source(%dma_start3A_859 : memref<16x128xf32, #tpu.memory_space<hbm>>) target(%dma_start3A_857 : memref<16x128xf32, #tpu.memory_space<vmem>>) target_semaphore(%arg8 : memref<!tpu.dma_semaphore, #tpu.memory_space<semaphore_mem>>)
        %slice3A_860 = vector.extract_strided_slice %shift_right_logical3A_823 {offsets = [2], sizes = [1], strides = [1]} : vector<16xi32> to vector<1xi32>
        %squeeze3A_861 = vector.extract %slice3A_860[0] : i32 from vector<1xi32>
        %mul3A_862 = arith.constant 128 : i32
        %mul3A_863 = arith.muli %squeeze3A_861, %mul3A_862 : i32
        %multiple_of3A_864 = tpu.assume_multiple %mul3A_863, 128 : i32
        %dma_start3A_865 = arith.constant 2 : i32
        %dma_start3A_866 = arith.constant 0 : i32
        %dma_start3A_867 = arith.constant 0 : i32
        %dma_start3A_868 = tpu.memref_slice %arg6[%sub3A_815, %dma_start3A_865, %dma_start3A_866, %dma_start3A_867] : memref<2x16x16x128xf32, #tpu.memory_space<vmem>> -> memref<1x1x16x128xf32, #tpu.memory_space<vmem>>
        %dma_start3A_869 = tpu.memref_squeeze %dma_start3A_868 : memref<1x1x16x128xf32, #tpu.memory_space<vmem>> -> memref<16x128xf32, #tpu.memory_space<vmem>>
        %dma_start3A_870 = arith.constant 0 : i32
        %dma_start3A_871 = tpu.memref_slice %arg3[%dma_start3A_870, %multiple_of3A_864] : memref<16x1000000xf32, #tpu.memory_space<hbm>> -> memref<16x128xf32, #tpu.memory_space<hbm>>
        %dma_start3A_872 = arith.constant 0 : i32
        %dma_start3A_873 = arith.constant 0 : i32
        %dma_start3A_874 = tpu.memref_slice %arg6[%sub3A_815, %dma_start3A_865, %dma_start3A_872, %dma_start3A_873] : memref<2x16x16x128xf32, #tpu.memory_space<vmem>> -> memref<1x1x16x128xf32, #tpu.memory_space<vmem>>
        %dma_start3A_875 = tpu.memref_squeeze %dma_start3A_874 : memref<1x1x16x128xf32, #tpu.memory_space<vmem>> -> memref<16x128xf32, #tpu.memory_space<vmem>>
        %dma_start3A_876 = arith.constant 0 : i32
        %dma_start3A_877 = tpu.memref_slice %arg3[%dma_start3A_876, %multiple_of3A_864] : memref<16x1000000xf32, #tpu.memory_space<hbm>> -> memref<16x128xf32, #tpu.memory_space<hbm>>
        tpu.enqueue_dma source(%dma_start3A_877 : memref<16x128xf32, #tpu.memory_space<hbm>>) target(%dma_start3A_875 : memref<16x128xf32, #tpu.memory_space<vmem>>) target_semaphore(%arg8 : memref<!tpu.dma_semaphore, #tpu.memory_space<semaphore_mem>>)
        %slice3A_878 = vector.extract_strided_slice %shift_right_logical3A_823 {offsets = [3], sizes = [1], strides = [1]} : vector<16xi32> to vector<1xi32>
        %squeeze3A_879 = vector.extract %slice3A_878[0] : i32 from vector<1xi32>
        %mul3A_880 = arith.constant 128 : i32
        %mul3A_881 = arith.muli %squeeze3A_879, %mul3A_880 : i32
        %multiple_of3A_882 = tpu.assume_multiple %mul3A_881, 128 : i32
        %dma_start3A_883 = arith.constant 3 : i32
        %dma_start3A_884 = arith.constant 0 : i32
        %dma_start3A_885 = arith.constant 0 : i32
        %dma_start3A_886 = tpu.memref_slice %arg6[%sub3A_815, %dma_start3A_883, %dma_start3A_884, %dma_start3A_885] : memref<2x16x16x128xf32, #tpu.memory_space<vmem>> -> memref<1x1x16x128xf32, #tpu.memory_space<vmem>>
        %dma_start3A_887 = tpu.memref_squeeze %dma_start3A_886 : memref<1x1x16x128xf32, #tpu.memory_space<vmem>> -> memref<16x128xf32, #tpu.memory_space<vmem>>
        %dma_start3A_888 = arith.constant 0 : i32
        %dma_start3A_889 = tpu.memref_slice %arg3[%dma_start3A_888, %multiple_of3A_882] : memref<16x1000000xf32, #tpu.memory_space<hbm>> -> memref<16x128xf32, #tpu.memory_space<hbm>>
        %dma_start3A_890 = arith.constant 0 : i32
        %dma_start3A_891 = arith.constant 0 : i32
        %dma_start3A_892 = tpu.memref_slice %arg6[%sub3A_815, %dma_start3A_883, %dma_start3A_890, %dma_start3A_891] : memref<2x16x16x128xf32, #tpu.memory_space<vmem>> -> memref<1x1x16x128xf32, #tpu.memory_space<vmem>>
        %dma_start3A_893 = tpu.memref_squeeze %dma_start3A_892 : memref<1x1x16x128xf32, #tpu.memory_space<vmem>> -> memref<16x128xf32, #tpu.memory_space<vmem>>
        %dma_start3A_894 = arith.constant 0 : i32
        %dma_start3A_895 = tpu.memref_slice %arg3[%dma_start3A_894, %multiple_of3A_882] : memref<16x1000000xf32, #tpu.memory_space<hbm>> -> memref<16x128xf32, #tpu.memory_space<hbm>>
        tpu.enqueue_dma source(%dma_start3A_895 : memref<16x128xf32, #tpu.memory_space<hbm>>) target(%dma_start3A_893 : memref<16x128xf32, #tpu.memory_space<vmem>>) target_semaphore(%arg8 : memref<!tpu.dma_semaphore, #tpu.memory_space<semaphore_mem>>)
        %slice3A_896 = vector.extract_strided_slice %shift_right_logical3A_823 {offsets = [4], sizes = [1], strides = [1]} : vector<16xi32> to vector<1xi32>
        %squeeze3A_897 = vector.extract %slice3A_896[0] : i32 from vector<1xi32>
        %mul3A_898 = arith.constant 128 : i32
        %mul3A_899 = arith.muli %squeeze3A_897, %mul3A_898 : i32
        %multiple_of3A_900 = tpu.assume_multiple %mul3A_899, 128 : i32
        %dma_start3A_901 = arith.constant 4 : i32
        %dma_start3A_902 = arith.constant 0 : i32
        %dma_start3A_903 = arith.constant 0 : i32
        %dma_start3A_904 = tpu.memref_slice %arg6[%sub3A_815, %dma_start3A_901, %dma_start3A_902, %dma_start3A_903] : memref<2x16x16x128xf32, #tpu.memory_space<vmem>> -> memref<1x1x16x128xf32, #tpu.memory_space<vmem>>
        %dma_start3A_905 = tpu.memref_squeeze %dma_start3A_904 : memref<1x1x16x128xf32, #tpu.memory_space<vmem>> -> memref<16x128xf32, #tpu.memory_space<vmem>>
        %dma_start3A_906 = arith.constant 0 : i32
        %dma_start3A_907 = tpu.memref_slice %arg3[%dma_start3A_906, %multiple_of3A_900] : memref<16x1000000xf32, #tpu.memory_space<hbm>> -> memref<16x128xf32, #tpu.memory_space<hbm>>
        %dma_start3A_908 = arith.constant 0 : i32
        %dma_start3A_909 = arith.constant 0 : i32
        %dma_start3A_910 = tpu.memref_slice %arg6[%sub3A_815, %dma_start3A_901, %dma_start3A_908, %dma_start3A_909] : memref<2x16x16x128xf32, #tpu.memory_space<vmem>> -> memref<1x1x16x128xf32, #tpu.memory_space<vmem>>
        %dma_start3A_911 = tpu.memref_squeeze %dma_start3A_910 : memref<1x1x16x128xf32, #tpu.memory_space<vmem>> -> memref<16x128xf32, #tpu.memory_space<vmem>>
        %dma_start3A_912 = arith.constant 0 : i32
        %dma_start3A_913 = tpu.memref_slice %arg3[%dma_start3A_912, %multiple_of3A_900] : memref<16x1000000xf32, #tpu.memory_space<hbm>> -> memref<16x128xf32, #tpu.memory_space<hbm>>
        tpu.enqueue_dma source(%dma_start3A_913 : memref<16x128xf32, #tpu.memory_space<hbm>>) target(%dma_start3A_911 : memref<16x128xf32, #tpu.memory_space<vmem>>) target_semaphore(%arg8 : memref<!tpu.dma_semaphore, #tpu.memory_space<semaphore_mem>>)
        %slice3A_914 = vector.extract_strided_slice %shift_right_logical3A_823 {offsets = [5], sizes = [1], strides = [1]} : vector<16xi32> to vector<1xi32>
        %squeeze3A_915 = vector.extract %slice3A_914[0] : i32 from vector<1xi32>
        %mul3A_916 = arith.constant 128 : i32
        %mul3A_917 = arith.muli %squeeze3A_915, %mul3A_916 : i32
        %multiple_of3A_918 = tpu.assume_multiple %mul3A_917, 128 : i32
        %dma_start3A_919 = arith.constant 5 : i32
        %dma_start3A_920 = arith.constant 0 : i32
        %dma_start3A_921 = arith.constant 0 : i32
        %dma_start3A_922 = tpu.memref_slice %arg6[%sub3A_815, %dma_start3A_919, %dma_start3A_920, %dma_start3A_921] : memref<2x16x16x128xf32, #tpu.memory_space<vmem>> -> memref<1x1x16x128xf32, #tpu.memory_space<vmem>>
        %dma_start3A_923 = tpu.memref_squeeze %dma_start3A_922 : memref<1x1x16x128xf32, #tpu.memory_space<vmem>> -> memref<16x128xf32, #tpu.memory_space<vmem>>
        %dma_start3A_924 = arith.constant 0 : i32
        %dma_start3A_925 = tpu.memref_slice %arg3[%dma_start3A_924, %multiple_of3A_918] : memref<16x1000000xf32, #tpu.memory_space<hbm>> -> memref<16x128xf32, #tpu.memory_space<hbm>>
        %dma_start3A_926 = arith.constant 0 : i32
        %dma_start3A_927 = arith.constant 0 : i32
        %dma_start3A_928 = tpu.memref_slice %arg6[%sub3A_815, %dma_start3A_919, %dma_start3A_926, %dma_start3A_927] : memref<2x16x16x128xf32, #tpu.memory_space<vmem>> -> memref<1x1x16x128xf32, #tpu.memory_space<vmem>>
        %dma_start3A_929 = tpu.memref_squeeze %dma_start3A_928 : memref<1x1x16x128xf32, #tpu.memory_space<vmem>> -> memref<16x128xf32, #tpu.memory_space<vmem>>
        %dma_start3A_930 = arith.constant 0 : i32
        %dma_start3A_931 = tpu.memref_slice %arg3[%dma_start3A_930, %multiple_of3A_918] : memref<16x1000000xf32, #tpu.memory_space<hbm>> -> memref<16x128xf32, #tpu.memory_space<hbm>>
        tpu.enqueue_dma source(%dma_start3A_931 : memref<16x128xf32, #tpu.memory_space<hbm>>) target(%dma_start3A_929 : memref<16x128xf32, #tpu.memory_space<vmem>>) target_semaphore(%arg8 : memref<!tpu.dma_semaphore, #tpu.memory_space<semaphore_mem>>)
        %slice3A_932 = vector.extract_strided_slice %shift_right_logical3A_823 {offsets = [6], sizes = [1], strides = [1]} : vector<16xi32> to vector<1xi32>
        %squeeze3A_933 = vector.extract %slice3A_932[0] : i32 from vector<1xi32>
        %mul3A_934 = arith.constant 128 : i32
        %mul3A_935 = arith.muli %squeeze3A_933, %mul3A_934 : i32
        %multiple_of3A_936 = tpu.assume_multiple %mul3A_935, 128 : i32
        %dma_start3A_937 = arith.constant 6 : i32
        %dma_start3A_938 = arith.constant 0 : i32
        %dma_start3A_939 = arith.constant 0 : i32
        %dma_start3A_940 = tpu.memref_slice %arg6[%sub3A_815, %dma_start3A_937, %dma_start3A_938, %dma_start3A_939] : memref<2x16x16x128xf32, #tpu.memory_space<vmem>> -> memref<1x1x16x128xf32, #tpu.memory_space<vmem>>
        %dma_start3A_941 = tpu.memref_squeeze %dma_start3A_940 : memref<1x1x16x128xf32, #tpu.memory_space<vmem>> -> memref<16x128xf32, #tpu.memory_space<vmem>>
        %dma_start3A_942 = arith.constant 0 : i32
        %dma_start3A_943 = tpu.memref_slice %arg3[%dma_start3A_942, %multiple_of3A_936] : memref<16x1000000xf32, #tpu.memory_space<hbm>> -> memref<16x128xf32, #tpu.memory_space<hbm>>
        %dma_start3A_944 = arith.constant 0 : i32
        %dma_start3A_945 = arith.constant 0 : i32
        %dma_start3A_946 = tpu.memref_slice %arg6[%sub3A_815, %dma_start3A_937, %dma_start3A_944, %dma_start3A_945] : memref<2x16x16x128xf32, #tpu.memory_space<vmem>> -> memref<1x1x16x128xf32, #tpu.memory_space<vmem>>
        %dma_start3A_947 = tpu.memref_squeeze %dma_start3A_946 : memref<1x1x16x128xf32, #tpu.memory_space<vmem>> -> memref<16x128xf32, #tpu.memory_space<vmem>>
        %dma_start3A_948 = arith.constant 0 : i32
        %dma_start3A_949 = tpu.memref_slice %arg3[%dma_start3A_948, %multiple_of3A_936] : memref<16x1000000xf32, #tpu.memory_space<hbm>> -> memref<16x128xf32, #tpu.memory_space<hbm>>
        tpu.enqueue_dma source(%dma_start3A_949 : memref<16x128xf32, #tpu.memory_space<hbm>>) target(%dma_start3A_947 : memref<16x128xf32, #tpu.memory_space<vmem>>) target_semaphore(%arg8 : memref<!tpu.dma_semaphore, #tpu.memory_space<semaphore_mem>>)
        %slice3A_950 = vector.extract_strided_slice %shift_right_logical3A_823 {offsets = [7], sizes = [1], strides = [1]} : vector<16xi32> to vector<1xi32>
        %squeeze3A_951 = vector.extract %slice3A_950[0] : i32 from vector<1xi32>
        %mul3A_952 = arith.constant 128 : i32
        %mul3A_953 = arith.muli %squeeze3A_951, %mul3A_952 : i32
        %multiple_of3A_954 = tpu.assume_multiple %mul3A_953, 128 : i32
        %dma_start3A_955 = arith.constant 7 : i32
        %dma_start3A_956 = arith.constant 0 : i32
        %dma_start3A_957 = arith.constant 0 : i32
        %dma_start3A_958 = tpu.memref_slice %arg6[%sub3A_815, %dma_start3A_955, %dma_start3A_956, %dma_start3A_957] : memref<2x16x16x128xf32, #tpu.memory_space<vmem>> -> memref<1x1x16x128xf32, #tpu.memory_space<vmem>>
        %dma_start3A_959 = tpu.memref_squeeze %dma_start3A_958 : memref<1x1x16x128xf32, #tpu.memory_space<vmem>> -> memref<16x128xf32, #tpu.memory_space<vmem>>
        %dma_start3A_960 = arith.constant 0 : i32
        %dma_start3A_961 = tpu.memref_slice %arg3[%dma_start3A_960, %multiple_of3A_954] : memref<16x1000000xf32, #tpu.memory_space<hbm>> -> memref<16x128xf32, #tpu.memory_space<hbm>>
        %dma_start3A_962 = arith.constant 0 : i32
        %dma_start3A_963 = arith.constant 0 : i32
        %dma_start3A_964 = tpu.memref_slice %arg6[%sub3A_815, %dma_start3A_955, %dma_start3A_962, %dma_start3A_963] : memref<2x16x16x128xf32, #tpu.memory_space<vmem>> -> memref<1x1x16x128xf32, #tpu.memory_space<vmem>>
        %dma_start3A_965 = tpu.memref_squeeze %dma_start3A_964 : memref<1x1x16x128xf32, #tpu.memory_space<vmem>> -> memref<16x128xf32, #tpu.memory_space<vmem>>
        %dma_start3A_966 = arith.constant 0 : i32
        %dma_start3A_967 = tpu.memref_slice %arg3[%dma_start3A_966, %multiple_of3A_954] : memref<16x1000000xf32, #tpu.memory_space<hbm>> -> memref<16x128xf32, #tpu.memory_space<hbm>>
        tpu.enqueue_dma source(%dma_start3A_967 : memref<16x128xf32, #tpu.memory_space<hbm>>) target(%dma_start3A_965 : memref<16x128xf32, #tpu.memory_space<vmem>>) target_semaphore(%arg8 : memref<!tpu.dma_semaphore, #tpu.memory_space<semaphore_mem>>)
        %slice3A_968 = vector.extract_strided_slice %shift_right_logical3A_823 {offsets = [8], sizes = [1], strides = [1]} : vector<16xi32> to vector<1xi32>
        %squeeze3A_969 = vector.extract %slice3A_968[0] : i32 from vector<1xi32>
        %mul3A_970 = arith.constant 128 : i32
        %mul3A_971 = arith.muli %squeeze3A_969, %mul3A_970 : i32
        %multiple_of3A_972 = tpu.assume_multiple %mul3A_971, 128 : i32
        %dma_start3A_973 = arith.constant 8 : i32
        %dma_start3A_974 = arith.constant 0 : i32
        %dma_start3A_975 = arith.constant 0 : i32
        %dma_start3A_976 = tpu.memref_slice %arg6[%sub3A_815, %dma_start3A_973, %dma_start3A_974, %dma_start3A_975] : memref<2x16x16x128xf32, #tpu.memory_space<vmem>> -> memref<1x1x16x128xf32, #tpu.memory_space<vmem>>
        %dma_start3A_977 = tpu.memref_squeeze %dma_start3A_976 : memref<1x1x16x128xf32, #tpu.memory_space<vmem>> -> memref<16x128xf32, #tpu.memory_space<vmem>>
        %dma_start3A_978 = arith.constant 0 : i32
        %dma_start3A_979 = tpu.memref_slice %arg3[%dma_start3A_978, %multiple_of3A_972] : memref<16x1000000xf32, #tpu.memory_space<hbm>> -> memref<16x128xf32, #tpu.memory_space<hbm>>
        %dma_start3A_980 = arith.constant 0 : i32
        %dma_start3A_981 = arith.constant 0 : i32
        %dma_start3A_982 = tpu.memref_slice %arg6[%sub3A_815, %dma_start3A_973, %dma_start3A_980, %dma_start3A_981] : memref<2x16x16x128xf32, #tpu.memory_space<vmem>> -> memref<1x1x16x128xf32, #tpu.memory_space<vmem>>
        %dma_start3A_983 = tpu.memref_squeeze %dma_start3A_982 : memref<1x1x16x128xf32, #tpu.memory_space<vmem>> -> memref<16x128xf32, #tpu.memory_space<vmem>>
        %dma_start3A_984 = arith.constant 0 : i32
        %dma_start3A_985 = tpu.memref_slice %arg3[%dma_start3A_984, %multiple_of3A_972] : memref<16x1000000xf32, #tpu.memory_space<hbm>> -> memref<16x128xf32, #tpu.memory_space<hbm>>
        tpu.enqueue_dma source(%dma_start3A_985 : memref<16x128xf32, #tpu.memory_space<hbm>>) target(%dma_start3A_983 : memref<16x128xf32, #tpu.memory_space<vmem>>) target_semaphore(%arg8 : memref<!tpu.dma_semaphore, #tpu.memory_space<semaphore_mem>>)
        %slice3A_986 = vector.extract_strided_slice %shift_right_logical3A_823 {offsets = [9], sizes = [1], strides = [1]} : vector<16xi32> to vector<1xi32>
        %squeeze3A_987 = vector.extract %slice3A_986[0] : i32 from vector<1xi32>
        %mul3A_988 = arith.constant 128 : i32
        %mul3A_989 = arith.muli %squeeze3A_987, %mul3A_988 : i32
        %multiple_of3A_990 = tpu.assume_multiple %mul3A_989, 128 : i32
        %dma_start3A_991 = arith.constant 9 : i32
        %dma_start3A_992 = arith.constant 0 : i32
        %dma_start3A_993 = arith.constant 0 : i32
        %dma_start3A_994 = tpu.memref_slice %arg6[%sub3A_815, %dma_start3A_991, %dma_start3A_992, %dma_start3A_993] : memref<2x16x16x128xf32, #tpu.memory_space<vmem>> -> memref<1x1x16x128xf32, #tpu.memory_space<vmem>>
        %dma_start3A_995 = tpu.memref_squeeze %dma_start3A_994 : memref<1x1x16x128xf32, #tpu.memory_space<vmem>> -> memref<16x128xf32, #tpu.memory_space<vmem>>
        %dma_start3A_996 = arith.constant 0 : i32
        %dma_start3A_997 = tpu.memref_slice %arg3[%dma_start3A_996, %multiple_of3A_990] : memref<16x1000000xf32, #tpu.memory_space<hbm>> -> memref<16x128xf32, #tpu.memory_space<hbm>>
        %dma_start3A_998 = arith.constant 0 : i32
        %dma_start3A_999 = arith.constant 0 : i32
        %dma_start3A_1000 = tpu.memref_slice %arg6[%sub3A_815, %dma_start3A_991, %dma_start3A_998, %dma_start3A_999] : memref<2x16x16x128xf32, #tpu.memory_space<vmem>> -> memref<1x1x16x128xf32, #tpu.memory_space<vmem>>
        %dma_start3A_1001 = tpu.memref_squeeze %dma_start3A_1000 : memref<1x1x16x128xf32, #tpu.memory_space<vmem>> -> memref<16x128xf32, #tpu.memory_space<vmem>>
        %dma_start3A_1002 = arith.constant 0 : i32
        %dma_start3A_1003 = tpu.memref_slice %arg3[%dma_start3A_1002, %multiple_of3A_990] : memref<16x1000000xf32, #tpu.memory_space<hbm>> -> memref<16x128xf32, #tpu.memory_space<hbm>>
        tpu.enqueue_dma source(%dma_start3A_1003 : memref<16x128xf32, #tpu.memory_space<hbm>>) target(%dma_start3A_1001 : memref<16x128xf32, #tpu.memory_space<vmem>>) target_semaphore(%arg8 : memref<!tpu.dma_semaphore, #tpu.memory_space<semaphore_mem>>)
        %slice3A_1004 = vector.extract_strided_slice %shift_right_logical3A_823 {offsets = [10], sizes = [1], strides = [1]} : vector<16xi32> to vector<1xi32>
        %squeeze3A_1005 = vector.extract %slice3A_1004[0] : i32 from vector<1xi32>
        %mul3A_1006 = arith.constant 128 : i32
        %mul3A_1007 = arith.muli %squeeze3A_1005, %mul3A_1006 : i32
        %multiple_of3A_1008 = tpu.assume_multiple %mul3A_1007, 128 : i32
        %dma_start3A_1009 = arith.constant 10 : i32
        %dma_start3A_1010 = arith.constant 0 : i32
        %dma_start3A_1011 = arith.constant 0 : i32
        %dma_start3A_1012 = tpu.memref_slice %arg6[%sub3A_815, %dma_start3A_1009, %dma_start3A_1010, %dma_start3A_1011] : memref<2x16x16x128xf32, #tpu.memory_space<vmem>> -> memref<1x1x16x128xf32, #tpu.memory_space<vmem>>
        %dma_start3A_1013 = tpu.memref_squeeze %dma_start3A_1012 : memref<1x1x16x128xf32, #tpu.memory_space<vmem>> -> memref<16x128xf32, #tpu.memory_space<vmem>>
        %dma_start3A_1014 = arith.constant 0 : i32
        %dma_start3A_1015 = tpu.memref_slice %arg3[%dma_start3A_1014, %multiple_of3A_1008] : memref<16x1000000xf32, #tpu.memory_space<hbm>> -> memref<16x128xf32, #tpu.memory_space<hbm>>
        %dma_start3A_1016 = arith.constant 0 : i32
        %dma_start3A_1017 = arith.constant 0 : i32
        %dma_start3A_1018 = tpu.memref_slice %arg6[%sub3A_815, %dma_start3A_1009, %dma_start3A_1016, %dma_start3A_1017] : memref<2x16x16x128xf32, #tpu.memory_space<vmem>> -> memref<1x1x16x128xf32, #tpu.memory_space<vmem>>
        %dma_start3A_1019 = tpu.memref_squeeze %dma_start3A_1018 : memref<1x1x16x128xf32, #tpu.memory_space<vmem>> -> memref<16x128xf32, #tpu.memory_space<vmem>>
        %dma_start3A_1020 = arith.constant 0 : i32
        %dma_start3A_1021 = tpu.memref_slice %arg3[%dma_start3A_1020, %multiple_of3A_1008] : memref<16x1000000xf32, #tpu.memory_space<hbm>> -> memref<16x128xf32, #tpu.memory_space<hbm>>
        tpu.enqueue_dma source(%dma_start3A_1021 : memref<16x128xf32, #tpu.memory_space<hbm>>) target(%dma_start3A_1019 : memref<16x128xf32, #tpu.memory_space<vmem>>) target_semaphore(%arg8 : memref<!tpu.dma_semaphore, #tpu.memory_space<semaphore_mem>>)
        %slice3A_1022 = vector.extract_strided_slice %shift_right_logical3A_823 {offsets = [11], sizes = [1], strides = [1]} : vector<16xi32> to vector<1xi32>
        %squeeze3A_1023 = vector.extract %slice3A_1022[0] : i32 from vector<1xi32>
        %mul3A_1024 = arith.constant 128 : i32
        %mul3A_1025 = arith.muli %squeeze3A_1023, %mul3A_1024 : i32
        %multiple_of3A_1026 = tpu.assume_multiple %mul3A_1025, 128 : i32
        %dma_start3A_1027 = arith.constant 11 : i32
        %dma_start3A_1028 = arith.constant 0 : i32
        %dma_start3A_1029 = arith.constant 0 : i32
        %dma_start3A_1030 = tpu.memref_slice %arg6[%sub3A_815, %dma_start3A_1027, %dma_start3A_1028, %dma_start3A_1029] : memref<2x16x16x128xf32, #tpu.memory_space<vmem>> -> memref<1x1x16x128xf32, #tpu.memory_space<vmem>>
        %dma_start3A_1031 = tpu.memref_squeeze %dma_start3A_1030 : memref<1x1x16x128xf32, #tpu.memory_space<vmem>> -> memref<16x128xf32, #tpu.memory_space<vmem>>
        %dma_start3A_1032 = arith.constant 0 : i32
        %dma_start3A_1033 = tpu.memref_slice %arg3[%dma_start3A_1032, %multiple_of3A_1026] : memref<16x1000000xf32, #tpu.memory_space<hbm>> -> memref<16x128xf32, #tpu.memory_space<hbm>>
        %dma_start3A_1034 = arith.constant 0 : i32
        %dma_start3A_1035 = arith.constant 0 : i32
        %dma_start3A_1036 = tpu.memref_slice %arg6[%sub3A_815, %dma_start3A_1027, %dma_start3A_1034, %dma_start3A_1035] : memref<2x16x16x128xf32, #tpu.memory_space<vmem>> -> memref<1x1x16x128xf32, #tpu.memory_space<vmem>>
        %dma_start3A_1037 = tpu.memref_squeeze %dma_start3A_1036 : memref<1x1x16x128xf32, #tpu.memory_space<vmem>> -> memref<16x128xf32, #tpu.memory_space<vmem>>
        %dma_start3A_1038 = arith.constant 0 : i32
        %dma_start3A_1039 = tpu.memref_slice %arg3[%dma_start3A_1038, %multiple_of3A_1026] : memref<16x1000000xf32, #tpu.memory_space<hbm>> -> memref<16x128xf32, #tpu.memory_space<hbm>>
        tpu.enqueue_dma source(%dma_start3A_1039 : memref<16x128xf32, #tpu.memory_space<hbm>>) target(%dma_start3A_1037 : memref<16x128xf32, #tpu.memory_space<vmem>>) target_semaphore(%arg8 : memref<!tpu.dma_semaphore, #tpu.memory_space<semaphore_mem>>)
        %slice3A_1040 = vector.extract_strided_slice %shift_right_logical3A_823 {offsets = [12], sizes = [1], strides = [1]} : vector<16xi32> to vector<1xi32>
        %squeeze3A_1041 = vector.extract %slice3A_1040[0] : i32 from vector<1xi32>
        %mul3A_1042 = arith.constant 128 : i32
        %mul3A_1043 = arith.muli %squeeze3A_1041, %mul3A_1042 : i32
        %multiple_of3A_1044 = tpu.assume_multiple %mul3A_1043, 128 : i32
        %dma_start3A_1045 = arith.constant 12 : i32
        %dma_start3A_1046 = arith.constant 0 : i32
        %dma_start3A_1047 = arith.constant 0 : i32
        %dma_start3A_1048 = tpu.memref_slice %arg6[%sub3A_815, %dma_start3A_1045, %dma_start3A_1046, %dma_start3A_1047] : memref<2x16x16x128xf32, #tpu.memory_space<vmem>> -> memref<1x1x16x128xf32, #tpu.memory_space<vmem>>
        %dma_start3A_1049 = tpu.memref_squeeze %dma_start3A_1048 : memref<1x1x16x128xf32, #tpu.memory_space<vmem>> -> memref<16x128xf32, #tpu.memory_space<vmem>>
        %dma_start3A_1050 = arith.constant 0 : i32
        %dma_start3A_1051 = tpu.memref_slice %arg3[%dma_start3A_1050, %multiple_of3A_1044] : memref<16x1000000xf32, #tpu.memory_space<hbm>> -> memref<16x128xf32, #tpu.memory_space<hbm>>
        %dma_start3A_1052 = arith.constant 0 : i32
        %dma_start3A_1053 = arith.constant 0 : i32
        %dma_start3A_1054 = tpu.memref_slice %arg6[%sub3A_815, %dma_start3A_1045, %dma_start3A_1052, %dma_start3A_1053] : memref<2x16x16x128xf32, #tpu.memory_space<vmem>> -> memref<1x1x16x128xf32, #tpu.memory_space<vmem>>
        %dma_start3A_1055 = tpu.memref_squeeze %dma_start3A_1054 : memref<1x1x16x128xf32, #tpu.memory_space<vmem>> -> memref<16x128xf32, #tpu.memory_space<vmem>>
        %dma_start3A_1056 = arith.constant 0 : i32
        %dma_start3A_1057 = tpu.memref_slice %arg3[%dma_start3A_1056, %multiple_of3A_1044] : memref<16x1000000xf32, #tpu.memory_space<hbm>> -> memref<16x128xf32, #tpu.memory_space<hbm>>
        tpu.enqueue_dma source(%dma_start3A_1057 : memref<16x128xf32, #tpu.memory_space<hbm>>) target(%dma_start3A_1055 : memref<16x128xf32, #tpu.memory_space<vmem>>) target_semaphore(%arg8 : memref<!tpu.dma_semaphore, #tpu.memory_space<semaphore_mem>>)
        %slice3A_1058 = vector.extract_strided_slice %shift_right_logical3A_823 {offsets = [13], sizes = [1], strides = [1]} : vector<16xi32> to vector<1xi32>
        %squeeze3A_1059 = vector.extract %slice3A_1058[0] : i32 from vector<1xi32>
        %mul3A_1060 = arith.constant 128 : i32
        %mul3A_1061 = arith.muli %squeeze3A_1059, %mul3A_1060 : i32
        %multiple_of3A_1062 = tpu.assume_multiple %mul3A_1061, 128 : i32
        %dma_start3A_1063 = arith.constant 13 : i32
        %dma_start3A_1064 = arith.constant 0 : i32
        %dma_start3A_1065 = arith.constant 0 : i32
        %dma_start3A_1066 = tpu.memref_slice %arg6[%sub3A_815, %dma_start3A_1063, %dma_start3A_1064, %dma_start3A_1065] : memref<2x16x16x128xf32, #tpu.memory_space<vmem>> -> memref<1x1x16x128xf32, #tpu.memory_space<vmem>>
        %dma_start3A_1067 = tpu.memref_squeeze %dma_start3A_1066 : memref<1x1x16x128xf32, #tpu.memory_space<vmem>> -> memref<16x128xf32, #tpu.memory_space<vmem>>
        %dma_start3A_1068 = arith.constant 0 : i32
        %dma_start3A_1069 = tpu.memref_slice %arg3[%dma_start3A_1068, %multiple_of3A_1062] : memref<16x1000000xf32, #tpu.memory_space<hbm>> -> memref<16x128xf32, #tpu.memory_space<hbm>>
        %dma_start3A_1070 = arith.constant 0 : i32
        %dma_start3A_1071 = arith.constant 0 : i32
        %dma_start3A_1072 = tpu.memref_slice %arg6[%sub3A_815, %dma_start3A_1063, %dma_start3A_1070, %dma_start3A_1071] : memref<2x16x16x128xf32, #tpu.memory_space<vmem>> -> memref<1x1x16x128xf32, #tpu.memory_space<vmem>>
        %dma_start3A_1073 = tpu.memref_squeeze %dma_start3A_1072 : memref<1x1x16x128xf32, #tpu.memory_space<vmem>> -> memref<16x128xf32, #tpu.memory_space<vmem>>
        %dma_start3A_1074 = arith.constant 0 : i32
        %dma_start3A_1075 = tpu.memref_slice %arg3[%dma_start3A_1074, %multiple_of3A_1062] : memref<16x1000000xf32, #tpu.memory_space<hbm>> -> memref<16x128xf32, #tpu.memory_space<hbm>>
        tpu.enqueue_dma source(%dma_start3A_1075 : memref<16x128xf32, #tpu.memory_space<hbm>>) target(%dma_start3A_1073 : memref<16x128xf32, #tpu.memory_space<vmem>>) target_semaphore(%arg8 : memref<!tpu.dma_semaphore, #tpu.memory_space<semaphore_mem>>)
        %slice3A_1076 = vector.extract_strided_slice %shift_right_logical3A_823 {offsets = [14], sizes = [1], strides = [1]} : vector<16xi32> to vector<1xi32>
        %squeeze3A_1077 = vector.extract %slice3A_1076[0] : i32 from vector<1xi32>
        %mul3A_1078 = arith.constant 128 : i32
        %mul3A_1079 = arith.muli %squeeze3A_1077, %mul3A_1078 : i32
        %multiple_of3A_1080 = tpu.assume_multiple %mul3A_1079, 128 : i32
        %dma_start3A_1081 = arith.constant 14 : i32
        %dma_start3A_1082 = arith.constant 0 : i32
        %dma_start3A_1083 = arith.constant 0 : i32
        %dma_start3A_1084 = tpu.memref_slice %arg6[%sub3A_815, %dma_start3A_1081, %dma_start3A_1082, %dma_start3A_1083] : memref<2x16x16x128xf32, #tpu.memory_space<vmem>> -> memref<1x1x16x128xf32, #tpu.memory_space<vmem>>
        %dma_start3A_1085 = tpu.memref_squeeze %dma_start3A_1084 : memref<1x1x16x128xf32, #tpu.memory_space<vmem>> -> memref<16x128xf32, #tpu.memory_space<vmem>>
        %dma_start3A_1086 = arith.constant 0 : i32
        %dma_start3A_1087 = tpu.memref_slice %arg3[%dma_start3A_1086, %multiple_of3A_1080] : memref<16x1000000xf32, #tpu.memory_space<hbm>> -> memref<16x128xf32, #tpu.memory_space<hbm>>
        %dma_start3A_1088 = arith.constant 0 : i32
        %dma_start3A_1089 = arith.constant 0 : i32
        %dma_start3A_1090 = tpu.memref_slice %arg6[%sub3A_815, %dma_start3A_1081, %dma_start3A_1088, %dma_start3A_1089] : memref<2x16x16x128xf32, #tpu.memory_space<vmem>> -> memref<1x1x16x128xf32, #tpu.memory_space<vmem>>
        %dma_start3A_1091 = tpu.memref_squeeze %dma_start3A_1090 : memref<1x1x16x128xf32, #tpu.memory_space<vmem>> -> memref<16x128xf32, #tpu.memory_space<vmem>>
        %dma_start3A_1092 = arith.constant 0 : i32
        %dma_start3A_1093 = tpu.memref_slice %arg3[%dma_start3A_1092, %multiple_of3A_1080] : memref<16x1000000xf32, #tpu.memory_space<hbm>> -> memref<16x128xf32, #tpu.memory_space<hbm>>
        tpu.enqueue_dma source(%dma_start3A_1093 : memref<16x128xf32, #tpu.memory_space<hbm>>) target(%dma_start3A_1091 : memref<16x128xf32, #tpu.memory_space<vmem>>) target_semaphore(%arg8 : memref<!tpu.dma_semaphore, #tpu.memory_space<semaphore_mem>>)
        %slice3A_1094 = vector.extract_strided_slice %shift_right_logical3A_823 {offsets = [15], sizes = [1], strides = [1]} : vector<16xi32> to vector<1xi32>
        %squeeze3A_1095 = vector.extract %slice3A_1094[0] : i32 from vector<1xi32>
        %mul3A_1096 = arith.constant 128 : i32
        %mul3A_1097 = arith.muli %squeeze3A_1095, %mul3A_1096 : i32
        %multiple_of3A_1098 = tpu.assume_multiple %mul3A_1097, 128 : i32
        %dma_start3A_1099 = arith.constant 15 : i32
        %dma_start3A_1100 = arith.constant 0 : i32
        %dma_start3A_1101 = arith.constant 0 : i32
        %dma_start3A_1102 = tpu.memref_slice %arg6[%sub3A_815, %dma_start3A_1099, %dma_start3A_1100, %dma_start3A_1101] : memref<2x16x16x128xf32, #tpu.memory_space<vmem>> -> memref<1x1x16x128xf32, #tpu.memory_space<vmem>>
        %dma_start3A_1103 = tpu.memref_squeeze %dma_start3A_1102 : memref<1x1x16x128xf32, #tpu.memory_space<vmem>> -> memref<16x128xf32, #tpu.memory_space<vmem>>
        %dma_start3A_1104 = arith.constant 0 : i32
        %dma_start3A_1105 = tpu.memref_slice %arg3[%dma_start3A_1104, %multiple_of3A_1098] : memref<16x1000000xf32, #tpu.memory_space<hbm>> -> memref<16x128xf32, #tpu.memory_space<hbm>>
        %dma_start3A_1106 = arith.constant 0 : i32
        %dma_start3A_1107 = arith.constant 0 : i32
        %dma_start3A_1108 = tpu.memref_slice %arg6[%sub3A_815, %dma_start3A_1099, %dma_start3A_1106, %dma_start3A_1107] : memref<2x16x16x128xf32, #tpu.memory_space<vmem>> -> memref<1x1x16x128xf32, #tpu.memory_space<vmem>>
        %dma_start3A_1109 = tpu.memref_squeeze %dma_start3A_1108 : memref<1x1x16x128xf32, #tpu.memory_space<vmem>> -> memref<16x128xf32, #tpu.memory_space<vmem>>
        %dma_start3A_1110 = arith.constant 0 : i32
        %dma_start3A_1111 = tpu.memref_slice %arg3[%dma_start3A_1110, %multiple_of3A_1098] : memref<16x1000000xf32, #tpu.memory_space<hbm>> -> memref<16x128xf32, #tpu.memory_space<hbm>>
        tpu.enqueue_dma source(%dma_start3A_1111 : memref<16x128xf32, #tpu.memory_space<hbm>>) target(%dma_start3A_1109 : memref<16x128xf32, #tpu.memory_space<vmem>>) target_semaphore(%arg8 : memref<!tpu.dma_semaphore, #tpu.memory_space<semaphore_mem>>)
      } else {
      }
      %dma_wait3A = arith.constant 0 : i32
      %dma_wait3A_334 = arith.constant 0 : i32
      %dma_wait3A_335 = arith.constant 0 : i32
      %dma_wait3A_336 = arith.constant 0 : i32
      %dma_wait3A_337 = tpu.memref_slice %arg6[%dma_wait3A, %dma_wait3A_334, %dma_wait3A_335, %dma_wait3A_336] : memref<2x16x16x128xf32, #tpu.memory_space<vmem>> -> memref<1x1x16x128xf32, #tpu.memory_space<vmem>>
      %dma_wait3A_338 = tpu.memref_squeeze %dma_wait3A_337 : memref<1x1x16x128xf32, #tpu.memory_space<vmem>> -> memref<16x128xf32, #tpu.memory_space<vmem>>
      %dma_wait3A_339 = arith.constant 0 : i32
      %dma_wait3A_340 = arith.constant 0 : i32
      %dma_wait3A_341 = tpu.memref_slice %arg3[%dma_wait3A_339, %dma_wait3A_340] : memref<16x1000000xf32, #tpu.memory_space<hbm>> -> memref<16x128xf32, #tpu.memory_space<hbm>>
      %dma_wait3A_342 = arith.constant 0 : i32
      %dma_wait3A_343 = arith.constant 0 : i32
      %dma_wait3A_344 = tpu.memref_slice %arg6[%dma_wait3A, %dma_wait3A_334, %dma_wait3A_342, %dma_wait3A_343] : memref<2x16x16x128xf32, #tpu.memory_space<vmem>> -> memref<1x1x16x128xf32, #tpu.memory_space<vmem>>
      %dma_wait3A_345 = tpu.memref_squeeze %dma_wait3A_344 : memref<1x1x16x128xf32, #tpu.memory_space<vmem>> -> memref<16x128xf32, #tpu.memory_space<vmem>>
      %dma_wait3A_346 = arith.constant 0 : i32
      %dma_wait3A_347 = arith.constant 0 : i32
      %dma_wait3A_348 = tpu.memref_slice %arg3[%dma_wait3A_346, %dma_wait3A_347] : memref<16x1000000xf32, #tpu.memory_space<hbm>> -> memref<16x128xf32, #tpu.memory_space<hbm>>
      tpu.wait_dma2 semaphore(%arg8 : memref<!tpu.dma_semaphore, #tpu.memory_space<semaphore_mem>>) src(%dma_wait3A_348 : memref<16x128xf32, #tpu.memory_space<hbm>>) dst(%dma_wait3A_345 : memref<16x128xf32, #tpu.memory_space<vmem>>)
      %dma_wait3A_349 = arith.constant 0 : i32
      %dma_wait3A_350 = arith.constant 1 : i32
      %dma_wait3A_351 = arith.constant 0 : i32
      %dma_wait3A_352 = arith.constant 0 : i32
      %dma_wait3A_353 = tpu.memref_slice %arg6[%dma_wait3A_349, %dma_wait3A_350, %dma_wait3A_351, %dma_wait3A_352] : memref<2x16x16x128xf32, #tpu.memory_space<vmem>> -> memref<1x1x16x128xf32, #tpu.memory_space<vmem>>
      %dma_wait3A_354 = tpu.memref_squeeze %dma_wait3A_353 : memref<1x1x16x128xf32, #tpu.memory_space<vmem>> -> memref<16x128xf32, #tpu.memory_space<vmem>>
      %dma_wait3A_355 = arith.constant 0 : i32
      %dma_wait3A_356 = arith.constant 0 : i32
      %dma_wait3A_357 = tpu.memref_slice %arg3[%dma_wait3A_355, %dma_wait3A_356] : memref<16x1000000xf32, #tpu.memory_space<hbm>> -> memref<16x128xf32, #tpu.memory_space<hbm>>
      %dma_wait3A_358 = arith.constant 0 : i32
      %dma_wait3A_359 = arith.constant 0 : i32
      %dma_wait3A_360 = tpu.memref_slice %arg6[%dma_wait3A_349, %dma_wait3A_350, %dma_wait3A_358, %dma_wait3A_359] : memref<2x16x16x128xf32, #tpu.memory_space<vmem>> -> memref<1x1x16x128xf32, #tpu.memory_space<vmem>>
      %dma_wait3A_361 = tpu.memref_squeeze %dma_wait3A_360 : memref<1x1x16x128xf32, #tpu.memory_space<vmem>> -> memref<16x128xf32, #tpu.memory_space<vmem>>
      %dma_wait3A_362 = arith.constant 0 : i32
      %dma_wait3A_363 = arith.constant 0 : i32
      %dma_wait3A_364 = tpu.memref_slice %arg3[%dma_wait3A_362, %dma_wait3A_363] : memref<16x1000000xf32, #tpu.memory_space<hbm>> -> memref<16x128xf32, #tpu.memory_space<hbm>>
      tpu.wait_dma2 semaphore(%arg8 : memref<!tpu.dma_semaphore, #tpu.memory_space<semaphore_mem>>) src(%dma_wait3A_364 : memref<16x128xf32, #tpu.memory_space<hbm>>) dst(%dma_wait3A_361 : memref<16x128xf32, #tpu.memory_space<vmem>>)
      %dma_wait3A_365 = arith.constant 0 : i32
      %dma_wait3A_366 = arith.constant 2 : i32
      %dma_wait3A_367 = arith.constant 0 : i32
      %dma_wait3A_368 = arith.constant 0 : i32
      %dma_wait3A_369 = tpu.memref_slice %arg6[%dma_wait3A_365, %dma_wait3A_366, %dma_wait3A_367, %dma_wait3A_368] : memref<2x16x16x128xf32, #tpu.memory_space<vmem>> -> memref<1x1x16x128xf32, #tpu.memory_space<vmem>>
      %dma_wait3A_370 = tpu.memref_squeeze %dma_wait3A_369 : memref<1x1x16x128xf32, #tpu.memory_space<vmem>> -> memref<16x128xf32, #tpu.memory_space<vmem>>
      %dma_wait3A_371 = arith.constant 0 : i32
      %dma_wait3A_372 = arith.constant 0 : i32
      %dma_wait3A_373 = tpu.memref_slice %arg3[%dma_wait3A_371, %dma_wait3A_372] : memref<16x1000000xf32, #tpu.memory_space<hbm>> -> memref<16x128xf32, #tpu.memory_space<hbm>>
      %dma_wait3A_374 = arith.constant 0 : i32
      %dma_wait3A_375 = arith.constant 0 : i32
      %dma_wait3A_376 = tpu.memref_slice %arg6[%dma_wait3A_365, %dma_wait3A_366, %dma_wait3A_374, %dma_wait3A_375] : memref<2x16x16x128xf32, #tpu.memory_space<vmem>> -> memref<1x1x16x128xf32, #tpu.memory_space<vmem>>
      %dma_wait3A_377 = tpu.memref_squeeze %dma_wait3A_376 : memref<1x1x16x128xf32, #tpu.memory_space<vmem>> -> memref<16x128xf32, #tpu.memory_space<vmem>>
      %dma_wait3A_378 = arith.constant 0 : i32
      %dma_wait3A_379 = arith.constant 0 : i32
      %dma_wait3A_380 = tpu.memref_slice %arg3[%dma_wait3A_378, %dma_wait3A_379] : memref<16x1000000xf32, #tpu.memory_space<hbm>> -> memref<16x128xf32, #tpu.memory_space<hbm>>
      tpu.wait_dma2 semaphore(%arg8 : memref<!tpu.dma_semaphore, #tpu.memory_space<semaphore_mem>>) src(%dma_wait3A_380 : memref<16x128xf32, #tpu.memory_space<hbm>>) dst(%dma_wait3A_377 : memref<16x128xf32, #tpu.memory_space<vmem>>)
      %dma_wait3A_381 = arith.constant 0 : i32
      %dma_wait3A_382 = arith.constant 3 : i32
      %dma_wait3A_383 = arith.constant 0 : i32
      %dma_wait3A_384 = arith.constant 0 : i32
      %dma_wait3A_385 = tpu.memref_slice %arg6[%dma_wait3A_381, %dma_wait3A_382, %dma_wait3A_383, %dma_wait3A_384] : memref<2x16x16x128xf32, #tpu.memory_space<vmem>> -> memref<1x1x16x128xf32, #tpu.memory_space<vmem>>
      %dma_wait3A_386 = tpu.memref_squeeze %dma_wait3A_385 : memref<1x1x16x128xf32, #tpu.memory_space<vmem>> -> memref<16x128xf32, #tpu.memory_space<vmem>>
      %dma_wait3A_387 = arith.constant 0 : i32
      %dma_wait3A_388 = arith.constant 0 : i32
      %dma_wait3A_389 = tpu.memref_slice %arg3[%dma_wait3A_387, %dma_wait3A_388] : memref<16x1000000xf32, #tpu.memory_space<hbm>> -> memref<16x128xf32, #tpu.memory_space<hbm>>
      %dma_wait3A_390 = arith.constant 0 : i32
      %dma_wait3A_391 = arith.constant 0 : i32
      %dma_wait3A_392 = tpu.memref_slice %arg6[%dma_wait3A_381, %dma_wait3A_382, %dma_wait3A_390, %dma_wait3A_391] : memref<2x16x16x128xf32, #tpu.memory_space<vmem>> -> memref<1x1x16x128xf32, #tpu.memory_space<vmem>>
      %dma_wait3A_393 = tpu.memref_squeeze %dma_wait3A_392 : memref<1x1x16x128xf32, #tpu.memory_space<vmem>> -> memref<16x128xf32, #tpu.memory_space<vmem>>
      %dma_wait3A_394 = arith.constant 0 : i32
      %dma_wait3A_395 = arith.constant 0 : i32
      %dma_wait3A_396 = tpu.memref_slice %arg3[%dma_wait3A_394, %dma_wait3A_395] : memref<16x1000000xf32, #tpu.memory_space<hbm>> -> memref<16x128xf32, #tpu.memory_space<hbm>>
      tpu.wait_dma2 semaphore(%arg8 : memref<!tpu.dma_semaphore, #tpu.memory_space<semaphore_mem>>) src(%dma_wait3A_396 : memref<16x128xf32, #tpu.memory_space<hbm>>) dst(%dma_wait3A_393 : memref<16x128xf32, #tpu.memory_space<vmem>>)
      %dma_wait3A_397 = arith.constant 0 : i32
      %dma_wait3A_398 = arith.constant 4 : i32
      %dma_wait3A_399 = arith.constant 0 : i32
      %dma_wait3A_400 = arith.constant 0 : i32
      %dma_wait3A_401 = tpu.memref_slice %arg6[%dma_wait3A_397, %dma_wait3A_398, %dma_wait3A_399, %dma_wait3A_400] : memref<2x16x16x128xf32, #tpu.memory_space<vmem>> -> memref<1x1x16x128xf32, #tpu.memory_space<vmem>>
      %dma_wait3A_402 = tpu.memref_squeeze %dma_wait3A_401 : memref<1x1x16x128xf32, #tpu.memory_space<vmem>> -> memref<16x128xf32, #tpu.memory_space<vmem>>
      %dma_wait3A_403 = arith.constant 0 : i32
      %dma_wait3A_404 = arith.constant 0 : i32
      %dma_wait3A_405 = tpu.memref_slice %arg3[%dma_wait3A_403, %dma_wait3A_404] : memref<16x1000000xf32, #tpu.memory_space<hbm>> -> memref<16x128xf32, #tpu.memory_space<hbm>>
      %dma_wait3A_406 = arith.constant 0 : i32
      %dma_wait3A_407 = arith.constant 0 : i32
      %dma_wait3A_408 = tpu.memref_slice %arg6[%dma_wait3A_397, %dma_wait3A_398, %dma_wait3A_406, %dma_wait3A_407] : memref<2x16x16x128xf32, #tpu.memory_space<vmem>> -> memref<1x1x16x128xf32, #tpu.memory_space<vmem>>
      %dma_wait3A_409 = tpu.memref_squeeze %dma_wait3A_408 : memref<1x1x16x128xf32, #tpu.memory_space<vmem>> -> memref<16x128xf32, #tpu.memory_space<vmem>>
      %dma_wait3A_410 = arith.constant 0 : i32
      %dma_wait3A_411 = arith.constant 0 : i32
      %dma_wait3A_412 = tpu.memref_slice %arg3[%dma_wait3A_410, %dma_wait3A_411] : memref<16x1000000xf32, #tpu.memory_space<hbm>> -> memref<16x128xf32, #tpu.memory_space<hbm>>
      tpu.wait_dma2 semaphore(%arg8 : memref<!tpu.dma_semaphore, #tpu.memory_space<semaphore_mem>>) src(%dma_wait3A_412 : memref<16x128xf32, #tpu.memory_space<hbm>>) dst(%dma_wait3A_409 : memref<16x128xf32, #tpu.memory_space<vmem>>)
      %dma_wait3A_413 = arith.constant 0 : i32
      %dma_wait3A_414 = arith.constant 5 : i32
      %dma_wait3A_415 = arith.constant 0 : i32
      %dma_wait3A_416 = arith.constant 0 : i32
      %dma_wait3A_417 = tpu.memref_slice %arg6[%dma_wait3A_413, %dma_wait3A_414, %dma_wait3A_415, %dma_wait3A_416] : memref<2x16x16x128xf32, #tpu.memory_space<vmem>> -> memref<1x1x16x128xf32, #tpu.memory_space<vmem>>
      %dma_wait3A_418 = tpu.memref_squeeze %dma_wait3A_417 : memref<1x1x16x128xf32, #tpu.memory_space<vmem>> -> memref<16x128xf32, #tpu.memory_space<vmem>>
      %dma_wait3A_419 = arith.constant 0 : i32
      %dma_wait3A_420 = arith.constant 0 : i32
      %dma_wait3A_421 = tpu.memref_slice %arg3[%dma_wait3A_419, %dma_wait3A_420] : memref<16x1000000xf32, #tpu.memory_space<hbm>> -> memref<16x128xf32, #tpu.memory_space<hbm>>
      %dma_wait3A_422 = arith.constant 0 : i32
      %dma_wait3A_423 = arith.constant 0 : i32
      %dma_wait3A_424 = tpu.memref_slice %arg6[%dma_wait3A_413, %dma_wait3A_414, %dma_wait3A_422, %dma_wait3A_423] : memref<2x16x16x128xf32, #tpu.memory_space<vmem>> -> memref<1x1x16x128xf32, #tpu.memory_space<vmem>>
      %dma_wait3A_425 = tpu.memref_squeeze %dma_wait3A_424 : memref<1x1x16x128xf32, #tpu.memory_space<vmem>> -> memref<16x128xf32, #tpu.memory_space<vmem>>
      %dma_wait3A_426 = arith.constant 0 : i32
      %dma_wait3A_427 = arith.constant 0 : i32
      %dma_wait3A_428 = tpu.memref_slice %arg3[%dma_wait3A_426, %dma_wait3A_427] : memref<16x1000000xf32, #tpu.memory_space<hbm>> -> memref<16x128xf32, #tpu.memory_space<hbm>>
      tpu.wait_dma2 semaphore(%arg8 : memref<!tpu.dma_semaphore, #tpu.memory_space<semaphore_mem>>) src(%dma_wait3A_428 : memref<16x128xf32, #tpu.memory_space<hbm>>) dst(%dma_wait3A_425 : memref<16x128xf32, #tpu.memory_space<vmem>>)
      %dma_wait3A_429 = arith.constant 0 : i32
      %dma_wait3A_430 = arith.constant 6 : i32
      %dma_wait3A_431 = arith.constant 0 : i32
      %dma_wait3A_432 = arith.constant 0 : i32
      %dma_wait3A_433 = tpu.memref_slice %arg6[%dma_wait3A_429, %dma_wait3A_430, %dma_wait3A_431, %dma_wait3A_432] : memref<2x16x16x128xf32, #tpu.memory_space<vmem>> -> memref<1x1x16x128xf32, #tpu.memory_space<vmem>>
      %dma_wait3A_434 = tpu.memref_squeeze %dma_wait3A_433 : memref<1x1x16x128xf32, #tpu.memory_space<vmem>> -> memref<16x128xf32, #tpu.memory_space<vmem>>
      %dma_wait3A_435 = arith.constant 0 : i32
      %dma_wait3A_436 = arith.constant 0 : i32
      %dma_wait3A_437 = tpu.memref_slice %arg3[%dma_wait3A_435, %dma_wait3A_436] : memref<16x1000000xf32, #tpu.memory_space<hbm>> -> memref<16x128xf32, #tpu.memory_space<hbm>>
      %dma_wait3A_438 = arith.constant 0 : i32
      %dma_wait3A_439 = arith.constant 0 : i32
      %dma_wait3A_440 = tpu.memref_slice %arg6[%dma_wait3A_429, %dma_wait3A_430, %dma_wait3A_438, %dma_wait3A_439] : memref<2x16x16x128xf32, #tpu.memory_space<vmem>> -> memref<1x1x16x128xf32, #tpu.memory_space<vmem>>
      %dma_wait3A_441 = tpu.memref_squeeze %dma_wait3A_440 : memref<1x1x16x128xf32, #tpu.memory_space<vmem>> -> memref<16x128xf32, #tpu.memory_space<vmem>>
      %dma_wait3A_442 = arith.constant 0 : i32
      %dma_wait3A_443 = arith.constant 0 : i32
      %dma_wait3A_444 = tpu.memref_slice %arg3[%dma_wait3A_442, %dma_wait3A_443] : memref<16x1000000xf32, #tpu.memory_space<hbm>> -> memref<16x128xf32, #tpu.memory_space<hbm>>
      tpu.wait_dma2 semaphore(%arg8 : memref<!tpu.dma_semaphore, #tpu.memory_space<semaphore_mem>>) src(%dma_wait3A_444 : memref<16x128xf32, #tpu.memory_space<hbm>>) dst(%dma_wait3A_441 : memref<16x128xf32, #tpu.memory_space<vmem>>)
      %dma_wait3A_445 = arith.constant 0 : i32
      %dma_wait3A_446 = arith.constant 7 : i32
      %dma_wait3A_447 = arith.constant 0 : i32
      %dma_wait3A_448 = arith.constant 0 : i32
      %dma_wait3A_449 = tpu.memref_slice %arg6[%dma_wait3A_445, %dma_wait3A_446, %dma_wait3A_447, %dma_wait3A_448] : memref<2x16x16x128xf32, #tpu.memory_space<vmem>> -> memref<1x1x16x128xf32, #tpu.memory_space<vmem>>
      %dma_wait3A_450 = tpu.memref_squeeze %dma_wait3A_449 : memref<1x1x16x128xf32, #tpu.memory_space<vmem>> -> memref<16x128xf32, #tpu.memory_space<vmem>>
      %dma_wait3A_451 = arith.constant 0 : i32
      %dma_wait3A_452 = arith.constant 0 : i32
      %dma_wait3A_453 = tpu.memref_slice %arg3[%dma_wait3A_451, %dma_wait3A_452] : memref<16x1000000xf32, #tpu.memory_space<hbm>> -> memref<16x128xf32, #tpu.memory_space<hbm>>
      %dma_wait3A_454 = arith.constant 0 : i32
      %dma_wait3A_455 = arith.constant 0 : i32
      %dma_wait3A_456 = tpu.memref_slice %arg6[%dma_wait3A_445, %dma_wait3A_446, %dma_wait3A_454, %dma_wait3A_455] : memref<2x16x16x128xf32, #tpu.memory_space<vmem>> -> memref<1x1x16x128xf32, #tpu.memory_space<vmem>>
      %dma_wait3A_457 = tpu.memref_squeeze %dma_wait3A_456 : memref<1x1x16x128xf32, #tpu.memory_space<vmem>> -> memref<16x128xf32, #tpu.memory_space<vmem>>
      %dma_wait3A_458 = arith.constant 0 : i32
      %dma_wait3A_459 = arith.constant 0 : i32
      %dma_wait3A_460 = tpu.memref_slice %arg3[%dma_wait3A_458, %dma_wait3A_459] : memref<16x1000000xf32, #tpu.memory_space<hbm>> -> memref<16x128xf32, #tpu.memory_space<hbm>>
      tpu.wait_dma2 semaphore(%arg8 : memref<!tpu.dma_semaphore, #tpu.memory_space<semaphore_mem>>) src(%dma_wait3A_460 : memref<16x128xf32, #tpu.memory_space<hbm>>) dst(%dma_wait3A_457 : memref<16x128xf32, #tpu.memory_space<vmem>>)
      %dma_wait3A_461 = arith.constant 0 : i32
      %dma_wait3A_462 = arith.constant 8 : i32
      %dma_wait3A_463 = arith.constant 0 : i32
      %dma_wait3A_464 = arith.constant 0 : i32
      %dma_wait3A_465 = tpu.memref_slice %arg6[%dma_wait3A_461, %dma_wait3A_462, %dma_wait3A_463, %dma_wait3A_464] : memref<2x16x16x128xf32, #tpu.memory_space<vmem>> -> memref<1x1x16x128xf32, #tpu.memory_space<vmem>>
      %dma_wait3A_466 = tpu.memref_squeeze %dma_wait3A_465 : memref<1x1x16x128xf32, #tpu.memory_space<vmem>> -> memref<16x128xf32, #tpu.memory_space<vmem>>
      %dma_wait3A_467 = arith.constant 0 : i32
      %dma_wait3A_468 = arith.constant 0 : i32
      %dma_wait3A_469 = tpu.memref_slice %arg3[%dma_wait3A_467, %dma_wait3A_468] : memref<16x1000000xf32, #tpu.memory_space<hbm>> -> memref<16x128xf32, #tpu.memory_space<hbm>>
      %dma_wait3A_470 = arith.constant 0 : i32
      %dma_wait3A_471 = arith.constant 0 : i32
      %dma_wait3A_472 = tpu.memref_slice %arg6[%dma_wait3A_461, %dma_wait3A_462, %dma_wait3A_470, %dma_wait3A_471] : memref<2x16x16x128xf32, #tpu.memory_space<vmem>> -> memref<1x1x16x128xf32, #tpu.memory_space<vmem>>
      %dma_wait3A_473 = tpu.memref_squeeze %dma_wait3A_472 : memref<1x1x16x128xf32, #tpu.memory_space<vmem>> -> memref<16x128xf32, #tpu.memory_space<vmem>>
      %dma_wait3A_474 = arith.constant 0 : i32
      %dma_wait3A_475 = arith.constant 0 : i32
      %dma_wait3A_476 = tpu.memref_slice %arg3[%dma_wait3A_474, %dma_wait3A_475] : memref<16x1000000xf32, #tpu.memory_space<hbm>> -> memref<16x128xf32, #tpu.memory_space<hbm>>
      tpu.wait_dma2 semaphore(%arg8 : memref<!tpu.dma_semaphore, #tpu.memory_space<semaphore_mem>>) src(%dma_wait3A_476 : memref<16x128xf32, #tpu.memory_space<hbm>>) dst(%dma_wait3A_473 : memref<16x128xf32, #tpu.memory_space<vmem>>)
      %dma_wait3A_477 = arith.constant 0 : i32
      %dma_wait3A_478 = arith.constant 9 : i32
      %dma_wait3A_479 = arith.constant 0 : i32
      %dma_wait3A_480 = arith.constant 0 : i32
      %dma_wait3A_481 = tpu.memref_slice %arg6[%dma_wait3A_477, %dma_wait3A_478, %dma_wait3A_479, %dma_wait3A_480] : memref<2x16x16x128xf32, #tpu.memory_space<vmem>> -> memref<1x1x16x128xf32, #tpu.memory_space<vmem>>
      %dma_wait3A_482 = tpu.memref_squeeze %dma_wait3A_481 : memref<1x1x16x128xf32, #tpu.memory_space<vmem>> -> memref<16x128xf32, #tpu.memory_space<vmem>>
      %dma_wait3A_483 = arith.constant 0 : i32
      %dma_wait3A_484 = arith.constant 0 : i32
      %dma_wait3A_485 = tpu.memref_slice %arg3[%dma_wait3A_483, %dma_wait3A_484] : memref<16x1000000xf32, #tpu.memory_space<hbm>> -> memref<16x128xf32, #tpu.memory_space<hbm>>
      %dma_wait3A_486 = arith.constant 0 : i32
      %dma_wait3A_487 = arith.constant 0 : i32
      %dma_wait3A_488 = tpu.memref_slice %arg6[%dma_wait3A_477, %dma_wait3A_478, %dma_wait3A_486, %dma_wait3A_487] : memref<2x16x16x128xf32, #tpu.memory_space<vmem>> -> memref<1x1x16x128xf32, #tpu.memory_space<vmem>>
      %dma_wait3A_489 = tpu.memref_squeeze %dma_wait3A_488 : memref<1x1x16x128xf32, #tpu.memory_space<vmem>> -> memref<16x128xf32, #tpu.memory_space<vmem>>
      %dma_wait3A_490 = arith.constant 0 : i32
      %dma_wait3A_491 = arith.constant 0 : i32
      %dma_wait3A_492 = tpu.memref_slice %arg3[%dma_wait3A_490, %dma_wait3A_491] : memref<16x1000000xf32, #tpu.memory_space<hbm>> -> memref<16x128xf32, #tpu.memory_space<hbm>>
      tpu.wait_dma2 semaphore(%arg8 : memref<!tpu.dma_semaphore, #tpu.memory_space<semaphore_mem>>) src(%dma_wait3A_492 : memref<16x128xf32, #tpu.memory_space<hbm>>) dst(%dma_wait3A_489 : memref<16x128xf32, #tpu.memory_space<vmem>>)
      %dma_wait3A_493 = arith.constant 0 : i32
      %dma_wait3A_494 = arith.constant 10 : i32
      %dma_wait3A_495 = arith.constant 0 : i32
      %dma_wait3A_496 = arith.constant 0 : i32
      %dma_wait3A_497 = tpu.memref_slice %arg6[%dma_wait3A_493, %dma_wait3A_494, %dma_wait3A_495, %dma_wait3A_496] : memref<2x16x16x128xf32, #tpu.memory_space<vmem>> -> memref<1x1x16x128xf32, #tpu.memory_space<vmem>>
      %dma_wait3A_498 = tpu.memref_squeeze %dma_wait3A_497 : memref<1x1x16x128xf32, #tpu.memory_space<vmem>> -> memref<16x128xf32, #tpu.memory_space<vmem>>
      %dma_wait3A_499 = arith.constant 0 : i32
      %dma_wait3A_500 = arith.constant 0 : i32
      %dma_wait3A_501 = tpu.memref_slice %arg3[%dma_wait3A_499, %dma_wait3A_500] : memref<16x1000000xf32, #tpu.memory_space<hbm>> -> memref<16x128xf32, #tpu.memory_space<hbm>>
      %dma_wait3A_502 = arith.constant 0 : i32
      %dma_wait3A_503 = arith.constant 0 : i32
      %dma_wait3A_504 = tpu.memref_slice %arg6[%dma_wait3A_493, %dma_wait3A_494, %dma_wait3A_502, %dma_wait3A_503] : memref<2x16x16x128xf32, #tpu.memory_space<vmem>> -> memref<1x1x16x128xf32, #tpu.memory_space<vmem>>
      %dma_wait3A_505 = tpu.memref_squeeze %dma_wait3A_504 : memref<1x1x16x128xf32, #tpu.memory_space<vmem>> -> memref<16x128xf32, #tpu.memory_space<vmem>>
      %dma_wait3A_506 = arith.constant 0 : i32
      %dma_wait3A_507 = arith.constant 0 : i32
      %dma_wait3A_508 = tpu.memref_slice %arg3[%dma_wait3A_506, %dma_wait3A_507] : memref<16x1000000xf32, #tpu.memory_space<hbm>> -> memref<16x128xf32, #tpu.memory_space<hbm>>
      tpu.wait_dma2 semaphore(%arg8 : memref<!tpu.dma_semaphore, #tpu.memory_space<semaphore_mem>>) src(%dma_wait3A_508 : memref<16x128xf32, #tpu.memory_space<hbm>>) dst(%dma_wait3A_505 : memref<16x128xf32, #tpu.memory_space<vmem>>)
      %dma_wait3A_509 = arith.constant 0 : i32
      %dma_wait3A_510 = arith.constant 11 : i32
      %dma_wait3A_511 = arith.constant 0 : i32
      %dma_wait3A_512 = arith.constant 0 : i32
      %dma_wait3A_513 = tpu.memref_slice %arg6[%dma_wait3A_509, %dma_wait3A_510, %dma_wait3A_511, %dma_wait3A_512] : memref<2x16x16x128xf32, #tpu.memory_space<vmem>> -> memref<1x1x16x128xf32, #tpu.memory_space<vmem>>
      %dma_wait3A_514 = tpu.memref_squeeze %dma_wait3A_513 : memref<1x1x16x128xf32, #tpu.memory_space<vmem>> -> memref<16x128xf32, #tpu.memory_space<vmem>>
      %dma_wait3A_515 = arith.constant 0 : i32
      %dma_wait3A_516 = arith.constant 0 : i32
      %dma_wait3A_517 = tpu.memref_slice %arg3[%dma_wait3A_515, %dma_wait3A_516] : memref<16x1000000xf32, #tpu.memory_space<hbm>> -> memref<16x128xf32, #tpu.memory_space<hbm>>
      %dma_wait3A_518 = arith.constant 0 : i32
      %dma_wait3A_519 = arith.constant 0 : i32
      %dma_wait3A_520 = tpu.memref_slice %arg6[%dma_wait3A_509, %dma_wait3A_510, %dma_wait3A_518, %dma_wait3A_519] : memref<2x16x16x128xf32, #tpu.memory_space<vmem>> -> memref<1x1x16x128xf32, #tpu.memory_space<vmem>>
      %dma_wait3A_521 = tpu.memref_squeeze %dma_wait3A_520 : memref<1x1x16x128xf32, #tpu.memory_space<vmem>> -> memref<16x128xf32, #tpu.memory_space<vmem>>
      %dma_wait3A_522 = arith.constant 0 : i32
      %dma_wait3A_523 = arith.constant 0 : i32
      %dma_wait3A_524 = tpu.memref_slice %arg3[%dma_wait3A_522, %dma_wait3A_523] : memref<16x1000000xf32, #tpu.memory_space<hbm>> -> memref<16x128xf32, #tpu.memory_space<hbm>>
      tpu.wait_dma2 semaphore(%arg8 : memref<!tpu.dma_semaphore, #tpu.memory_space<semaphore_mem>>) src(%dma_wait3A_524 : memref<16x128xf32, #tpu.memory_space<hbm>>) dst(%dma_wait3A_521 : memref<16x128xf32, #tpu.memory_space<vmem>>)
      %dma_wait3A_525 = arith.constant 0 : i32
      %dma_wait3A_526 = arith.constant 12 : i32
      %dma_wait3A_527 = arith.constant 0 : i32
      %dma_wait3A_528 = arith.constant 0 : i32
      %dma_wait3A_529 = tpu.memref_slice %arg6[%dma_wait3A_525, %dma_wait3A_526, %dma_wait3A_527, %dma_wait3A_528] : memref<2x16x16x128xf32, #tpu.memory_space<vmem>> -> memref<1x1x16x128xf32, #tpu.memory_space<vmem>>
      %dma_wait3A_530 = tpu.memref_squeeze %dma_wait3A_529 : memref<1x1x16x128xf32, #tpu.memory_space<vmem>> -> memref<16x128xf32, #tpu.memory_space<vmem>>
      %dma_wait3A_531 = arith.constant 0 : i32
      %dma_wait3A_532 = arith.constant 0 : i32
      %dma_wait3A_533 = tpu.memref_slice %arg3[%dma_wait3A_531, %dma_wait3A_532] : memref<16x1000000xf32, #tpu.memory_space<hbm>> -> memref<16x128xf32, #tpu.memory_space<hbm>>
      %dma_wait3A_534 = arith.constant 0 : i32
      %dma_wait3A_535 = arith.constant 0 : i32
      %dma_wait3A_536 = tpu.memref_slice %arg6[%dma_wait3A_525, %dma_wait3A_526, %dma_wait3A_534, %dma_wait3A_535] : memref<2x16x16x128xf32, #tpu.memory_space<vmem>> -> memref<1x1x16x128xf32, #tpu.memory_space<vmem>>
      %dma_wait3A_537 = tpu.memref_squeeze %dma_wait3A_536 : memref<1x1x16x128xf32, #tpu.memory_space<vmem>> -> memref<16x128xf32, #tpu.memory_space<vmem>>
      %dma_wait3A_538 = arith.constant 0 : i32
      %dma_wait3A_539 = arith.constant 0 : i32
      %dma_wait3A_540 = tpu.memref_slice %arg3[%dma_wait3A_538, %dma_wait3A_539] : memref<16x1000000xf32, #tpu.memory_space<hbm>> -> memref<16x128xf32, #tpu.memory_space<hbm>>
      tpu.wait_dma2 semaphore(%arg8 : memref<!tpu.dma_semaphore, #tpu.memory_space<semaphore_mem>>) src(%dma_wait3A_540 : memref<16x128xf32, #tpu.memory_space<hbm>>) dst(%dma_wait3A_537 : memref<16x128xf32, #tpu.memory_space<vmem>>)
      %dma_wait3A_541 = arith.constant 0 : i32
      %dma_wait3A_542 = arith.constant 13 : i32
      %dma_wait3A_543 = arith.constant 0 : i32
      %dma_wait3A_544 = arith.constant 0 : i32
      %dma_wait3A_545 = tpu.memref_slice %arg6[%dma_wait3A_541, %dma_wait3A_542, %dma_wait3A_543, %dma_wait3A_544] : memref<2x16x16x128xf32, #tpu.memory_space<vmem>> -> memref<1x1x16x128xf32, #tpu.memory_space<vmem>>
      %dma_wait3A_546 = tpu.memref_squeeze %dma_wait3A_545 : memref<1x1x16x128xf32, #tpu.memory_space<vmem>> -> memref<16x128xf32, #tpu.memory_space<vmem>>
      %dma_wait3A_547 = arith.constant 0 : i32
      %dma_wait3A_548 = arith.constant 0 : i32
      %dma_wait3A_549 = tpu.memref_slice %arg3[%dma_wait3A_547, %dma_wait3A_548] : memref<16x1000000xf32, #tpu.memory_space<hbm>> -> memref<16x128xf32, #tpu.memory_space<hbm>>
      %dma_wait3A_550 = arith.constant 0 : i32
      %dma_wait3A_551 = arith.constant 0 : i32
      %dma_wait3A_552 = tpu.memref_slice %arg6[%dma_wait3A_541, %dma_wait3A_542, %dma_wait3A_550, %dma_wait3A_551] : memref<2x16x16x128xf32, #tpu.memory_space<vmem>> -> memref<1x1x16x128xf32, #tpu.memory_space<vmem>>
      %dma_wait3A_553 = tpu.memref_squeeze %dma_wait3A_552 : memref<1x1x16x128xf32, #tpu.memory_space<vmem>> -> memref<16x128xf32, #tpu.memory_space<vmem>>
      %dma_wait3A_554 = arith.constant 0 : i32
      %dma_wait3A_555 = arith.constant 0 : i32
      %dma_wait3A_556 = tpu.memref_slice %arg3[%dma_wait3A_554, %dma_wait3A_555] : memref<16x1000000xf32, #tpu.memory_space<hbm>> -> memref<16x128xf32, #tpu.memory_space<hbm>>
      tpu.wait_dma2 semaphore(%arg8 : memref<!tpu.dma_semaphore, #tpu.memory_space<semaphore_mem>>) src(%dma_wait3A_556 : memref<16x128xf32, #tpu.memory_space<hbm>>) dst(%dma_wait3A_553 : memref<16x128xf32, #tpu.memory_space<vmem>>)
      %dma_wait3A_557 = arith.constant 0 : i32
      %dma_wait3A_558 = arith.constant 14 : i32
      %dma_wait3A_559 = arith.constant 0 : i32
      %dma_wait3A_560 = arith.constant 0 : i32
      %dma_wait3A_561 = tpu.memref_slice %arg6[%dma_wait3A_557, %dma_wait3A_558, %dma_wait3A_559, %dma_wait3A_560] : memref<2x16x16x128xf32, #tpu.memory_space<vmem>> -> memref<1x1x16x128xf32, #tpu.memory_space<vmem>>
      %dma_wait3A_562 = tpu.memref_squeeze %dma_wait3A_561 : memref<1x1x16x128xf32, #tpu.memory_space<vmem>> -> memref<16x128xf32, #tpu.memory_space<vmem>>
      %dma_wait3A_563 = arith.constant 0 : i32
      %dma_wait3A_564 = arith.constant 0 : i32
      %dma_wait3A_565 = tpu.memref_slice %arg3[%dma_wait3A_563, %dma_wait3A_564] : memref<16x1000000xf32, #tpu.memory_space<hbm>> -> memref<16x128xf32, #tpu.memory_space<hbm>>
      %dma_wait3A_566 = arith.constant 0 : i32
      %dma_wait3A_567 = arith.constant 0 : i32
      %dma_wait3A_568 = tpu.memref_slice %arg6[%dma_wait3A_557, %dma_wait3A_558, %dma_wait3A_566, %dma_wait3A_567] : memref<2x16x16x128xf32, #tpu.memory_space<vmem>> -> memref<1x1x16x128xf32, #tpu.memory_space<vmem>>
      %dma_wait3A_569 = tpu.memref_squeeze %dma_wait3A_568 : memref<1x1x16x128xf32, #tpu.memory_space<vmem>> -> memref<16x128xf32, #tpu.memory_space<vmem>>
      %dma_wait3A_570 = arith.constant 0 : i32
      %dma_wait3A_571 = arith.constant 0 : i32
      %dma_wait3A_572 = tpu.memref_slice %arg3[%dma_wait3A_570, %dma_wait3A_571] : memref<16x1000000xf32, #tpu.memory_space<hbm>> -> memref<16x128xf32, #tpu.memory_space<hbm>>
      tpu.wait_dma2 semaphore(%arg8 : memref<!tpu.dma_semaphore, #tpu.memory_space<semaphore_mem>>) src(%dma_wait3A_572 : memref<16x128xf32, #tpu.memory_space<hbm>>) dst(%dma_wait3A_569 : memref<16x128xf32, #tpu.memory_space<vmem>>)
      %dma_wait3A_573 = arith.constant 0 : i32
      %dma_wait3A_574 = arith.constant 15 : i32
      %dma_wait3A_575 = arith.constant 0 : i32
      %dma_wait3A_576 = arith.constant 0 : i32
      %dma_wait3A_577 = tpu.memref_slice %arg6[%dma_wait3A_573, %dma_wait3A_574, %dma_wait3A_575, %dma_wait3A_576] : memref<2x16x16x128xf32, #tpu.memory_space<vmem>> -> memref<1x1x16x128xf32, #tpu.memory_space<vmem>>
      %dma_wait3A_578 = tpu.memref_squeeze %dma_wait3A_577 : memref<1x1x16x128xf32, #tpu.memory_space<vmem>> -> memref<16x128xf32, #tpu.memory_space<vmem>>
      %dma_wait3A_579 = arith.constant 0 : i32
      %dma_wait3A_580 = arith.constant 0 : i32
      %dma_wait3A_581 = tpu.memref_slice %arg3[%dma_wait3A_579, %dma_wait3A_580] : memref<16x1000000xf32, #tpu.memory_space<hbm>> -> memref<16x128xf32, #tpu.memory_space<hbm>>
      %dma_wait3A_582 = arith.constant 0 : i32
      %dma_wait3A_583 = arith.constant 0 : i32
      %dma_wait3A_584 = tpu.memref_slice %arg6[%dma_wait3A_573, %dma_wait3A_574, %dma_wait3A_582, %dma_wait3A_583] : memref<2x16x16x128xf32, #tpu.memory_space<vmem>> -> memref<1x1x16x128xf32, #tpu.memory_space<vmem>>
      %dma_wait3A_585 = tpu.memref_squeeze %dma_wait3A_584 : memref<1x1x16x128xf32, #tpu.memory_space<vmem>> -> memref<16x128xf32, #tpu.memory_space<vmem>>
      %dma_wait3A_586 = arith.constant 0 : i32
      %dma_wait3A_587 = arith.constant 0 : i32
      %dma_wait3A_588 = tpu.memref_slice %arg3[%dma_wait3A_586, %dma_wait3A_587] : memref<16x1000000xf32, #tpu.memory_space<hbm>> -> memref<16x128xf32, #tpu.memory_space<hbm>>
      tpu.wait_dma2 semaphore(%arg8 : memref<!tpu.dma_semaphore, #tpu.memory_space<semaphore_mem>>) src(%dma_wait3A_588 : memref<16x128xf32, #tpu.memory_space<hbm>>) dst(%dma_wait3A_585 : memref<16x128xf32, #tpu.memory_space<vmem>>)
      %broadcast_in_dim3A_589 = vector.broadcast %and3A_321 : i32 to vector<16xi32>
      %broadcast_in_dim3A_590 = arith.constant 0 : i32
      %broadcast_in_dim3A_591 = vector.broadcast %broadcast_in_dim3A_590 : i32 to vector<16xi32>
      %slice3A_592 = vector.extract_strided_slice %and3A_329 {offsets = [0], sizes = [1], strides = [1]} : vector<16xi32> to vector<1xi32>
      %squeeze3A_593 = vector.extract %slice3A_592[0] : i32 from vector<1xi32>
      %broadcast_in_dim3A_594 = vector.broadcast %squeeze3A_593 : i32 to vector<16xi32>
      %gather3A_595 = tpu.vector_load_idx %arg6[%broadcast_in_dim3A_589, %broadcast_in_dim3A_591, %iota3A, %broadcast_in_dim3A_594] : memref<2x16x16x128xf32, #tpu.memory_space<vmem>>[vector<16xi32>, vector<16xi32>, vector<16xi32>, vector<16xi32>], vector<16xf32>,
      %mul3A_596 = arith.constant 16 : i32
      %mul3A_597 = arith.muli %scan3A_319, %mul3A_596 : i32
      %add3A_598 = arith.constant 0 : i32
      %add3A_599 = arith.addi %mul3A_597, %add3A_598 : i32
      %mul3A_600 = arith.constant 16 : i32
      %mul3A_601 = arith.muli %add3A_599, %mul3A_600 : i32
      %swap3A = arith.index_cast %mul3A_601 : i32 to index
      %swap3A_602 = tpu.vector_load %arg7[%swap3A] {strides = array<i32>} : memref<8192xf32, #tpu.memory_space<vmem>>, vector<16xf32>,
      tpu.vector_store %arg7[%swap3A], %gather3A_595 {strides = array<i32>} : memref<8192xf32, #tpu.memory_space<vmem>>, vector<16xf32>,
      %broadcast_in_dim3A_603 = arith.constant 1 : i32
      %broadcast_in_dim3A_604 = vector.broadcast %broadcast_in_dim3A_603 : i32 to vector<16xi32>
      %slice3A_605 = vector.extract_strided_slice %and3A_329 {offsets = [1], sizes = [1], strides = [1]} : vector<16xi32> to vector<1xi32>
      %squeeze3A_606 = vector.extract %slice3A_605[0] : i32 from vector<1xi32>
      %broadcast_in_dim3A_607 = vector.broadcast %squeeze3A_606 : i32 to vector<16xi32>
      %gather3A_608 = tpu.vector_load_idx %arg6[%broadcast_in_dim3A_589, %broadcast_in_dim3A_604, %iota3A, %broadcast_in_dim3A_607] : memref<2x16x16x128xf32, #tpu.memory_space<vmem>>[vector<16xi32>, vector<16xi32>, vector<16xi32>, vector<16xi32>], vector<16xf32>,
      %mul3A_609 = arith.constant 16 : i32
      %mul3A_610 = arith.muli %scan3A_319, %mul3A_609 : i32
      %add3A_611 = arith.constant 1 : i32
      %add3A_612 = arith.addi %mul3A_610, %add3A_611 : i32
      %mul3A_613 = arith.constant 16 : i32
      %mul3A_614 = arith.muli %add3A_612, %mul3A_613 : i32
      %swap3A_615 = arith.index_cast %mul3A_614 : i32 to index
      %swap3A_616 = tpu.vector_load %arg7[%swap3A_615] {strides = array<i32>} : memref<8192xf32, #tpu.memory_space<vmem>>, vector<16xf32>,
      tpu.vector_store %arg7[%swap3A_615], %gather3A_608 {strides = array<i32>} : memref<8192xf32, #tpu.memory_space<vmem>>, vector<16xf32>,
      %broadcast_in_dim3A_617 = arith.constant 2 : i32
      %broadcast_in_dim3A_618 = vector.broadcast %broadcast_in_dim3A_617 : i32 to vector<16xi32>
      %slice3A_619 = vector.extract_strided_slice %and3A_329 {offsets = [2], sizes = [1], strides = [1]} : vector<16xi32> to vector<1xi32>
      %squeeze3A_620 = vector.extract %slice3A_619[0] : i32 from vector<1xi32>
      %broadcast_in_dim3A_621 = vector.broadcast %squeeze3A_620 : i32 to vector<16xi32>
      %gather3A_622 = tpu.vector_load_idx %arg6[%broadcast_in_dim3A_589, %broadcast_in_dim3A_618, %iota3A, %broadcast_in_dim3A_621] : memref<2x16x16x128xf32, #tpu.memory_space<vmem>>[vector<16xi32>, vector<16xi32>, vector<16xi32>, vector<16xi32>], vector<16xf32>,
      %mul3A_623 = arith.constant 16 : i32
      %mul3A_624 = arith.muli %scan3A_319, %mul3A_623 : i32
      %add3A_625 = arith.constant 2 : i32
      %add3A_626 = arith.addi %mul3A_624, %add3A_625 : i32
      %mul3A_627 = arith.constant 16 : i32
      %mul3A_628 = arith.muli %add3A_626, %mul3A_627 : i32
      %swap3A_629 = arith.index_cast %mul3A_628 : i32 to index
      %swap3A_630 = tpu.vector_load %arg7[%swap3A_629] {strides = array<i32>} : memref<8192xf32, #tpu.memory_space<vmem>>, vector<16xf32>,
      tpu.vector_store %arg7[%swap3A_629], %gather3A_622 {strides = array<i32>} : memref<8192xf32, #tpu.memory_space<vmem>>, vector<16xf32>,
      %broadcast_in_dim3A_631 = arith.constant 3 : i32
      %broadcast_in_dim3A_632 = vector.broadcast %broadcast_in_dim3A_631 : i32 to vector<16xi32>
      %slice3A_633 = vector.extract_strided_slice %and3A_329 {offsets = [3], sizes = [1], strides = [1]} : vector<16xi32> to vector<1xi32>
      %squeeze3A_634 = vector.extract %slice3A_633[0] : i32 from vector<1xi32>
      %broadcast_in_dim3A_635 = vector.broadcast %squeeze3A_634 : i32 to vector<16xi32>
      %gather3A_636 = tpu.vector_load_idx %arg6[%broadcast_in_dim3A_589, %broadcast_in_dim3A_632, %iota3A, %broadcast_in_dim3A_635] : memref<2x16x16x128xf32, #tpu.memory_space<vmem>>[vector<16xi32>, vector<16xi32>, vector<16xi32>, vector<16xi32>], vector<16xf32>,
      %mul3A_637 = arith.constant 16 : i32
      %mul3A_638 = arith.muli %scan3A_319, %mul3A_637 : i32
      %add3A_639 = arith.constant 3 : i32
      %add3A_640 = arith.addi %mul3A_638, %add3A_639 : i32
      %mul3A_641 = arith.constant 16 : i32
      %mul3A_642 = arith.muli %add3A_640, %mul3A_641 : i32
      %swap3A_643 = arith.index_cast %mul3A_642 : i32 to index
      %swap3A_644 = tpu.vector_load %arg7[%swap3A_643] {strides = array<i32>} : memref<8192xf32, #tpu.memory_space<vmem>>, vector<16xf32>,
      tpu.vector_store %arg7[%swap3A_643], %gather3A_636 {strides = array<i32>} : memref<8192xf32, #tpu.memory_space<vmem>>, vector<16xf32>,
      %broadcast_in_dim3A_645 = arith.constant 4 : i32
      %broadcast_in_dim3A_646 = vector.broadcast %broadcast_in_dim3A_645 : i32 to vector<16xi32>
      %slice3A_647 = vector.extract_strided_slice %and3A_329 {offsets = [4], sizes = [1], strides = [1]} : vector<16xi32> to vector<1xi32>
      %squeeze3A_648 = vector.extract %slice3A_647[0] : i32 from vector<1xi32>
      %broadcast_in_dim3A_649 = vector.broadcast %squeeze3A_648 : i32 to vector<16xi32>
      %gather3A_650 = tpu.vector_load_idx %arg6[%broadcast_in_dim3A_589, %broadcast_in_dim3A_646, %iota3A, %broadcast_in_dim3A_649] : memref<2x16x16x128xf32, #tpu.memory_space<vmem>>[vector<16xi32>, vector<16xi32>, vector<16xi32>, vector<16xi32>], vector<16xf32>,
      %mul3A_651 = arith.constant 16 : i32
      %mul3A_652 = arith.muli %scan3A_319, %mul3A_651 : i32
      %add3A_653 = arith.constant 4 : i32
      %add3A_654 = arith.addi %mul3A_652, %add3A_653 : i32
      %mul3A_655 = arith.constant 16 : i32
      %mul3A_656 = arith.muli %add3A_654, %mul3A_655 : i32
      %swap3A_657 = arith.index_cast %mul3A_656 : i32 to index
      %swap3A_658 = tpu.vector_load %arg7[%swap3A_657] {strides = array<i32>} : memref<8192xf32, #tpu.memory_space<vmem>>, vector<16xf32>,
      tpu.vector_store %arg7[%swap3A_657], %gather3A_650 {strides = array<i32>} : memref<8192xf32, #tpu.memory_space<vmem>>, vector<16xf32>,
      %broadcast_in_dim3A_659 = arith.constant 5 : i32
      %broadcast_in_dim3A_660 = vector.broadcast %broadcast_in_dim3A_659 : i32 to vector<16xi32>
      %slice3A_661 = vector.extract_strided_slice %and3A_329 {offsets = [5], sizes = [1], strides = [1]} : vector<16xi32> to vector<1xi32>
      %squeeze3A_662 = vector.extract %slice3A_661[0] : i32 from vector<1xi32>
      %broadcast_in_dim3A_663 = vector.broadcast %squeeze3A_662 : i32 to vector<16xi32>
      %gather3A_664 = tpu.vector_load_idx %arg6[%broadcast_in_dim3A_589, %broadcast_in_dim3A_660, %iota3A, %broadcast_in_dim3A_663] : memref<2x16x16x128xf32, #tpu.memory_space<vmem>>[vector<16xi32>, vector<16xi32>, vector<16xi32>, vector<16xi32>], vector<16xf32>,
      %mul3A_665 = arith.constant 16 : i32
      %mul3A_666 = arith.muli %scan3A_319, %mul3A_665 : i32
      %add3A_667 = arith.constant 5 : i32
      %add3A_668 = arith.addi %mul3A_666, %add3A_667 : i32
      %mul3A_669 = arith.constant 16 : i32
      %mul3A_670 = arith.muli %add3A_668, %mul3A_669 : i32
      %swap3A_671 = arith.index_cast %mul3A_670 : i32 to index
      %swap3A_672 = tpu.vector_load %arg7[%swap3A_671] {strides = array<i32>} : memref<8192xf32, #tpu.memory_space<vmem>>, vector<16xf32>,
      tpu.vector_store %arg7[%swap3A_671], %gather3A_664 {strides = array<i32>} : memref<8192xf32, #tpu.memory_space<vmem>>, vector<16xf32>,
      %broadcast_in_dim3A_673 = arith.constant 6 : i32
      %broadcast_in_dim3A_674 = vector.broadcast %broadcast_in_dim3A_673 : i32 to vector<16xi32>
      %slice3A_675 = vector.extract_strided_slice %and3A_329 {offsets = [6], sizes = [1], strides = [1]} : vector<16xi32> to vector<1xi32>
      %squeeze3A_676 = vector.extract %slice3A_675[0] : i32 from vector<1xi32>
      %broadcast_in_dim3A_677 = vector.broadcast %squeeze3A_676 : i32 to vector<16xi32>
      %gather3A_678 = tpu.vector_load_idx %arg6[%broadcast_in_dim3A_589, %broadcast_in_dim3A_674, %iota3A, %broadcast_in_dim3A_677] : memref<2x16x16x128xf32, #tpu.memory_space<vmem>>[vector<16xi32>, vector<16xi32>, vector<16xi32>, vector<16xi32>], vector<16xf32>,
      %mul3A_679 = arith.constant 16 : i32
      %mul3A_680 = arith.muli %scan3A_319, %mul3A_679 : i32
      %add3A_681 = arith.constant 6 : i32
      %add3A_682 = arith.addi %mul3A_680, %add3A_681 : i32
      %mul3A_683 = arith.constant 16 : i32
      %mul3A_684 = arith.muli %add3A_682, %mul3A_683 : i32
      %swap3A_685 = arith.index_cast %mul3A_684 : i32 to index
      %swap3A_686 = tpu.vector_load %arg7[%swap3A_685] {strides = array<i32>} : memref<8192xf32, #tpu.memory_space<vmem>>, vector<16xf32>,
      tpu.vector_store %arg7[%swap3A_685], %gather3A_678 {strides = array<i32>} : memref<8192xf32, #tpu.memory_space<vmem>>, vector<16xf32>,
      %broadcast_in_dim3A_687 = arith.constant 7 : i32
      %broadcast_in_dim3A_688 = vector.broadcast %broadcast_in_dim3A_687 : i32 to vector<16xi32>
      %slice3A_689 = vector.extract_strided_slice %and3A_329 {offsets = [7], sizes = [1], strides = [1]} : vector<16xi32> to vector<1xi32>
      %squeeze3A_690 = vector.extract %slice3A_689[0] : i32 from vector<1xi32>
      %broadcast_in_dim3A_691 = vector.broadcast %squeeze3A_690 : i32 to vector<16xi32>
      %gather3A_692 = tpu.vector_load_idx %arg6[%broadcast_in_dim3A_589, %broadcast_in_dim3A_688, %iota3A, %broadcast_in_dim3A_691] : memref<2x16x16x128xf32, #tpu.memory_space<vmem>>[vector<16xi32>, vector<16xi32>, vector<16xi32>, vector<16xi32>], vector<16xf32>,
      %mul3A_693 = arith.constant 16 : i32
      %mul3A_694 = arith.muli %scan3A_319, %mul3A_693 : i32
      %add3A_695 = arith.constant 7 : i32
      %add3A_696 = arith.addi %mul3A_694, %add3A_695 : i32
      %mul3A_697 = arith.constant 16 : i32
      %mul3A_698 = arith.muli %add3A_696, %mul3A_697 : i32
      %swap3A_699 = arith.index_cast %mul3A_698 : i32 to index
      %swap3A_700 = tpu.vector_load %arg7[%swap3A_699] {strides = array<i32>} : memref<8192xf32, #tpu.memory_space<vmem>>, vector<16xf32>,
      tpu.vector_store %arg7[%swap3A_699], %gather3A_692 {strides = array<i32>} : memref<8192xf32, #tpu.memory_space<vmem>>, vector<16xf32>,
      %broadcast_in_dim3A_701 = arith.constant 8 : i32
      %broadcast_in_dim3A_702 = vector.broadcast %broadcast_in_dim3A_701 : i32 to vector<16xi32>
      %slice3A_703 = vector.extract_strided_slice %and3A_329 {offsets = [8], sizes = [1], strides = [1]} : vector<16xi32> to vector<1xi32>
      %squeeze3A_704 = vector.extract %slice3A_703[0] : i32 from vector<1xi32>
      %broadcast_in_dim3A_705 = vector.broadcast %squeeze3A_704 : i32 to vector<16xi32>
      %gather3A_706 = tpu.vector_load_idx %arg6[%broadcast_in_dim3A_589, %broadcast_in_dim3A_702, %iota3A, %broadcast_in_dim3A_705] : memref<2x16x16x128xf32, #tpu.memory_space<vmem>>[vector<16xi32>, vector<16xi32>, vector<16xi32>, vector<16xi32>], vector<16xf32>,
      %mul3A_707 = arith.constant 16 : i32
      %mul3A_708 = arith.muli %scan3A_319, %mul3A_707 : i32
      %add3A_709 = arith.constant 8 : i32
      %add3A_710 = arith.addi %mul3A_708, %add3A_709 : i32
      %mul3A_711 = arith.constant 16 : i32
      %mul3A_712 = arith.muli %add3A_710, %mul3A_711 : i32
      %swap3A_713 = arith.index_cast %mul3A_712 : i32 to index
      %swap3A_714 = tpu.vector_load %arg7[%swap3A_713] {strides = array<i32>} : memref<8192xf32, #tpu.memory_space<vmem>>, vector<16xf32>,
      tpu.vector_store %arg7[%swap3A_713], %gather3A_706 {strides = array<i32>} : memref<8192xf32, #tpu.memory_space<vmem>>, vector<16xf32>,
      %broadcast_in_dim3A_715 = arith.constant 9 : i32
      %broadcast_in_dim3A_716 = vector.broadcast %broadcast_in_dim3A_715 : i32 to vector<16xi32>
      %slice3A_717 = vector.extract_strided_slice %and3A_329 {offsets = [9], sizes = [1], strides = [1]} : vector<16xi32> to vector<1xi32>
      %squeeze3A_718 = vector.extract %slice3A_717[0] : i32 from vector<1xi32>
      %broadcast_in_dim3A_719 = vector.broadcast %squeeze3A_718 : i32 to vector<16xi32>
      %gather3A_720 = tpu.vector_load_idx %arg6[%broadcast_in_dim3A_589, %broadcast_in_dim3A_716, %iota3A, %broadcast_in_dim3A_719] : memref<2x16x16x128xf32, #tpu.memory_space<vmem>>[vector<16xi32>, vector<16xi32>, vector<16xi32>, vector<16xi32>], vector<16xf32>,
      %mul3A_721 = arith.constant 16 : i32
      %mul3A_722 = arith.muli %scan3A_319, %mul3A_721 : i32
      %add3A_723 = arith.constant 9 : i32
      %add3A_724 = arith.addi %mul3A_722, %add3A_723 : i32
      %mul3A_725 = arith.constant 16 : i32
      %mul3A_726 = arith.muli %add3A_724, %mul3A_725 : i32
      %swap3A_727 = arith.index_cast %mul3A_726 : i32 to index
      %swap3A_728 = tpu.vector_load %arg7[%swap3A_727] {strides = array<i32>} : memref<8192xf32, #tpu.memory_space<vmem>>, vector<16xf32>,
      tpu.vector_store %arg7[%swap3A_727], %gather3A_720 {strides = array<i32>} : memref<8192xf32, #tpu.memory_space<vmem>>, vector<16xf32>,
      %broadcast_in_dim3A_729 = arith.constant 10 : i32
      %broadcast_in_dim3A_730 = vector.broadcast %broadcast_in_dim3A_729 : i32 to vector<16xi32>
      %slice3A_731 = vector.extract_strided_slice %and3A_329 {offsets = [10], sizes = [1], strides = [1]} : vector<16xi32> to vector<1xi32>
      %squeeze3A_732 = vector.extract %slice3A_731[0] : i32 from vector<1xi32>
      %broadcast_in_dim3A_733 = vector.broadcast %squeeze3A_732 : i32 to vector<16xi32>
      %gather3A_734 = tpu.vector_load_idx %arg6[%broadcast_in_dim3A_589, %broadcast_in_dim3A_730, %iota3A, %broadcast_in_dim3A_733] : memref<2x16x16x128xf32, #tpu.memory_space<vmem>>[vector<16xi32>, vector<16xi32>, vector<16xi32>, vector<16xi32>], vector<16xf32>,
      %mul3A_735 = arith.constant 16 : i32
      %mul3A_736 = arith.muli %scan3A_319, %mul3A_735 : i32
      %add3A_737 = arith.constant 10 : i32
      %add3A_738 = arith.addi %mul3A_736, %add3A_737 : i32
      %mul3A_739 = arith.constant 16 : i32
      %mul3A_740 = arith.muli %add3A_738, %mul3A_739 : i32
      %swap3A_741 = arith.index_cast %mul3A_740 : i32 to index
      %swap3A_742 = tpu.vector_load %arg7[%swap3A_741] {strides = array<i32>} : memref<8192xf32, #tpu.memory_space<vmem>>, vector<16xf32>,
      tpu.vector_store %arg7[%swap3A_741], %gather3A_734 {strides = array<i32>} : memref<8192xf32, #tpu.memory_space<vmem>>, vector<16xf32>,
      %broadcast_in_dim3A_743 = arith.constant 11 : i32
      %broadcast_in_dim3A_744 = vector.broadcast %broadcast_in_dim3A_743 : i32 to vector<16xi32>
      %slice3A_745 = vector.extract_strided_slice %and3A_329 {offsets = [11], sizes = [1], strides = [1]} : vector<16xi32> to vector<1xi32>
      %squeeze3A_746 = vector.extract %slice3A_745[0] : i32 from vector<1xi32>
      %broadcast_in_dim3A_747 = vector.broadcast %squeeze3A_746 : i32 to vector<16xi32>
      %gather3A_748 = tpu.vector_load_idx %arg6[%broadcast_in_dim3A_589, %broadcast_in_dim3A_744, %iota3A, %broadcast_in_dim3A_747] : memref<2x16x16x128xf32, #tpu.memory_space<vmem>>[vector<16xi32>, vector<16xi32>, vector<16xi32>, vector<16xi32>], vector<16xf32>,
      %mul3A_749 = arith.constant 16 : i32
      %mul3A_750 = arith.muli %scan3A_319, %mul3A_749 : i32
      %add3A_751 = arith.constant 11 : i32
      %add3A_752 = arith.addi %mul3A_750, %add3A_751 : i32
      %mul3A_753 = arith.constant 16 : i32
      %mul3A_754 = arith.muli %add3A_752, %mul3A_753 : i32
      %swap3A_755 = arith.index_cast %mul3A_754 : i32 to index
      %swap3A_756 = tpu.vector_load %arg7[%swap3A_755] {strides = array<i32>} : memref<8192xf32, #tpu.memory_space<vmem>>, vector<16xf32>,
      tpu.vector_store %arg7[%swap3A_755], %gather3A_748 {strides = array<i32>} : memref<8192xf32, #tpu.memory_space<vmem>>, vector<16xf32>,
      %broadcast_in_dim3A_757 = arith.constant 12 : i32
      %broadcast_in_dim3A_758 = vector.broadcast %broadcast_in_dim3A_757 : i32 to vector<16xi32>
      %slice3A_759 = vector.extract_strided_slice %and3A_329 {offsets = [12], sizes = [1], strides = [1]} : vector<16xi32> to vector<1xi32>
      %squeeze3A_760 = vector.extract %slice3A_759[0] : i32 from vector<1xi32>
      %broadcast_in_dim3A_761 = vector.broadcast %squeeze3A_760 : i32 to vector<16xi32>
      %gather3A_762 = tpu.vector_load_idx %arg6[%broadcast_in_dim3A_589, %broadcast_in_dim3A_758, %iota3A, %broadcast_in_dim3A_761] : memref<2x16x16x128xf32, #tpu.memory_space<vmem>>[vector<16xi32>, vector<16xi32>, vector<16xi32>, vector<16xi32>], vector<16xf32>,
      %mul3A_763 = arith.constant 16 : i32
      %mul3A_764 = arith.muli %scan3A_319, %mul3A_763 : i32
      %add3A_765 = arith.constant 12 : i32
      %add3A_766 = arith.addi %mul3A_764, %add3A_765 : i32
      %mul3A_767 = arith.constant 16 : i32
      %mul3A_768 = arith.muli %add3A_766, %mul3A_767 : i32
      %swap3A_769 = arith.index_cast %mul3A_768 : i32 to index
      %swap3A_770 = tpu.vector_load %arg7[%swap3A_769] {strides = array<i32>} : memref<8192xf32, #tpu.memory_space<vmem>>, vector<16xf32>,
      tpu.vector_store %arg7[%swap3A_769], %gather3A_762 {strides = array<i32>} : memref<8192xf32, #tpu.memory_space<vmem>>, vector<16xf32>,
      %broadcast_in_dim3A_771 = arith.constant 13 : i32
      %broadcast_in_dim3A_772 = vector.broadcast %broadcast_in_dim3A_771 : i32 to vector<16xi32>
      %slice3A_773 = vector.extract_strided_slice %and3A_329 {offsets = [13], sizes = [1], strides = [1]} : vector<16xi32> to vector<1xi32>
      %squeeze3A_774 = vector.extract %slice3A_773[0] : i32 from vector<1xi32>
      %broadcast_in_dim3A_775 = vector.broadcast %squeeze3A_774 : i32 to vector<16xi32>
      %gather3A_776 = tpu.vector_load_idx %arg6[%broadcast_in_dim3A_589, %broadcast_in_dim3A_772, %iota3A, %broadcast_in_dim3A_775] : memref<2x16x16x128xf32, #tpu.memory_space<vmem>>[vector<16xi32>, vector<16xi32>, vector<16xi32>, vector<16xi32>], vector<16xf32>,
      %mul3A_777 = arith.constant 16 : i32
      %mul3A_778 = arith.muli %scan3A_319, %mul3A_777 : i32
      %add3A_779 = arith.constant 13 : i32
      %add3A_780 = arith.addi %mul3A_778, %add3A_779 : i32
      %mul3A_781 = arith.constant 16 : i32
      %mul3A_782 = arith.muli %add3A_780, %mul3A_781 : i32
      %swap3A_783 = arith.index_cast %mul3A_782 : i32 to index
      %swap3A_784 = tpu.vector_load %arg7[%swap3A_783] {strides = array<i32>} : memref<8192xf32, #tpu.memory_space<vmem>>, vector<16xf32>,
      tpu.vector_store %arg7[%swap3A_783], %gather3A_776 {strides = array<i32>} : memref<8192xf32, #tpu.memory_space<vmem>>, vector<16xf32>,
      %broadcast_in_dim3A_785 = arith.constant 14 : i32
      %broadcast_in_dim3A_786 = vector.broadcast %broadcast_in_dim3A_785 : i32 to vector<16xi32>
      %slice3A_787 = vector.extract_strided_slice %and3A_329 {offsets = [14], sizes = [1], strides = [1]} : vector<16xi32> to vector<1xi32>
      %squeeze3A_788 = vector.extract %slice3A_787[0] : i32 from vector<1xi32>
      %broadcast_in_dim3A_789 = vector.broadcast %squeeze3A_788 : i32 to vector<16xi32>
      %gather3A_790 = tpu.vector_load_idx %arg6[%broadcast_in_dim3A_589, %broadcast_in_dim3A_786, %iota3A, %broadcast_in_dim3A_789] : memref<2x16x16x128xf32, #tpu.memory_space<vmem>>[vector<16xi32>, vector<16xi32>, vector<16xi32>, vector<16xi32>], vector<16xf32>,
      %mul3A_791 = arith.constant 16 : i32
      %mul3A_792 = arith.muli %scan3A_319, %mul3A_791 : i32
      %add3A_793 = arith.constant 14 : i32
      %add3A_794 = arith.addi %mul3A_792, %add3A_793 : i32
      %mul3A_795 = arith.constant 16 : i32
      %mul3A_796 = arith.muli %add3A_794, %mul3A_795 : i32
      %swap3A_797 = arith.index_cast %mul3A_796 : i32 to index
      %swap3A_798 = tpu.vector_load %arg7[%swap3A_797] {strides = array<i32>} : memref<8192xf32, #tpu.memory_space<vmem>>, vector<16xf32>,
      tpu.vector_store %arg7[%swap3A_797], %gather3A_790 {strides = array<i32>} : memref<8192xf32, #tpu.memory_space<vmem>>, vector<16xf32>,
      %broadcast_in_dim3A_799 = arith.constant 15 : i32
      %broadcast_in_dim3A_800 = vector.broadcast %broadcast_in_dim3A_799 : i32 to vector<16xi32>
      %slice3A_801 = vector.extract_strided_slice %and3A_329 {offsets = [15], sizes = [1], strides = [1]} : vector<16xi32> to vector<1xi32>
      %squeeze3A_802 = vector.extract %slice3A_801[0] : i32 from vector<1xi32>
      %broadcast_in_dim3A_803 = vector.broadcast %squeeze3A_802 : i32 to vector<16xi32>
      %gather3A_804 = tpu.vector_load_idx %arg6[%broadcast_in_dim3A_589, %broadcast_in_dim3A_800, %iota3A, %broadcast_in_dim3A_803] : memref<2x16x16x128xf32, #tpu.memory_space<vmem>>[vector<16xi32>, vector<16xi32>, vector<16xi32>, vector<16xi32>], vector<16xf32>,
      %mul3A_805 = arith.constant 16 : i32
      %mul3A_806 = arith.muli %scan3A_319, %mul3A_805 : i32
      %add3A_807 = arith.constant 15 : i32
      %add3A_808 = arith.addi %mul3A_806, %add3A_807 : i32
      %mul3A_809 = arith.constant 16 : i32
      %mul3A_810 = arith.muli %add3A_808, %mul3A_809 : i32
      %swap3A_811 = arith.index_cast %mul3A_810 : i32 to index
      %swap3A_812 = tpu.vector_load %arg7[%swap3A_811] {strides = array<i32>} : memref<8192xf32, #tpu.memory_space<vmem>>, vector<16xf32>,
      tpu.vector_store %arg7[%swap3A_811], %gather3A_804 {strides = array<i32>} : memref<8192xf32, #tpu.memory_space<vmem>>, vector<16xf32>,
    }
    %scan3A_316 = arith.constant 32 : i32
    %mul3A_317 = arith.constant 8192 : i32
    %mul3A_318 = arith.muli %add3A, %mul3A_317 : i32
    "tpu.region"() ({
      %run_scoped3A = tpu.sem_alloc : memref<!tpu.dma_semaphore, #tpu.memory_space<semaphore_mem>>
      %dma_start3A_319 = tpu.memref_slice %arg4[%mul3A_318] : memref<262144xf32, #tpu.memory_space<hbm>> -> memref<8192xf32, #tpu.memory_space<hbm>>
      %dma_start3A_320 = tpu.memref_slice %arg4[%mul3A_318] : memref<262144xf32, #tpu.memory_space<hbm>> -> memref<8192xf32, #tpu.memory_space<hbm>>
      tpu.enqueue_dma source(%arg7 : memref<8192xf32, #tpu.memory_space<vmem>>) target(%dma_start3A_320 : memref<8192xf32, #tpu.memory_space<hbm>>) target_semaphore(%run_scoped3A : memref<!tpu.dma_semaphore, #tpu.memory_space<semaphore_mem>>)
      %dma_wait3A = tpu.memref_slice %arg4[%mul3A_318] : memref<262144xf32, #tpu.memory_space<hbm>> -> memref<8192xf32, #tpu.memory_space<hbm>>
      %dma_wait3A_321 = tpu.memref_slice %arg4[%mul3A_318] : memref<262144xf32, #tpu.memory_space<hbm>> -> memref<8192xf32, #tpu.memory_space<hbm>>
      tpu.wait_dma2 semaphore(%run_scoped3A : memref<!tpu.dma_semaphore, #tpu.memory_space<semaphore_mem>>) src(%arg7 : memref<8192xf32, #tpu.memory_space<vmem>>) dst(%dma_wait3A_321 : memref<8192xf32, #tpu.memory_space<hbm>>)
      tpu.yield
    }) : () -> ()
    return
  }
}

</mosaic_0001>

<sc_bundles>
// kernel: kernel.4.cloned.1.call-start
scs
__scs_entry_jumppad:
0x0: {  	(pc) =	sbr.rel $0x88, $3  }
0x1: {  	(tag) =	ssettag $0x0;
	lr =	simm.s32 $0x1  }
0x2: {  	[smem:$0x3F9C] =	sst lr;
	_ =	strace $0xD0000000  }
0x3: {  	_ = 	snop  }
0x4: {  	_ = 	snop  }
0x5: {  	_ = 	snop  }
0x6: {  	_ = 	snop  }
0x7: {  	_ = 	snop  }
__scs_overlays_trampoline_lowered:
0x8: {  	[smem:$0x3FAB] =	sst s0  }
0x9: {  	[smem:$0x3FAC] =	sst s1  }
0xa: {  	[smem:$0x3FAD] =	sst s2  }
0xb: {  	[smem:$0x3FAE] =	sst s3  }
0xc: {  	[smem:$0x3FAF] =	sst s4  }
0xd: {  	[smem:$0x3FB0] =	sst s5  }
0xe: {  	[smem:$0x3FB1] =	sst s6  }
0xf: {  	[smem:$0x3FB2] =	sst s7  }
0x10: {  	[smem:$0x3FB3] =	sst s8  }
0x11: {  	[smem:$0x3FB4] =	sst s9;
	s0 =	simm.s32 @!p0 $0x0  }
0x12: {  	s1 =	sld [smem:$0x3F9A];
	s0 =	simm.s32 @p0 $0x1  }
0x13: {  	[smem:$0x3FB5] =	sst s0;
	s0 =	simm.s32 @!p1 $0x0  }
0x14: {  	s2 =	sld [smem:$0x3F99];
	s0 =	simm.s32 @p1 $0x1  }
0x15: {  	[smem:$0x3FB6] =	sst s0;
	s0 =	simm.s32 @!p2 $0x0  }
0x16: {  	s3 =	sld [smem:$0x3FDB];
	s0 =	simm.s32 @p2 $0x1  }
0x17: {  	s4 =	simm.s32 $0x1BF5;
	[smem:$0x3FB8] =	sst s0  }
0x18: {  	s0 =	sld [smem:$0x3F9B];
	_ =	swait.ge [sflag:s4], $0x0  }
0x19: {  	s7 =	sld [smem:$0x3F9C]  }
0x1a: {  	s8 =	sadd.s32 $0xFFFFE003, lr  }
0x1b: {  	s9 =	sadd.s32 $0xFFFFFEF7, lr;
	s5 =	simm.s32 $0xFFFFFFFF;
	p2 =	slt.u32 s8, $0xFFFFF086  }
0x1c: {  	p1 =	slt.u32 s9, $0xF7A;
	s5 =	simm.s32 @!p2 $0x0  }
0x1d: {  	s5 =	simm.s32 @p1 $0x1;
	p0 =	seq.s32 s7, s2  }
0x1e: {  	s7 =	smul.u32 @!p0 $0xF7A, s2;
	p2 =	seq.s32 @!p0 s5, $0x0  }
0x1f: {  	s9 =	smul.u32 $0xF7A, s1;
	s8 =	simm.s32 @!p0 $0x1BF5;
	p2 =	por !p2, p0  }
0x20: {  	[sflag:s8] =	ssyncset.s32 @!p0 $0xFFFFF086;
	s6 =	sadd.s32 @!p0 s3, s7;
	s7 =	simm.s32 @!p0 $0x108  }
0x21: {  	s3 =	sadd.s32 s3, s9;
	s6 =	sadd.s32 @!p0 $0x88, s6;
	s7 =	simm.s32 @p2 $0x1082  }
0x22: {  	[simem:s7], [sflag:s8] =	dma.local @!p0 [hbm:s6], $0xF7A  }
0x23: {  	s9 =	sor.u32 $0xD0000000, s2;
	s6 =	simm.s32 $0x108;
	_ =	swait.ge @!p0 [sflag:s8], $0x0  }
0x24: {  	s3 =	sadd.s32 $0x88, s3;
	s6 =	simm.s32 @!p1 $0x1082;
	[sflag:s4] =	ssyncset.s32 $0xFFFFF086  }
0x25: {  	[simem:s6], [sflag:s4] =	dma.local [hbm:s3], $0xF7A  }
0x26: {  	[smem:$0x3F9C] =	sst s1;
	(tag) =	ssettag s2;
	_ =	strace s9  }
0x27: {  	s1 =	sld [smem:$0x3FAC]  }
0x28: {  	s2 =	sld [smem:$0x3FAD]  }
0x29: {  	s4 =	sld [smem:$0x3FAF]  }
0x2a: {  	p0 =	seq.s32 s5, $0x0;
	s5 =	sld [smem:$0x3FB0]  }
0x2b: {  	s6 =	sld [smem:$0x3FB1]  }
0x2c: {  	s7 =	sld [smem:$0x3FB2]  }
0x2d: {  	s3 =	simm.s32 $0x108;
	s8 =	sld [smem:$0x3FB3]  }
0x2e: {  	s3 =	simm.s32 @!p0 $0x1082;
	s9 =	sld [smem:$0x3FB4]  }
0x2f: {  	lr =	sadd.s32 s0, s3;
	s0 =	sld [smem:$0x3FAB]  }
0x30: {  	s3 =	sld [smem:$0x3FAE]  }
0x31: {  	[smem:$0x3FB7] =	sst s10  }
0x32: {  	s10 =	sld [smem:$0x3FB5];
	_ =	sdelay $0x3  }
0x33: {  	p0 =	seq.s32 s10, $0x1;
	s10 =	sld [smem:$0x3FB7];
	_ =	sdelay $0x3  }
0x34: {  	[smem:$0x3FB7] =	sst s10  }
0x35: {  	s10 =	sld [smem:$0x3FB6];
	_ =	sdelay $0x3  }
0x36: {  	p1 =	seq.s32 s10, $0x1;
	s10 =	sld [smem:$0x3FB7];
	_ =	sdelay $0x3  }
0x37: {  	[smem:$0x3FB7] =	sst s10  }
0x38: {  	s10 =	sld [smem:$0x3FB8]  }
0x39: {  	_ = 	snop;
	(pc) =	sbr.ind lr, $3  }
0x3a: {  	_ = 	snop  }
0x3b: {  	_ = 	snop  }
0x3c: {  	p2 =	seq.s32 s10, $0x1;
	s10 =	sld [smem:$0x3FB7]  }
0x3d: {  	_ =	shalt  }
0x3e: {  	_ =	shalt  }
0x3f: {  	_ =	shalt  }
0x40: {  	_ =	shalt  }
0x41: {  	_ =	shalt  }
0x42: {  	_ =	shalt  }
0x43: {  	_ =	shalt  }
0x44: {  	_ =	shalt  }
0x45: {  	_ =	shalt  }
0x46: {  	_ =	shalt  }
0x47: {  	_ =	shalt  }
0x48: {  	_ =	shalt  }
0x49: {  	_ =	shalt  }
0x4a: {  	_ =	shalt  }
0x4b: {  	_ =	shalt  }
0x4c: {  	_ =	shalt  }
0x4d: {  	_ =	shalt  }
0x4e: {  	_ =	shalt  }
0x4f: {  	_ =	shalt  }
0x50: {  	_ =	shalt  }
0x51: {  	_ =	shalt  }
0x52: {  	_ =	shalt  }
0x53: {  	_ =	shalt  }
0x54: {  	_ =	shalt  }
0x55: {  	_ =	shalt  }
0x56: {  	_ =	shalt  }
0x57: {  	_ =	shalt  }
0x58: {  	_ =	shalt  }
0x59: {  	_ =	shalt  }
0x5a: {  	_ =	shalt  }
0x5b: {  	_ =	shalt  }
0x5c: {  	_ =	shalt  }
0x5d: {  	_ =	shalt  }
0x5e: {  	_ =	shalt  }
0x5f: {  	_ =	shalt  }
0x60: {  	_ =	shalt  }
0x61: {  	_ =	shalt  }
0x62: {  	_ =	shalt  }
0x63: {  	_ =	shalt  }
0x64: {  	_ =	shalt  }
0x65: {  	_ =	shalt  }
0x66: {  	_ =	shalt  }
0x67: {  	_ =	shalt  }
0x68: {  	_ =	shalt  }
0x69: {  	_ =	shalt  }
0x6a: {  	_ =	shalt  }
0x6b: {  	_ =	shalt  }
0x6c: {  	_ =	shalt  }
0x6d: {  	_ =	shalt  }
0x6e: {  	_ =	shalt  }
0x6f: {  	_ =	shalt  }
0x70: {  	_ =	shalt  }
0x71: {  	_ =	shalt  }
0x72: {  	_ =	shalt  }
0x73: {  	_ =	shalt  }
0x74: {  	_ =	shalt  }
0x75: {  	_ =	shalt  }
0x76: {  	_ =	shalt  }
0x77: {  	_ =	shalt  }
0x78: {  	_ =	shalt  }
0x79: {  	_ =	shalt  }
0x7a: {  	_ =	shalt  }
0x7b: {  	_ =	shalt  }
0x7c: {  	_ =	shalt  }
0x7d: {  	_ =	shalt  }
0x7e: {  	_ =	shalt  }
0x7f: {  	_ =	shalt  }
0x80: {  	_ =	shalt  }
0x81: {  	_ =	shalt  }
0x82: {  	_ =	shalt  }
0x83: {  	_ =	shalt  }
0x84: {  	_ =	shalt  }
0x85: {  	_ =	shalt  }
0x86: {  	_ =	shalt  }
0x87: {  	_ =	shalt  }
.Lfunc_end0:
.L_simem_size_0:
called_computation_lowered:
.L_overlay_start_0:
0x88: {  	s2 =	sld [smem:$0x3FD9]  }
0x89: {  	s3 =	sld [smem:$0x3FFE];
	_ =	sdelay $0x1  }
0x8a: {  	s1 =	srdreg.scid  }
0x8b: {  	s0 =	sand.u32 $0x1, s1  }
0x8c: {  	s17 =	sshll.u32 s0, $0xA;
	s2 =	sadd.s32 s3, s2  }
0x8d: {  	s2 =	sadd.s32 s2, s17  }
0x8e: {  	[smem:$0x3FC3] =	sst s2  }
0x8f: {  	_ = 	snop  }
0x90: {  	s2 =	sld [smem:$0x3FC7]  }
0x91: {  	s18 =	sld [smem:$0x3FD0];
	(tm) =	ssettm $0x1  }
0x92: {  	s4 =	sld [smem:$0x3FFB];
	_ =	sdelay $0x3  }
0x93: {  	_ =	strace s4  }
0x94: {  	s4 =	sld [smem:$0x3FFC];
	_ =	sdelay $0x3  }
0x95: {  	_ =	strace s4  }
0x96: {  	s4 =	sld [smem:$0x3FFD];
	_ =	sdelay $0x3  }
0x97: {  	_ =	strace s4  }
0x98: {  	_ =	strace $0x8FFFFFFF  }
0x99: {  	s19 =	sld [smem:$0x3FDB];
	_ =	sdelay $0x1  }
0x9a: {  	s5 =	simm.s32 $_scs_section_size  }
0x9b: {  	s6 =	simm.s32 $_size__tile_overlayer_lowered;
	s7 =	simm.s32 $_tile_overlayer_lowered  }
0x9c: {  	s22 =	simm.s32 $0x1BFF;
	s21 =	sshll.u32 s7, $0x1;
	s4 =	sadd.s32 s5, s19  }
0x9d: {  	s8 =	simm.s32 $0x0;
	s20 =	sshll.u32 s6, $0x1;
	s6 =	sadd.s32 s21, s4  }
0x9e: {  	[timem:s8], [sflag:s22] =	dma.local [hbm:s6], s20  }
0x9f: {  	_ =	swait.ge [sflag:s22], s20  }
0xa0: {  	s5 =	ssub.s32 $0x0, s20;
	[sflag:s22] =	ssyncset.done $0x0  }
0xa1: {  	[sflag:s22] =	ssyncadd.s32 s5;
	_ =	sdelay $0x1  }
0xa2: {  	s23 =	simm.s32 $0x1B8B  }
0xa3: {  	_ =	swait.ge [sflag:s23], $0x1  }
0xa4: {  	[sflag:s23] =	ssyncset.done $0x0  }
0xa5: {  	s25 =	simm.s32 $0x1B8E;
	s24 =	sld [smem:$0x3FFE];
	[sflag:s23] =	ssyncadd.s32 $0xFFFFFFFF  }
0xa6: {  	s26 =	simm.s32 $execute0_lowered;
	[smem:$0x3FD2] =	sst s25  }
0xa7: {  	s6 =	sshll.u32 s26, $0x1;
	_ =	strace $0x80000046;
	[dreg:$0x1] =	wrdreg $0xFFFFFFFF  }
0xa8: {  	s28 =	simm.s32 $_size_execute0_lowered;
	s4 =	sadd.s32 s4, s6;
	[dreg:$0x0] =	wrdreg $0x0  }
0xa9: {  	s6 =	sshll.u32 s28, $0x1;
	[dreg:$0x2] =	wrdreg s4  }
0xaa: {  	[dreg:$0x3] =	wrdreg s6  }
0xab: {  	[dreg:$0x4] =	wrdreg $0xC0  }
0xac: {  	_ =	task [dreg:s8], $0x5FFFF  }
0xad: {  	[dreg:$0x1] =	wrdreg $0xFFFFFFFF  }
0xae: {  	[dreg:$0x0] =	wrdreg $0x60  }
0xaf: {  	[dreg:$0x2] =	wrdreg s18  }
0xb0: {  	[dreg:$0x3] =	wrdreg s2  }
0xb1: {  	[dreg:$0x4] =	wrdreg s24  }
0xb2: {  	[dreg:$0x5] =	wrdreg $0x9  }
0xb3: {  	_ =	task.clear_ibuf [dreg:s8], $0x6FFFF;
	_ =	strace $0x90000046  }
0xb4: {  	s29 =	simm.s32 $0x9;
	_ =	strace $0x80000048  }
0xb5: {  	_ =	swait.ge [sflag:s29], $0x1  }
0xb6: {  	[sflag:s29] =	ssyncadd.s32 $0xFFFFFFFF  }
0xb7: {  	_ =	strace $0x90000048  }
0xb8: {  	_ =	sfence  }
0xb9: {  	s30 =	sld [smem:$0x0];
	_ =	sdelay $0x2  }
0xba: {  	s31 =	sshll.u32 s1, $0xD;
	s1 =	sshrl.u32 s1, $0x2  }
0xbb: {  	s3 =	sand.u32 $0x4000, s31;
	s1 =	sadd.s32 s1, s30  }
0xbc: {  	s0 =	sor.u32 s3, s0;
	s1 =	sshll.u32 s1, $0x11  }
0xbd: {  	s0 =	sor.u32 s1, s0  }
0xbe: {  	s0 =	sadd.s32 $0x8F2B, s0  }
0xbf: {  	[sflag:s0] =	ssyncadd.remote.s32 $0x1  }
0xc0: {  	_ =	sfence.sel $0xFFFF  }
0xc1: {  	[dreg:$0x0] =	wrdreg $0xFFFFFFFF;
	(pc) =	sbr.abs _section_cstart, $3  }
0xc2: {  	[dreg:$0x1] =	wrdreg $0xFFFFFFFF  }
0xc3: {  	_ =	task.clear_ibuf [dreg:s8], $0x2FFFF;
	_ =	strace $0x9FFFFFFF  }
0xc4: {  	(tm) =	ssettm $0x7FFFFFFF  }
0xc5: {  	_ =	shalt  }
tec
execute0_lowered:
.L_overlay_start_1:
0x0: {  	(tag) =	ssettag $0x1  }
0x1: {  	s0 =	rddreg [dreg:$0x0]  }
0x2: {  	s2 =	rddreg [dreg:$0x1]  }
0x3: {  	s1 =	rddreg [dreg:$0x2];
	s4 =	srdreg.scid  }
0x4: {  	s7 =	stileid.u32;
	s3 =	simm.s32 $0x0;
	s8 =	simm.s32 $0x400  }
0x5: {  	s9 =	simm.s32 $0x7A1400;
	s10 =	simm.s32 $0x1000;
	s14 =	simm.s32 $0x3000  }
0x6: {  	s15 =	simm.s32 $0x3800;
	s16 =	simm.s32 $0x4000;
	s17 =	simm.s32 $0x4800  }
0x7: {  	s18 =	simm.s32 $0x5000;
	s19 =	simm.s32 $0x5800;
	s20 =	simm.s32 $0x6000  }
0x8: {  	v0 =	vlaneseq.u32;
	s21 =	simm.s32 $0x6800;
	s22 =	simm.s32 $0x7000;
	s23 =	simm.s32 $0x7800  }
0x9: {  	s24 =	simm.s32 $0x8000;
	s25 =	simm.s32 $0x8800;
	s28 =	simm.s32 $0x11000;
	v1 =	vmul.u32 $0x80, v0  }
0xa: {  	s29 =	simm.s32 $0x0;
	s4 =	sand.u32 $0x1, s4;
	s5 =	sshll.u32 s7, $0x1  }
0xb: {  	[smem:$0x7FF] =	sst s3;
	s26 =	sshll.u32 s7, $0x7;
	s5 =	sor.u32 s4, s5;
	v4 =	vor.u32 $0x800, v1;
	v5 =	vor.u32 $0x1000, v1  }
.Ltmp0:
0xc: {  	_ =	strace $0x80000047;
	s4 =	ssub.s32 $0x2, s4;
	v6 =	vor.u32 $0x1800, v1;
	v7 =	vor.u32 $0x2000, v1;
	v8 =	vor.u32 $0x2800, v1;
	(pc) =	sbr.rel .LBB2_1-.Ltmp0, $4  }
0xd: {  	s6 =	sshll.u32 s5, $0xA;
	s30 =	sshrl.u32 s4, $0x1;
	s5 =	sand.u32 $0x7, s5;
	v9 =	vor.u32 $0x3000, v1;
	v10 =	vor.u32 $0x3800, v1;
	v11 =	vor.u32 $0x4000, v1  }
0xe: {  	v12 =	vor.u32 $0x4800, v1;
	v13 =	vor.u32 $0x5000, v1;
	v14 =	vor.u32 $0x5800, v1;
	s1 =	sadd.s32 s6, s1;
	s6 =	sand.u32 $0x600, s26;
	s7 =	ssub.s32 s4, s30  }
0xf: {  	v15 =	vor.u32 $0x6000, v1;
	v16 =	vor.u32 $0x6800, v1;
	v17 =	vor.u32 $0x7000, v1;
	s31 =	sshll.u32 s5, $0x7;
	s26 =	simm.s32 $0x1;
	s4 =	sadd.s32 s0, s6  }
0x10: {  	v18 =	vor.u32 $0x7800, v1;
	s5 =	sadd.s32 $0x800, s1;
	s6 =	smax.u32 s7, $0x1;
	s7 =	simm.s32 $0x2;
	v2 =	vmov s31;
	v3 =	vor.u32 s31, v0  }
.LBB2_5:
0x11: {  	s29 =	sadd.s32 $0x1, s29  }
0x12: {  	p0 =	sne.s32 s29, s6  }
.Ltmp1:
0x13: {  	_ = 	snop;
	(pc) =	sbr.rel @!p0 .LBB2_6-.Ltmp1, $4  }
0x14: {  	[hbm4b:s5+s3] =	stream.linear.scatter [tilespmem:s28], [sflag:$0x2], $0x2000, $0x38;
	[tilespmem:$0x13000] =	vst v63  }
0x15: {  	_ =	swait.ge [sflag:s7], $0x2000  }
0x16: {  	[sflag:s7] =	ssyncset.done $0x0  }
0x17: {  	[sflag:s7] =	ssyncadd.s32 $0xFFFFE000  }
.LBB2_1:
0x18: {  	[tilespmem:s3], [sflag:$0x2] =	stream.linear.gather [hbm4b:s4+s3], $0x1000, $0x38;
	[tilespmem:$0x13000] =	vst v63  }
0x19: {  	_ =	swait.ge [sflag:s7], $0x1000  }
0x1a: {  	[sflag:s7] =	ssyncset.done $0x0  }
0x1b: {  	[sflag:s7] =	ssyncadd.s32 $0xFFFFF000  }
0x1c: {  	v19 =	vld.idx.msk [tilespmem:v3+s3+$0x0], $0xffff;
	_ =	sdelay $0x4  }
0x1d: {  	v19 =	vshrl.u32 v19, $0x7  }
0x1e: {  	v19 =	vshll.u32 v19, $0x7  }
0x1f: {  	(v2sf) =	vpush v19, $0x0  }
0x20: {  	(v2sf) =	vpush v19, $0x1;
	_ =	sdelay $0x6  }
0x21: {  	(v2sf) =	vpush v19, $0x2  }
0x22: {  	(v2sf) =	vpush v19, $0x3;
	_ =	sdelay $0x5  }
0x23: {  	s0 =	spop (v2sf);
	(v2sf) =	vpush v19, $0x4  }
0x24: {  	s13 =	spop (v2sf);
	(v2sf) =	vpush v19, $0x5  }
0x25: {  	s0 =	sand.u32 $0x1FFFFF80, s0  }
0x26: {  	s0 =	sadd.s32 s2, s0  }
0x27: {  	[tilespmem:s10], [sflag:$0x1] =	stream.strided.gather [hbm4b:s0+s8], $0x800, s9, s8, $0x38;
	[tilespmem:$0x13000] =	vst v63  }
0x28: {  	s0 =	sand.u32 $0x1FFFFF80, s13  }
0x29: {  	s1 =	simm.s32 $0x1800;
	s0 =	sadd.s32 s2, s0  }
0x2a: {  	(v2sf) =	vpush v19, $0x6;
	[tilespmem:s1], [sflag:$0x1] =	stream.strided.gather [hbm4b:s0+s8], $0x800, s9, s8, $0x38;
	[tilespmem:$0x13000] =	vst v63  }
0x2b: {  	s1 =	spop (v2sf)  }
0x2c: {  	s12 =	spop (v2sf);
	(v2sf) =	vpush v19, $0x7;
	_ =	sdelay $0x2  }
0x2d: {  	s0 =	sand.u32 $0x1FFFFF80, s1  }
0x2e: {  	s11 =	simm.s32 $0x2000;
	s0 =	sadd.s32 s2, s0  }
0x2f: {  	[tilespmem:s11], [sflag:$0x1] =	stream.strided.gather [hbm4b:s0+s8], $0x800, s9, s8, $0x38;
	[tilespmem:$0x13000] =	vst v63  }
0x30: {  	s0 =	sand.u32 $0x1FFFFF80, s12;
	s1 =	spop (v2sf);
	(v2sf) =	vpush v19, $0x8  }
0x31: {  	s13 =	simm.s32 $0x2800;
	s0 =	sadd.s32 s2, s0;
	s11 =	spop (v2sf);
	(v2sf) =	vpush v19, $0x9  }
0x32: {  	[tilespmem:s13], [sflag:$0x1] =	stream.strided.gather [hbm4b:s0+s8], $0x800, s9, s8, $0x38;
	[tilespmem:$0x13000] =	vst v63  }
0x33: {  	s0 =	sand.u32 $0x1FFFFF80, s1  }
0x34: {  	s0 =	sadd.s32 s2, s0  }
0x35: {  	[tilespmem:s14], [sflag:$0x1] =	stream.strided.gather [hbm4b:s0+s8], $0x800, s9, s8, $0x38;
	[tilespmem:$0x13000] =	vst v63  }
0x36: {  	(v2sf) =	vpush v19, $0xA;
	s0 =	sand.u32 $0x1FFFFF80, s11  }
0x37: {  	s12 =	spop (v2sf);
	s0 =	sadd.s32 s2, s0  }
0x38: {  	(v2sf) =	vpush v19, $0xB;
	[tilespmem:s15], [sflag:$0x1] =	stream.strided.gather [hbm4b:s0+s8], $0x800, s9, s8, $0x38;
	[tilespmem:$0x13000] =	vst v63  }
0x39: {  	s0 =	sand.u32 $0x1FFFFF80, s12;
	s13 =	spop (v2sf);
	(v2sf) =	vpush v19, $0xC  }
0x3a: {  	s0 =	sadd.s32 s2, s0  }
0x3b: {  	[tilespmem:s16], [sflag:$0x1] =	stream.strided.gather [hbm4b:s0+s8], $0x800, s9, s8, $0x38;
	[tilespmem:$0x13000] =	vst v63  }
0x3c: {  	s0 =	sand.u32 $0x1FFFFF80, s13  }
0x3d: {  	s0 =	sadd.s32 s2, s0  }
0x3e: {  	[tilespmem:s17], [sflag:$0x1] =	stream.strided.gather [hbm4b:s0+s8], $0x800, s9, s8, $0x38;
	[tilespmem:$0x13000] =	vst v63  }
0x3f: {  	s1 =	spop (v2sf);
	(v2sf) =	vpush v19, $0xD  }
0x40: {  	s11 =	spop (v2sf);
	(v2sf) =	vpush v19, $0xE  }
0x41: {  	s0 =	sand.u32 $0x1FFFFF80, s1  }
0x42: {  	s0 =	sadd.s32 s2, s0  }
0x43: {  	[tilespmem:s18], [sflag:$0x1] =	stream.strided.gather [hbm4b:s0+s8], $0x800, s9, s8, $0x38;
	[tilespmem:$0x13000] =	vst v63  }
0x44: {  	s0 =	sand.u32 $0x1FFFFF80, s11  }
0x45: {  	s12 =	spop (v2sf);
	(v2sf) =	vpush v19, $0xF;
	s0 =	sadd.s32 s2, s0  }
0x46: {  	[tilespmem:s19], [sflag:$0x1] =	stream.strided.gather [hbm4b:s0+s8], $0x800, s9, s8, $0x38;
	[tilespmem:$0x13000] =	vst v63  }
0x47: {  	s13 =	spop (v2sf);
	s0 =	sand.u32 $0x1FFFFF80, s12  }
0x48: {  	s1 =	sand.u32 $0x1FFFFF80, s13;
	s0 =	sadd.s32 s2, s0;
	s11 =	spop (v2sf)  }
0x49: {  	[tilespmem:s20], [sflag:$0x1] =	stream.strided.gather [hbm4b:s0+s8], $0x800, s9, s8, $0x38;
	[tilespmem:$0x13000] =	vst v63  }
0x4a: {  	s0 =	sadd.s32 s2, s1;
	s12 =	sand.u32 $0x1FFFFF80, s11  }
0x4b: {  	[tilespmem:s21], [sflag:$0x1] =	stream.strided.gather [hbm4b:s0+s8], $0x800, s9, s8, $0x38;
	[tilespmem:$0x13000] =	vst v63  }
0x4c: {  	s0 =	sadd.s32 s2, s12  }
0x4d: {  	[tilespmem:s22], [sflag:$0x1] =	stream.strided.gather [hbm4b:s0+s8], $0x800, s9, s8, $0x38;
	[tilespmem:$0x13000] =	vst v63  }
0x4e: {  	s13 =	spop (v2sf)  }
0x4f: {  	s1 =	sand.u32 $0x1FFFFF80, s13;
	s11 =	spop (v2sf)  }
0x50: {  	s0 =	sadd.s32 s2, s1;
	s12 =	sand.u32 $0x1FFFFF80, s11  }
0x51: {  	[tilespmem:s23], [sflag:$0x1] =	stream.strided.gather [hbm4b:s0+s8], $0x800, s9, s8, $0x38;
	[tilespmem:$0x13000] =	vst v63  }
0x52: {  	s0 =	sadd.s32 s2, s12  }
0x53: {  	[tilespmem:s24], [sflag:$0x1] =	stream.strided.gather [hbm4b:s0+s8], $0x800, s9, s8, $0x38;
	[tilespmem:$0x13000] =	vst v63  }
.Ltmp2:
0x54: {  	s13 =	spop (v2sf);
	(pc) =	sbr.rel .LBB2_2-.Ltmp2, $4  }
0x55: {  	s0 =	sand.u32 $0x1FFFFF80, s13  }
0x56: {  	s0 =	sadd.s32 s2, s0  }
0x57: {  	[tilespmem:s25], [sflag:$0x1] =	stream.strided.gather [hbm4b:s0+s8], $0x800, s9, s8, $0x38;
	[tilespmem:$0x13000] =	vst v63  }
0x58: {  	s30 =	simm.s32 $0x10;
	s31 =	simm.s32 $0x11080;
	s0 =	simm.s32 $0x0  }
.LBB2_4:
0x59: {  	_ =	swait.ge [sflag:s26], $0x800  }
0x5a: {  	[sflag:s26] =	ssyncset.done $0x0  }
0x5b: {  	[sflag:s26] =	ssyncadd.s32 $0xFFFFF800  }
0x5c: {  	_ =	swait.ge [sflag:s26], $0x800  }
0x5d: {  	[sflag:s26] =	ssyncset.done $0x0  }
0x5e: {  	[sflag:s26] =	ssyncadd.s32 $0xFFFFF800  }
0x5f: {  	_ =	swait.ge [sflag:s26], $0x800  }
0x60: {  	[sflag:s26] =	ssyncset.done $0x0  }
0x61: {  	[sflag:s26] =	ssyncadd.s32 $0xFFFFF800  }
0x62: {  	_ =	swait.ge [sflag:s26], $0x800  }
0x63: {  	[sflag:s26] =	ssyncset.done $0x0  }
0x64: {  	[sflag:s26] =	ssyncadd.s32 $0xFFFFF800  }
0x65: {  	_ =	swait.ge [sflag:s26], $0x800  }
0x66: {  	[sflag:s26] =	ssyncset.done $0x0  }
0x67: {  	[sflag:s26] =	ssyncadd.s32 $0xFFFFF800  }
0x68: {  	_ =	swait.ge [sflag:s26], $0x800  }
0x69: {  	[sflag:s26] =	ssyncset.done $0x0  }
0x6a: {  	[sflag:s26] =	ssyncadd.s32 $0xFFFFF800  }
0x6b: {  	_ =	swait.ge [sflag:s26], $0x800  }
0x6c: {  	[sflag:s26] =	ssyncset.done $0x0  }
0x6d: {  	[sflag:s26] =	ssyncadd.s32 $0xFFFFF800  }
0x6e: {  	_ =	swait.ge [sflag:s26], $0x800  }
0x6f: {  	[sflag:s26] =	ssyncset.done $0x0  }
0x70: {  	[sflag:s26] =	ssyncadd.s32 $0xFFFFF800  }
0x71: {  	_ =	swait.ge [sflag:s26], $0x800  }
0x72: {  	[sflag:s26] =	ssyncset.done $0x0  }
0x73: {  	[sflag:s26] =	ssyncadd.s32 $0xFFFFF800  }
0x74: {  	_ =	swait.ge [sflag:s26], $0x800  }
0x75: {  	[sflag:s26] =	ssyncset.done $0x0  }
0x76: {  	[sflag:s26] =	ssyncadd.s32 $0xFFFFF800  }
0x77: {  	_ =	swait.ge [sflag:s26], $0x800  }
0x78: {  	[sflag:s26] =	ssyncset.done $0x0  }
0x79: {  	[sflag:s26] =	ssyncadd.s32 $0xFFFFF800  }
0x7a: {  	_ =	swait.ge [sflag:s26], $0x800  }
0x7b: {  	[sflag:s26] =	ssyncset.done $0x0  }
0x7c: {  	[sflag:s26] =	ssyncadd.s32 $0xFFFFF800  }
0x7d: {  	_ =	swait.ge [sflag:s26], $0x800  }
0x7e: {  	[sflag:s26] =	ssyncset.done $0x0  }
0x7f: {  	[sflag:s26] =	ssyncadd.s32 $0xFFFFF800  }
0x80: {  	v19 =	vand.u32 $0x7F, v19;
	s1 =	sshll.u32 s1, $0xF;
	_ =	swait.ge [sflag:s26], $0x800  }
0x81: {  	v20 =	vor.u32 s1, v19;
	[sflag:s26] =	ssyncset.done $0x0  }
0x82: {  	v20 =	vbroadcast v20, $0x0;
	[sflag:s26] =	ssyncadd.s32 $0xFFFFF800  }
0x83: {  	_ =	swait.ge [sflag:s26], $0x800  }
0x84: {  	v20 =	vor.u32 v1, v20;
	[sflag:s26] =	ssyncset.done $0x0  }
0x85: {  	[sflag:s26] =	ssyncadd.s32 $0xFFFFF800  }
0x86: {  	_ =	swait.ge [sflag:s26], $0x800  }
0x87: {  	v21 =	vbroadcast v19, $0x1;
	[sflag:s26] =	ssyncset.done $0x0  }
0x88: {  	[sflag:s26] =	ssyncadd.s32 $0xFFFFF800  }
0x89: {  	v21 =	vor.u32 s1, v21;
	v20 =	vld.idx.msk [tilespmem:v20+s10+$0x0], $0xffff  }
0x8a: {  	v21 =	vor.u32 v4, v21;
	_ =	sdelay $0x2  }
0x8b: {  	v22 =	vbroadcast v19, $0x2  }
0x8c: {  	[tilespmem:s31+$0xFFFFFF80] =	vst v20  }
0x8d: {  	v39 =	vor.u32 s1, v22;
	v20 =	vld.idx.msk [tilespmem:v21+s10+$0x0], $0xffff  }
0x8e: {  	v21 =	vor.u32 v5, v39;
	_ =	sdelay $0x2  }
0x8f: {  	v40 =	vbroadcast v19, $0x3  }
0x90: {  	[tilespmem:s31+$0xFFFFFF90] =	vst v20  }
0x91: {  	v41 =	vor.u32 s1, v40;
	v20 =	vld.idx.msk [tilespmem:v21+s10+$0x0], $0xffff  }
0x92: {  	v21 =	vor.u32 v6, v41;
	_ =	sdelay $0x2  }
0x93: {  	v42 =	vbroadcast v19, $0x4  }
0x94: {  	[tilespmem:s31+$0xFFFFFFA0] =	vst v20  }
0x95: {  	v43 =	vor.u32 s1, v42;
	v20 =	vld.idx.msk [tilespmem:v21+s10+$0x0], $0xffff  }
0x96: {  	v21 =	vor.u32 v7, v43;
	_ =	sdelay $0x2  }
0x97: {  	v44 =	vbroadcast v19, $0x5  }
0x98: {  	[tilespmem:s31+$0xFFFFFFB0] =	vst v20  }
0x99: {  	v45 =	vor.u32 s1, v44;
	v20 =	vld.idx.msk [tilespmem:v21+s10+$0x0], $0xffff  }
0x9a: {  	v21 =	vor.u32 v8, v45;
	_ =	sdelay $0x2  }
0x9b: {  	v46 =	vbroadcast v19, $0x6  }
0x9c: {  	[tilespmem:s31+$0xFFFFFFC0] =	vst v20  }
0x9d: {  	v47 =	vor.u32 s1, v46;
	v20 =	vld.idx.msk [tilespmem:v21+s10+$0x0], $0xffff  }
0x9e: {  	v21 =	vor.u32 v9, v47;
	_ =	sdelay $0x2  }
0x9f: {  	v48 =	vbroadcast v19, $0x7  }
0xa0: {  	[tilespmem:s31+$0xFFFFFFD0] =	vst v20  }
0xa1: {  	v49 =	vor.u32 s1, v48;
	v20 =	vld.idx.msk [tilespmem:v21+s10+$0x0], $0xffff  }
0xa2: {  	v21 =	vor.u32 v10, v49;
	_ =	sdelay $0x2  }
0xa3: {  	v50 =	vbroadcast v19, $0x8  }
0xa4: {  	[tilespmem:s31+$0xFFFFFFE0] =	vst v20  }
0xa5: {  	v51 =	vor.u32 s1, v50;
	v20 =	vld.idx.msk [tilespmem:v21+s10+$0x0], $0xffff  }
0xa6: {  	v21 =	vor.u32 v11, v51;
	_ =	sdelay $0x2  }
0xa7: {  	v52 =	vbroadcast v19, $0x9  }
0xa8: {  	[tilespmem:s31+$0xFFFFFFF0] =	vst v20  }
0xa9: {  	v53 =	vor.u32 s1, v52;
	v20 =	vld.idx.msk [tilespmem:v21+s10+$0x0], $0xffff  }
0xaa: {  	v21 =	vor.u32 v12, v53;
	_ =	sdelay $0x2  }
0xab: {  	v54 =	vbroadcast v19, $0xA  }
0xac: {  	[tilespmem:s31+$0x0] =	vst v20  }
0xad: {  	v55 =	vor.u32 s1, v54;
	v20 =	vld.idx.msk [tilespmem:v21+s10+$0x0], $0xffff  }
0xae: {  	v21 =	vor.u32 v13, v55;
	_ =	sdelay $0x2  }
0xaf: {  	v56 =	vbroadcast v19, $0xB  }
0xb0: {  	[tilespmem:s31+$0x10] =	vst v20  }
0xb1: {  	v57 =	vor.u32 s1, v56;
	v20 =	vld.idx.msk [tilespmem:v21+s10+$0x0], $0xffff  }
0xb2: {  	v21 =	vor.u32 v14, v57;
	_ =	sdelay $0x2  }
0xb3: {  	v58 =	vbroadcast v19, $0xC  }
0xb4: {  	[tilespmem:s31+$0x20] =	vst v20  }
0xb5: {  	v59 =	vor.u32 s1, v58;
	v20 =	vld.idx.msk [tilespmem:v21+s10+$0x0], $0xffff  }
0xb6: {  	v21 =	vor.u32 v15, v59;
	_ =	sdelay $0x2  }
0xb7: {  	v60 =	vbroadcast v19, $0xD  }
0xb8: {  	[tilespmem:s31+$0x30] =	vst v20  }
0xb9: {  	v61 =	vor.u32 s1, v60;
	v20 =	vld.idx.msk [tilespmem:v21+s10+$0x0], $0xffff  }
0xba: {  	v21 =	vor.u32 v16, v61;
	_ =	sdelay $0x2  }
0xbb: {  	v62 =	vbroadcast v19, $0xE  }
0xbc: {  	[tilespmem:s31+$0x40] =	vst v20  }
0xbd: {  	v63 =	vor.u32 s1, v62;
	v20 =	vld.idx.msk [tilespmem:v21+s10+$0x0], $0xffff  }
0xbe: {  	v21 =	vor.u32 v17, v63;
	_ =	sdelay $0x2  }
0xbf: {  	v19 =	vbroadcast v19, $0xF  }
0xc0: {  	[tilespmem:s31+$0x50] =	vst v20  }
0xc1: {  	v19 =	vor.u32 s1, v19;
	v20 =	vld.idx.msk [tilespmem:v21+s10+$0x0], $0xffff  }
0xc2: {  	v19 =	vor.u32 v18, v19;
	_ =	sdelay $0x3  }
0xc3: {  	s0 =	sadd.s32 $0x1, s0;
	[tilespmem:s31+$0x60] =	vst v20  }
0xc4: {  	p0 =	sne.s32 s0, $0x20;
	v19 =	vld.idx.msk [tilespmem:v19+s10+$0x0], $0xffff  }
.Ltmp3:
0xc5: {  	_ = 	snop;
	(pc) =	sbr.rel @!p0 .LBB2_5-.Ltmp3, $2  }
0xc6: {  	_ =	sdelay $0x2  }
0xc7: {  	s30 =	sadd.s32 $0x10, s30;
	[tilespmem:s31+$0x70] =	vst v19;
	s31 =	sadd.s32 $0x100, s31  }
.LBB2_2:
0xc8: {  	s1 =	sadd.s32 $0xFFFFFFF0, s30  }
0xc9: {  	v19 =	vmov s1  }
0xca: {  	v20 =	vor.u32 s1, v0;
	v19 =	vshll.u32 v19, $0x3  }
0xcb: {  	v20 =	vand.u32 $0x7F, v20;
	v19 =	vand.u32 $0xC00, v19  }
0xcc: {  	v19 =	vor.u32 v19, v20  }
0xcd: {  	p0 =	seq.s32 s0, $0x1F;
	v19 =	vor.u32 v2, v19  }
.Ltmp4:
0xce: {  	_ = 	snop;
	(pc) =	sbr.rel @p0 .LBB2_4-.Ltmp4, $2  }
0xcf: {  	_ =	sdelay $0x2  }
0xd0: {  	s1 =	sand.u32 $0x1, s0;
	v19 =	vld.idx.msk [tilespmem:v19+s3+$0x0], $0xffff  }
0xd1: {  	v20 =	vmov s30  }
0xd2: {  	v21 =	vor.u32 s30, v0;
	v20 =	vshll.u32 v20, $0x3  }
0xd3: {  	v21 =	vand.u32 $0x7F, v21;
	v20 =	vand.u32 $0x1C00, v20  }
0xd4: {  	v20 =	vor.u32 v20, v21  }
0xd5: {  	v20 =	vor.u32 v2, v20;
	_ =	sdelay $0x4  }
0xd6: {  	v20 =	vld.idx.msk [tilespmem:v20+s3+$0x0], $0xffff;
	_ =	sdelay $0x4  }
0xd7: {  	v20 =	vshrl.u32 v20, $0x7  }
0xd8: {  	v20 =	vshll.u32 v20, $0x7  }
0xd9: {  	(v2sf) =	vpush v20, $0x0;
	_ =	sdelay $0x3  }
0xda: {  	(v2sf) =	vpush v20, $0x1;
	_ =	sdelay $0x3  }
0xdb: {  	(v2sf) =	vpush v20, $0x2;
	_ =	sdelay $0x3  }
0xdc: {  	(v2sf) =	vpush v20, $0x3;
	_ =	sdelay $0x2  }
0xdd: {  	s11 =	sshll.u32 s1, $0xF;
	s12 =	spop (v2sf)  }
0xde: {  	s13 =	sxor.u32 $0x8000, s11;
	(v2sf) =	vpush v20, $0x4;
	s12 =	sand.u32 $0x1FFFFF80, s12  }
0xdf: {  	s13 =	sor.u32 $0x1000, s13;
	s12 =	sadd.s32 s2, s12  }
0xe0: {  	[tilespmem:s13], [sflag:$0x1] =	stream.strided.gather [hbm4b:s12+s8], $0x800, s9, s8, $0x38;
	[tilespmem:$0x13000] =	vst v63  }
0xe1: {  	s13 =	spop (v2sf)  }
0xe2: {  	(v2sf) =	vpush v20, $0x5;
	s12 =	sand.u32 $0x1FFFFF80, s13  }
0xe3: {  	s13 =	sxor.u32 $0x9800, s11;
	s12 =	sadd.s32 s2, s12  }
0xe4: {  	[tilespmem:s13], [sflag:$0x1] =	stream.strided.gather [hbm4b:s12+s8], $0x800, s9, s8, $0x38;
	[tilespmem:$0x13000] =	vst v63  }
0xe5: {  	s13 =	spop (v2sf)  }
0xe6: {  	(v2sf) =	vpush v20, $0x6;
	s12 =	sand.u32 $0x1FFFFF80, s13  }
0xe7: {  	s13 =	sxor.u32 $0xA000, s11;
	s12 =	sadd.s32 s2, s12  }
0xe8: {  	[tilespmem:s13], [sflag:$0x1] =	stream.strided.gather [hbm4b:s12+s8], $0x800, s9, s8, $0x38;
	[tilespmem:$0x13000] =	vst v63  }
0xe9: {  	s13 =	spop (v2sf)  }
0xea: {  	(v2sf) =	vpush v20, $0x7;
	s12 =	sand.u32 $0x1FFFFF80, s13  }
0xeb: {  	s13 =	sxor.u32 $0xA800, s11;
	s12 =	sadd.s32 s2, s12  }
0xec: {  	[tilespmem:s13], [sflag:$0x1] =	stream.strided.gather [hbm4b:s12+s8], $0x800, s9, s8, $0x38;
	[tilespmem:$0x13000] =	vst v63  }
0xed: {  	s13 =	spop (v2sf)  }
0xee: {  	(v2sf) =	vpush v20, $0x8;
	s12 =	sand.u32 $0x1FFFFF80, s13  }
0xef: {  	s13 =	sxor.u32 $0xB000, s11;
	s12 =	sadd.s32 s2, s12  }
0xf0: {  	[tilespmem:s13], [sflag:$0x1] =	stream.strided.gather [hbm4b:s12+s8], $0x800, s9, s8, $0x38;
	[tilespmem:$0x13000] =	vst v63  }
0xf1: {  	s13 =	spop (v2sf)  }
0xf2: {  	(v2sf) =	vpush v20, $0x9;
	s12 =	sand.u32 $0x1FFFFF80, s13  }
0xf3: {  	s13 =	sxor.u32 $0xB800, s11;
	s12 =	sadd.s32 s2, s12  }
0xf4: {  	[tilespmem:s13], [sflag:$0x1] =	stream.strided.gather [hbm4b:s12+s8], $0x800, s9, s8, $0x38;
	[tilespmem:$0x13000] =	vst v63  }
0xf5: {  	s13 =	spop (v2sf)  }
0xf6: {  	(v2sf) =	vpush v20, $0xA;
	s12 =	sand.u32 $0x1FFFFF80, s13  }
0xf7: {  	s13 =	sxor.u32 $0xC000, s11;
	s12 =	sadd.s32 s2, s12  }
0xf8: {  	[tilespmem:s13], [sflag:$0x1] =	stream.strided.gather [hbm4b:s12+s8], $0x800, s9, s8, $0x38;
	[tilespmem:$0x13000] =	vst v63  }
0xf9: {  	s13 =	spop (v2sf)  }
0xfa: {  	(v2sf) =	vpush v20, $0xB;
	s12 =	sand.u32 $0x1FFFFF80, s13  }
0xfb: {  	s13 =	sxor.u32 $0xC800, s11;
	s12 =	sadd.s32 s2, s12  }
0xfc: {  	[tilespmem:s13], [sflag:$0x1] =	stream.strided.gather [hbm4b:s12+s8], $0x800, s9, s8, $0x38;
	[tilespmem:$0x13000] =	vst v63  }
0xfd: {  	s13 =	spop (v2sf)  }
0xfe: {  	(v2sf) =	vpush v20, $0xC;
	s12 =	sand.u32 $0x1FFFFF80, s13  }
0xff: {  	s13 =	sxor.u32 $0xD000, s11;
	s12 =	sadd.s32 s2, s12  }
0x100: {  	[tilespmem:s13], [sflag:$0x1] =	stream.strided.gather [hbm4b:s12+s8], $0x800, s9, s8, $0x38;
	[tilespmem:$0x13000] =	vst v63  }
0x101: {  	s13 =	spop (v2sf)  }
0x102: {  	(v2sf) =	vpush v20, $0xD;
	s12 =	sand.u32 $0x1FFFFF80, s13  }
0x103: {  	s13 =	sxor.u32 $0xD800, s11;
	s12 =	sadd.s32 s2, s12  }
0x104: {  	[tilespmem:s13], [sflag:$0x1] =	stream.strided.gather [hbm4b:s12+s8], $0x800, s9, s8, $0x38;
	[tilespmem:$0x13000] =	vst v63  }
0x105: {  	s13 =	spop (v2sf)  }
0x106: {  	(v2sf) =	vpush v20, $0xE;
	s12 =	sand.u32 $0x1FFFFF80, s13  }
0x107: {  	s13 =	sxor.u32 $0xE000, s11;
	s12 =	sadd.s32 s2, s12  }
0x108: {  	[tilespmem:s13], [sflag:$0x1] =	stream.strided.gather [hbm4b:s12+s8], $0x800, s9, s8, $0x38;
	[tilespmem:$0x13000] =	vst v63  }
0x109: {  	s13 =	spop (v2sf)  }
0x10a: {  	s12 =	sand.u32 $0x1FFFFF80, s13  }
0x10b: {  	(v2sf) =	vpush v20, $0xF;
	s13 =	sxor.u32 $0xE800, s11;
	s12 =	sadd.s32 s2, s12  }
0x10c: {  	[tilespmem:s13], [sflag:$0x1] =	stream.strided.gather [hbm4b:s12+s8], $0x800, s9, s8, $0x38;
	[tilespmem:$0x13000] =	vst v63  }
0x10d: {  	s13 =	spop (v2sf)  }
0x10e: {  	s12 =	sand.u32 $0x1FFFFF80, s13  }
0x10f: {  	s13 =	sxor.u32 $0xF000, s11;
	s12 =	sadd.s32 s2, s12  }
0x110: {  	[tilespmem:s13], [sflag:$0x1] =	stream.strided.gather [hbm4b:s12+s8], $0x800, s9, s8, $0x38;
	[tilespmem:$0x13000] =	vst v63  }
0x111: {  	s13 =	spop (v2sf)  }
0x112: {  	s12 =	sand.u32 $0x1FFFFF80, s13  }
0x113: {  	s13 =	sxor.u32 $0xF800, s11;
	s12 =	sadd.s32 s2, s12  }
0x114: {  	[tilespmem:s13], [sflag:$0x1] =	stream.strided.gather [hbm4b:s12+s8], $0x800, s9, s8, $0x38;
	[tilespmem:$0x13000] =	vst v63  }
0x115: {  	s13 =	spop (v2sf)  }
0x116: {  	s12 =	sand.u32 $0x1FFFFF80, s13  }
0x117: {  	s13 =	ssub.s32 $0x10000, s11;
	s12 =	sadd.s32 s2, s12  }
0x118: {  	[tilespmem:s13], [sflag:$0x1] =	stream.strided.gather [hbm4b:s12+s8], $0x800, s9, s8, $0x38;
	[tilespmem:$0x13000] =	vst v63  }
.Ltmp5:
0x119: {  	_ = 	snop;
	(pc) =	sbr.rel .LBB2_4-.Ltmp5, $4  }
0x11a: {  	s13 =	spop (v2sf)  }
0x11b: {  	s12 =	sand.u32 $0x1FFFFF80, s13  }
0x11c: {  	s11 =	ssub.s32 $0x10800, s11;
	s12 =	sadd.s32 s2, s12  }
0x11d: {  	[tilespmem:s11], [sflag:$0x1] =	stream.strided.gather [hbm4b:s12+s8], $0x800, s9, s8, $0x38;
	[tilespmem:$0x13000] =	vst v63  }
.LBB2_6:
0x11e: {  	_ =	sfence.sel $0x180000  }
0x11f: {  	[bflag:$0x0] =	sbarrier.arrive $0xFFFF  }
0x120: {  	_ =	strace $0x90000047  }
0x121: {  	s0 =	stileid.u32;
	[bflag:$0x2] =	sbarrier.arrive $0xFFFF  }
0x122: {  	p0 =	sne.s32 s0, $0x0;
	s0 =	rddreg [dreg:$0x3]  }
0x123: {  	s0 =	sadd.s32 @!p0 $0x100000, s0  }
0x124: {  	[sflag:s0] =	ssyncadd.tile.s32 @!p0 $0x1;
	_ =	shalt  }
.Lfunc_end2:
_tile_overlayer_lowered:
.L_overlay_start_2:
0x125: {  	(tag) =	ssettag $0x2  }
0x126: {  	s0 =	rddreg [dreg:$0x0];
	s2 =	stileid.u32  }
0x127: {  	s1 =	rddreg [dreg:$0x1];
	p0 =	sne.s32 s2, $0x0  }
0x128: {  	s3 =	rddreg [dreg:$0x2];
	[bflag:$0x3] =	sbarrier.arrive $0xFFFF;
	s2 =	simm.s32 @!p0 $0x1C02  }
0x129: {  	[timem:s3], [sflag:s2] =	dma.local @!p0 [hbm:s0], s1  }
0x12a: {  	s0 =	simm.s32 @!p0 $0x2  }
0x12b: {  	_ =	swait.ge @!p0 [sflag:s0], s1  }
0x12c: {  	s1 =	ssub.s32 @!p0 $0x0, s1;
	[sflag:s0] =	ssyncset.done @!p0 $0x0  }
0x12d: {  	[sflag:s0] =	ssyncadd.s32 @!p0 s1  }
0x12e: {  	[bflag:$0x3] =	sbarrier.arrive $0xFFFF  }
0x12f: {  	_ =	shalt  }

// kernel: kernel.7.cloned.1.call-start
scs
__scs_entry_jumppad:
0x0: {  	(pc) =	sbr.rel $0x88, $3  }
0x1: {  	(tag) =	ssettag $0x0;
	lr =	simm.s32 $0x1  }
0x2: {  	[smem:$0x3F9C] =	sst lr;
	_ =	strace $0xD0000000  }
0x3: {  	_ = 	snop  }
0x4: {  	_ = 	snop  }
0x5: {  	_ = 	snop  }
0x6: {  	_ = 	snop  }
0x7: {  	_ = 	snop  }
__scs_overlays_trampoline_lowered:
0x8: {  	[smem:$0x3FAB] =	sst s0  }
0x9: {  	[smem:$0x3FAC] =	sst s1  }
0xa: {  	[smem:$0x3FAD] =	sst s2  }
0xb: {  	[smem:$0x3FAE] =	sst s3  }
0xc: {  	[smem:$0x3FAF] =	sst s4  }
0xd: {  	[smem:$0x3FB0] =	sst s5  }
0xe: {  	[smem:$0x3FB1] =	sst s6  }
0xf: {  	[smem:$0x3FB2] =	sst s7  }
0x10: {  	[smem:$0x3FB3] =	sst s8  }
0x11: {  	[smem:$0x3FB4] =	sst s9;
	s0 =	simm.s32 @!p0 $0x0  }
0x12: {  	s1 =	sld [smem:$0x3F9A];
	s0 =	simm.s32 @p0 $0x1  }
0x13: {  	[smem:$0x3FB5] =	sst s0;
	s0 =	simm.s32 @!p1 $0x0  }
0x14: {  	s2 =	sld [smem:$0x3F99];
	s0 =	simm.s32 @p1 $0x1  }
0x15: {  	[smem:$0x3FB6] =	sst s0;
	s0 =	simm.s32 @!p2 $0x0  }
0x16: {  	s3 =	sld [smem:$0x3FDB];
	s0 =	simm.s32 @p2 $0x1  }
0x17: {  	s4 =	simm.s32 $0x1BF5;
	[smem:$0x3FB8] =	sst s0  }
0x18: {  	s0 =	sld [smem:$0x3F9B];
	_ =	swait.ge [sflag:s4], $0x0  }
0x19: {  	s7 =	sld [smem:$0x3F9C]  }
0x1a: {  	s8 =	sadd.s32 $0xFFFFE003, lr  }
0x1b: {  	s9 =	sadd.s32 $0xFFFFFEF7, lr;
	s5 =	simm.s32 $0xFFFFFFFF;
	p2 =	slt.u32 s8, $0xFFFFF086  }
0x1c: {  	p1 =	slt.u32 s9, $0xF7A;
	s5 =	simm.s32 @!p2 $0x0  }
0x1d: {  	s5 =	simm.s32 @p1 $0x1;
	p0 =	seq.s32 s7, s2  }
0x1e: {  	s7 =	smul.u32 @!p0 $0xF7A, s2;
	p2 =	seq.s32 @!p0 s5, $0x0  }
0x1f: {  	s9 =	smul.u32 $0xF7A, s1;
	s8 =	simm.s32 @!p0 $0x1BF5;
	p2 =	por !p2, p0  }
0x20: {  	[sflag:s8] =	ssyncset.s32 @!p0 $0xFFFFF086;
	s6 =	sadd.s32 @!p0 s3, s7;
	s7 =	simm.s32 @!p0 $0x108  }
0x21: {  	s3 =	sadd.s32 s3, s9;
	s6 =	sadd.s32 @!p0 $0x88, s6;
	s7 =	simm.s32 @p2 $0x1082  }
0x22: {  	[simem:s7], [sflag:s8] =	dma.local @!p0 [hbm:s6], $0xF7A  }
0x23: {  	s9 =	sor.u32 $0xD0000000, s2;
	s6 =	simm.s32 $0x108;
	_ =	swait.ge @!p0 [sflag:s8], $0x0  }
0x24: {  	s3 =	sadd.s32 $0x88, s3;
	s6 =	simm.s32 @!p1 $0x1082;
	[sflag:s4] =	ssyncset.s32 $0xFFFFF086  }
0x25: {  	[simem:s6], [sflag:s4] =	dma.local [hbm:s3], $0xF7A  }
0x26: {  	[smem:$0x3F9C] =	sst s1;
	(tag) =	ssettag s2;
	_ =	strace s9  }
0x27: {  	s1 =	sld [smem:$0x3FAC]  }
0x28: {  	s2 =	sld [smem:$0x3FAD]  }
0x29: {  	s4 =	sld [smem:$0x3FAF]  }
0x2a: {  	p0 =	seq.s32 s5, $0x0;
	s5 =	sld [smem:$0x3FB0]  }
0x2b: {  	s6 =	sld [smem:$0x3FB1]  }
0x2c: {  	s7 =	sld [smem:$0x3FB2]  }
0x2d: {  	s3 =	simm.s32 $0x108;
	s8 =	sld [smem:$0x3FB3]  }
0x2e: {  	s3 =	simm.s32 @!p0 $0x1082;
	s9 =	sld [smem:$0x3FB4]  }
0x2f: {  	lr =	sadd.s32 s0, s3;
	s0 =	sld [smem:$0x3FAB]  }
0x30: {  	s3 =	sld [smem:$0x3FAE]  }
0x31: {  	[smem:$0x3FB7] =	sst s10  }
0x32: {  	s10 =	sld [smem:$0x3FB5];
	_ =	sdelay $0x3  }
0x33: {  	p0 =	seq.s32 s10, $0x1;
	s10 =	sld [smem:$0x3FB7];
	_ =	sdelay $0x3  }
0x34: {  	[smem:$0x3FB7] =	sst s10  }
0x35: {  	s10 =	sld [smem:$0x3FB6];
	_ =	sdelay $0x3  }
0x36: {  	p1 =	seq.s32 s10, $0x1;
	s10 =	sld [smem:$0x3FB7];
	_ =	sdelay $0x3  }
0x37: {  	[smem:$0x3FB7] =	sst s10  }
0x38: {  	s10 =	sld [smem:$0x3FB8]  }
0x39: {  	_ = 	snop;
	(pc) =	sbr.ind lr, $3  }
0x3a: {  	_ = 	snop  }
0x3b: {  	_ = 	snop  }
0x3c: {  	p2 =	seq.s32 s10, $0x1;
	s10 =	sld [smem:$0x3FB7]  }
0x3d: {  	_ =	shalt  }
0x3e: {  	_ =	shalt  }
0x3f: {  	_ =	shalt  }
0x40: {  	_ =	shalt  }
0x41: {  	_ =	shalt  }
0x42: {  	_ =	shalt  }
0x43: {  	_ =	shalt  }
0x44: {  	_ =	shalt  }
0x45: {  	_ =	shalt  }
0x46: {  	_ =	shalt  }
0x47: {  	_ =	shalt  }
0x48: {  	_ =	shalt  }
0x49: {  	_ =	shalt  }
0x4a: {  	_ =	shalt  }
0x4b: {  	_ =	shalt  }
0x4c: {  	_ =	shalt  }
0x4d: {  	_ =	shalt  }
0x4e: {  	_ =	shalt  }
0x4f: {  	_ =	shalt  }
0x50: {  	_ =	shalt  }
0x51: {  	_ =	shalt  }
0x52: {  	_ =	shalt  }
0x53: {  	_ =	shalt  }
0x54: {  	_ =	shalt  }
0x55: {  	_ =	shalt  }
0x56: {  	_ =	shalt  }
0x57: {  	_ =	shalt  }
0x58: {  	_ =	shalt  }
0x59: {  	_ =	shalt  }
0x5a: {  	_ =	shalt  }
0x5b: {  	_ =	shalt  }
0x5c: {  	_ =	shalt  }
0x5d: {  	_ =	shalt  }
0x5e: {  	_ =	shalt  }
0x5f: {  	_ =	shalt  }
0x60: {  	_ =	shalt  }
0x61: {  	_ =	shalt  }
0x62: {  	_ =	shalt  }
0x63: {  	_ =	shalt  }
0x64: {  	_ =	shalt  }
0x65: {  	_ =	shalt  }
0x66: {  	_ =	shalt  }
0x67: {  	_ =	shalt  }
0x68: {  	_ =	shalt  }
0x69: {  	_ =	shalt  }
0x6a: {  	_ =	shalt  }
0x6b: {  	_ =	shalt  }
0x6c: {  	_ =	shalt  }
0x6d: {  	_ =	shalt  }
0x6e: {  	_ =	shalt  }
0x6f: {  	_ =	shalt  }
0x70: {  	_ =	shalt  }
0x71: {  	_ =	shalt  }
0x72: {  	_ =	shalt  }
0x73: {  	_ =	shalt  }
0x74: {  	_ =	shalt  }
0x75: {  	_ =	shalt  }
0x76: {  	_ =	shalt  }
0x77: {  	_ =	shalt  }
0x78: {  	_ =	shalt  }
0x79: {  	_ =	shalt  }
0x7a: {  	_ =	shalt  }
0x7b: {  	_ =	shalt  }
0x7c: {  	_ =	shalt  }
0x7d: {  	_ =	shalt  }
0x7e: {  	_ =	shalt  }
0x7f: {  	_ =	shalt  }
0x80: {  	_ =	shalt  }
0x81: {  	_ =	shalt  }
0x82: {  	_ =	shalt  }
0x83: {  	_ =	shalt  }
0x84: {  	_ =	shalt  }
0x85: {  	_ =	shalt  }
0x86: {  	_ =	shalt  }
0x87: {  	_ =	shalt  }
.Lfunc_end0:
.L_simem_size_0:
called_computation.1_lowered:
.L_overlay_start_0:
0x88: {  	s2 =	sld [smem:$0x3FD9]  }
0x89: {  	s3 =	sld [smem:$0x3FFE];
	_ =	sdelay $0x1  }
0x8a: {  	s1 =	srdreg.scid  }
0x8b: {  	s0 =	sand.u32 $0x1, s1  }
0x8c: {  	s17 =	sshll.u32 s0, $0xA;
	s2 =	sadd.s32 s3, s2  }
0x8d: {  	s2 =	sadd.s32 s2, s17  }
0x8e: {  	[smem:$0x3FC3] =	sst s2  }
0x8f: {  	_ = 	snop  }
0x90: {  	s2 =	sld [smem:$0x3FC8]  }
0x91: {  	s18 =	sld [smem:$0x3FD0];
	(tm) =	ssettm $0x1  }
0x92: {  	s4 =	sld [smem:$0x3FFB];
	_ =	sdelay $0x3  }
0x93: {  	_ =	strace s4  }
0x94: {  	s4 =	sld [smem:$0x3FFC];
	_ =	sdelay $0x3  }
0x95: {  	_ =	strace s4  }
0x96: {  	s4 =	sld [smem:$0x3FFD];
	_ =	sdelay $0x3  }
0x97: {  	_ =	strace s4  }
0x98: {  	_ =	strace $0x8FFFFFFF  }
0x99: {  	s19 =	sld [smem:$0x3FDB];
	_ =	sdelay $0x1  }
0x9a: {  	s5 =	simm.s32 $_scs_section_size  }
0x9b: {  	s6 =	simm.s32 $_size__tile_overlayer_lowered;
	s7 =	simm.s32 $_tile_overlayer_lowered  }
0x9c: {  	s22 =	simm.s32 $0x1BFF;
	s21 =	sshll.u32 s7, $0x1;
	s4 =	sadd.s32 s5, s19  }
0x9d: {  	s8 =	simm.s32 $0x0;
	s20 =	sshll.u32 s6, $0x1;
	s6 =	sadd.s32 s21, s4  }
0x9e: {  	[timem:s8], [sflag:s22] =	dma.local [hbm:s6], s20  }
0x9f: {  	_ =	swait.ge [sflag:s22], s20  }
0xa0: {  	s5 =	ssub.s32 $0x0, s20;
	[sflag:s22] =	ssyncset.done $0x0  }
0xa1: {  	[sflag:s22] =	ssyncadd.s32 s5;
	_ =	sdelay $0x1  }
0xa2: {  	s23 =	simm.s32 $0x1B8B  }
0xa3: {  	_ =	swait.ge [sflag:s23], $0x1  }
0xa4: {  	[sflag:s23] =	ssyncset.done $0x0  }
0xa5: {  	s25 =	simm.s32 $0x1B8E;
	s24 =	sld [smem:$0x3FFE];
	[sflag:s23] =	ssyncadd.s32 $0xFFFFFFFF  }
0xa6: {  	s26 =	simm.s32 $execute0_lowered;
	[smem:$0x3FD2] =	sst s25  }
0xa7: {  	s6 =	sshll.u32 s26, $0x1;
	_ =	strace $0x80000049;
	[dreg:$0x1] =	wrdreg $0xFFFFFFFF  }
0xa8: {  	s28 =	simm.s32 $_size_execute0_lowered;
	s4 =	sadd.s32 s4, s6;
	[dreg:$0x0] =	wrdreg $0x0  }
0xa9: {  	s6 =	sshll.u32 s28, $0x1;
	[dreg:$0x2] =	wrdreg s4  }
0xaa: {  	[dreg:$0x3] =	wrdreg s6  }
0xab: {  	[dreg:$0x4] =	wrdreg $0xC0  }
0xac: {  	_ =	task [dreg:s8], $0x5FFFF  }
0xad: {  	[dreg:$0x1] =	wrdreg $0xFFFFFFFF  }
0xae: {  	[dreg:$0x0] =	wrdreg $0x60  }
0xaf: {  	[dreg:$0x2] =	wrdreg s2  }
0xb0: {  	[dreg:$0x3] =	wrdreg s24  }
0xb1: {  	[dreg:$0x4] =	wrdreg s18  }
0xb2: {  	[dreg:$0x5] =	wrdreg $0x9  }
0xb3: {  	_ =	task.clear_ibuf [dreg:s8], $0x6FFFF;
	_ =	strace $0x90000049  }
0xb4: {  	s29 =	simm.s32 $0x9;
	_ =	strace $0x8000004B  }
0xb5: {  	_ =	swait.ge [sflag:s29], $0x1  }
0xb6: {  	[sflag:s29] =	ssyncadd.s32 $0xFFFFFFFF  }
0xb7: {  	_ =	strace $0x9000004B  }
0xb8: {  	_ =	sfence  }
0xb9: {  	s30 =	sld [smem:$0x0];
	_ =	sdelay $0x2  }
0xba: {  	s31 =	sshll.u32 s1, $0xD;
	s1 =	sshrl.u32 s1, $0x2  }
0xbb: {  	s3 =	sand.u32 $0x4000, s31;
	s1 =	sadd.s32 s1, s30  }
0xbc: {  	s0 =	sor.u32 s3, s0;
	s1 =	sshll.u32 s1, $0x11  }
0xbd: {  	s0 =	sor.u32 s1, s0  }
0xbe: {  	s0 =	sadd.s32 $0x8F2B, s0  }
0xbf: {  	[sflag:s0] =	ssyncadd.remote.s32 $0x1  }
0xc0: {  	_ =	sfence.sel $0xFFFF  }
0xc1: {  	[dreg:$0x0] =	wrdreg $0xFFFFFFFF;
	(pc) =	sbr.abs _section_cstart, $3  }
0xc2: {  	[dreg:$0x1] =	wrdreg $0xFFFFFFFF  }
0xc3: {  	_ =	task.clear_ibuf [dreg:s8], $0x2FFFF;
	_ =	strace $0x9FFFFFFF  }
0xc4: {  	(tm) =	ssettm $0x7FFFFFFF  }
0xc5: {  	_ =	shalt  }
tec
execute0_lowered:
.L_overlay_start_1:
0x0: {  	(tag) =	ssettag $0x1  }
0x1: {  	s5 =	rddreg [dreg:$0x0]  }
0x2: {  	s4 =	rddreg [dreg:$0x1];
	s1 =	srdreg.scid  }
0x3: {  	s0 =	stileid.u32;
	s7 =	rddreg [dreg:$0x2];
	s2 =	simm.s32 $0x0  }
0x4: {  	s12 =	simm.s32 $0x2200;
	s13 =	simm.s32 $0x4200;
	s14 =	simm.s32 $0x2A00  }
0x5: {  	s15 =	simm.s32 $0x4280;
	s16 =	simm.s32 $0x100;
	s17 =	simm.s32 $0x3200  }
0x6: {  	s18 =	simm.s32 $0x4300;
	s19 =	simm.s32 $0x180;
	s20 =	simm.s32 $0x3A00  }
0x7: {  	s21 =	simm.s32 $0x4380;
	s22 =	simm.s32 $0x1;
	s23 =	simm.s32 $0x2  }
0x8: {  	s24 =	simm.s32 $0x3;
	s25 =	simm.s32 $0x4400;
	s26 =	simm.s32 $0x0  }
0x9: {  	s3 =	sand.u32 $0x1, s1;
	s6 =	sshll.u32 s0, $0x1;
	[smem:$0x7FF] =	sst s2  }
0xa: {  	s1 =	rddreg [dreg:$0x3];
	s6 =	sor.u32 s3, s6;
	_ =	strace $0x8000004A  }
0xb: {  	s9 =	ssub.s32 $0x2, s3;
	s3 =	sadd.s32 $0x18F200, s4;
	s8 =	sshll.u32 s6, $0xA  }
0xc: {  	v0 =	vlaneseq.u32;
	s10 =	sshrl.u32 s9, $0x1;
	s11 =	sshll.u32 s6, $0x6;
	s8 =	sadd.s32 s8, s4  }
0xd: {  	v1 =	vmul.u32 $0x10, v0;
	s4 =	sadd.s32 $0x8800, s4;
	s9 =	ssub.s32 s9, s10;
	s5 =	sadd.s32 s5, s11  }
0xe: {  	v2 =	vand.u32 $0x7, v0;
	s7 =	sadd.s32 s7, s11;
	s10 =	simm.s32 $0x200;
	s11 =	simm.s32 $0x80  }
0xf: {  	v3 =	vor.u32 $0xFFFFFFF8, v0;
	v5 =	vor.u32 $0x80, v2;
	v4 =	vor.u32 $0x800, v1;
	s6 =	sadd.s32 $0x800, s8;
	s8 =	smax.u32 s9, $0x1;
	s9 =	simm.s32 $0x4  }
.LBB2_1:
0x10: {  	[tilespmem:s2], [sflag:$0x4] =	stream.linear.gather [hbm4b:s5+s2], $0x200, $0x38;
	[tilespmem:$0x4600] =	vst v63  }
0x11: {  	_ =	swait.ge [sflag:s9], $0x200  }
0x12: {  	[sflag:s9] =	ssyncset.done $0x0  }
0x13: {  	[sflag:s9] =	ssyncadd.s32 $0xFFFFFE00  }
0x14: {  	[tilespmem:s10], [sflag:$0x1] =	stream.linear.gather [hbm4b:s6+s2], $0x2000, $0x38;
	[tilespmem:$0x4600] =	vst v63  }
0x15: {  	_ = 	snop  }
0x16: {  	[tilespmem:s12], [sflag:$0x2] =	stream.indirect.gather [hbm4b:s3+s11], $0x10, s2, s11, $0xb8;
	[tilespmem:$0x4600] =	vst v63  }
0x17: {  	_ = 	snop  }
0x18: {  	[tilespmem:s13], [sflag:$0x3] =	stream.indirect.gather [hbm4b:s4+s11], $0x1, s2, s11, $0xb8;
	[tilespmem:$0x4600] =	vst v63  }
0x19: {  	_ = 	snop  }
0x1a: {  	[tilespmem:s14], [sflag:$0x2] =	stream.indirect.gather [hbm4b:s3+s11], $0x10, s11, s11, $0xb8;
	[tilespmem:$0x4600] =	vst v63  }
0x1b: {  	_ = 	snop  }
0x1c: {  	[tilespmem:s15], [sflag:$0x3] =	stream.indirect.gather [hbm4b:s4+s11], $0x1, s11, s11, $0xb8;
	[tilespmem:$0x4600] =	vst v63  }
0x1d: {  	_ = 	snop  }
0x1e: {  	[tilespmem:s17], [sflag:$0x2] =	stream.indirect.gather [hbm4b:s3+s11], $0x10, s16, s11, $0xb8;
	[tilespmem:$0x4600] =	vst v63  }
0x1f: {  	_ = 	snop  }
0x20: {  	[tilespmem:s18], [sflag:$0x3] =	stream.indirect.gather [hbm4b:s4+s11], $0x1, s16, s11, $0xb8;
	[tilespmem:$0x4600] =	vst v63  }
0x21: {  	_ = 	snop  }
0x22: {  	[tilespmem:s20], [sflag:$0x2] =	stream.indirect.gather [hbm4b:s3+s11], $0x10, s19, s11, $0xb8;
	[tilespmem:$0x4600] =	vst v63  }
0x23: {  	_ = 	snop  }
0x24: {  	[tilespmem:s21], [sflag:$0x3] =	stream.indirect.gather [hbm4b:s4+s11], $0x1, s19, s11, $0xb8;
	[tilespmem:$0x4600] =	vst v63  }
0x25: {  	_ =	swait.ge [sflag:s22], $0x2000  }
0x26: {  	[sflag:s22] =	ssyncset.done $0x0  }
0x27: {  	[sflag:s22] =	ssyncadd.s32 $0xFFFFE000  }
0x28: {  	_ =	swait.ge [sflag:s23], $0x800  }
0x29: {  	[sflag:s23] =	ssyncset.done $0x0  }
0x2a: {  	[sflag:s23] =	ssyncadd.s32 $0xFFFFF800  }
0x2b: {  	_ =	swait.ge [sflag:s24], $0x80  }
0x2c: {  	[sflag:s24] =	ssyncset.done $0x0  }
0x2d: {  	[sflag:s24] =	ssyncadd.s32 $0xFFFFFF80  }
0x2e: {  	_ =	swait.ge [sflag:s23], $0x800  }
0x2f: {  	[sflag:s23] =	ssyncset.done $0x0  }
0x30: {  	[sflag:s23] =	ssyncadd.s32 $0xFFFFF800  }
0x31: {  	_ =	swait.ge [sflag:s24], $0x80  }
0x32: {  	[sflag:s24] =	ssyncset.done $0x0  }
0x33: {  	[sflag:s24] =	ssyncadd.s32 $0xFFFFFF80  }
0x34: {  	_ =	swait.ge [sflag:s23], $0x800  }
0x35: {  	[sflag:s23] =	ssyncset.done $0x0  }
0x36: {  	[sflag:s23] =	ssyncadd.s32 $0xFFFFF800  }
0x37: {  	_ =	swait.ge [sflag:s24], $0x80  }
0x38: {  	[sflag:s24] =	ssyncset.done $0x0  }
0x39: {  	[sflag:s24] =	ssyncadd.s32 $0xFFFFFF80  }
0x3a: {  	_ =	swait.ge [sflag:s23], $0x800  }
0x3b: {  	[sflag:s23] =	ssyncset.done $0x0  }
0x3c: {  	[sflag:s23] =	ssyncadd.s32 $0xFFFFF800  }
0x3d: {  	_ =	swait.ge [sflag:s24], $0x80  }
0x3e: {  	[sflag:s24] =	ssyncset.done $0x0  }
0x3f: {  	s28 =	simm.s32 $0x4400;
	s29 =	simm.s32 $0x0;
	[sflag:s24] =	ssyncadd.s32 $0xFFFFFF80  }
.LBB2_2:
0x40: {  	v7 =	vor.u32 s29, v0  }
0x41: {  	v6 =	vshll.u32 v7, $0x4;
	_ =	sdelay $0x4  }
0x42: {  	v8 =	vld.idx.msk [tilespmem:v6+s12+$0x0], $0xffff  }
0x43: {  	v14 =	vor.u32 $0x1, v6;
	_ =	sdelay $0x3  }
0x44: {  	v9 =	vand.u32 $0x7FFFFFFF, v8  }
0x45: {  	v18 =	vor.u32 $0x2, v6;
	v15 =	vld.idx.msk [tilespmem:v14+s12+$0x0], $0xffff;
	v9 =	vsub.f32 $0.0e+00, v9;
	_ =	sdelay $0x1  }
0x46: {  	v9 =	vmul.f32 $1.442695020e+00, v9;
	_ =	sdelay $0x1  }
0x47: {  	(erf) = vpow2.f32 v9  }
0x48: {  	v19 =	vld.idx.msk [tilespmem:v18+s12+$0x0], $0xffff;
	v34 =	vand.u32 $0x7FFFFFFF, v15  }
0x49: {  	v9 =	vsub.f32 $0.0e+00, v34;
	_ =	sdelay $0x1  }
0x4a: {  	v17 =	vor.u32 $0x3, v6;
	v9 =	vmul.f32 $1.442695020e+00, v9;
	_ =	sdelay $0x1  }
0x4b: {  	v11 =	vand.u32 $0x7FFFFFFF, v19;
	(erf) = vpow2.f32 v9  }
0x4c: {  	v11 =	vsub.f32 $0.0e+00, v11;
	_ =	sdelay $0x1  }
0x4d: {  	v20 =	vld.idx.msk [tilespmem:v17+s12+$0x0], $0xffff;
	v12 =	vmul.f32 $1.442695020e+00, v11;
	v11 =	vor.u32 $0x4, v6;
	v10 =	vpop (erf)  }
0x4e: {  	v35 =	vmul.f32 $1.741407810e-02, v10  }
0x4f: {  	(erf) = vpow2.f32 v12  }
0x50: {  	v9 =	vsub.f32 $8.269123730e-02, v35;
	_ =	sdelay $0x1  }
0x51: {  	v36 =	vand.u32 $0x7FFFFFFF, v20;
	v12 =	vld.idx.msk [tilespmem:v11+s12+$0x0], $0xffff;
	v9 =	vmul.f32 v9, v10  }
0x52: {  	v16 =	vsub.f32 $0.0e+00, v36;
	v21 =	vpop (erf)  }
0x53: {  	v22 =	vmul.f32 $1.741407810e-02, v21;
	v9 =	vadd.f32 $-1.903543320e-01, v9  }
0x54: {  	v16 =	vmul.f32 $1.442695020e+00, v16  }
0x55: {  	v22 =	vsub.f32 $8.269123730e-02, v22;
	v13 =	vmul.f32 v9, v10  }
0x56: {  	(erf) = vpow2.f32 v16;
	v38 =	vand.u32 $0x7FFFFFFF, v12;
	v9 =	vor.u32 $0x5, v6  }
0x57: {  	v24 =	vpop (erf);
	v37 =	vmul.f32 v22, v21;
	v22 =	vsub.f32 $0.0e+00, v38;
	v13 =	vadd.f32 $3.157473210e-01, v13  }
0x58: {  	v25 =	vmul.f32 $1.741407810e-02, v24  }
0x59: {  	v16 =	vadd.f32 $-1.903543320e-01, v37;
	v22 =	vmul.f32 $1.442695020e+00, v22;
	v13 =	vmul.f32 v13, v10  }
0x5a: {  	v7 =	vand.u32 v3, v7;
	v25 =	vsub.f32 $8.269123730e-02, v25  }
0x5b: {  	v16 =	vmul.f32 v16, v21;
	(erf) = vpow2.f32 v22;
	v23 =	vadd.f32 $-4.973732230e-01, v13  }
0x5c: {  	v39 =	vmul.f32 v25, v24;
	v13 =	vld.idx.msk [tilespmem:v9+s12+$0x0], $0xffff  }
0x5d: {  	v16 =	vadd.f32 $3.157473210e-01, v16;
	v23 =	vmul.f32 v23, v10  }
0x5e: {  	v41 =	vadd.f32 $-1.903543320e-01, v39  }
0x5f: {  	v26 =	vld.idx.msk [tilespmem:v7+s13+$0x0], $0xffff;
	v42 =	vpop (erf);
	v7 =	vmul.f32 v16, v21;
	v23 =	vadd.f32 $9.998477100e-01, v23  }
0x60: {  	v8 =	vmax.f32 v8, $0.0e+00;
	v28 =	vmul.f32 $1.741407810e-02, v42;
	v16 =	vmul.f32 v41, v24  }
0x61: {  	v7 =	vadd.f32 $-4.973732230e-01, v7;
	v40 =	vand.u32 $0x7FFFFFFF, v13;
	v23 =	vmul.f32 v23, v10  }
0x62: {  	v45 =	vadd.f32 $3.157473210e-01, v16;
	v25 =	vsub.f32 $0.0e+00, v40;
	v10 =	vor.u32 $0x6, v6  }
0x63: {  	v27 =	vld.idx.msk [tilespmem:v6+s10+$0x0], $0xffff;
	v44 =	vmul.f32 v7, v21;
	v7 =	vor.u32 $0x7, v6;
	v23 =	vadd.f32 $1.472065040e-06, v23  }
0x64: {  	v26 =	vsub.f32 $0.0e+00, v26;
	v43 =	vsub.f32 $8.269123730e-02, v28;
	v47 =	vpop (erf);
	v25 =	vmul.f32 $1.442695020e+00, v25  }
0x65: {  	v46 =	vmul.f32 v45, v24;
	v29 =	vmul.f32 $1.741407810e-02, v47;
	v8 =	vadd.f32 v23, v8  }
0x66: {  	(erf) = vpow2.f32 v25;
	v23 =	vmul.f32 v43, v42;
	v25 =	vadd.f32 $9.998477100e-01, v44  }
0x67: {  	v49 =	vadd.f32 $-4.973732230e-01, v46;
	v50 =	vsub.f32 $8.269123730e-02, v29;
	v16 =	vld.idx.msk [tilespmem:v10+s12+$0x0], $0xffff  }
0x68: {  	v8 =	vmul.f32 v8, v27;
	v23 =	vadd.f32 $-1.903543320e-01, v23;
	v48 =	vmul.f32 v25, v21;
	v21 =	vld.idx.msk [tilespmem:v7+s12+$0x0], $0xffff  }
0x69: {  	v25 =	vmul.f32 v49, v24;
	v27 =	vmul.f32 v50, v47  }
0x6a: {  	v26 =	vadd.f32 v8, v26;
	v23 =	vmul.f32 v23, v42;
	v8 =	vadd.f32 $1.472065040e-06, v48  }
0x6b: {  	v15 =	vmax.f32 v15, $0.0e+00;
	v52 =	vadd.f32 $9.998477100e-01, v25;
	v27 =	vadd.f32 $-1.903543320e-01, v27  }
0x6c: {  	v51 =	vand.u32 $0x7FFFFFFF, v16;
	v23 =	vadd.f32 $3.157473210e-01, v23;
	v30 =	vadd.f32 v8, v15  }
0x6d: {  	v8 =	vor.u32 $0x8, v6;
	v29 =	vsub.f32 $0.0e+00, v51;
	v31 =	vand.u32 $0x7FFFFFFF, v21  }
0x6e: {  	v15 =	vmul.f32 v52, v24;
	v55 =	vmul.f32 v27, v47;
	v56 =	vsub.f32 $0.0e+00, v31  }
0x6f: {  	v23 =	vmul.f32 v23, v42;
	v25 =	vpop (erf);
	v53 =	vmul.f32 $1.442695020e+00, v29  }
0x70: {  	v57 =	vld.idx.msk [tilespmem:v14+s10+$0x0], $0xffff;
	v60 =	vadd.f32 $1.472065040e-06, v15;
	v54 =	vmul.f32 $1.741407810e-02, v25;
	v62 =	vmul.f32 $1.442695020e+00, v56  }
0x71: {  	v18 =	vld.idx.msk [tilespmem:v18+s10+$0x0], $0xffff;
	v61 =	vadd.f32 $3.157473210e-01, v55;
	v15 =	vor.u32 $0x9, v6;
	(erf) = vpow2.f32 v53  }
0x72: {  	v58 =	vadd.f32 $-4.973732230e-01, v23;
	v59 =	vsub.f32 $8.269123730e-02, v54;
	(erf) = vpow2.f32 v62  }
0x73: {  	v19 =	vmax.f32 v19, $0.0e+00;
	v32 =	vmul.f32 v61, v47;
	v14 =	vld.idx.msk [tilespmem:v8+s12+$0x0], $0xffff  }
0x74: {  	v19 =	vadd.f32 v60, v19;
	v63 =	vmul.f32 v58, v42;
	v23 =	vmul.f32 v59, v25  }
0x75: {  	v36 =	vmul.f32 v30, v57;
	v37 =	vadd.f32 $-4.973732230e-01, v32  }
0x76: {  	v18 =	vmul.f32 v19, v18;
	v19 =	vld.idx.msk [tilespmem:v15+s12+$0x0], $0xffff;
	v27 =	vadd.f32 $9.998477100e-01, v63;
	v23 =	vadd.f32 $-1.903543320e-01, v23  }
0x77: {  	v39 =	vadd.f32 v36, v26;
	v40 =	vmul.f32 v37, v47  }
0x78: {  	v22 =	vmul.f32 v27, v42;
	v44 =	vand.u32 $0x7FFFFFFF, v14;
	v38 =	vmul.f32 v23, v25  }
0x79: {  	v20 =	vmax.f32 v20, $0.0e+00;
	v24 =	vadd.f32 $9.998477100e-01, v40;
	v30 =	vsub.f32 $0.0e+00, v44  }
0x7a: {  	v12 =	vmax.f32 v12, $0.0e+00;
	v22 =	vadd.f32 $1.472065040e-06, v22;
	v41 =	vpop (erf);
	v42 =	vadd.f32 $3.157473210e-01, v38  }
0x7b: {  	v51 =	vand.u32 $0x7FFFFFFF, v19;
	v45 =	vmul.f32 $1.442695020e+00, v30;
	v43 =	vmul.f32 $1.741407810e-02, v41;
	v49 =	vpop (erf)  }
0x7c: {  	v20 =	vadd.f32 v22, v20;
	v27 =	vmul.f32 v42, v25;
	v50 =	vmul.f32 $1.741407810e-02, v49  }
0x7d: {  	v17 =	vld.idx.msk [tilespmem:v17+s10+$0x0], $0xffff;
	v46 =	vmul.f32 v24, v47;
	v22 =	vsub.f32 $0.0e+00, v51;
	v29 =	vsub.f32 $8.269123730e-02, v43  }
0x7e: {  	(erf) = vpow2.f32 v45;
	v47 =	vadd.f32 $-4.973732230e-01, v27;
	v53 =	vsub.f32 $8.269123730e-02, v50  }
0x7f: {  	v54 =	vld.idx.msk [tilespmem:v11+s10+$0x0], $0xffff;
	v11 =	vor.u32 $0xA, v6;
	v22 =	vmul.f32 $1.442695020e+00, v22;
	v48 =	vmul.f32 v29, v41  }
0x80: {  	v18 =	vadd.f32 v18, v39;
	v24 =	vmul.f32 v47, v25;
	v23 =	vmul.f32 v53, v49  }
0x81: {  	v52 =	vadd.f32 $1.472065040e-06, v46;
	(erf) = vpow2.f32 v22;
	v27 =	vadd.f32 $-1.903543320e-01, v48  }
0x82: {  	v17 =	vmul.f32 v20, v17;
	v24 =	vadd.f32 $9.998477100e-01, v24;
	v56 =	vadd.f32 $-1.903543320e-01, v23  }
0x83: {  	v12 =	vadd.f32 v52, v12;
	v27 =	vmul.f32 v27, v41  }
0x84: {  	v18 =	vadd.f32 v17, v18;
	v17 =	vld.idx.msk [tilespmem:v11+s12+$0x0], $0xffff;
	v24 =	vmul.f32 v24, v25;
	v20 =	vmul.f32 v56, v49  }
0x85: {  	v9 =	vld.idx.msk [tilespmem:v9+s10+$0x0], $0xffff;
	v55 =	vadd.f32 $3.157473210e-01, v27  }
0x86: {  	v12 =	vmul.f32 v12, v54;
	v57 =	vadd.f32 $1.472065040e-06, v24;
	v60 =	vadd.f32 $3.157473210e-01, v20  }
0x87: {  	v13 =	vmax.f32 v13, $0.0e+00;
	v38 =	vld.idx.msk [tilespmem:v10+s10+$0x0], $0xffff;
	v10 =	vor.u32 $0xE, v6;
	v58 =	vmul.f32 v55, v41  }
0x88: {  	v12 =	vadd.f32 v12, v18;
	v59 =	vpop (erf);
	v13 =	vadd.f32 v57, v13;
	v18 =	vmul.f32 v60, v49  }
0x89: {  	v34 =	vand.u32 $0x7FFFFFFF, v17;
	v61 =	vmul.f32 $1.741407810e-02, v59;
	v22 =	vadd.f32 $-4.973732230e-01, v58  }
0x8a: {  	v63 =	vpop (erf);
	v9 =	vmul.f32 v13, v9;
	v13 =	vor.u32 $0xB, v6;
	v18 =	vadd.f32 $-4.973732230e-01, v18  }
0x8b: {  	v20 =	vsub.f32 $8.269123730e-02, v61;
	v35 =	vmul.f32 $1.741407810e-02, v63;
	v22 =	vmul.f32 v22, v41  }
0x8c: {  	v62 =	vadd.f32 v9, v12;
	v12 =	vor.u32 $0xC, v6;
	v18 =	vmul.f32 v18, v49  }
0x8d: {  	v36 =	vsub.f32 $0.0e+00, v34;
	v20 =	vmul.f32 v20, v59;
	v22 =	vadd.f32 $9.998477100e-01, v22  }
0x8e: {  	v27 =	vsub.f32 $8.269123730e-02, v35;
	v9 =	vor.u32 $0xD, v6;
	v18 =	vadd.f32 $9.998477100e-01, v18  }
0x8f: {  	v29 =	vmul.f32 $1.442695020e+00, v36;
	v37 =	vadd.f32 $-1.903543320e-01, v20;
	v22 =	vmul.f32 v22, v41;
	v20 =	vld.idx.msk [tilespmem:v13+s12+$0x0], $0xffff  }
0x90: {  	v16 =	vmax.f32 v16, $0.0e+00;
	v27 =	vmul.f32 v27, v63;
	v18 =	vmul.f32 v18, v49  }
0x91: {  	(erf) = vpow2.f32 v29;
	v26 =	vmul.f32 v37, v59;
	v39 =	vadd.f32 $1.472065040e-06, v22;
	v22 =	vld.idx.msk [tilespmem:v12+s12+$0x0], $0xffff  }
0x92: {  	v6 =	vor.u32 $0xF, v6;
	v27 =	vadd.f32 $-1.903543320e-01, v27;
	v42 =	vadd.f32 $1.472065040e-06, v18;
	v18 =	vld.idx.msk [tilespmem:v10+s12+$0x0], $0xffff  }
0x93: {  	v26 =	vadd.f32 $3.157473210e-01, v26;
	v40 =	vadd.f32 v39, v16;
	v16 =	vld.idx.msk [tilespmem:v9+s12+$0x0], $0xffff  }
0x94: {  	v27 =	vmul.f32 v27, v63;
	v41 =	vand.u32 $0x7FFFFFFF, v20  }
0x95: {  	v26 =	vmul.f32 v26, v59;
	v28 =	vsub.f32 $0.0e+00, v41  }
0x96: {  	v44 =	vmax.f32 v21, $0.0e+00;
	v27 =	vadd.f32 $3.157473210e-01, v27;
	v43 =	vand.u32 $0x7FFFFFFF, v22  }
0x97: {  	v21 =	vld.idx.msk [tilespmem:v6+s12+$0x0], $0xffff;
	v26 =	vadd.f32 $-4.973732230e-01, v26;
	v28 =	vmul.f32 $1.442695020e+00, v28;
	v31 =	vsub.f32 $0.0e+00, v43  }
0x98: {  	v27 =	vmul.f32 v27, v63;
	v47 =	vand.u32 $0x7FFFFFFF, v18;
	v33 =	vand.u32 $0x7FFFFFFF, v16  }
0x99: {  	(erf) = vpow2.f32 v28;
	v45 =	vmul.f32 $1.442695020e+00, v31;
	v46 =	vsub.f32 $0.0e+00, v33  }
0x9a: {  	v14 =	vmax.f32 v14, $0.0e+00;
	v26 =	vmul.f32 v26, v59;
	v49 =	vsub.f32 $0.0e+00, v47  }
0x9b: {  	v34 =	vpop (erf);
	v27 =	vadd.f32 $-4.973732230e-01, v27;
	(erf) = vpow2.f32 v45;
	v48 =	vmul.f32 $1.442695020e+00, v46  }
0x9c: {  	v50 =	vmul.f32 $1.741407810e-02, v34;
	v52 =	vand.u32 $0x7FFFFFFF, v21;
	v51 =	vmul.f32 $1.442695020e+00, v49  }
0x9d: {  	v26 =	vadd.f32 $9.998477100e-01, v26;
	v27 =	vmul.f32 v27, v63;
	(erf) = vpow2.f32 v48  }
0x9e: {  	v7 =	vld.idx.msk [tilespmem:v7+s10+$0x0], $0xffff;
	v33 =	vsub.f32 $8.269123730e-02, v50;
	v31 =	vsub.f32 $0.0e+00, v52;
	(erf) = vpow2.f32 v51  }
0x9f: {  	v19 =	vmax.f32 v19, $0.0e+00;
	v17 =	vmax.f32 v17, $0.0e+00;
	v23 =	vmul.f32 v26, v59  }
0xa0: {  	v53 =	vadd.f32 $9.998477100e-01, v27;
	v54 =	vmul.f32 v33, v34;
	v55 =	vmul.f32 $1.442695020e+00, v31  }
0xa1: {  	v8 =	vld.idx.msk [tilespmem:v8+s10+$0x0], $0xffff;
	v30 =	vadd.f32 v42, v44;
	v29 =	vmul.f32 v40, v38;
	v23 =	vadd.f32 $1.472065040e-06, v23  }
0xa2: {  	v25 =	vmul.f32 v53, v63;
	v56 =	vadd.f32 $-1.903543320e-01, v54;
	v57 =	vpop (erf);
	(erf) = vpow2.f32 v55  }
0xa3: {  	v15 =	vld.idx.msk [tilespmem:v15+s10+$0x0], $0xffff;
	v7 =	vmul.f32 v30, v7;
	v24 =	vadd.f32 v29, v62;
	v58 =	vmul.f32 $1.741407810e-02, v57  }
0xa4: {  	v14 =	vadd.f32 v23, v14;
	v60 =	vadd.f32 $1.472065040e-06, v25;
	v61 =	vmul.f32 v56, v34;
	v59 =	vpop (erf)  }
0xa5: {  	v7 =	vadd.f32 v7, v24;
	v24 =	vsub.f32 $8.269123730e-02, v58;
	v62 =	vmul.f32 $1.741407810e-02, v59  }
0xa6: {  	v8 =	vmul.f32 v14, v8;
	v31 =	vadd.f32 v60, v19;
	v32 =	vadd.f32 $3.157473210e-01, v61;
	v63 =	vpop (erf)  }
0xa7: {  	v33 =	vmul.f32 v24, v57;
	v35 =	vsub.f32 $8.269123730e-02, v62;
	v36 =	vmul.f32 $1.741407810e-02, v63;
	v39 =	vpop (erf)  }
0xa8: {  	v7 =	vadd.f32 v8, v7;
	v37 =	vmul.f32 v31, v15;
	v44 =	vmul.f32 $1.741407810e-02, v39  }
0xa9: {  	v40 =	vadd.f32 $-1.903543320e-01, v33;
	v41 =	vmul.f32 v35, v59;
	v42 =	vsub.f32 $8.269123730e-02, v36  }
0xaa: {  	v38 =	vmul.f32 v32, v34;
	v7 =	vadd.f32 v37, v7;
	v14 =	vsub.f32 $8.269123730e-02, v44  }
0xab: {  	v19 =	vmul.f32 v40, v57;
	v23 =	vadd.f32 $-1.903543320e-01, v41;
	v24 =	vmul.f32 v42, v63;
	v45 =	vpop (erf)  }
0xac: {  	v43 =	vadd.f32 $-4.973732230e-01, v38;
	v46 =	vmul.f32 $1.741407810e-02, v45;
	v14 =	vmul.f32 v14, v39  }
0xad: {  	v19 =	vadd.f32 $3.157473210e-01, v19;
	v23 =	vmul.f32 v23, v59;
	v24 =	vadd.f32 $-1.903543320e-01, v24  }
0xae: {  	v8 =	vmul.f32 v43, v34;
	v26 =	vsub.f32 $8.269123730e-02, v46;
	v14 =	vadd.f32 $-1.903543320e-01, v14  }
0xaf: {  	v19 =	vmul.f32 v19, v57;
	v23 =	vadd.f32 $3.157473210e-01, v23;
	v24 =	vmul.f32 v24, v63  }
0xb0: {  	v8 =	vadd.f32 $9.998477100e-01, v8;
	v26 =	vmul.f32 v26, v45;
	v14 =	vmul.f32 v14, v39  }
0xb1: {  	v19 =	vadd.f32 $-4.973732230e-01, v19;
	v23 =	vmul.f32 v23, v59;
	v24 =	vadd.f32 $3.157473210e-01, v24  }
0xb2: {  	v8 =	vmul.f32 v8, v34;
	v26 =	vadd.f32 $-1.903543320e-01, v26;
	v14 =	vadd.f32 $3.157473210e-01, v14  }
0xb3: {  	v19 =	vmul.f32 v19, v57;
	v23 =	vadd.f32 $-4.973732230e-01, v23;
	v24 =	vmul.f32 v24, v63  }
0xb4: {  	v8 =	vadd.f32 $1.472065040e-06, v8;
	v26 =	vmul.f32 v26, v45;
	v14 =	vmul.f32 v14, v39  }
0xb5: {  	v11 =	vld.idx.msk [tilespmem:v11+s10+$0x0], $0xffff;
	v19 =	vadd.f32 $9.998477100e-01, v19;
	v23 =	vmul.f32 v23, v59;
	v24 =	vadd.f32 $-4.973732230e-01, v24  }
0xb6: {  	v20 =	vmax.f32 v20, $0.0e+00;
	v47 =	vadd.f32 $3.157473210e-01, v26;
	v49 =	vadd.f32 $-4.973732230e-01, v14  }
0xb7: {  	v19 =	vmul.f32 v19, v57;
	v23 =	vadd.f32 $9.998477100e-01, v23;
	v24 =	vmul.f32 v24, v63  }
0xb8: {  	v48 =	vld.idx.msk [tilespmem:v13+s10+$0x0], $0xffff;
	v8 =	vadd.f32 v8, v17;
	v50 =	vmul.f32 v47, v45;
	v13 =	vmul.f32 v49, v39  }
0xb9: {  	v51 =	vmul.f32 v23, v59;
	v19 =	vadd.f32 $1.472065040e-06, v19;
	v52 =	vadd.f32 $9.998477100e-01, v24  }
0xba: {  	v8 =	vmul.f32 v8, v11;
	v14 =	vadd.f32 $-4.973732230e-01, v50;
	v13 =	vadd.f32 $9.998477100e-01, v13  }
0xbb: {  	v12 =	vld.idx.msk [tilespmem:v12+s10+$0x0], $0xffff;
	v22 =	vmax.f32 v22, $0.0e+00;
	v19 =	vadd.f32 v19, v20;
	v17 =	vadd.f32 $1.472065040e-06, v51  }
0xbc: {  	v7 =	vadd.f32 v8, v7;
	v53 =	vmul.f32 v52, v63;
	v14 =	vmul.f32 v14, v45  }
0xbd: {  	v9 =	vld.idx.msk [tilespmem:v9+s10+$0x0], $0xffff;
	v13 =	vmul.f32 v13, v39;
	v54 =	vmul.f32 v19, v48;
	v55 =	vadd.f32 v17, v22  }
0xbe: {  	v60 =	vmax.f32 v18, $0.0e+00;
	v56 =	vadd.f32 $1.472065040e-06, v53;
	v14 =	vadd.f32 $9.998477100e-01, v14  }
0xbf: {  	v10 =	vld.idx.msk [tilespmem:v10+s10+$0x0], $0xffff;
	v58 =	vmax.f32 v16, $0.0e+00;
	v13 =	vadd.f32 $1.472065040e-06, v13;
	v7 =	vadd.f32 v54, v7  }
0xc0: {  	v57 =	vmul.f32 v55, v12;
	v11 =	vadd.f32 v56, v58;
	v59 =	vmul.f32 v14, v45  }
0xc1: {  	v6 =	vld.idx.msk [tilespmem:v6+s10+$0x0], $0xffff;
	v8 =	vadd.f32 v13, v60  }
0xc2: {  	v7 =	vadd.f32 v57, v7;
	v9 =	vmul.f32 v11, v9;
	v61 =	vadd.f32 $1.472065040e-06, v59  }
0xc3: {  	v62 =	vmax.f32 v21, $0.0e+00  }
0xc4: {  	v8 =	vmul.f32 v8, v10;
	v7 =	vadd.f32 v9, v7;
	v63 =	vadd.f32 v61, v62;
	_ =	sdelay $0x1  }
0xc5: {  	v7 =	vadd.f32 v8, v7;
	v6 =	vmul.f32 v63, v6;
	_ =	sdelay $0x1  }
0xc6: {  	v6 =	vadd.f32 v6, v7;
	_ =	sdelay $0x1  }
0xc7: {  	v6 =	vsub.f32 $0.0e+00, v6;
	_ =	sdelay $0x1  }
0xc8: {  	v6 =	vmul.f32 $1.442695020e+00, v6;
	_ =	sdelay $0x1  }
0xc9: {  	(erf) = vpow2.f32 v6;
	_ =	sdelay $0x8  }
0xca: {  	v6 =	vpop (erf)  }
0xcb: {  	v6 =	vadd.f32 $1.000000000e+00, v6;
	_ =	sdelay $0x1  }
0xcc: {  	(erf) = vrcp.f32 v6;
	_ =	sdelay $0x4  }
0xcd: {  	p0 =	sne.s32 s29, $0x70  }
.Ltmp0:
0xce: {  	_ = 	snop;
	(pc) =	sbr.rel @p0 .LBB2_2-.Ltmp0, $3  }
0xcf: {  	_ =	sdelay $0x1  }
0xd0: {  	v6 =	vpop (erf)  }
0xd1: {  	s29 =	sadd.s32 $0x10, s29;
	[tilespmem:s28+$0x0] =	vst v6;
	s28 =	sadd.s32 $0x10, s28  }
0xd2: {  	s28 =	simm.s32 $0x0;
	s29 =	simm.s32 $0x4480;
	s30 =	simm.s32 $0x0  }
.LBB2_4:
0xd3: {  	v6 =	vor.u32 s30, v0  }
0xd4: {  	v7 =	vshll.u32 v6, $0x4  }
0xd5: {  	v8 =	vor.u32 $0x800, v7;
	_ =	sdelay $0x4  }
0xd6: {  	v8 =	vld.idx.msk [tilespmem:v8+s12+$0x0], $0xffff;
	_ =	sdelay $0x1  }
0xd7: {  	v9 =	vor.u32 $0x801, v7;
	_ =	sdelay $0x2  }
0xd8: {  	v37 =	vor.u32 $0x802, v7;
	v10 =	vand.u32 $0x7FFFFFFF, v8  }
0xd9: {  	v10 =	vsub.f32 $0.0e+00, v10  }
0xda: {  	v13 =	vld.idx.msk [tilespmem:v9+s12+$0x0], $0xffff  }
0xdb: {  	v10 =	vmul.f32 $1.442695020e+00, v10;
	_ =	sdelay $0x1  }
0xdc: {  	v15 =	vld.idx.msk [tilespmem:v37+s12+$0x0], $0xffff;
	(erf) = vpow2.f32 v10;
	_ =	sdelay $0x1  }
0xdd: {  	v38 =	vand.u32 $0x7FFFFFFF, v13  }
0xde: {  	v10 =	vsub.f32 $0.0e+00, v38;
	_ =	sdelay $0x1  }
0xdf: {  	v11 =	vand.u32 $0x7FFFFFFF, v15;
	v39 =	vmul.f32 $1.442695020e+00, v10  }
0xe0: {  	v11 =	vsub.f32 $0.0e+00, v11  }
0xe1: {  	(erf) = vpow2.f32 v39  }
0xe2: {  	v11 =	vmul.f32 $1.442695020e+00, v11  }
0xe3: {  	v41 =	vor.u32 $0x803, v7;
	v12 =	vpop (erf)  }
0xe4: {  	(erf) = vpow2.f32 v11;
	v40 =	vmul.f32 $1.741407810e-02, v12;
	_ =	sdelay $0x1  }
0xe5: {  	v9 =	vsub.f32 $8.269123730e-02, v40  }
0xe6: {  	v43 =	vor.u32 $0x804, v7  }
0xe7: {  	v14 =	vmul.f32 v9, v12;
	v9 =	vld.idx.msk [tilespmem:v41+s12+$0x0], $0xffff;
	_ =	sdelay $0x1  }
0xe8: {  	v44 =	vpop (erf);
	v42 =	vadd.f32 $-1.903543320e-01, v14  }
0xe9: {  	v6 =	vand.u32 $0x78, v6;
	v16 =	vmul.f32 $1.741407810e-02, v44  }
0xea: {  	v6 =	vor.u32 v5, v6;
	v11 =	vld.idx.msk [tilespmem:v43+s12+$0x0], $0xffff;
	v10 =	vmul.f32 v42, v12  }
0xeb: {  	v19 =	vmov s30;
	v20 =	vpop (erf);
	v16 =	vsub.f32 $8.269123730e-02, v16;
	v17 =	vand.u32 $0x7FFFFFFF, v9  }
0xec: {  	v46 =	vmul.f32 $1.741407810e-02, v20;
	v10 =	vadd.f32 $3.157473210e-01, v10;
	v17 =	vsub.f32 $0.0e+00, v17  }
0xed: {  	v45 =	vshll.u32 v19, $0x4;
	v16 =	vmul.f32 v16, v44  }
0xee: {  	v19 =	vsub.f32 $8.269123730e-02, v46;
	v10 =	vmul.f32 v10, v12;
	v17 =	vmul.f32 $1.442695020e+00, v17  }
0xef: {  	v21 =	vld.idx.msk [tilespmem:v6+s13+$0x0], $0xffff;
	v6 =	vand.u32 $0x7FFFFFFF, v11;
	v16 =	vadd.f32 $-1.903543320e-01, v16  }
0xf0: {  	v19 =	vmul.f32 v19, v20;
	v10 =	vadd.f32 $-4.973732230e-01, v10;
	(erf) = vpow2.f32 v17  }
0xf1: {  	v18 =	vor.u32 $0x805, v7;
	v23 =	vsub.f32 $0.0e+00, v6;
	v16 =	vmul.f32 v16, v44  }
0xf2: {  	v19 =	vadd.f32 $-1.903543320e-01, v19;
	v22 =	vmul.f32 v10, v12  }
0xf3: {  	v47 =	vor.u32 $0x806, v7;
	v49 =	vmul.f32 $1.442695020e+00, v23;
	v16 =	vadd.f32 $3.157473210e-01, v16  }
0xf4: {  	v25 =	vor.u32 $0x807, v7;
	v19 =	vmul.f32 v19, v20;
	v48 =	vadd.f32 $9.998477100e-01, v22  }
0xf5: {  	v30 =	vor.u32 $0x808, v7;
	(erf) = vpow2.f32 v49;
	v16 =	vmul.f32 v16, v44  }
0xf6: {  	v26 =	vor.u32 $0x809, v7;
	v50 =	vsub.f32 $0.0e+00, v21;
	v10 =	vld.idx.msk [tilespmem:v18+s12+$0x0], $0xffff;
	v12 =	vmul.f32 v48, v12  }
0xf7: {  	v6 =	vor.u32 v4, v45;
	v19 =	vadd.f32 $3.157473210e-01, v19;
	v16 =	vadd.f32 $-4.973732230e-01, v16  }
0xf8: {  	v8 =	vmax.f32 v8, $0.0e+00;
	v13 =	vmax.f32 v13, $0.0e+00;
	v51 =	vadd.f32 $1.472065040e-06, v12;
	v12 =	vld.idx.msk [tilespmem:v47+s12+$0x0], $0xffff  }
0xf9: {  	v15 =	vmax.f32 v15, $0.0e+00;
	v19 =	vmul.f32 v19, v20;
	v16 =	vmul.f32 v16, v44;
	v54 =	vpop (erf)  }
0xfa: {  	v11 =	vmax.f32 v11, $0.0e+00;
	v24 =	vor.u32 $0x1, v6;
	v55 =	vmul.f32 $1.741407810e-02, v54  }
0xfb: {  	v59 =	vadd.f32 $-4.973732230e-01, v19;
	v52 =	vand.u32 $0x7FFFFFFF, v10;
	v16 =	vadd.f32 $9.998477100e-01, v16  }
0xfc: {  	v28 =	vor.u32 $0x2, v6;
	v53 =	vld.idx.msk [tilespmem:v6+s10+$0x0], $0xffff;
	v22 =	vsub.f32 $0.0e+00, v52;
	v21 =	vsub.f32 $8.269123730e-02, v55  }
0xfd: {  	v8 =	vadd.f32 v51, v8;
	v14 =	vmul.f32 v16, v44;
	v56 =	vand.u32 $0x7FFFFFFF, v12  }
0xfe: {  	v22 =	vmul.f32 $1.442695020e+00, v22;
	v61 =	vpop (erf);
	v57 =	vmul.f32 v21, v54;
	v58 =	vsub.f32 $0.0e+00, v56  }
0xff: {  	v16 =	vmul.f32 v59, v20;
	v63 =	vmul.f32 $1.741407810e-02, v61;
	v62 =	vadd.f32 $1.472065040e-06, v14;
	v14 =	vld.idx.msk [tilespmem:v25+s12+$0x0], $0xffff  }
0x100: {  	(erf) = vpow2.f32 v22;
	v18 =	vadd.f32 $-1.903543320e-01, v57;
	v21 =	vmul.f32 $1.442695020e+00, v58  }
0x101: {  	v37 =	vor.u32 $0x3, v6;
	v60 =	vld.idx.msk [tilespmem:v24+s10+$0x0], $0xffff;
	v8 =	vmul.f32 v8, v53;
	v16 =	vadd.f32 $9.998477100e-01, v16  }
0x102: {  	v27 =	vsub.f32 $8.269123730e-02, v63;
	v18 =	vmul.f32 v18, v54;
	(erf) = vpow2.f32 v21  }
0x103: {  	v8 =	vadd.f32 v8, v50;
	v13 =	vadd.f32 v62, v13;
	v16 =	vmul.f32 v16, v20  }
0x104: {  	v22 =	vld.idx.msk [tilespmem:v28+s10+$0x0], $0xffff;
	v29 =	vmul.f32 v27, v61;
	v32 =	vand.u32 $0x7FFFFFFF, v14;
	v18 =	vadd.f32 $3.157473210e-01, v18  }
0x105: {  	v9 =	vmax.f32 v9, $0.0e+00;
	v16 =	vadd.f32 $1.472065040e-06, v16;
	v24 =	vsub.f32 $0.0e+00, v32  }
0x106: {  	v13 =	vmul.f32 v13, v60;
	v17 =	vadd.f32 $-1.903543320e-01, v29;
	v18 =	vmul.f32 v18, v54  }
0x107: {  	v49 =	vor.u32 $0x80A, v7;
	v15 =	vadd.f32 v16, v15;
	v24 =	vmul.f32 $1.442695020e+00, v24  }
0x108: {  	v13 =	vadd.f32 v13, v8;
	v8 =	vld.idx.msk [tilespmem:v30+s12+$0x0], $0xffff;
	v17 =	vmul.f32 v17, v61;
	v18 =	vadd.f32 $-4.973732230e-01, v18  }
0x109: {  	v10 =	vmax.f32 v10, $0.0e+00;
	v15 =	vmul.f32 v15, v22;
	v31 =	vpop (erf);
	(erf) = vpow2.f32 v24  }
0x10a: {  	v55 =	vor.u32 $0x5, v6;
	v33 =	vmul.f32 $1.741407810e-02, v31;
	v34 =	vmul.f32 v18, v54  }
0x10b: {  	v28 =	vor.u32 $0x80B, v7;
	v17 =	vadd.f32 $3.157473210e-01, v17;
	v15 =	vadd.f32 v15, v13;
	v36 =	vpop (erf)  }
0x10c: {  	v13 =	vld.idx.msk [tilespmem:v26+s12+$0x0], $0xffff;
	v25 =	vsub.f32 $8.269123730e-02, v33;
	v16 =	vadd.f32 $9.998477100e-01, v34;
	v38 =	vmul.f32 $1.741407810e-02, v36  }
0x10d: {  	v12 =	vmax.f32 v12, $0.0e+00;
	v17 =	vmul.f32 v17, v61;
	v40 =	vand.u32 $0x7FFFFFFF, v8  }
0x10e: {  	v35 =	vmul.f32 v25, v31;
	v16 =	vmul.f32 v16, v54;
	v39 =	vsub.f32 $8.269123730e-02, v38  }
0x10f: {  	v43 =	vld.idx.msk [tilespmem:v37+s10+$0x0], $0xffff;
	v50 =	vor.u32 $0x4, v6;
	v42 =	vsub.f32 $0.0e+00, v40;
	v17 =	vadd.f32 $-4.973732230e-01, v17  }
0x110: {  	v18 =	vadd.f32 $-1.903543320e-01, v35;
	v41 =	vmul.f32 v39, v36;
	v16 =	vadd.f32 $1.472065040e-06, v16  }
0x111: {  	v22 =	vmul.f32 $1.442695020e+00, v42;
	v17 =	vmul.f32 v17, v61;
	v53 =	vand.u32 $0x7FFFFFFF, v13  }
0x112: {  	v18 =	vmul.f32 v18, v31;
	v48 =	vpop (erf);
	v44 =	vadd.f32 $-1.903543320e-01, v41;
	v9 =	vadd.f32 v16, v9  }
0x113: {  	(erf) = vpow2.f32 v22;
	v23 =	vsub.f32 $0.0e+00, v53;
	v51 =	vmul.f32 $1.741407810e-02, v48  }
0x114: {  	v18 =	vadd.f32 $3.157473210e-01, v18;
	v47 =	vmul.f32 v44, v36;
	v9 =	vmul.f32 v9, v43  }
0x115: {  	v45 =	vadd.f32 $9.998477100e-01, v17;
	v23 =	vmul.f32 $1.442695020e+00, v23;
	v52 =	vsub.f32 $8.269123730e-02, v51  }
0x116: {  	v46 =	vmul.f32 v18, v31;
	v18 =	vadd.f32 $3.157473210e-01, v47;
	v15 =	vadd.f32 v9, v15;
	v9 =	vld.idx.msk [tilespmem:v49+s12+$0x0], $0xffff  }
0x117: {  	v57 =	vor.u32 $0x6, v6;
	v16 =	vmul.f32 v45, v61;
	v19 =	vmul.f32 v52, v48  }
0x118: {  	v8 =	vmax.f32 v8, $0.0e+00;
	v54 =	vld.idx.msk [tilespmem:v50+s10+$0x0], $0xffff;
	v17 =	vadd.f32 $-4.973732230e-01, v46;
	v18 =	vmul.f32 v18, v36  }
0x119: {  	(erf) = vpow2.f32 v23;
	v16 =	vadd.f32 $1.472065040e-06, v16;
	v19 =	vadd.f32 $-1.903543320e-01, v19  }
0x11a: {  	v42 =	vor.u32 $0x7, v6;
	v17 =	vmul.f32 v17, v31;
	v18 =	vadd.f32 $-4.973732230e-01, v18  }
0x11b: {  	v11 =	vadd.f32 v16, v11;
	v19 =	vmul.f32 v19, v48;
	v60 =	vand.u32 $0x7FFFFFFF, v9  }
0x11c: {  	v58 =	vpop (erf);
	v17 =	vadd.f32 $9.998477100e-01, v17;
	v56 =	vmul.f32 v18, v36;
	v62 =	vsub.f32 $0.0e+00, v60  }
0x11d: {  	v59 =	vmul.f32 $1.741407810e-02, v58;
	v11 =	vmul.f32 v11, v54;
	v19 =	vadd.f32 $3.157473210e-01, v19  }
0x11e: {  	v17 =	vmul.f32 v17, v31;
	v16 =	vadd.f32 $9.998477100e-01, v56;
	v25 =	vmul.f32 $1.442695020e+00, v62  }
0x11f: {  	v61 =	vld.idx.msk [tilespmem:v55+s10+$0x0], $0xffff;
	v63 =	vsub.f32 $8.269123730e-02, v59;
	v15 =	vadd.f32 v11, v15;
	v19 =	vmul.f32 v19, v48  }
0x120: {  	v11 =	vld.idx.msk [tilespmem:v28+s12+$0x0], $0xffff;
	v17 =	vadd.f32 $1.472065040e-06, v17;
	v16 =	vmul.f32 v16, v36;
	(erf) = vpow2.f32 v25  }
0x121: {  	v29 =	vld.idx.msk [tilespmem:v57+s10+$0x0], $0xffff;
	v35 =	vor.u32 $0x80C, v7;
	v38 =	vor.u32 $0x80D, v7;
	v31 =	vadd.f32 $-4.973732230e-01, v19  }
0x122: {  	v34 =	vpop (erf);
	v30 =	vmul.f32 v63, v58;
	v10 =	vadd.f32 v17, v10;
	v16 =	vadd.f32 $1.472065040e-06, v16  }
0x123: {  	v41 =	vor.u32 $0x80E, v7;
	v37 =	vmul.f32 $1.741407810e-02, v34;
	v33 =	vmul.f32 v31, v48  }
0x124: {  	v32 =	vadd.f32 $-1.903543320e-01, v30;
	v10 =	vmul.f32 v10, v61;
	v12 =	vadd.f32 v16, v12  }
0x125: {  	v19 =	vsub.f32 $8.269123730e-02, v37;
	v23 =	vand.u32 $0x7FFFFFFF, v11;
	v16 =	vadd.f32 $9.998477100e-01, v33  }
0x126: {  	v36 =	vmul.f32 v32, v58;
	v10 =	vadd.f32 v10, v15;
	v12 =	vmul.f32 v12, v29  }
0x127: {  	v19 =	vmul.f32 v19, v34;
	v23 =	vsub.f32 $0.0e+00, v23;
	v40 =	vmul.f32 v16, v48  }
0x128: {  	v13 =	vmax.f32 v13, $0.0e+00;
	v15 =	vadd.f32 $3.157473210e-01, v36;
	v39 =	vadd.f32 v12, v10;
	v12 =	vld.idx.msk [tilespmem:v35+s12+$0x0], $0xffff  }
0x129: {  	v43 =	vor.u32 $0x80F, v7;
	v19 =	vadd.f32 $-1.903543320e-01, v19;
	v24 =	vadd.f32 $1.472065040e-06, v40;
	v10 =	vld.idx.msk [tilespmem:v38+s12+$0x0], $0xffff;
	v25 =	vpop (erf)  }
0x12a: {  	v7 =	vmax.f32 v14, $0.0e+00;
	v23 =	vmul.f32 $1.442695020e+00, v23;
	v44 =	vmul.f32 $1.741407810e-02, v25  }
0x12b: {  	v15 =	vmul.f32 v15, v58;
	v19 =	vmul.f32 v19, v34;
	v24 =	vadd.f32 v24, v7;
	v7 =	vld.idx.msk [tilespmem:v41+s12+$0x0], $0xffff  }
0x12c: {  	v55 =	vor.u32 $0x9, v6;
	(erf) = vpow2.f32 v23;
	v14 =	vsub.f32 $8.269123730e-02, v44  }
0x12d: {  	v15 =	vadd.f32 $-4.973732230e-01, v15;
	v19 =	vadd.f32 $3.157473210e-01, v19;
	v45 =	vand.u32 $0x7FFFFFFF, v12  }
0x12e: {  	v27 =	vand.u32 $0x7FFFFFFF, v10;
	v16 =	vsub.f32 $0.0e+00, v45;
	v47 =	vmul.f32 v14, v25;
	v14 =	vld.idx.msk [tilespmem:v43+s12+$0x0], $0xffff  }
0x12f: {  	v46 =	vor.u32 $0x8, v6;
	v15 =	vmul.f32 v15, v58;
	v48 =	vsub.f32 $0.0e+00, v27  }
0x130: {  	v19 =	vmul.f32 v19, v34;
	v50 =	vand.u32 $0x7FFFFFFF, v7;
	v16 =	vmul.f32 $1.442695020e+00, v16  }
0x131: {  	v9 =	vmax.f32 v9, $0.0e+00;
	v51 =	vmul.f32 $1.442695020e+00, v48;
	v52 =	vsub.f32 $0.0e+00, v50  }
0x132: {  	v21 =	vld.idx.msk [tilespmem:v42+s10+$0x0], $0xffff;
	v15 =	vadd.f32 $9.998477100e-01, v15;
	v19 =	vadd.f32 $-4.973732230e-01, v19;
	(erf) = vpow2.f32 v16  }
0x133: {  	v53 =	vmul.f32 $1.442695020e+00, v52;
	(erf) = vpow2.f32 v51;
	v54 =	vand.u32 $0x7FFFFFFF, v14  }
0x134: {  	v30 =	vor.u32 $0xA, v6;
	v15 =	vmul.f32 v15, v58;
	v17 =	vsub.f32 $0.0e+00, v54  }
0x135: {  	v19 =	vmul.f32 v19, v34;
	v56 =	vpop (erf);
	v49 =	vadd.f32 $-1.903543320e-01, v47;
	(erf) = vpow2.f32 v53  }
0x136: {  	v11 =	vmax.f32 v11, $0.0e+00;
	v23 =	vld.idx.msk [tilespmem:v46+s10+$0x0], $0xffff;
	v58 =	vmul.f32 $1.741407810e-02, v56;
	v17 =	vmul.f32 $1.442695020e+00, v17  }
0x137: {  	v21 =	vmul.f32 v24, v21;
	v15 =	vadd.f32 $1.472065040e-06, v15;
	v20 =	vmul.f32 v49, v25  }
0x138: {  	v57 =	vadd.f32 $9.998477100e-01, v19;
	v60 =	vsub.f32 $8.269123730e-02, v58;
	(erf) = vpow2.f32 v17  }
0x139: {  	v46 =	vor.u32 $0xC, v6;
	v8 =	vadd.f32 v15, v8;
	v20 =	vadd.f32 $3.157473210e-01, v20  }
0x13a: {  	v61 =	vadd.f32 v21, v39;
	v16 =	vmul.f32 v57, v34;
	v18 =	vmul.f32 v60, v56  }
0x13b: {  	v62 =	vld.idx.msk [tilespmem:v55+s10+$0x0], $0xffff;
	v45 =	vor.u32 $0xB, v6;
	v8 =	vmul.f32 v8, v23;
	v59 =	vmul.f32 v20, v25;
	v63 =	vpop (erf)  }
0x13c: {  	v16 =	vadd.f32 $1.472065040e-06, v16;
	v18 =	vadd.f32 $-1.903543320e-01, v18;
	v28 =	vmul.f32 $1.741407810e-02, v63;
	v29 =	vpop (erf)  }
0x13d: {  	v8 =	vadd.f32 v8, v61;
	v15 =	vadd.f32 $-4.973732230e-01, v59;
	v31 =	vmul.f32 $1.741407810e-02, v29  }
0x13e: {  	v13 =	vadd.f32 v16, v13;
	v32 =	vmul.f32 v18, v56;
	v33 =	vpop (erf);
	v21 =	vsub.f32 $8.269123730e-02, v28  }
0x13f: {  	v15 =	vmul.f32 v15, v25;
	v37 =	vmul.f32 $1.741407810e-02, v33;
	v35 =	vsub.f32 $8.269123730e-02, v31  }
0x140: {  	v13 =	vmul.f32 v13, v62;
	v36 =	vadd.f32 $3.157473210e-01, v32;
	v34 =	vmul.f32 v21, v63  }
0x141: {  	v15 =	vadd.f32 $9.998477100e-01, v15;
	v17 =	vsub.f32 $8.269123730e-02, v37;
	v21 =	vmul.f32 v35, v29;
	v38 =	vpop (erf)  }
0x142: {  	v8 =	vadd.f32 v13, v8;
	v19 =	vadd.f32 $-1.903543320e-01, v34;
	v39 =	vmul.f32 $1.741407810e-02, v38  }
0x143: {  	v15 =	vmul.f32 v15, v25;
	v17 =	vmul.f32 v17, v33;
	v21 =	vadd.f32 $-1.903543320e-01, v21  }
0x144: {  	v16 =	vld.idx.msk [tilespmem:v30+s10+$0x0], $0xffff;
	v13 =	vmul.f32 v36, v56;
	v19 =	vmul.f32 v19, v63;
	v24 =	vsub.f32 $8.269123730e-02, v39  }
0x145: {  	v15 =	vadd.f32 $1.472065040e-06, v15;
	v17 =	vadd.f32 $-1.903543320e-01, v17;
	v41 =	vmul.f32 v21, v29  }
0x146: {  	v13 =	vadd.f32 $-4.973732230e-01, v13;
	v40 =	vadd.f32 $3.157473210e-01, v19;
	v42 =	vmul.f32 v24, v38  }
0x147: {  	v9 =	vadd.f32 v15, v9;
	v17 =	vmul.f32 v17, v33;
	v43 =	vadd.f32 $3.157473210e-01, v41  }
0x148: {  	v13 =	vmul.f32 v13, v56;
	v15 =	vmul.f32 v40, v63;
	v44 =	vadd.f32 $-1.903543320e-01, v42  }
0x149: {  	v9 =	vmul.f32 v9, v16;
	v17 =	vadd.f32 $3.157473210e-01, v17;
	v16 =	vmul.f32 v43, v29  }
0x14a: {  	v12 =	vmax.f32 v12, $0.0e+00;
	v15 =	vadd.f32 $-4.973732230e-01, v15;
	v19 =	vmul.f32 v44, v38  }
0x14b: {  	v13 =	vadd.f32 $9.998477100e-01, v13;
	v17 =	vmul.f32 v17, v33;
	v16 =	vadd.f32 $-4.973732230e-01, v16  }
0x14c: {  	v47 =	vor.u32 $0xD, v6;
	v15 =	vmul.f32 v15, v63;
	v19 =	vadd.f32 $3.157473210e-01, v19  }
0x14d: {  	v13 =	vmul.f32 v13, v56;
	v17 =	vadd.f32 $-4.973732230e-01, v17;
	v16 =	vmul.f32 v16, v29  }
0x14e: {  	v51 =	vor.u32 $0xE, v6;
	v21 =	vld.idx.msk [tilespmem:v45+s10+$0x0], $0xffff;
	v15 =	vadd.f32 $9.998477100e-01, v15;
	v19 =	vmul.f32 v19, v38  }
0x14f: {  	v13 =	vadd.f32 $1.472065040e-06, v13;
	v17 =	vmul.f32 v17, v33;
	v49 =	vadd.f32 $9.998477100e-01, v16  }
0x150: {  	v6 =	vor.u32 $0xF, v6;
	v48 =	vmul.f32 v15, v63;
	v19 =	vadd.f32 $-4.973732230e-01, v19  }
0x151: {  	v50 =	vld.idx.msk [tilespmem:v46+s10+$0x0], $0xffff;
	v11 =	vadd.f32 v13, v11;
	v17 =	vadd.f32 $9.998477100e-01, v17;
	v15 =	vmul.f32 v49, v29  }
0x152: {  	v8 =	vadd.f32 v9, v8;
	v13 =	vadd.f32 $1.472065040e-06, v48;
	v19 =	vmul.f32 v19, v38  }
0x153: {  	v54 =	vld.idx.msk [tilespmem:v47+s10+$0x0], $0xffff;
	v52 =	vmul.f32 v11, v21;
	v55 =	vmul.f32 v17, v33;
	v15 =	vadd.f32 $1.472065040e-06, v15  }
0x154: {  	v10 =	vmax.f32 v10, $0.0e+00;
	v53 =	vadd.f32 v13, v12;
	v56 =	vadd.f32 $9.998477100e-01, v19  }
0x155: {  	v7 =	vmax.f32 v7, $0.0e+00;
	v58 =	vld.idx.msk [tilespmem:v51+s10+$0x0], $0xffff;
	v8 =	vadd.f32 v52, v8;
	v13 =	vadd.f32 $1.472065040e-06, v55  }
0x156: {  	v10 =	vadd.f32 v15, v10;
	v57 =	vmul.f32 v53, v50;
	v59 =	vmul.f32 v56, v38  }
0x157: {  	v6 =	vld.idx.msk [tilespmem:v6+s10+$0x0], $0xffff;
	v7 =	vadd.f32 v13, v7  }
0x158: {  	v60 =	vmul.f32 v10, v54;
	v8 =	vadd.f32 v57, v8;
	v61 =	vadd.f32 $1.472065040e-06, v59  }
0x159: {  	v62 =	vmax.f32 v14, $0.0e+00  }
0x15a: {  	v7 =	vmul.f32 v7, v58;
	v8 =	vadd.f32 v60, v8;
	v63 =	vadd.f32 v61, v62;
	_ =	sdelay $0x1  }
0x15b: {  	v7 =	vadd.f32 v7, v8;
	v6 =	vmul.f32 v63, v6;
	_ =	sdelay $0x1  }
0x15c: {  	v6 =	vadd.f32 v6, v7;
	_ =	sdelay $0x1  }
0x15d: {  	v6 =	vsub.f32 $0.0e+00, v6;
	_ =	sdelay $0x1  }
0x15e: {  	v6 =	vmul.f32 $1.442695020e+00, v6;
	_ =	sdelay $0x1  }
0x15f: {  	(erf) = vpow2.f32 v6;
	_ =	sdelay $0x8  }
0x160: {  	v6 =	vpop (erf)  }
0x161: {  	v6 =	vadd.f32 $1.000000000e+00, v6;
	_ =	sdelay $0x1  }
0x162: {  	(erf) = vrcp.f32 v6;
	_ =	sdelay $0x4  }
0x163: {  	p0 =	sne.s32 s30, $0x70  }
.Ltmp1:
0x164: {  	_ = 	snop;
	(pc) =	sbr.rel @p0 .LBB2_4-.Ltmp1, $3  }
0x165: {  	_ =	sdelay $0x1  }
0x166: {  	v6 =	vpop (erf)  }
0x167: {  	s30 =	sadd.s32 $0x10, s30;
	[tilespmem:s29+$0x0] =	vst v6;
	s29 =	sadd.s32 $0x10, s29  }
0x168: {  	s29 =	simm.s32 $0x4500  }
.LBB2_6:
0x169: {  	v6 =	vor.u32 s28, v0  }
0x16a: {  	v7 =	vshll.u32 v6, $0x4  }
0x16b: {  	v8 =	vor.u32 $0x1000, v7;
	_ =	sdelay $0x4  }
0x16c: {  	v8 =	vld.idx.msk [tilespmem:v8+s12+$0x0], $0xffff;
	_ =	sdelay $0x1  }
0x16d: {  	v9 =	vor.u32 $0x1001, v7;
	_ =	sdelay $0x2  }
0x16e: {  	v10 =	vand.u32 $0x7FFFFFFF, v8  }
0x16f: {  	v34 =	vor.u32 $0x1002, v7;
	v10 =	vsub.f32 $0.0e+00, v10  }
0x170: {  	v13 =	vld.idx.msk [tilespmem:v9+s12+$0x0], $0xffff  }
0x171: {  	v10 =	vmul.f32 $1.442695020e+00, v10;
	_ =	sdelay $0x1  }
0x172: {  	(erf) = vpow2.f32 v10  }
0x173: {  	v15 =	vld.idx.msk [tilespmem:v34+s12+$0x0], $0xffff  }
0x174: {  	v35 =	vand.u32 $0x7FFFFFFF, v13  }
0x175: {  	v10 =	vsub.f32 $0.0e+00, v35;
	_ =	sdelay $0x1  }
0x176: {  	v36 =	vmul.f32 $1.442695020e+00, v10  }
0x177: {  	v11 =	vand.u32 $0x7FFFFFFF, v15  }
0x178: {  	v11 =	vsub.f32 $0.0e+00, v11;
	(erf) = vpow2.f32 v36;
	_ =	sdelay $0x1  }
0x179: {  	v38 =	vor.u32 $0x1003, v7;
	v11 =	vmul.f32 $1.442695020e+00, v11;
	v12 =	vpop (erf)  }
0x17a: {  	v37 =	vmul.f32 $1.741407810e-02, v12  }
0x17b: {  	(erf) = vpow2.f32 v11  }
0x17c: {  	v9 =	vsub.f32 $8.269123730e-02, v37;
	_ =	sdelay $0x1  }
0x17d: {  	v14 =	vmul.f32 v9, v12;
	v9 =	vld.idx.msk [tilespmem:v38+s12+$0x0], $0xffff  }
0x17e: {  	v40 =	vor.u32 $0x1004, v7  }
0x17f: {  	v41 =	vpop (erf);
	v39 =	vadd.f32 $-1.903543320e-01, v14  }
0x180: {  	v16 =	vmul.f32 $1.741407810e-02, v41  }
0x181: {  	v18 =	vor.u32 $0x100, v2;
	v10 =	vmul.f32 v39, v12  }
0x182: {  	v6 =	vand.u32 $0x78, v6;
	v16 =	vsub.f32 $8.269123730e-02, v16;
	v17 =	vand.u32 $0x7FFFFFFF, v9  }
0x183: {  	v6 =	vor.u32 v18, v6;
	v11 =	vld.idx.msk [tilespmem:v40+s12+$0x0], $0xffff;
	v20 =	vpop (erf);
	v10 =	vadd.f32 $3.157473210e-01, v10;
	v17 =	vsub.f32 $0.0e+00, v17  }
0x184: {  	v19 =	vmov s28;
	v21 =	vmul.f32 $1.741407810e-02, v20;
	v16 =	vmul.f32 v16, v41  }
0x185: {  	v44 =	vor.u32 $0x1000, v1;
	v10 =	vmul.f32 v10, v12;
	v17 =	vmul.f32 $1.442695020e+00, v17  }
0x186: {  	v43 =	vshll.u32 v19, $0x4;
	v21 =	vsub.f32 $8.269123730e-02, v21;
	v16 =	vadd.f32 $-1.903543320e-01, v16  }
0x187: {  	v42 =	vor.u32 $0x1005, v7;
	v10 =	vadd.f32 $-4.973732230e-01, v10;
	(erf) = vpow2.f32 v17  }
0x188: {  	v22 =	vld.idx.msk [tilespmem:v6+s13+$0x0], $0xffff;
	v6 =	vand.u32 $0x7FFFFFFF, v11;
	v47 =	vmul.f32 v21, v20;
	v16 =	vmul.f32 v16, v41  }
0x189: {  	v45 =	vor.u32 $0x1006, v7;
	v24 =	vsub.f32 $0.0e+00, v6;
	v23 =	vmul.f32 v10, v12  }
0x18a: {  	v25 =	vor.u32 $0x1007, v7;
	v19 =	vadd.f32 $-1.903543320e-01, v47;
	v16 =	vadd.f32 $3.157473210e-01, v16  }
0x18b: {  	v30 =	vor.u32 $0x1008, v7;
	v48 =	vmul.f32 $1.442695020e+00, v24;
	v46 =	vadd.f32 $9.998477100e-01, v23  }
0x18c: {  	v26 =	vor.u32 $0x1009, v7;
	v19 =	vmul.f32 v19, v20;
	v10 =	vld.idx.msk [tilespmem:v42+s12+$0x0], $0xffff;
	v16 =	vmul.f32 v16, v41  }
0x18d: {  	v49 =	vsub.f32 $0.0e+00, v22;
	(erf) = vpow2.f32 v48;
	v12 =	vmul.f32 v46, v12  }
0x18e: {  	v8 =	vmax.f32 v8, $0.0e+00;
	v13 =	vmax.f32 v13, $0.0e+00;
	v16 =	vadd.f32 $-4.973732230e-01, v16  }
0x18f: {  	v15 =	vmax.f32 v15, $0.0e+00;
	v19 =	vadd.f32 $3.157473210e-01, v19;
	v50 =	vadd.f32 $1.472065040e-06, v12;
	v12 =	vld.idx.msk [tilespmem:v45+s12+$0x0], $0xffff  }
0x190: {  	v11 =	vmax.f32 v11, $0.0e+00;
	v6 =	vor.u32 v44, v43;
	v16 =	vmul.f32 v16, v41;
	v53 =	vpop (erf)  }
0x191: {  	v19 =	vmul.f32 v19, v20;
	v51 =	vand.u32 $0x7FFFFFFF, v10;
	v54 =	vmul.f32 $1.741407810e-02, v53  }
0x192: {  	v55 =	vor.u32 $0x1, v6;
	v22 =	vsub.f32 $0.0e+00, v51;
	v16 =	vadd.f32 $9.998477100e-01, v16  }
0x193: {  	v28 =	vor.u32 $0x2, v6;
	v59 =	vadd.f32 $-4.973732230e-01, v19;
	v21 =	vsub.f32 $8.269123730e-02, v54  }
0x194: {  	v22 =	vmul.f32 $1.442695020e+00, v22;
	v14 =	vmul.f32 v16, v41;
	v56 =	vand.u32 $0x7FFFFFFF, v12  }
0x195: {  	v37 =	vor.u32 $0x3, v6;
	v52 =	vld.idx.msk [tilespmem:v6+s10+$0x0], $0xffff;
	v57 =	vmul.f32 v21, v53;
	v58 =	vsub.f32 $0.0e+00, v56  }
0x196: {  	v61 =	vpop (erf);
	v16 =	vmul.f32 v59, v20;
	(erf) = vpow2.f32 v22;
	v62 =	vadd.f32 $1.472065040e-06, v14;
	v14 =	vld.idx.msk [tilespmem:v25+s12+$0x0], $0xffff  }
0x197: {  	v60 =	vld.idx.msk [tilespmem:v55+s10+$0x0], $0xffff;
	v63 =	vmul.f32 $1.741407810e-02, v61;
	v18 =	vadd.f32 $-1.903543320e-01, v57;
	v21 =	vmul.f32 $1.442695020e+00, v58  }
0x198: {  	v55 =	vor.u32 $0x5, v6;
	v8 =	vadd.f32 v50, v8;
	v16 =	vadd.f32 $9.998477100e-01, v16  }
0x199: {  	v27 =	vsub.f32 $8.269123730e-02, v63;
	v18 =	vmul.f32 v18, v53;
	(erf) = vpow2.f32 v21  }
0x19a: {  	v8 =	vmul.f32 v8, v52;
	v13 =	vadd.f32 v62, v13;
	v16 =	vmul.f32 v16, v20  }
0x19b: {  	v29 =	vmul.f32 v27, v61;
	v32 =	vand.u32 $0x7FFFFFFF, v14;
	v18 =	vadd.f32 $3.157473210e-01, v18  }
0x19c: {  	v22 =	vld.idx.msk [tilespmem:v28+s10+$0x0], $0xffff;
	v8 =	vadd.f32 v8, v49;
	v13 =	vmul.f32 v13, v60;
	v24 =	vsub.f32 $0.0e+00, v32  }
0x19d: {  	v16 =	vadd.f32 $1.472065040e-06, v16;
	v17 =	vadd.f32 $-1.903543320e-01, v29;
	v18 =	vmul.f32 v18, v53  }
0x19e: {  	v9 =	vmax.f32 v9, $0.0e+00;
	v13 =	vadd.f32 v13, v8;
	v24 =	vmul.f32 $1.442695020e+00, v24  }
0x19f: {  	v15 =	vadd.f32 v16, v15;
	v8 =	vld.idx.msk [tilespmem:v30+s12+$0x0], $0xffff;
	v17 =	vmul.f32 v17, v61;
	v31 =	vpop (erf);
	v18 =	vadd.f32 $-4.973732230e-01, v18  }
0x1a0: {  	v10 =	vmax.f32 v10, $0.0e+00;
	v33 =	vmul.f32 $1.741407810e-02, v31;
	(erf) = vpow2.f32 v24  }
0x1a1: {  	v50 =	vor.u32 $0x4, v6;
	v15 =	vmul.f32 v15, v22;
	v34 =	vmul.f32 v18, v53  }
0x1a2: {  	v28 =	vor.u32 $0x100B, v7;
	v17 =	vadd.f32 $3.157473210e-01, v17;
	v25 =	vsub.f32 $8.269123730e-02, v33;
	v36 =	vpop (erf)  }
0x1a3: {  	v15 =	vadd.f32 v15, v13;
	v16 =	vadd.f32 $9.998477100e-01, v34;
	v38 =	vmul.f32 $1.741407810e-02, v36  }
0x1a4: {  	v13 =	vld.idx.msk [tilespmem:v26+s12+$0x0], $0xffff;
	v17 =	vmul.f32 v17, v61;
	v40 =	vand.u32 $0x7FFFFFFF, v8;
	v35 =	vmul.f32 v25, v31  }
0x1a5: {  	v42 =	vsub.f32 $0.0e+00, v40;
	v16 =	vmul.f32 v16, v53;
	v39 =	vsub.f32 $8.269123730e-02, v38  }
0x1a6: {  	v43 =	vld.idx.msk [tilespmem:v37+s10+$0x0], $0xffff;
	v12 =	vmax.f32 v12, $0.0e+00;
	v17 =	vadd.f32 $-4.973732230e-01, v17;
	v18 =	vadd.f32 $-1.903543320e-01, v35  }
0x1a7: {  	v22 =	vmul.f32 $1.442695020e+00, v42;
	v41 =	vmul.f32 v39, v36;
	v16 =	vadd.f32 $1.472065040e-06, v16  }
0x1a8: {  	v49 =	vor.u32 $0x100A, v7;
	v17 =	vmul.f32 v17, v61;
	v18 =	vmul.f32 v18, v31  }
0x1a9: {  	v53 =	vand.u32 $0x7FFFFFFF, v13;
	v48 =	vpop (erf);
	v44 =	vadd.f32 $-1.903543320e-01, v41;
	v9 =	vadd.f32 v16, v9  }
0x1aa: {  	(erf) = vpow2.f32 v22;
	v23 =	vsub.f32 $0.0e+00, v53;
	v51 =	vmul.f32 $1.741407810e-02, v48  }
0x1ab: {  	v18 =	vadd.f32 $3.157473210e-01, v18;
	v47 =	vmul.f32 v44, v36;
	v9 =	vmul.f32 v9, v43  }
0x1ac: {  	v45 =	vadd.f32 $9.998477100e-01, v17;
	v23 =	vmul.f32 $1.442695020e+00, v23;
	v52 =	vsub.f32 $8.269123730e-02, v51  }
0x1ad: {  	v46 =	vmul.f32 v18, v31;
	v18 =	vadd.f32 $3.157473210e-01, v47;
	v15 =	vadd.f32 v9, v15;
	v9 =	vld.idx.msk [tilespmem:v49+s12+$0x0], $0xffff  }
0x1ae: {  	v57 =	vor.u32 $0x6, v6;
	v16 =	vmul.f32 v45, v61;
	v19 =	vmul.f32 v52, v48  }
0x1af: {  	v54 =	vld.idx.msk [tilespmem:v50+s10+$0x0], $0xffff;
	v8 =	vmax.f32 v8, $0.0e+00;
	v17 =	vadd.f32 $-4.973732230e-01, v46;
	v18 =	vmul.f32 v18, v36  }
0x1b0: {  	(erf) = vpow2.f32 v23;
	v16 =	vadd.f32 $1.472065040e-06, v16;
	v19 =	vadd.f32 $-1.903543320e-01, v19  }
0x1b1: {  	v42 =	vor.u32 $0x7, v6;
	v17 =	vmul.f32 v17, v31;
	v18 =	vadd.f32 $-4.973732230e-01, v18  }
0x1b2: {  	v11 =	vadd.f32 v16, v11;
	v19 =	vmul.f32 v19, v48;
	v60 =	vand.u32 $0x7FFFFFFF, v9  }
0x1b3: {  	v58 =	vpop (erf);
	v17 =	vadd.f32 $9.998477100e-01, v17;
	v56 =	vmul.f32 v18, v36;
	v62 =	vsub.f32 $0.0e+00, v60  }
0x1b4: {  	v59 =	vmul.f32 $1.741407810e-02, v58;
	v11 =	vmul.f32 v11, v54;
	v19 =	vadd.f32 $3.157473210e-01, v19  }
0x1b5: {  	v17 =	vmul.f32 v17, v31;
	v16 =	vadd.f32 $9.998477100e-01, v56;
	v25 =	vmul.f32 $1.442695020e+00, v62  }
0x1b6: {  	v61 =	vld.idx.msk [tilespmem:v55+s10+$0x0], $0xffff;
	v63 =	vsub.f32 $8.269123730e-02, v59;
	v15 =	vadd.f32 v11, v15;
	v19 =	vmul.f32 v19, v48  }
0x1b7: {  	v11 =	vld.idx.msk [tilespmem:v28+s12+$0x0], $0xffff;
	v17 =	vadd.f32 $1.472065040e-06, v17;
	v16 =	vmul.f32 v16, v36;
	(erf) = vpow2.f32 v25  }
0x1b8: {  	v29 =	vld.idx.msk [tilespmem:v57+s10+$0x0], $0xffff;
	v35 =	vor.u32 $0x100C, v7;
	v38 =	vor.u32 $0x100D, v7;
	v31 =	vadd.f32 $-4.973732230e-01, v19  }
0x1b9: {  	v30 =	vmul.f32 v63, v58;
	v34 =	vpop (erf);
	v10 =	vadd.f32 v17, v10;
	v16 =	vadd.f32 $1.472065040e-06, v16  }
0x1ba: {  	v41 =	vor.u32 $0x100E, v7;
	v37 =	vmul.f32 $1.741407810e-02, v34;
	v33 =	vmul.f32 v31, v48  }
0x1bb: {  	v32 =	vadd.f32 $-1.903543320e-01, v30;
	v10 =	vmul.f32 v10, v61;
	v12 =	vadd.f32 v16, v12  }
0x1bc: {  	v19 =	vsub.f32 $8.269123730e-02, v37;
	v23 =	vand.u32 $0x7FFFFFFF, v11;
	v16 =	vadd.f32 $9.998477100e-01, v33  }
0x1bd: {  	v36 =	vmul.f32 v32, v58;
	v10 =	vadd.f32 v10, v15;
	v12 =	vmul.f32 v12, v29  }
0x1be: {  	v23 =	vsub.f32 $0.0e+00, v23;
	v19 =	vmul.f32 v19, v34;
	v40 =	vmul.f32 v16, v48  }
0x1bf: {  	v13 =	vmax.f32 v13, $0.0e+00;
	v15 =	vadd.f32 $3.157473210e-01, v36;
	v39 =	vadd.f32 v12, v10;
	v12 =	vld.idx.msk [tilespmem:v35+s12+$0x0], $0xffff  }
0x1c0: {  	v43 =	vor.u32 $0x100F, v7;
	v19 =	vadd.f32 $-1.903543320e-01, v19;
	v24 =	vadd.f32 $1.472065040e-06, v40;
	v10 =	vld.idx.msk [tilespmem:v38+s12+$0x0], $0xffff;
	v25 =	vpop (erf)  }
0x1c1: {  	v7 =	vmax.f32 v14, $0.0e+00;
	v23 =	vmul.f32 $1.442695020e+00, v23;
	v44 =	vmul.f32 $1.741407810e-02, v25  }
0x1c2: {  	v15 =	vmul.f32 v15, v58;
	v19 =	vmul.f32 v19, v34;
	v24 =	vadd.f32 v24, v7;
	v7 =	vld.idx.msk [tilespmem:v41+s12+$0x0], $0xffff  }
0x1c3: {  	v55 =	vor.u32 $0x9, v6;
	(erf) = vpow2.f32 v23;
	v14 =	vsub.f32 $8.269123730e-02, v44  }
0x1c4: {  	v15 =	vadd.f32 $-4.973732230e-01, v15;
	v19 =	vadd.f32 $3.157473210e-01, v19;
	v45 =	vand.u32 $0x7FFFFFFF, v12  }
0x1c5: {  	v27 =	vand.u32 $0x7FFFFFFF, v10;
	v16 =	vsub.f32 $0.0e+00, v45;
	v47 =	vmul.f32 v14, v25;
	v14 =	vld.idx.msk [tilespmem:v43+s12+$0x0], $0xffff  }
0x1c6: {  	v46 =	vor.u32 $0x8, v6;
	v15 =	vmul.f32 v15, v58;
	v48 =	vsub.f32 $0.0e+00, v27  }
0x1c7: {  	v19 =	vmul.f32 v19, v34;
	v50 =	vand.u32 $0x7FFFFFFF, v7;
	v16 =	vmul.f32 $1.442695020e+00, v16  }
0x1c8: {  	v9 =	vmax.f32 v9, $0.0e+00;
	v51 =	vmul.f32 $1.442695020e+00, v48;
	v52 =	vsub.f32 $0.0e+00, v50  }
0x1c9: {  	v21 =	vld.idx.msk [tilespmem:v42+s10+$0x0], $0xffff;
	v15 =	vadd.f32 $9.998477100e-01, v15;
	v19 =	vadd.f32 $-4.973732230e-01, v19;
	(erf) = vpow2.f32 v16  }
0x1ca: {  	v53 =	vmul.f32 $1.442695020e+00, v52;
	(erf) = vpow2.f32 v51;
	v54 =	vand.u32 $0x7FFFFFFF, v14  }
0x1cb: {  	v30 =	vor.u32 $0xA, v6;
	v15 =	vmul.f32 v15, v58;
	v17 =	vsub.f32 $0.0e+00, v54  }
0x1cc: {  	v19 =	vmul.f32 v19, v34;
	v56 =	vpop (erf);
	v49 =	vadd.f32 $-1.903543320e-01, v47;
	(erf) = vpow2.f32 v53  }
0x1cd: {  	v11 =	vmax.f32 v11, $0.0e+00;
	v23 =	vld.idx.msk [tilespmem:v46+s10+$0x0], $0xffff;
	v58 =	vmul.f32 $1.741407810e-02, v56;
	v17 =	vmul.f32 $1.442695020e+00, v17  }
0x1ce: {  	v21 =	vmul.f32 v24, v21;
	v15 =	vadd.f32 $1.472065040e-06, v15;
	v20 =	vmul.f32 v49, v25  }
0x1cf: {  	v57 =	vadd.f32 $9.998477100e-01, v19;
	v60 =	vsub.f32 $8.269123730e-02, v58;
	(erf) = vpow2.f32 v17  }
0x1d0: {  	v46 =	vor.u32 $0xC, v6;
	v8 =	vadd.f32 v15, v8;
	v20 =	vadd.f32 $3.157473210e-01, v20  }
0x1d1: {  	v61 =	vadd.f32 v21, v39;
	v16 =	vmul.f32 v57, v34;
	v18 =	vmul.f32 v60, v56  }
0x1d2: {  	v62 =	vld.idx.msk [tilespmem:v55+s10+$0x0], $0xffff;
	v45 =	vor.u32 $0xB, v6;
	v8 =	vmul.f32 v8, v23;
	v59 =	vmul.f32 v20, v25;
	v63 =	vpop (erf)  }
0x1d3: {  	v16 =	vadd.f32 $1.472065040e-06, v16;
	v18 =	vadd.f32 $-1.903543320e-01, v18;
	v28 =	vmul.f32 $1.741407810e-02, v63;
	v29 =	vpop (erf)  }
0x1d4: {  	v8 =	vadd.f32 v8, v61;
	v15 =	vadd.f32 $-4.973732230e-01, v59;
	v31 =	vmul.f32 $1.741407810e-02, v29  }
0x1d5: {  	v13 =	vadd.f32 v16, v13;
	v32 =	vmul.f32 v18, v56;
	v33 =	vpop (erf);
	v21 =	vsub.f32 $8.269123730e-02, v28  }
0x1d6: {  	v15 =	vmul.f32 v15, v25;
	v37 =	vmul.f32 $1.741407810e-02, v33;
	v35 =	vsub.f32 $8.269123730e-02, v31  }
0x1d7: {  	v13 =	vmul.f32 v13, v62;
	v36 =	vadd.f32 $3.157473210e-01, v32;
	v34 =	vmul.f32 v21, v63  }
0x1d8: {  	v15 =	vadd.f32 $9.998477100e-01, v15;
	v17 =	vsub.f32 $8.269123730e-02, v37;
	v21 =	vmul.f32 v35, v29;
	v38 =	vpop (erf)  }
0x1d9: {  	v8 =	vadd.f32 v13, v8;
	v19 =	vadd.f32 $-1.903543320e-01, v34;
	v39 =	vmul.f32 $1.741407810e-02, v38  }
0x1da: {  	v15 =	vmul.f32 v15, v25;
	v17 =	vmul.f32 v17, v33;
	v21 =	vadd.f32 $-1.903543320e-01, v21  }
0x1db: {  	v16 =	vld.idx.msk [tilespmem:v30+s10+$0x0], $0xffff;
	v13 =	vmul.f32 v36, v56;
	v19 =	vmul.f32 v19, v63;
	v24 =	vsub.f32 $8.269123730e-02, v39  }
0x1dc: {  	v15 =	vadd.f32 $1.472065040e-06, v15;
	v17 =	vadd.f32 $-1.903543320e-01, v17;
	v41 =	vmul.f32 v21, v29  }
0x1dd: {  	v13 =	vadd.f32 $-4.973732230e-01, v13;
	v40 =	vadd.f32 $3.157473210e-01, v19;
	v42 =	vmul.f32 v24, v38  }
0x1de: {  	v9 =	vadd.f32 v15, v9;
	v17 =	vmul.f32 v17, v33;
	v43 =	vadd.f32 $3.157473210e-01, v41  }
0x1df: {  	v13 =	vmul.f32 v13, v56;
	v15 =	vmul.f32 v40, v63;
	v44 =	vadd.f32 $-1.903543320e-01, v42  }
0x1e0: {  	v9 =	vmul.f32 v9, v16;
	v17 =	vadd.f32 $3.157473210e-01, v17;
	v16 =	vmul.f32 v43, v29  }
0x1e1: {  	v12 =	vmax.f32 v12, $0.0e+00;
	v15 =	vadd.f32 $-4.973732230e-01, v15;
	v19 =	vmul.f32 v44, v38  }
0x1e2: {  	v13 =	vadd.f32 $9.998477100e-01, v13;
	v17 =	vmul.f32 v17, v33;
	v16 =	vadd.f32 $-4.973732230e-01, v16  }
0x1e3: {  	v47 =	vor.u32 $0xD, v6;
	v15 =	vmul.f32 v15, v63;
	v19 =	vadd.f32 $3.157473210e-01, v19  }
0x1e4: {  	v13 =	vmul.f32 v13, v56;
	v17 =	vadd.f32 $-4.973732230e-01, v17;
	v16 =	vmul.f32 v16, v29  }
0x1e5: {  	v51 =	vor.u32 $0xE, v6;
	v21 =	vld.idx.msk [tilespmem:v45+s10+$0x0], $0xffff;
	v15 =	vadd.f32 $9.998477100e-01, v15;
	v19 =	vmul.f32 v19, v38  }
0x1e6: {  	v13 =	vadd.f32 $1.472065040e-06, v13;
	v17 =	vmul.f32 v17, v33;
	v49 =	vadd.f32 $9.998477100e-01, v16  }
0x1e7: {  	v6 =	vor.u32 $0xF, v6;
	v48 =	vmul.f32 v15, v63;
	v19 =	vadd.f32 $-4.973732230e-01, v19  }
0x1e8: {  	v50 =	vld.idx.msk [tilespmem:v46+s10+$0x0], $0xffff;
	v11 =	vadd.f32 v13, v11;
	v17 =	vadd.f32 $9.998477100e-01, v17;
	v15 =	vmul.f32 v49, v29  }
0x1e9: {  	v8 =	vadd.f32 v9, v8;
	v13 =	vadd.f32 $1.472065040e-06, v48;
	v19 =	vmul.f32 v19, v38  }
0x1ea: {  	v54 =	vld.idx.msk [tilespmem:v47+s10+$0x0], $0xffff;
	v52 =	vmul.f32 v11, v21;
	v55 =	vmul.f32 v17, v33;
	v15 =	vadd.f32 $1.472065040e-06, v15  }
0x1eb: {  	v10 =	vmax.f32 v10, $0.0e+00;
	v53 =	vadd.f32 v13, v12;
	v56 =	vadd.f32 $9.998477100e-01, v19  }
0x1ec: {  	v7 =	vmax.f32 v7, $0.0e+00;
	v58 =	vld.idx.msk [tilespmem:v51+s10+$0x0], $0xffff;
	v8 =	vadd.f32 v52, v8;
	v13 =	vadd.f32 $1.472065040e-06, v55  }
0x1ed: {  	v10 =	vadd.f32 v15, v10;
	v57 =	vmul.f32 v53, v50;
	v59 =	vmul.f32 v56, v38  }
0x1ee: {  	v6 =	vld.idx.msk [tilespmem:v6+s10+$0x0], $0xffff;
	v7 =	vadd.f32 v13, v7  }
0x1ef: {  	v60 =	vmul.f32 v10, v54;
	v8 =	vadd.f32 v57, v8;
	v61 =	vadd.f32 $1.472065040e-06, v59  }
0x1f0: {  	v62 =	vmax.f32 v14, $0.0e+00  }
0x1f1: {  	v7 =	vmul.f32 v7, v58;
	v8 =	vadd.f32 v60, v8;
	v63 =	vadd.f32 v61, v62;
	_ =	sdelay $0x1  }
0x1f2: {  	v7 =	vadd.f32 v7, v8;
	v6 =	vmul.f32 v63, v6;
	_ =	sdelay $0x1  }
0x1f3: {  	v6 =	vadd.f32 v6, v7;
	_ =	sdelay $0x1  }
0x1f4: {  	v6 =	vsub.f32 $0.0e+00, v6;
	_ =	sdelay $0x1  }
0x1f5: {  	v6 =	vmul.f32 $1.442695020e+00, v6;
	_ =	sdelay $0x1  }
0x1f6: {  	(erf) = vpow2.f32 v6;
	_ =	sdelay $0x8  }
0x1f7: {  	v6 =	vpop (erf)  }
0x1f8: {  	v6 =	vadd.f32 $1.000000000e+00, v6;
	_ =	sdelay $0x1  }
0x1f9: {  	(erf) = vrcp.f32 v6;
	_ =	sdelay $0x4  }
0x1fa: {  	p0 =	sne.s32 s28, $0x70  }
.Ltmp2:
0x1fb: {  	_ = 	snop;
	(pc) =	sbr.rel @p0 .LBB2_6-.Ltmp2, $3  }
0x1fc: {  	_ =	sdelay $0x1  }
0x1fd: {  	v6 =	vpop (erf)  }
0x1fe: {  	s28 =	sadd.s32 $0x10, s28;
	[tilespmem:s29+$0x0] =	vst v6;
	s29 =	sadd.s32 $0x10, s29  }
0x1ff: {  	s28 =	simm.s32 $0x0;
	s29 =	simm.s32 $0x4580  }
.LBB2_8:
0x200: {  	v6 =	vor.u32 s28, v0  }
0x201: {  	v7 =	vshll.u32 v6, $0x4  }
0x202: {  	v8 =	vor.u32 $0x1800, v7;
	_ =	sdelay $0x4  }
0x203: {  	v8 =	vld.idx.msk [tilespmem:v8+s12+$0x0], $0xffff;
	_ =	sdelay $0x1  }
0x204: {  	v9 =	vor.u32 $0x1801, v7;
	_ =	sdelay $0x2  }
0x205: {  	v10 =	vand.u32 $0x7FFFFFFF, v8  }
0x206: {  	v34 =	vor.u32 $0x1802, v7;
	v10 =	vsub.f32 $0.0e+00, v10  }
0x207: {  	v13 =	vld.idx.msk [tilespmem:v9+s12+$0x0], $0xffff  }
0x208: {  	v10 =	vmul.f32 $1.442695020e+00, v10;
	_ =	sdelay $0x1  }
0x209: {  	(erf) = vpow2.f32 v10  }
0x20a: {  	v15 =	vld.idx.msk [tilespmem:v34+s12+$0x0], $0xffff  }
0x20b: {  	v35 =	vand.u32 $0x7FFFFFFF, v13  }
0x20c: {  	v10 =	vsub.f32 $0.0e+00, v35;
	_ =	sdelay $0x1  }
0x20d: {  	v36 =	vmul.f32 $1.442695020e+00, v10  }
0x20e: {  	v11 =	vand.u32 $0x7FFFFFFF, v15  }
0x20f: {  	v11 =	vsub.f32 $0.0e+00, v11;
	(erf) = vpow2.f32 v36;
	_ =	sdelay $0x1  }
0x210: {  	v38 =	vor.u32 $0x1803, v7;
	v11 =	vmul.f32 $1.442695020e+00, v11;
	v12 =	vpop (erf)  }
0x211: {  	v37 =	vmul.f32 $1.741407810e-02, v12  }
0x212: {  	(erf) = vpow2.f32 v11  }
0x213: {  	v9 =	vsub.f32 $8.269123730e-02, v37;
	_ =	sdelay $0x1  }
0x214: {  	v14 =	vmul.f32 v9, v12;
	v9 =	vld.idx.msk [tilespmem:v38+s12+$0x0], $0xffff  }
0x215: {  	v40 =	vor.u32 $0x1804, v7  }
0x216: {  	v41 =	vpop (erf);
	v39 =	vadd.f32 $-1.903543320e-01, v14  }
0x217: {  	v16 =	vmul.f32 $1.741407810e-02, v41  }
0x218: {  	v18 =	vor.u32 $0x180, v2;
	v10 =	vmul.f32 v39, v12  }
0x219: {  	v6 =	vand.u32 $0x78, v6;
	v16 =	vsub.f32 $8.269123730e-02, v16;
	v17 =	vand.u32 $0x7FFFFFFF, v9  }
0x21a: {  	v6 =	vor.u32 v18, v6;
	v11 =	vld.idx.msk [tilespmem:v40+s12+$0x0], $0xffff;
	v20 =	vpop (erf);
	v10 =	vadd.f32 $3.157473210e-01, v10;
	v17 =	vsub.f32 $0.0e+00, v17  }
0x21b: {  	v19 =	vmov s28;
	v21 =	vmul.f32 $1.741407810e-02, v20;
	v16 =	vmul.f32 v16, v41  }
0x21c: {  	v44 =	vor.u32 $0x1800, v1;
	v10 =	vmul.f32 v10, v12;
	v17 =	vmul.f32 $1.442695020e+00, v17  }
0x21d: {  	v43 =	vshll.u32 v19, $0x4;
	v21 =	vsub.f32 $8.269123730e-02, v21;
	v16 =	vadd.f32 $-1.903543320e-01, v16  }
0x21e: {  	v42 =	vor.u32 $0x1805, v7;
	v10 =	vadd.f32 $-4.973732230e-01, v10;
	(erf) = vpow2.f32 v17  }
0x21f: {  	v22 =	vld.idx.msk [tilespmem:v6+s13+$0x0], $0xffff;
	v6 =	vand.u32 $0x7FFFFFFF, v11;
	v47 =	vmul.f32 v21, v20;
	v16 =	vmul.f32 v16, v41  }
0x220: {  	v45 =	vor.u32 $0x1806, v7;
	v24 =	vsub.f32 $0.0e+00, v6;
	v23 =	vmul.f32 v10, v12  }
0x221: {  	v25 =	vor.u32 $0x1807, v7;
	v19 =	vadd.f32 $-1.903543320e-01, v47;
	v16 =	vadd.f32 $3.157473210e-01, v16  }
0x222: {  	v30 =	vor.u32 $0x1808, v7;
	v48 =	vmul.f32 $1.442695020e+00, v24;
	v46 =	vadd.f32 $9.998477100e-01, v23  }
0x223: {  	v26 =	vor.u32 $0x1809, v7;
	v19 =	vmul.f32 v19, v20;
	v10 =	vld.idx.msk [tilespmem:v42+s12+$0x0], $0xffff;
	v16 =	vmul.f32 v16, v41  }
0x224: {  	v49 =	vsub.f32 $0.0e+00, v22;
	(erf) = vpow2.f32 v48;
	v12 =	vmul.f32 v46, v12  }
0x225: {  	v8 =	vmax.f32 v8, $0.0e+00;
	v13 =	vmax.f32 v13, $0.0e+00;
	v16 =	vadd.f32 $-4.973732230e-01, v16  }
0x226: {  	v15 =	vmax.f32 v15, $0.0e+00;
	v19 =	vadd.f32 $3.157473210e-01, v19;
	v50 =	vadd.f32 $1.472065040e-06, v12;
	v12 =	vld.idx.msk [tilespmem:v45+s12+$0x0], $0xffff  }
0x227: {  	v11 =	vmax.f32 v11, $0.0e+00;
	v6 =	vor.u32 v44, v43;
	v16 =	vmul.f32 v16, v41;
	v53 =	vpop (erf)  }
0x228: {  	v19 =	vmul.f32 v19, v20;
	v51 =	vand.u32 $0x7FFFFFFF, v10;
	v54 =	vmul.f32 $1.741407810e-02, v53  }
0x229: {  	v55 =	vor.u32 $0x1, v6;
	v22 =	vsub.f32 $0.0e+00, v51;
	v16 =	vadd.f32 $9.998477100e-01, v16  }
0x22a: {  	v28 =	vor.u32 $0x2, v6;
	v59 =	vadd.f32 $-4.973732230e-01, v19;
	v21 =	vsub.f32 $8.269123730e-02, v54  }
0x22b: {  	v22 =	vmul.f32 $1.442695020e+00, v22;
	v14 =	vmul.f32 v16, v41;
	v56 =	vand.u32 $0x7FFFFFFF, v12  }
0x22c: {  	v37 =	vor.u32 $0x3, v6;
	v52 =	vld.idx.msk [tilespmem:v6+s10+$0x0], $0xffff;
	v57 =	vmul.f32 v21, v53;
	v58 =	vsub.f32 $0.0e+00, v56  }
0x22d: {  	v61 =	vpop (erf);
	v16 =	vmul.f32 v59, v20;
	(erf) = vpow2.f32 v22;
	v62 =	vadd.f32 $1.472065040e-06, v14;
	v14 =	vld.idx.msk [tilespmem:v25+s12+$0x0], $0xffff  }
0x22e: {  	v60 =	vld.idx.msk [tilespmem:v55+s10+$0x0], $0xffff;
	v63 =	vmul.f32 $1.741407810e-02, v61;
	v18 =	vadd.f32 $-1.903543320e-01, v57;
	v21 =	vmul.f32 $1.442695020e+00, v58  }
0x22f: {  	v55 =	vor.u32 $0x5, v6;
	v8 =	vadd.f32 v50, v8;
	v16 =	vadd.f32 $9.998477100e-01, v16  }
0x230: {  	v27 =	vsub.f32 $8.269123730e-02, v63;
	v18 =	vmul.f32 v18, v53;
	(erf) = vpow2.f32 v21  }
0x231: {  	v8 =	vmul.f32 v8, v52;
	v13 =	vadd.f32 v62, v13;
	v16 =	vmul.f32 v16, v20  }
0x232: {  	v29 =	vmul.f32 v27, v61;
	v32 =	vand.u32 $0x7FFFFFFF, v14;
	v18 =	vadd.f32 $3.157473210e-01, v18  }
0x233: {  	v22 =	vld.idx.msk [tilespmem:v28+s10+$0x0], $0xffff;
	v8 =	vadd.f32 v8, v49;
	v13 =	vmul.f32 v13, v60;
	v24 =	vsub.f32 $0.0e+00, v32  }
0x234: {  	v16 =	vadd.f32 $1.472065040e-06, v16;
	v17 =	vadd.f32 $-1.903543320e-01, v29;
	v18 =	vmul.f32 v18, v53  }
0x235: {  	v9 =	vmax.f32 v9, $0.0e+00;
	v13 =	vadd.f32 v13, v8;
	v24 =	vmul.f32 $1.442695020e+00, v24  }
0x236: {  	v15 =	vadd.f32 v16, v15;
	v8 =	vld.idx.msk [tilespmem:v30+s12+$0x0], $0xffff;
	v17 =	vmul.f32 v17, v61;
	v31 =	vpop (erf);
	v18 =	vadd.f32 $-4.973732230e-01, v18  }
0x237: {  	v10 =	vmax.f32 v10, $0.0e+00;
	v33 =	vmul.f32 $1.741407810e-02, v31;
	(erf) = vpow2.f32 v24  }
0x238: {  	v50 =	vor.u32 $0x4, v6;
	v15 =	vmul.f32 v15, v22;
	v34 =	vmul.f32 v18, v53  }
0x239: {  	v28 =	vor.u32 $0x180B, v7;
	v17 =	vadd.f32 $3.157473210e-01, v17;
	v25 =	vsub.f32 $8.269123730e-02, v33;
	v36 =	vpop (erf)  }
0x23a: {  	v15 =	vadd.f32 v15, v13;
	v16 =	vadd.f32 $9.998477100e-01, v34;
	v38 =	vmul.f32 $1.741407810e-02, v36  }
0x23b: {  	v13 =	vld.idx.msk [tilespmem:v26+s12+$0x0], $0xffff;
	v17 =	vmul.f32 v17, v61;
	v40 =	vand.u32 $0x7FFFFFFF, v8;
	v35 =	vmul.f32 v25, v31  }
0x23c: {  	v42 =	vsub.f32 $0.0e+00, v40;
	v16 =	vmul.f32 v16, v53;
	v39 =	vsub.f32 $8.269123730e-02, v38  }
0x23d: {  	v43 =	vld.idx.msk [tilespmem:v37+s10+$0x0], $0xffff;
	v12 =	vmax.f32 v12, $0.0e+00;
	v17 =	vadd.f32 $-4.973732230e-01, v17;
	v18 =	vadd.f32 $-1.903543320e-01, v35  }
0x23e: {  	v22 =	vmul.f32 $1.442695020e+00, v42;
	v41 =	vmul.f32 v39, v36;
	v16 =	vadd.f32 $1.472065040e-06, v16  }
0x23f: {  	v49 =	vor.u32 $0x180A, v7;
	v17 =	vmul.f32 v17, v61;
	v18 =	vmul.f32 v18, v31  }
0x240: {  	v53 =	vand.u32 $0x7FFFFFFF, v13;
	v48 =	vpop (erf);
	v44 =	vadd.f32 $-1.903543320e-01, v41;
	v9 =	vadd.f32 v16, v9  }
0x241: {  	(erf) = vpow2.f32 v22;
	v23 =	vsub.f32 $0.0e+00, v53;
	v51 =	vmul.f32 $1.741407810e-02, v48  }
0x242: {  	v18 =	vadd.f32 $3.157473210e-01, v18;
	v47 =	vmul.f32 v44, v36;
	v9 =	vmul.f32 v9, v43  }
0x243: {  	v45 =	vadd.f32 $9.998477100e-01, v17;
	v23 =	vmul.f32 $1.442695020e+00, v23;
	v52 =	vsub.f32 $8.269123730e-02, v51  }
0x244: {  	v46 =	vmul.f32 v18, v31;
	v18 =	vadd.f32 $3.157473210e-01, v47;
	v15 =	vadd.f32 v9, v15;
	v9 =	vld.idx.msk [tilespmem:v49+s12+$0x0], $0xffff  }
0x245: {  	v57 =	vor.u32 $0x6, v6;
	v16 =	vmul.f32 v45, v61;
	v19 =	vmul.f32 v52, v48  }
0x246: {  	v54 =	vld.idx.msk [tilespmem:v50+s10+$0x0], $0xffff;
	v8 =	vmax.f32 v8, $0.0e+00;
	v17 =	vadd.f32 $-4.973732230e-01, v46;
	v18 =	vmul.f32 v18, v36  }
0x247: {  	(erf) = vpow2.f32 v23;
	v16 =	vadd.f32 $1.472065040e-06, v16;
	v19 =	vadd.f32 $-1.903543320e-01, v19  }
0x248: {  	v42 =	vor.u32 $0x7, v6;
	v17 =	vmul.f32 v17, v31;
	v18 =	vadd.f32 $-4.973732230e-01, v18  }
0x249: {  	v11 =	vadd.f32 v16, v11;
	v19 =	vmul.f32 v19, v48;
	v60 =	vand.u32 $0x7FFFFFFF, v9  }
0x24a: {  	v58 =	vpop (erf);
	v17 =	vadd.f32 $9.998477100e-01, v17;
	v56 =	vmul.f32 v18, v36;
	v62 =	vsub.f32 $0.0e+00, v60  }
0x24b: {  	v59 =	vmul.f32 $1.741407810e-02, v58;
	v11 =	vmul.f32 v11, v54;
	v19 =	vadd.f32 $3.157473210e-01, v19  }
0x24c: {  	v17 =	vmul.f32 v17, v31;
	v16 =	vadd.f32 $9.998477100e-01, v56;
	v25 =	vmul.f32 $1.442695020e+00, v62  }
0x24d: {  	v61 =	vld.idx.msk [tilespmem:v55+s10+$0x0], $0xffff;
	v63 =	vsub.f32 $8.269123730e-02, v59;
	v15 =	vadd.f32 v11, v15;
	v19 =	vmul.f32 v19, v48  }
0x24e: {  	v11 =	vld.idx.msk [tilespmem:v28+s12+$0x0], $0xffff;
	v17 =	vadd.f32 $1.472065040e-06, v17;
	v16 =	vmul.f32 v16, v36;
	(erf) = vpow2.f32 v25  }
0x24f: {  	v29 =	vld.idx.msk [tilespmem:v57+s10+$0x0], $0xffff;
	v35 =	vor.u32 $0x180C, v7;
	v38 =	vor.u32 $0x180D, v7;
	v31 =	vadd.f32 $-4.973732230e-01, v19  }
0x250: {  	v30 =	vmul.f32 v63, v58;
	v34 =	vpop (erf);
	v10 =	vadd.f32 v17, v10;
	v16 =	vadd.f32 $1.472065040e-06, v16  }
0x251: {  	v41 =	vor.u32 $0x180E, v7;
	v37 =	vmul.f32 $1.741407810e-02, v34;
	v33 =	vmul.f32 v31, v48  }
0x252: {  	v32 =	vadd.f32 $-1.903543320e-01, v30;
	v10 =	vmul.f32 v10, v61;
	v12 =	vadd.f32 v16, v12  }
0x253: {  	v19 =	vsub.f32 $8.269123730e-02, v37;
	v23 =	vand.u32 $0x7FFFFFFF, v11;
	v16 =	vadd.f32 $9.998477100e-01, v33  }
0x254: {  	v36 =	vmul.f32 v32, v58;
	v10 =	vadd.f32 v10, v15;
	v12 =	vmul.f32 v12, v29  }
0x255: {  	v23 =	vsub.f32 $0.0e+00, v23;
	v19 =	vmul.f32 v19, v34;
	v40 =	vmul.f32 v16, v48  }
0x256: {  	v13 =	vmax.f32 v13, $0.0e+00;
	v15 =	vadd.f32 $3.157473210e-01, v36;
	v39 =	vadd.f32 v12, v10;
	v12 =	vld.idx.msk [tilespmem:v35+s12+$0x0], $0xffff  }
0x257: {  	v43 =	vor.u32 $0x180F, v7;
	v19 =	vadd.f32 $-1.903543320e-01, v19;
	v24 =	vadd.f32 $1.472065040e-06, v40;
	v10 =	vld.idx.msk [tilespmem:v38+s12+$0x0], $0xffff;
	v25 =	vpop (erf)  }
0x258: {  	v7 =	vmax.f32 v14, $0.0e+00;
	v23 =	vmul.f32 $1.442695020e+00, v23;
	v44 =	vmul.f32 $1.741407810e-02, v25  }
0x259: {  	v15 =	vmul.f32 v15, v58;
	v19 =	vmul.f32 v19, v34;
	v24 =	vadd.f32 v24, v7;
	v7 =	vld.idx.msk [tilespmem:v41+s12+$0x0], $0xffff  }
0x25a: {  	v55 =	vor.u32 $0x9, v6;
	(erf) = vpow2.f32 v23;
	v14 =	vsub.f32 $8.269123730e-02, v44  }
0x25b: {  	v15 =	vadd.f32 $-4.973732230e-01, v15;
	v19 =	vadd.f32 $3.157473210e-01, v19;
	v45 =	vand.u32 $0x7FFFFFFF, v12  }
0x25c: {  	v27 =	vand.u32 $0x7FFFFFFF, v10;
	v16 =	vsub.f32 $0.0e+00, v45;
	v47 =	vmul.f32 v14, v25;
	v14 =	vld.idx.msk [tilespmem:v43+s12+$0x0], $0xffff  }
0x25d: {  	v46 =	vor.u32 $0x8, v6;
	v15 =	vmul.f32 v15, v58;
	v48 =	vsub.f32 $0.0e+00, v27  }
0x25e: {  	v19 =	vmul.f32 v19, v34;
	v50 =	vand.u32 $0x7FFFFFFF, v7;
	v16 =	vmul.f32 $1.442695020e+00, v16  }
0x25f: {  	v9 =	vmax.f32 v9, $0.0e+00;
	v51 =	vmul.f32 $1.442695020e+00, v48;
	v52 =	vsub.f32 $0.0e+00, v50  }
0x260: {  	v21 =	vld.idx.msk [tilespmem:v42+s10+$0x0], $0xffff;
	v15 =	vadd.f32 $9.998477100e-01, v15;
	v19 =	vadd.f32 $-4.973732230e-01, v19;
	(erf) = vpow2.f32 v16  }
0x261: {  	v53 =	vmul.f32 $1.442695020e+00, v52;
	(erf) = vpow2.f32 v51;
	v54 =	vand.u32 $0x7FFFFFFF, v14  }
0x262: {  	v30 =	vor.u32 $0xA, v6;
	v15 =	vmul.f32 v15, v58;
	v17 =	vsub.f32 $0.0e+00, v54  }
0x263: {  	v19 =	vmul.f32 v19, v34;
	v56 =	vpop (erf);
	v49 =	vadd.f32 $-1.903543320e-01, v47;
	(erf) = vpow2.f32 v53  }
0x264: {  	v11 =	vmax.f32 v11, $0.0e+00;
	v23 =	vld.idx.msk [tilespmem:v46+s10+$0x0], $0xffff;
	v58 =	vmul.f32 $1.741407810e-02, v56;
	v17 =	vmul.f32 $1.442695020e+00, v17  }
0x265: {  	v21 =	vmul.f32 v24, v21;
	v15 =	vadd.f32 $1.472065040e-06, v15;
	v20 =	vmul.f32 v49, v25  }
0x266: {  	v57 =	vadd.f32 $9.998477100e-01, v19;
	v60 =	vsub.f32 $8.269123730e-02, v58;
	(erf) = vpow2.f32 v17  }
0x267: {  	v46 =	vor.u32 $0xC, v6;
	v8 =	vadd.f32 v15, v8;
	v20 =	vadd.f32 $3.157473210e-01, v20  }
0x268: {  	v61 =	vadd.f32 v21, v39;
	v16 =	vmul.f32 v57, v34;
	v18 =	vmul.f32 v60, v56  }
0x269: {  	v62 =	vld.idx.msk [tilespmem:v55+s10+$0x0], $0xffff;
	v45 =	vor.u32 $0xB, v6;
	v8 =	vmul.f32 v8, v23;
	v59 =	vmul.f32 v20, v25;
	v63 =	vpop (erf)  }
0x26a: {  	v16 =	vadd.f32 $1.472065040e-06, v16;
	v18 =	vadd.f32 $-1.903543320e-01, v18;
	v28 =	vmul.f32 $1.741407810e-02, v63;
	v29 =	vpop (erf)  }
0x26b: {  	v8 =	vadd.f32 v8, v61;
	v15 =	vadd.f32 $-4.973732230e-01, v59;
	v31 =	vmul.f32 $1.741407810e-02, v29  }
0x26c: {  	v13 =	vadd.f32 v16, v13;
	v32 =	vmul.f32 v18, v56;
	v33 =	vpop (erf);
	v21 =	vsub.f32 $8.269123730e-02, v28  }
0x26d: {  	v15 =	vmul.f32 v15, v25;
	v37 =	vmul.f32 $1.741407810e-02, v33;
	v35 =	vsub.f32 $8.269123730e-02, v31  }
0x26e: {  	v13 =	vmul.f32 v13, v62;
	v36 =	vadd.f32 $3.157473210e-01, v32;
	v34 =	vmul.f32 v21, v63  }
0x26f: {  	v15 =	vadd.f32 $9.998477100e-01, v15;
	v17 =	vsub.f32 $8.269123730e-02, v37;
	v21 =	vmul.f32 v35, v29;
	v38 =	vpop (erf)  }
0x270: {  	v8 =	vadd.f32 v13, v8;
	v19 =	vadd.f32 $-1.903543320e-01, v34;
	v39 =	vmul.f32 $1.741407810e-02, v38  }
0x271: {  	v15 =	vmul.f32 v15, v25;
	v17 =	vmul.f32 v17, v33;
	v21 =	vadd.f32 $-1.903543320e-01, v21  }
0x272: {  	v16 =	vld.idx.msk [tilespmem:v30+s10+$0x0], $0xffff;
	v13 =	vmul.f32 v36, v56;
	v19 =	vmul.f32 v19, v63;
	v24 =	vsub.f32 $8.269123730e-02, v39  }
0x273: {  	v15 =	vadd.f32 $1.472065040e-06, v15;
	v17 =	vadd.f32 $-1.903543320e-01, v17;
	v41 =	vmul.f32 v21, v29  }
0x274: {  	v13 =	vadd.f32 $-4.973732230e-01, v13;
	v40 =	vadd.f32 $3.157473210e-01, v19;
	v42 =	vmul.f32 v24, v38  }
0x275: {  	v9 =	vadd.f32 v15, v9;
	v17 =	vmul.f32 v17, v33;
	v43 =	vadd.f32 $3.157473210e-01, v41  }
0x276: {  	v13 =	vmul.f32 v13, v56;
	v15 =	vmul.f32 v40, v63;
	v44 =	vadd.f32 $-1.903543320e-01, v42  }
0x277: {  	v9 =	vmul.f32 v9, v16;
	v17 =	vadd.f32 $3.157473210e-01, v17;
	v16 =	vmul.f32 v43, v29  }
0x278: {  	v12 =	vmax.f32 v12, $0.0e+00;
	v15 =	vadd.f32 $-4.973732230e-01, v15;
	v19 =	vmul.f32 v44, v38  }
0x279: {  	v13 =	vadd.f32 $9.998477100e-01, v13;
	v17 =	vmul.f32 v17, v33;
	v16 =	vadd.f32 $-4.973732230e-01, v16  }
0x27a: {  	v47 =	vor.u32 $0xD, v6;
	v15 =	vmul.f32 v15, v63;
	v19 =	vadd.f32 $3.157473210e-01, v19  }
0x27b: {  	v13 =	vmul.f32 v13, v56;
	v17 =	vadd.f32 $-4.973732230e-01, v17;
	v16 =	vmul.f32 v16, v29  }
0x27c: {  	v51 =	vor.u32 $0xE, v6;
	v21 =	vld.idx.msk [tilespmem:v45+s10+$0x0], $0xffff;
	v15 =	vadd.f32 $9.998477100e-01, v15;
	v19 =	vmul.f32 v19, v38  }
0x27d: {  	v13 =	vadd.f32 $1.472065040e-06, v13;
	v17 =	vmul.f32 v17, v33;
	v49 =	vadd.f32 $9.998477100e-01, v16  }
0x27e: {  	v6 =	vor.u32 $0xF, v6;
	v48 =	vmul.f32 v15, v63;
	v19 =	vadd.f32 $-4.973732230e-01, v19  }
0x27f: {  	v50 =	vld.idx.msk [tilespmem:v46+s10+$0x0], $0xffff;
	v11 =	vadd.f32 v13, v11;
	v17 =	vadd.f32 $9.998477100e-01, v17;
	v15 =	vmul.f32 v49, v29  }
0x280: {  	v8 =	vadd.f32 v9, v8;
	v13 =	vadd.f32 $1.472065040e-06, v48;
	v19 =	vmul.f32 v19, v38  }
0x281: {  	v54 =	vld.idx.msk [tilespmem:v47+s10+$0x0], $0xffff;
	v52 =	vmul.f32 v11, v21;
	v55 =	vmul.f32 v17, v33;
	v15 =	vadd.f32 $1.472065040e-06, v15  }
0x282: {  	v10 =	vmax.f32 v10, $0.0e+00;
	v53 =	vadd.f32 v13, v12;
	v56 =	vadd.f32 $9.998477100e-01, v19  }
0x283: {  	v7 =	vmax.f32 v7, $0.0e+00;
	v58 =	vld.idx.msk [tilespmem:v51+s10+$0x0], $0xffff;
	v8 =	vadd.f32 v52, v8;
	v13 =	vadd.f32 $1.472065040e-06, v55  }
0x284: {  	v10 =	vadd.f32 v15, v10;
	v57 =	vmul.f32 v53, v50;
	v59 =	vmul.f32 v56, v38  }
0x285: {  	v6 =	vld.idx.msk [tilespmem:v6+s10+$0x0], $0xffff;
	v7 =	vadd.f32 v13, v7  }
0x286: {  	v60 =	vmul.f32 v10, v54;
	v8 =	vadd.f32 v57, v8;
	v61 =	vadd.f32 $1.472065040e-06, v59  }
0x287: {  	v62 =	vmax.f32 v14, $0.0e+00  }
0x288: {  	v7 =	vmul.f32 v7, v58;
	v8 =	vadd.f32 v60, v8;
	v63 =	vadd.f32 v61, v62;
	_ =	sdelay $0x1  }
0x289: {  	v7 =	vadd.f32 v7, v8;
	v6 =	vmul.f32 v63, v6;
	_ =	sdelay $0x1  }
0x28a: {  	v6 =	vadd.f32 v6, v7;
	_ =	sdelay $0x1  }
0x28b: {  	v6 =	vsub.f32 $0.0e+00, v6;
	_ =	sdelay $0x1  }
0x28c: {  	v6 =	vmul.f32 $1.442695020e+00, v6;
	_ =	sdelay $0x1  }
0x28d: {  	(erf) = vpow2.f32 v6;
	_ =	sdelay $0x8  }
0x28e: {  	v6 =	vpop (erf)  }
0x28f: {  	v6 =	vadd.f32 $1.000000000e+00, v6;
	_ =	sdelay $0x1  }
0x290: {  	(erf) = vrcp.f32 v6;
	_ =	sdelay $0x4  }
0x291: {  	p0 =	sne.s32 s28, $0x70  }
.Ltmp3:
0x292: {  	_ = 	snop;
	(pc) =	sbr.rel @p0 .LBB2_8-.Ltmp3, $3  }
0x293: {  	_ =	sdelay $0x1  }
0x294: {  	v6 =	vpop (erf)  }
0x295: {  	s28 =	sadd.s32 $0x10, s28;
	[tilespmem:s29+$0x0] =	vst v6;
	s29 =	sadd.s32 $0x10, s29  }
0x296: {  	s26 =	sadd.s32 $0x1, s26  }
0x297: {  	p0 =	sne.s32 s26, s8  }
.Ltmp4:
0x298: {  	_ = 	snop;
	(pc) =	sbr.rel @p0 .LBB2_1-.Ltmp4, $4  }
0x299: {  	[hbm4b:s7+s2] =	stream.linear.scatter [tilespmem:s25], [sflag:$0x4], $0x200, $0x38;
	[tilespmem:$0x4600] =	vst v63  }
0x29a: {  	_ =	swait.ge [sflag:s9], $0x200  }
0x29b: {  	[sflag:s9] =	ssyncset.done $0x0  }
0x29c: {  	[sflag:s9] =	ssyncadd.s32 $0xFFFFFE00  }
0x29d: {  	_ =	sfence.sel $0x180000  }
0x29e: {  	[bflag:$0x0] =	sbarrier.arrive $0xFFFF  }
0x29f: {  	p0 =	sne.s32 s0, $0x0;
	_ =	strace $0x9000004A  }
0x2a0: {  	s0 =	sadd.s32 @!p0 $0x100000, s1;
	[bflag:$0x2] =	sbarrier.arrive $0xFFFF  }
0x2a1: {  	[sflag:s0] =	ssyncadd.tile.s32 @!p0 $0x1;
	_ =	shalt  }
.Lfunc_end2:
_tile_overlayer_lowered:
.L_overlay_start_2:
0x2a2: {  	(tag) =	ssettag $0x2  }
0x2a3: {  	s0 =	rddreg [dreg:$0x0];
	s2 =	stileid.u32  }
0x2a4: {  	s1 =	rddreg [dreg:$0x1];
	p0 =	sne.s32 s2, $0x0  }
0x2a5: {  	s3 =	rddreg [dreg:$0x2];
	[bflag:$0x3] =	sbarrier.arrive $0xFFFF;
	s2 =	simm.s32 @!p0 $0x1C04  }
0x2a6: {  	[timem:s3], [sflag:s2] =	dma.local @!p0 [hbm:s0], s1  }
0x2a7: {  	s0 =	simm.s32 @!p0 $0x4  }
0x2a8: {  	_ =	swait.ge @!p0 [sflag:s0], s1  }
0x2a9: {  	s1 =	ssub.s32 @!p0 $0x0, s1;
	[sflag:s0] =	ssyncset.done @!p0 $0x0  }
0x2aa: {  	[sflag:s0] =	ssyncadd.s32 @!p0 s1  }
0x2ab: {  	[bflag:$0x3] =	sbarrier.arrive $0xFFFF  }
0x2ac: {  	_ =	shalt  }

</sc_bundles>
